<compile_context>
chip_gen: v7x
topology: tpu7x:2x2x1
jax: 0.10.2.dev20260603
libtpu: 0.0.44.dev20260713+nightly
codegen_flags: <defaults>
</compile_context>

<pallas_src>
import functools

import jax
import jax.numpy as jnp
from jax import lax
from jax.experimental import pallas as pl
from jax.experimental.pallas import tpu as pltpu
from jax.experimental.pallas import tpu_sc as plsc

N = 10000
E = 320000
DIN = 128
H = 64
OUT = 10
L = 3
W128 = 2 * H

NC = 2
NS = 16
NW = NC * NS
EPW = E // NW
C = 128
NCHP = 80
EPWP = NCHP * C
EPAD = NW * EPWP
ACCR = N + 16
NPS = 624
TAIL = N - NPS * NS
TOFF = NPS * NS

_PREC = lax.Precision.HIGHEST


def _lrelu(x, s):
    return jnp.where(x >= 0, x, s * x)


def _ln(x, g, b, eps=1e-5):
    m = jnp.mean(x, axis=-1, keepdims=True)
    v = jnp.mean(jnp.square(x - m), axis=-1, keepdims=True)
    return (x - m) * lax.rsqrt(v + eps) * g + b



def _encode_call(x, W, b, g, be):
    BN = 2000

    def body(x_ref, W_ref, b_ref, g_ref, be_ref, o_ref):
        h = jnp.dot(x_ref[...], W_ref[...], preferred_element_type=jnp.float32,
                    precision=_PREC) + b_ref[...]
        o_ref[...] = _lrelu(_ln(h, g_ref[...], be_ref[...]), 0.01)

    return pl.pallas_call(
        body,
        grid=(N // BN,),
        in_specs=[
            pl.BlockSpec((BN, DIN), lambda i: (i, 0)),
            pl.BlockSpec((DIN, H), lambda i: (0, 0)),
            pl.BlockSpec((H,), lambda i: (0,)),
            pl.BlockSpec((H,), lambda i: (0,)),
            pl.BlockSpec((H,), lambda i: (0,)),
        ],
        out_specs=pl.BlockSpec((BN, H), lambda i: (i, 0)),
        out_shape=jax.ShapeDtypeStruct((N, H), jnp.float32),
    )(x, W, b, g, be)


def _dis_call(degp):
    BN = 2000

    def body(d_ref, o_ref):
        t = d_ref[0] + d_ref[1]
        cnt = t[:, 0:1]
        o_ref[...] = lax.rsqrt(cnt + 1.0)

    return pl.pallas_call(
        body,
        grid=(N // BN,),
        in_specs=[pl.BlockSpec((NC, BN, W128), lambda i: (0, i, 0))],
        out_specs=pl.BlockSpec((BN, 1), lambda i: (i, 0)),
        out_shape=jax.ShapeDtypeStruct((N, 1), jnp.float32),
    )(degp)


def _layer_a_call(h, dis, Wcat, b1):
    BN = 2000

    def body(h_ref, dis_ref, W_ref, b1_ref, AG_ref, BB_ref):
        t = jnp.dot(h_ref[...], W_ref[...], preferred_element_type=jnp.float32,
                    precision=_PREC)
        d2 = dis_ref[...]
        AG_ref[...] = jnp.concatenate([t[:, :H], t[:, H:2 * H] * d2], axis=1)
        BB_ref[...] = jnp.concatenate(
            [t[:, 2 * H:] + b1_ref[...], jnp.zeros((BN, H), jnp.float32)],
            axis=1)

    return pl.pallas_call(
        body,
        grid=(N // BN,),
        in_specs=[
            pl.BlockSpec((BN, H), lambda i: (i, 0)),
            pl.BlockSpec((BN, 1), lambda i: (i, 0)),
            pl.BlockSpec((H, 3 * H), lambda i: (0, 0)),
            pl.BlockSpec((H,), lambda i: (0,)),
        ],
        out_specs=[
            pl.BlockSpec((BN, W128), lambda i: (i, 0)),
            pl.BlockSpec((BN, W128), lambda i: (i, 0)),
        ],
        out_shape=[
            jax.ShapeDtypeStruct((N, W128), jnp.float32),
            jax.ShapeDtypeStruct((N, W128), jnp.float32),
        ],
    )(h, dis, Wcat, b1)


def _edge_mlp_call(pA, pB, ea, W2, b2, g1, be1, g2, be2):
    BE = 2048

    def body(pA_ref, pB_ref, ea_ref, W2_ref, b2_ref, g1_ref, be1_ref, g2_ref,
             be2_ref, o_ref):
        i = pl.program_id(0)
        a = pA_ref[...]
        pre = a[:, :H] + pB_ref[:, :H]
        ef1 = _lrelu(_ln(pre, g1_ref[...], be1_ref[...]), 0.2)
        z = jnp.dot(ef1, W2_ref[...], preferred_element_type=jnp.float32,
                    precision=_PREC) + b2_ref[...]
        ef2 = _lrelu(_ln(z, g2_ref[...], be2_ref[...]), 0.2)
        ef2 = ef2 * jnp.reshape(ea_ref[pl.ds(i * BE, BE)], (BE, 1))
        o_ref[...] = jnp.concatenate([ef2, a[:, H:]], axis=1)

    return pl.pallas_call(
        body,
        grid=(EPAD // BE,),
        in_specs=[
            pl.BlockSpec((BE, W128), lambda i: (i, 0)),
            pl.BlockSpec((BE, W128), lambda i: (i, 0)),
            pl.BlockSpec((EPAD,), lambda i: (0,)),
            pl.BlockSpec((H, H), lambda i: (0, 0)),
            pl.BlockSpec((H,), lambda i: (0,)),
            pl.BlockSpec((H,), lambda i: (0,)),
            pl.BlockSpec((H,), lambda i: (0,)),
            pl.BlockSpec((H,), lambda i: (0,)),
            pl.BlockSpec((H,), lambda i: (0,)),
        ],
        out_specs=pl.BlockSpec((BE, W128), lambda i: (i, 0)),
        out_shape=jax.ShapeDtypeStruct((EPAD, W128), jnp.float32),
    )(pA, pB, ea, W2, b2, g1, be1, g2, be2)


def _combine_call(Sp, AG, dis, bg, ng, nbe, h0):
    BN = 2000
    residual = h0 is not None

    def body(sp_ref, ag_ref, dis_ref, bg_ref, ng_ref, nbe_ref, *rest):
        if residual:
            h0_ref, o_ref = rest
        else:
            (o_ref,) = rest
        t = sp_ref[0] + sp_ref[1]
        d2 = dis_ref[...]
        x1 = (t[:, H:] + ag_ref[:, H:]) * d2 + bg_ref[...]
        h = _lrelu(_ln(x1 + t[:, :H], ng_ref[...], nbe_ref[...]), 0.01)
        if residual:
            h = h + h0_ref[...]
        o_ref[...] = h

    in_specs = [
        pl.BlockSpec((NC, BN, W128), lambda i: (0, i, 0)),
        pl.BlockSpec((BN, W128), lambda i: (i, 0)),
        pl.BlockSpec((BN, 1), lambda i: (i, 0)),
        pl.BlockSpec((H,), lambda i: (0,)),
        pl.BlockSpec((H,), lambda i: (0,)),
        pl.BlockSpec((H,), lambda i: (0,)),
    ]
    args = [Sp, AG, dis, bg, ng, nbe]
    if residual:
        in_specs.append(pl.BlockSpec((BN, H), lambda i: (i, 0)))
        args.append(h0)
    return pl.pallas_call(
        body,
        grid=(N // BN,),
        in_specs=in_specs,
        out_specs=pl.BlockSpec((BN, H), lambda i: (i, 0)),
        out_shape=jax.ShapeDtypeStruct((N, H), jnp.float32),
    )(*args)


def _readout_call(h, tf2d, p):
    def body(h_ref, tf_ref, p1W, p1b, p2W, p2b, tW, tb, tg, tbe,
             v1W, v1b, vg, vbe, v2W, v2b, a1W, a1b, ag, abe, a2W, a2b,
             o_ref):
        hh = h_ref[...]
        w = _lrelu(jnp.dot(hh, p1W[...], preferred_element_type=jnp.float32,
                           precision=_PREC) + p1b[...], 0.01)
        s = jnp.dot(w, p2W[...], preferred_element_type=jnp.float32,
                    precision=_PREC) + p2b[...]
        m = jnp.max(s)
        e = jnp.exp(s - m)
        wn = e / jnp.sum(e)
        gf = lax.dot_general(wn, hh, (((0,), (0,)), ((), ())),
                             preferred_element_type=jnp.float32,
                             precision=_PREC)
        te = _lrelu(_ln(jnp.dot(tf_ref[...], tW[...],
                                preferred_element_type=jnp.float32,
                                precision=_PREC) + tb[...],
                        tg[...], tbe[...]), 0.01)
        cf = jnp.concatenate([gf, te], axis=1)
        v = jnp.dot(_lrelu(_ln(jnp.dot(cf, v1W[...],
                                       preferred_element_type=jnp.float32,
                                       precision=_PREC) + v1b[...],
                               vg[...], vbe[...]), 0.01), v2W[...],
                    preferred_element_type=jnp.float32,
                    precision=_PREC) + v2b[...]
        a = jnp.dot(_lrelu(_ln(jnp.dot(cf, a1W[...],
                                       preferred_element_type=jnp.float32,
                                       precision=_PREC) + a1b[...],
                               ag[...], abe[...]), 0.01), a2W[...],
                    preferred_element_type=jnp.float32,
                    precision=_PREC) + a2b[...]
        o_ref[...] = v + (a - jnp.mean(a, axis=-1, keepdims=True))

    return pl.pallas_call(
        body,
        out_shape=jax.ShapeDtypeStruct((1, OUT), jnp.float32),
    )(h, tf2d, p["p1_W"], p["p1_b"], p["p2_W"], p["p2_b"],
      p["t_W"], p["t_b"], p["t_g"], p["t_be"],
      p["v1_W"], p["v1_b"], p["v_g"], p["v_be"], p["v2_W"], p["v2_b"],
      p["a1_W"], p["a1_b"], p["a_g"], p["a_be"], p["a2_W"], p["a2_b"])



def _sc_mesh():
    return plsc.VectorSubcoreMesh(core_axis_name="c", subcore_axis_name="s")


def _zero_acc(z_hbm, acc, s):
    pltpu.sync_copy(z_hbm, acc.at[pl.ds(s * NPS, NPS)])

    @pl.when(s == NS - 1)
    def _():
        pltpu.sync_copy(z_hbm.at[pl.ds(0, TAIL)], acc.at[pl.ds(TOFF, TAIL)])


def _dump_acc(acc, out_hbm, c, s):
    pltpu.sync_copy(acc.at[pl.ds(s * NPS, NPS)],
                    out_hbm.at[c, pl.ds(s * NPS, NPS)])

    @pl.when(s == NS - 1)
    def _():
        pltpu.sync_copy(acc.at[pl.ds(TOFF, TAIL)],
                        out_hbm.at[c, pl.ds(TOFF, TAIL)])


def _sc_deg_call(dsts1d, ones128, z128):

    @functools.partial(
        pl.kernel,
        mesh=_sc_mesh(),
        out_type=jax.ShapeDtypeStruct((NC, N, W128), jnp.float32),
        scratch_types=[
            pltpu.VMEM((C,), jnp.int32),
            pltpu.VMEM((C, W128), jnp.float32),
            pltpu.VMEM_SHARED((ACCR, W128), jnp.float32),
        ],
    )
    def k(dst_hbm, ones_hbm, z_hbm, out_hbm, idx1, ones_v, acc):
        c = lax.axis_index("c")
        s = lax.axis_index("s")
        wid = s * NC + c
        pltpu.sync_copy(ones_hbm, ones_v)
        _zero_acc(z_hbm, acc, s)
        plsc.subcore_barrier()

        def chunk(j, carry):
            pltpu.sync_copy(dst_hbm.at[pl.ds(wid * EPWP + j * C, C)], idx1)
            pltpu.sync_copy(ones_v, acc.at[idx1], add=True)
            return carry

        lax.fori_loop(0, NCHP, chunk, 0)
        plsc.subcore_barrier()
        _dump_acc(acc, out_hbm, c, s)

    return k(dsts1d, ones128, z128)


def _sc_gather(AG, BB, srcg1d, dstg1d):

    @functools.partial(
        pl.kernel,
        mesh=_sc_mesh(),
        out_type=[
            jax.ShapeDtypeStruct((EPAD, W128), jnp.float32),
            jax.ShapeDtypeStruct((EPAD, W128), jnp.float32),
        ],
        scratch_types=[
            pltpu.VMEM((C,), jnp.int32),
            pltpu.VMEM((C,), jnp.int32),
            pltpu.VMEM((C,), jnp.int32),
            pltpu.VMEM((C,), jnp.int32),
            pltpu.VMEM((C,), jnp.int32),
            pltpu.VMEM((C,), jnp.int32),
            pltpu.VMEM((C, W128), jnp.float32),
            pltpu.VMEM((C, W128), jnp.float32),
            pltpu.VMEM((C, W128), jnp.float32),
            pltpu.VMEM((C, W128), jnp.float32),
            pltpu.VMEM((C, W128), jnp.float32),
            pltpu.VMEM((C, W128), jnp.float32),
        ] + [pltpu.SemaphoreType.DMA] * 18,
    )
    def k(AG_hbm, BB_hbm, src_hbm, dstg_hbm, pA_hbm, pB_hbm,
          is0, id0, is1, id1, is2, id2, bA0, bB0, bA1, bB1, bA2, bB2,
          si0, sj0, si1, sj1, si2, sj2, sg0, sh0, sg1, sh1, sg2, sh2,
          sw0, sx0, sw1, sx1, sw2, sx2):
        c = lax.axis_index("c")
        s = lax.axis_index("s")
        wid = s * NC + c
        wbase = wid * EPWP

        pltpu.sync_copy(src_hbm.at[pl.ds(wbase, C)], is0)
        pltpu.sync_copy(dstg_hbm.at[pl.ds(wbase, C)], id0)
        pltpu.async_copy(AG_hbm.at[is0], bA0, sg0)
        pltpu.async_copy(BB_hbm.at[id0], bB0, sh0)
        pltpu.sync_copy(src_hbm.at[pl.ds(wbase + C, C)], is1)
        pltpu.sync_copy(dstg_hbm.at[pl.ds(wbase + C, C)], id1)
        pltpu.async_copy(AG_hbm.at[is1], bA1, sg1)
        pltpu.async_copy(BB_hbm.at[id1], bB1, sh1)
        pltpu.async_copy(src_hbm.at[pl.ds(wbase + 2 * C, C)], is2, si2)
        pltpu.async_copy(dstg_hbm.at[pl.ds(wbase + 2 * C, C)], id2, sj2)

        def one(j, isx, idx, bA, bB, si, sj, sg, sh, sw, sx,
                isp, idp, bAp, bBp, sip, sjp, sgp, shp, swp, sxp):
            base = wbase + j * C
            pltpu.make_async_copy(src_hbm.at[pl.ds(base, C)], isx, si).wait()
            pltpu.make_async_copy(dstg_hbm.at[pl.ds(base, C)], idx, sj).wait()

            @pl.when(j >= 3)
            def _():
                pbase = wbase + (j - 3) * C
                pltpu.make_async_copy(bA, pA_hbm.at[pl.ds(pbase, C)],
                                      sw).wait()
                pltpu.make_async_copy(bB, pB_hbm.at[pl.ds(pbase, C)],
                                      sx).wait()

            pltpu.async_copy(AG_hbm.at[isx], bA, sg)
            pltpu.async_copy(BB_hbm.at[idx], bB, sh)

            qbase = wbase + (j - 2) * C
            pltpu.make_async_copy(AG_hbm.at[isp], bAp, sgp).wait()
            pltpu.make_async_copy(BB_hbm.at[idp], bBp, shp).wait()
            pltpu.async_copy(bAp, pA_hbm.at[pl.ds(qbase, C)], swp)
            pltpu.async_copy(bBp, pB_hbm.at[pl.ds(qbase, C)], sxp)

            @pl.when(j + 1 < NCHP)
            def _():
                nbase = wbase + (j + 1) * C
                pltpu.async_copy(src_hbm.at[pl.ds(nbase, C)], isp, sip)
                pltpu.async_copy(dstg_hbm.at[pl.ds(nbase, C)], idp, sjp)

        def body(j, carry):
            @pl.when(j % 3 == 2)
            def _():
                one(j, is2, id2, bA2, bB2, si2, sj2, sg2, sh2, sw2, sx2,
                    is0, id0, bA0, bB0, si0, sj0, sg0, sh0, sw0, sx0)

            @pl.when(j % 3 == 0)
            def _():
                one(j, is0, id0, bA0, bB0, si0, sj0, sg0, sh0, sw0, sx0,
                    is1, id1, bA1, bB1, si1, sj1, sg1, sh1, sw1, sx1)

            @pl.when(j % 3 == 1)
            def _():
                one(j, is1, id1, bA1, bB1, si1, sj1, sg1, sh1, sw1, sx1,
                    is2, id2, bA2, bB2, si2, sj2, sg2, sh2, sw2, sx2)

            return carry

        lax.fori_loop(2, NCHP, body, 0)

        b78 = wbase + (NCHP - 2) * C
        pltpu.make_async_copy(AG_hbm.at[is0], bA0, sg0).wait()
        pltpu.make_async_copy(BB_hbm.at[id0], bB0, sh0).wait()
        pltpu.async_copy(bA0, pA_hbm.at[pl.ds(b78, C)], sw0)
        pltpu.async_copy(bB0, pB_hbm.at[pl.ds(b78, C)], sx0)
        b79 = wbase + (NCHP - 1) * C
        pltpu.make_async_copy(AG_hbm.at[is1], bA1, sg1).wait()
        pltpu.make_async_copy(BB_hbm.at[id1], bB1, sh1).wait()
        pltpu.async_copy(bA1, pA_hbm.at[pl.ds(b79, C)], sw1)
        pltpu.async_copy(bB1, pB_hbm.at[pl.ds(b79, C)], sx1)
        b77 = wbase + (NCHP - 3) * C
        pltpu.make_async_copy(bA2, pA_hbm.at[pl.ds(b77, C)], sw2).wait()
        pltpu.make_async_copy(bB2, pB_hbm.at[pl.ds(b77, C)], sx2).wait()
        pltpu.make_async_copy(bA0, pA_hbm.at[pl.ds(b78, C)], sw0).wait()
        pltpu.make_async_copy(bB0, pB_hbm.at[pl.ds(b78, C)], sx0).wait()
        pltpu.make_async_copy(bA1, pA_hbm.at[pl.ds(b79, C)], sw1).wait()
        pltpu.make_async_copy(bB1, pB_hbm.at[pl.ds(b79, C)], sx1).wait()

    return k(AG, BB, srcg1d, dstg1d)


def _sc_scatter(msg2, dsts1d, z128):

    @functools.partial(
        pl.kernel,
        mesh=_sc_mesh(),
        out_type=jax.ShapeDtypeStruct((NC, N, W128), jnp.float32),
        scratch_types=[
            pltpu.VMEM((C,), jnp.int32),
            pltpu.VMEM((C,), jnp.int32),
            pltpu.VMEM((C, W128), jnp.float32),
            pltpu.VMEM((C, W128), jnp.float32),
            pltpu.SemaphoreType.DMA,
            pltpu.SemaphoreType.DMA,
            pltpu.SemaphoreType.DMA,
            pltpu.SemaphoreType.DMA,
            pltpu.VMEM_SHARED((ACCR, W128), jnp.float32),
        ],
    )
    def k(ef_hbm, dst_hbm, z_hbm, s2_hbm, id0, id1, bE0, bE1,
          si0, sj0, si1, sj1, acc):
        c = lax.axis_index("c")
        s = lax.axis_index("s")
        wid = s * NC + c
        wbase = wid * EPWP
        pltpu.async_copy(dst_hbm.at[pl.ds(wbase, C)], id0, si0)
        pltpu.async_copy(ef_hbm.at[pl.ds(wbase, C)], bE0, sj0)
        _zero_acc(z_hbm, acc, s)
        plsc.subcore_barrier()

        def one(j, idx, bE, idq, bEq, si, sj, siq, sjq):
            base = wbase + j * C
            pltpu.make_async_copy(dst_hbm.at[pl.ds(base, C)], idx, si).wait()
            pltpu.make_async_copy(ef_hbm.at[pl.ds(base, C)], bE, sj).wait()

            @pl.when(j + 1 < NCHP)
            def _():
                nbase = wbase + (j + 1) * C
                pltpu.async_copy(dst_hbm.at[pl.ds(nbase, C)], idq, siq)
                pltpu.async_copy(ef_hbm.at[pl.ds(nbase, C)], bEq, sjq)

            pltpu.sync_copy(bE, acc.at[idx], add=True)

        def body(j, carry):
            @pl.when(j % 2 == 0)
            def _():
                one(j, id0, bE0, id1, bE1, si0, sj0, si1, sj1)

            @pl.when(j % 2 == 1)
            def _():
                one(j, id1, bE1, id0, bE0, si1, sj1, si0, sj0)

            return carry

        lax.fori_loop(0, NCHP, body, 0)
        plsc.subcore_barrier()
        _dump_acc(acc, s2_hbm, c, s)

    return k(msg2, dsts1d, z128)



def _pad_per_worker(v, fill):
    vw = v.reshape(NW, EPW)
    return jnp.pad(vw, ((0, 0), (0, EPWP - EPW)),
                   constant_values=fill).reshape(-1)


def kernel(x, edge_index, edge_attr, task_features, params):
    p = params
    src = edge_index[0]
    dst = edge_index[1]
    srcg1d = _pad_per_worker(src, 0)
    dstg1d = _pad_per_worker(dst, 0)
    dsts1d = _pad_per_worker(dst, N)
    ea_p = _pad_per_worker(edge_attr, 0.0)
    z128 = jnp.zeros((NPS, W128), jnp.float32)
    ones128 = jnp.ones((C, W128), jnp.float32)

    degp = _sc_deg_call(dsts1d, ones128, z128)
    dis = _dis_call(degp)
    h = _encode_call(x, p["ne_W"], p["ne_b"], p["ne_g"], p["ne_be"])
    h0 = h
    for i in range(L):
        W1 = p["e1_W%d" % i]
        Wcat = jnp.concatenate([W1[:H], p["gcn_W%d" % i], W1[H:]], axis=1)
        AG, BB = _layer_a_call(h, dis, Wcat, p["e1_b%d" % i])
        pA, pB = _sc_gather(AG, BB, srcg1d, dstg1d)
        msg2 = _edge_mlp_call(pA, pB, ea_p, p["e2_W%d" % i], p["e2_b%d" % i],
                              p["e1_g%d" % i], p["e1_be%d" % i],
                              p["e2_g%d" % i], p["e2_be%d" % i])
        Sp = _sc_scatter(msg2, dsts1d, z128)
        h = _combine_call(Sp, AG, dis, p["gcn_b%d" % i],
                          p["n_g%d" % i], p["n_be%d" % i],
                          h0 if i > 0 else None)
        if i > 0:
            h0 = h
    out = _readout_call(h, task_features.reshape(1, 4), p)
    return out[0]

# --- scband reference (transcript-rebuilt; emitter-appended) ---
"""Pipeline reference for scband-mecgnn-86912958202308 (READ-ONLY COPY).

The authoritative reference and input builder live on the scoring server;
editing this copy changes nothing except your own understanding.
"""

import jax, jax.numpy as jnp
import numpy as np

N = 10000
E = 320000
D_IN = 128
H = 64
OUT = 10
L = 3

def _lin(key, din, dout):
    k1, k2 = jax.random.split(key)
    lim = 1.0 / np.sqrt(din)
    W = jax.random.uniform(k1, (din, dout), minval=-lim, maxval=lim, dtype=jnp.float32)
    b = jax.random.uniform(k2, (dout,), minval=-lim, maxval=lim, dtype=jnp.float32)
    return W, b

def _ln(x, g, b, eps=1e-5):
    m = jnp.mean(x, axis=-1, keepdims=True)
    v = jnp.var(x, axis=-1, keepdims=True)
    return (x - m) / jnp.sqrt(v + eps) * g + b

def _lrelu(x, s=0.01):
    return jnp.where(x >= 0, x, s * x)

def setup_inputs(seed: int = 0):
    key = jax.random.key(seed)
    ks = jax.random.split(key, 40)
    x = jax.random.normal(ks[0], (N, D_IN), dtype=jnp.float32)
    edge_index = jax.random.randint(ks[1], (2, E), 0, N, dtype=jnp.int32)
    edge_attr = jax.random.uniform(ks[2], (E,), dtype=jnp.float32)
    task_features = jax.random.normal(ks[3], (4,), dtype=jnp.float32)
    p = {}
    p["ne_W"], p["ne_b"] = _lin(ks[4], D_IN, H)
    p["ne_g"] = jnp.ones(H, jnp.float32); p["ne_be"] = jnp.zeros(H, jnp.float32)
    ki = 5
    for i in range(L):
        p["gcn_W%d" % i], p["gcn_b%d" % i] = _lin(ks[ki], H, H); ki += 1
        p["e1_W%d" % i], p["e1_b%d" % i] = _lin(ks[ki], 2 * H, H); ki += 1
        p["e1_g%d" % i] = jnp.ones(H, jnp.float32); p["e1_be%d" % i] = jnp.zeros(H, jnp.float32)
        p["e2_W%d" % i], p["e2_b%d" % i] = _lin(ks[ki], H, H); ki += 1
        p["e2_g%d" % i] = jnp.ones(H, jnp.float32); p["e2_be%d" % i] = jnp.zeros(H, jnp.float32)
        p["n_g%d" % i] = jnp.ones(H, jnp.float32); p["n_be%d" % i] = jnp.zeros(H, jnp.float32)
    p["p1_W"], p["p1_b"] = _lin(ks[ki], H, H // 2); ki += 1
    p["p2_W"], p["p2_b"] = _lin(ks[ki], H // 2, 1); ki += 1
    p["t_W"], p["t_b"] = _lin(ks[ki], 4, H); ki += 1
    p["t_g"] = jnp.ones(H, jnp.float32); p["t_be"] = jnp.zeros(H, jnp.float32)
    p["v1_W"], p["v1_b"] = _lin(ks[ki], 2 * H, H); ki += 1
    p["v_g"] = jnp.ones(H, jnp.float32); p["v_be"] = jnp.zeros(H, jnp.float32)
    p["v2_W"], p["v2_b"] = _lin(ks[ki], H, 1); ki += 1
    p["a1_W"], p["a1_b"] = _lin(ks[ki], 2 * H, H); ki += 1
    p["a_g"] = jnp.ones(H, jnp.float32); p["a_be"] = jnp.zeros(H, jnp.float32)
    p["a2_W"], p["a2_b"] = _lin(ks[ki], H, OUT); ki += 1
    return {"x": x, "edge_index": edge_index, "edge_attr": edge_attr, "task_features": task_features, "params": p}

def _gcn(x, src, dst, W, b):
    n = x.shape[0]
    sl = jnp.arange(n, dtype=src.dtype)
    s = jnp.concatenate([src, sl])
    d = jnp.concatenate([dst, sl])
    deg = jnp.zeros((n,), x.dtype).at[d].add(1.0)
    dis = jnp.where(deg > 0, 1.0 / jnp.sqrt(deg), 0.0)
    norm = dis[s] * dis[d]
    h = x @ W
    out = jnp.zeros_like(h).at[d].add(h[s] * norm[:, None])
    return out + b

def _edgeconv(x, src, dst, edge_attr, p, i):
    ef = jnp.concatenate([x[src], x[dst]], axis=1)
    ef = _lrelu(_ln(ef @ p["e1_W%d" % i] + p["e1_b%d" % i], p["e1_g%d" % i], p["e1_be%d" % i]), 0.2)
    ef = _lrelu(_ln(ef @ p["e2_W%d" % i] + p["e2_b%d" % i], p["e2_g%d" % i], p["e2_be%d" % i]), 0.2)
    ef = ef * edge_attr[:, None]
    return jnp.zeros_like(x).at[dst].add(ef)

def _forward(x, edge_attr, task_features, p, edge_index):
    src, dst = edge_index[0], edge_index[1]
    h = _lrelu(_ln(x @ p["ne_W"] + p["ne_b"], p["ne_g"], p["ne_be"]))
    h0 = h
    for i in range(L):
        x1 = _gcn(h, src, dst, p["gcn_W%d" % i], p["gcn_b%d" % i])
        x2 = _edgeconv(h, src, dst, edge_attr, p, i)
        h = _lrelu(_ln(x1 + x2, p["n_g%d" % i], p["n_be%d" % i]))
        if i > 0:
            h = h + h0
            h0 = h
    w = _lrelu(h @ p["p1_W"] + p["p1_b"])
    w = (w @ p["p2_W"] + p["p2_b"])[:, 0]
    w = jax.nn.softmax(w, axis=0)
    gf = jnp.sum(h * w[:, None], axis=0)
    te = _lrelu(_ln(task_features @ p["t_W"] + p["t_b"], p["t_g"], p["t_be"]))
    cf = jnp.concatenate([gf, te], axis=-1)
    v = _lrelu(_ln(cf @ p["v1_W"] + p["v1_b"], p["v_g"], p["v_be"])) @ p["v2_W"] + p["v2_b"]
    a = _lrelu(_ln(cf @ p["a1_W"] + p["a1_b"], p["a_g"], p["a_be"])) @ p["a2_W"] + p["a2_b"]
    return v + (a - jnp.mean(a, axis=-1, keepdims=True))

def reference(x, edge_index, edge_attr, task_features, params):
    return _forward(x, edge_attr, task_features, params, edge_index)

if __name__ == "__main__":
    import jax
    _d = setup_inputs()
    print(jax.jit(kernel)(*tuple(_d.values())))

</pallas_src>

<mosaic_0001>
#map = affine_map<(d0, d1) -> (0)>
#map1 = affine_map<(d0, d1) -> (0, 0)>
#map2 = affine_map<(d0, d1) -> (0, 0, 0)>
module attributes {stable_mosaic.version = 14 : i64} {
  func.func @k(%arg0: i32, %arg1: i32, %arg2: memref<327680xi32, #tpu.memory_space<hbm>>, %arg3: memref<128x128xf32, #tpu.memory_space<hbm>>, %arg4: memref<624x128xf32, #tpu.memory_space<hbm>>, %arg5: memref<2x10000x128xf32, #tpu.memory_space<hbm>>, %arg6: memref<128xi32, #tpu.memory_space<vmem>>, %arg7: memref<128x128xf32, #tpu.memory_space<vmem>>, %arg8: memref<10016x128xf32, #tpu.memory_space<vmem_shared>>) attributes {dimension_semantics = [#tpu.dimension_semantics<core_parallel>, #tpu.dimension_semantics<subcore_parallel>], iteration_bounds = array<i64: 2, 16>, scalar_prefetch = 0 : i64, scratch_operands = 3 : i64, tpu.core_type = #tpu.core_type<sc_vector_subcore>, window_params = [{transform_indices = #map}, {transform_indices = #map1}, {transform_indices = #map1}, {transform_indices = #map2}]} {
    %mul3A = arith.constant 2 : i32
    %mul3A_0 = arith.muli %arg1, %mul3A : i32
    %add3A = arith.addi %mul3A_0, %arg0 : i32
    "tpu.region"() ({
      %run_scoped3A = tpu.sem_alloc : memref<!tpu.dma_semaphore, #tpu.memory_space<semaphore_mem>>
      tpu.enqueue_dma source(%arg3 : memref<128x128xf32, #tpu.memory_space<hbm>>) target(%arg7 : memref<128x128xf32, #tpu.memory_space<vmem>>) target_semaphore(%run_scoped3A : memref<!tpu.dma_semaphore, #tpu.memory_space<semaphore_mem>>)
      tpu.wait_dma2 semaphore(%run_scoped3A : memref<!tpu.dma_semaphore, #tpu.memory_space<semaphore_mem>>) src(%arg3 : memref<128x128xf32, #tpu.memory_space<hbm>>) dst(%arg7 : memref<128x128xf32, #tpu.memory_space<vmem>>)
      tpu.yield
    }) : () -> ()
    %mul3A_1 = arith.constant 624 : i32
    %mul3A_2 = arith.muli %arg1, %mul3A_1 : i32
    "tpu.region"() ({
      %run_scoped3A = tpu.sem_alloc : memref<!tpu.dma_semaphore, #tpu.memory_space<semaphore_mem>>
      %dma_start3A = arith.constant 0 : i32
      %dma_start3A_20 = tpu.memref_slice %arg8[%mul3A_2, %dma_start3A] : memref<10016x128xf32, #tpu.memory_space<vmem_shared>> -> memref<624x128xf32, #tpu.memory_space<vmem_shared>>
      tpu.enqueue_dma source(%arg4 : memref<624x128xf32, #tpu.memory_space<hbm>>) target(%dma_start3A_20 : memref<624x128xf32, #tpu.memory_space<vmem_shared>>) target_semaphore(%run_scoped3A : memref<!tpu.dma_semaphore, #tpu.memory_space<semaphore_mem>>)
      %dma_wait3A = arith.constant 0 : i32
      %dma_wait3A_21 = tpu.memref_slice %arg8[%mul3A_2, %dma_wait3A] : memref<10016x128xf32, #tpu.memory_space<vmem_shared>> -> memref<624x128xf32, #tpu.memory_space<vmem_shared>>
      tpu.wait_dma2 semaphore(%run_scoped3A : memref<!tpu.dma_semaphore, #tpu.memory_space<semaphore_mem>>) src(%arg4 : memref<624x128xf32, #tpu.memory_space<hbm>>) dst(%dma_wait3A_21 : memref<624x128xf32, #tpu.memory_space<vmem_shared>>)
      tpu.yield
    }) : () -> ()
    %eq3A = arith.constant 15 : i32
    %eq3A_3 = arith.cmpi eq, %arg1, %eq3A : i32
    %convert_element_type3A = arith.extui %eq3A_3 : i1 to i32
    %cond3A = arith.constant 0 : i32
    %cond3A_4 = arith.cmpi ne, %convert_element_type3A, %cond3A : i32
    scf.if %cond3A_4 {
      "tpu.region"() ({
        %run_scoped3A = tpu.sem_alloc : memref<!tpu.dma_semaphore, #tpu.memory_space<semaphore_mem>>
        %dma_start3A = arith.constant 9984 : i32
        %dma_start3A_20 = arith.constant 0 : i32
        %dma_start3A_21 = tpu.memref_slice %arg8[%dma_start3A, %dma_start3A_20] : memref<10016x128xf32, #tpu.memory_space<vmem_shared>> -> memref<16x128xf32, #tpu.memory_space<vmem_shared>>
        %dma_start3A_22 = arith.constant 0 : i32
        %dma_start3A_23 = arith.constant 0 : i32
        %dma_start3A_24 = tpu.memref_slice %arg4[%dma_start3A_22, %dma_start3A_23] : memref<624x128xf32, #tpu.memory_space<hbm>> -> memref<16x128xf32, #tpu.memory_space<hbm>>
        tpu.enqueue_dma source(%dma_start3A_24 : memref<16x128xf32, #tpu.memory_space<hbm>>) target(%dma_start3A_21 : memref<16x128xf32, #tpu.memory_space<vmem_shared>>) target_semaphore(%run_scoped3A : memref<!tpu.dma_semaphore, #tpu.memory_space<semaphore_mem>>)
        %dma_wait3A = arith.constant 9984 : i32
        %dma_wait3A_25 = arith.constant 0 : i32
        %dma_wait3A_26 = tpu.memref_slice %arg8[%dma_wait3A, %dma_wait3A_25] : memref<10016x128xf32, #tpu.memory_space<vmem_shared>> -> memref<16x128xf32, #tpu.memory_space<vmem_shared>>
        %dma_wait3A_27 = arith.constant 0 : i32
        %dma_wait3A_28 = arith.constant 0 : i32
        %dma_wait3A_29 = tpu.memref_slice %arg4[%dma_wait3A_27, %dma_wait3A_28] : memref<624x128xf32, #tpu.memory_space<hbm>> -> memref<16x128xf32, #tpu.memory_space<hbm>>
        tpu.wait_dma2 semaphore(%run_scoped3A : memref<!tpu.dma_semaphore, #tpu.memory_space<semaphore_mem>>) src(%dma_wait3A_29 : memref<16x128xf32, #tpu.memory_space<hbm>>) dst(%dma_wait3A_26 : memref<16x128xf32, #tpu.memory_space<vmem_shared>>)
        tpu.yield
      }) : () -> ()
    } else {
    }
    %barrier3A = arith.constant 0 : index
    tpu.barrier barrier_id(%barrier3A)
    %scan3A = arith.constant 0 : i32
    %scan3A_5 = arith.constant 0 : i32
    %scan3A_6 = arith.constant 80 : i32
    %scan3A_7 = arith.addi %scan3A_5, %scan3A_6 : i32
    %scan3A_8 = arith.constant 1 : i32
    scf.for %scan3A_20 = %scan3A_5 to %scan3A_7 step %scan3A_8  : i32 {
      %mul3A_21 = arith.constant 10240 : i32
      %mul3A_22 = arith.muli %add3A, %mul3A_21 : i32
      %mul3A_23 = arith.constant 128 : i32
      %mul3A_24 = arith.muli %scan3A_20, %mul3A_23 : i32
      %add3A_25 = arith.addi %mul3A_22, %mul3A_24 : i32
      "tpu.region"() ({
        %run_scoped3A = tpu.sem_alloc : memref<!tpu.dma_semaphore, #tpu.memory_space<semaphore_mem>>
        %dma_start3A = tpu.memref_slice %arg2[%add3A_25] : memref<327680xi32, #tpu.memory_space<hbm>> -> memref<128xi32, #tpu.memory_space<hbm>>
        %dma_start3A_26 = tpu.memref_slice %arg2[%add3A_25] : memref<327680xi32, #tpu.memory_space<hbm>> -> memref<128xi32, #tpu.memory_space<hbm>>
        tpu.enqueue_dma source(%dma_start3A_26 : memref<128xi32, #tpu.memory_space<hbm>>) target(%arg6 : memref<128xi32, #tpu.memory_space<vmem>>) target_semaphore(%run_scoped3A : memref<!tpu.dma_semaphore, #tpu.memory_space<semaphore_mem>>)
        %dma_wait3A = tpu.memref_slice %arg2[%add3A_25] : memref<327680xi32, #tpu.memory_space<hbm>> -> memref<128xi32, #tpu.memory_space<hbm>>
        %dma_wait3A_27 = tpu.memref_slice %arg2[%add3A_25] : memref<327680xi32, #tpu.memory_space<hbm>> -> memref<128xi32, #tpu.memory_space<hbm>>
        tpu.wait_dma2 semaphore(%run_scoped3A : memref<!tpu.dma_semaphore, #tpu.memory_space<semaphore_mem>>) src(%dma_wait3A_27 : memref<128xi32, #tpu.memory_space<hbm>>) dst(%arg6 : memref<128xi32, #tpu.memory_space<vmem>>)
        tpu.yield
      }) : () -> ()
      "tpu.region"() ({
        %run_scoped3A = tpu.sem_alloc : memref<!tpu.dma_semaphore, #tpu.memory_space<semaphore_mem>>
        %dma_start3A = arith.constant 0 : i32
        %dma_start3A_26 = arith.constant 0 : i32
        %dma_start3A_27 = tpu.memref_slice %arg8[%dma_start3A, %dma_start3A_26] : memref<10016x128xf32, #tpu.memory_space<vmem_shared>> -> memref<10016x128xf32, #tpu.memory_space<vmem_shared>>
        tpu.enqueue_indirect_dma source(%arg7 : memref<128x128xf32, #tpu.memory_space<vmem>>) target(%dma_start3A_27 : memref<10016x128xf32, #tpu.memory_space<vmem_shared>>) offsets(%arg6 : memref<128xi32, #tpu.memory_space<vmem>>) semaphore(%run_scoped3A : memref<!tpu.dma_semaphore, #tpu.memory_space<semaphore_mem>>) {add = true}
        %dma_wait3A = arith.constant 0 : i32
        %dma_wait3A_28 = arith.constant 0 : i32
        %dma_wait3A_29 = tpu.memref_slice %arg8[%dma_wait3A, %dma_wait3A_28] : memref<10016x128xf32, #tpu.memory_space<vmem_shared>> -> memref<10016x128xf32, #tpu.memory_space<vmem_shared>>
        tpu.wait_indirect_dma semaphore(%run_scoped3A : memref<!tpu.dma_semaphore, #tpu.memory_space<semaphore_mem>>) src(%arg7 : memref<128x128xf32, #tpu.memory_space<vmem>>) dst(%dma_wait3A_29 : memref<10016x128xf32, #tpu.memory_space<vmem_shared>>)
        tpu.yield
      }) : () -> ()
    }
    %scan3A_9 = arith.constant 80 : i32
    %barrier3A_10 = arith.constant 0 : index
    tpu.barrier barrier_id(%barrier3A_10)
    %mul3A_11 = arith.constant 624 : i32
    %mul3A_12 = arith.muli %arg1, %mul3A_11 : i32
    %mul3A_13 = arith.constant 624 : i32
    %mul3A_14 = arith.muli %arg1, %mul3A_13 : i32
    "tpu.region"() ({
      %run_scoped3A = tpu.sem_alloc : memref<!tpu.dma_semaphore, #tpu.memory_space<semaphore_mem>>
      %dma_start3A = arith.constant 0 : i32
      %dma_start3A_20 = tpu.memref_slice %arg5[%arg0, %mul3A_14, %dma_start3A] : memref<2x10000x128xf32, #tpu.memory_space<hbm>> -> memref<1x624x128xf32, #tpu.memory_space<hbm>>
      %dma_start3A_21 = tpu.memref_squeeze %dma_start3A_20 : memref<1x624x128xf32, #tpu.memory_space<hbm>> -> memref<624x128xf32, #tpu.memory_space<hbm>>
      %dma_start3A_22 = arith.constant 0 : i32
      %dma_start3A_23 = tpu.memref_slice %arg8[%mul3A_12, %dma_start3A_22] : memref<10016x128xf32, #tpu.memory_space<vmem_shared>> -> memref<624x128xf32, #tpu.memory_space<vmem_shared>>
      tpu.enqueue_dma source(%dma_start3A_23 : memref<624x128xf32, #tpu.memory_space<vmem_shared>>) target(%dma_start3A_21 : memref<624x128xf32, #tpu.memory_space<hbm>>) target_semaphore(%run_scoped3A : memref<!tpu.dma_semaphore, #tpu.memory_space<semaphore_mem>>)
      %dma_wait3A = arith.constant 0 : i32
      %dma_wait3A_24 = tpu.memref_slice %arg5[%arg0, %mul3A_14, %dma_wait3A] : memref<2x10000x128xf32, #tpu.memory_space<hbm>> -> memref<1x624x128xf32, #tpu.memory_space<hbm>>
      %dma_wait3A_25 = tpu.memref_squeeze %dma_wait3A_24 : memref<1x624x128xf32, #tpu.memory_space<hbm>> -> memref<624x128xf32, #tpu.memory_space<hbm>>
      %dma_wait3A_26 = arith.constant 0 : i32
      %dma_wait3A_27 = tpu.memref_slice %arg8[%mul3A_12, %dma_wait3A_26] : memref<10016x128xf32, #tpu.memory_space<vmem_shared>> -> memref<624x128xf32, #tpu.memory_space<vmem_shared>>
      tpu.wait_dma2 semaphore(%run_scoped3A : memref<!tpu.dma_semaphore, #tpu.memory_space<semaphore_mem>>) src(%dma_wait3A_27 : memref<624x128xf32, #tpu.memory_space<vmem_shared>>) dst(%dma_wait3A_25 : memref<624x128xf32, #tpu.memory_space<hbm>>)
      tpu.yield
    }) : () -> ()
    %eq3A_15 = arith.constant 15 : i32
    %eq3A_16 = arith.cmpi eq, %arg1, %eq3A_15 : i32
    %convert_element_type3A_17 = arith.extui %eq3A_16 : i1 to i32
    %cond3A_18 = arith.constant 0 : i32
    %cond3A_19 = arith.cmpi ne, %convert_element_type3A_17, %cond3A_18 : i32
    scf.if %cond3A_19 {
      "tpu.region"() ({
        %run_scoped3A = tpu.sem_alloc : memref<!tpu.dma_semaphore, #tpu.memory_space<semaphore_mem>>
        %dma_start3A = arith.constant 9984 : i32
        %dma_start3A_20 = arith.constant 0 : i32
        %dma_start3A_21 = tpu.memref_slice %arg5[%arg0, %dma_start3A, %dma_start3A_20] : memref<2x10000x128xf32, #tpu.memory_space<hbm>> -> memref<1x16x128xf32, #tpu.memory_space<hbm>>
        %dma_start3A_22 = tpu.memref_squeeze %dma_start3A_21 : memref<1x16x128xf32, #tpu.memory_space<hbm>> -> memref<16x128xf32, #tpu.memory_space<hbm>>
        %dma_start3A_23 = arith.constant 9984 : i32
        %dma_start3A_24 = arith.constant 0 : i32
        %dma_start3A_25 = tpu.memref_slice %arg8[%dma_start3A_23, %dma_start3A_24] : memref<10016x128xf32, #tpu.memory_space<vmem_shared>> -> memref<16x128xf32, #tpu.memory_space<vmem_shared>>
        tpu.enqueue_dma source(%dma_start3A_25 : memref<16x128xf32, #tpu.memory_space<vmem_shared>>) target(%dma_start3A_22 : memref<16x128xf32, #tpu.memory_space<hbm>>) target_semaphore(%run_scoped3A : memref<!tpu.dma_semaphore, #tpu.memory_space<semaphore_mem>>)
        %dma_wait3A = arith.constant 9984 : i32
        %dma_wait3A_26 = arith.constant 0 : i32
        %dma_wait3A_27 = tpu.memref_slice %arg5[%arg0, %dma_wait3A, %dma_wait3A_26] : memref<2x10000x128xf32, #tpu.memory_space<hbm>> -> memref<1x16x128xf32, #tpu.memory_space<hbm>>
        %dma_wait3A_28 = tpu.memref_squeeze %dma_wait3A_27 : memref<1x16x128xf32, #tpu.memory_space<hbm>> -> memref<16x128xf32, #tpu.memory_space<hbm>>
        %dma_wait3A_29 = arith.constant 9984 : i32
        %dma_wait3A_30 = arith.constant 0 : i32
        %dma_wait3A_31 = tpu.memref_slice %arg8[%dma_wait3A_29, %dma_wait3A_30] : memref<10016x128xf32, #tpu.memory_space<vmem_shared>> -> memref<16x128xf32, #tpu.memory_space<vmem_shared>>
        tpu.wait_dma2 semaphore(%run_scoped3A : memref<!tpu.dma_semaphore, #tpu.memory_space<semaphore_mem>>) src(%dma_wait3A_31 : memref<16x128xf32, #tpu.memory_space<vmem_shared>>) dst(%dma_wait3A_28 : memref<16x128xf32, #tpu.memory_space<hbm>>)
        tpu.yield
      }) : () -> ()
    } else {
    }
    return
  }
}

#map = affine_map<(d0, d1) -> (0, 0)>
#map1 = affine_map<(d0, d1) -> (0)>
module attributes {stable_mosaic.version = 14 : i64} {
  func.func @k(%arg0: i32, %arg1: i32, %arg2: memref<10000x128xf32, #tpu.memory_space<hbm>>, %arg3: memref<10000x128xf32, #tpu.memory_space<hbm>>, %arg4: memref<327680xi32, #tpu.memory_space<hbm>>, %arg5: memref<327680xi32, #tpu.memory_space<hbm>>, %arg6: memref<327680x128xf32, #tpu.memory_space<hbm>>, %arg7: memref<327680x128xf32, #tpu.memory_space<hbm>>, %arg8: memref<128xi32, #tpu.memory_space<vmem>>, %arg9: memref<128xi32, #tpu.memory_space<vmem>>, %arg10: memref<128xi32, #tpu.memory_space<vmem>>, %arg11: memref<128xi32, #tpu.memory_space<vmem>>, %arg12: memref<128xi32, #tpu.memory_space<vmem>>, %arg13: memref<128xi32, #tpu.memory_space<vmem>>, %arg14: memref<128x128xf32, #tpu.memory_space<vmem>>, %arg15: memref<128x128xf32, #tpu.memory_space<vmem>>, %arg16: memref<128x128xf32, #tpu.memory_space<vmem>>, %arg17: memref<128x128xf32, #tpu.memory_space<vmem>>, %arg18: memref<128x128xf32, #tpu.memory_space<vmem>>, %arg19: memref<128x128xf32, #tpu.memory_space<vmem>>, %arg20: memref<!tpu.dma_semaphore, #tpu.memory_space<semaphore_mem>>, %arg21: memref<!tpu.dma_semaphore, #tpu.memory_space<semaphore_mem>>, %arg22: memref<!tpu.dma_semaphore, #tpu.memory_space<semaphore_mem>>, %arg23: memref<!tpu.dma_semaphore, #tpu.memory_space<semaphore_mem>>, %arg24: memref<!tpu.dma_semaphore, #tpu.memory_space<semaphore_mem>>, %arg25: memref<!tpu.dma_semaphore, #tpu.memory_space<semaphore_mem>>, %arg26: memref<!tpu.dma_semaphore, #tpu.memory_space<semaphore_mem>>, %arg27: memref<!tpu.dma_semaphore, #tpu.memory_space<semaphore_mem>>, %arg28: memref<!tpu.dma_semaphore, #tpu.memory_space<semaphore_mem>>, %arg29: memref<!tpu.dma_semaphore, #tpu.memory_space<semaphore_mem>>, %arg30: memref<!tpu.dma_semaphore, #tpu.memory_space<semaphore_mem>>, %arg31: memref<!tpu.dma_semaphore, #tpu.memory_space<semaphore_mem>>, %arg32: memref<!tpu.dma_semaphore, #tpu.memory_space<semaphore_mem>>, %arg33: memref<!tpu.dma_semaphore, #tpu.memory_space<semaphore_mem>>, %arg34: memref<!tpu.dma_semaphore, #tpu.memory_space<semaphore_mem>>, %arg35: memref<!tpu.dma_semaphore, #tpu.memory_space<semaphore_mem>>, %arg36: memref<!tpu.dma_semaphore, #tpu.memory_space<semaphore_mem>>, %arg37: memref<!tpu.dma_semaphore, #tpu.memory_space<semaphore_mem>>) attributes {dimension_semantics = [#tpu.dimension_semantics<core_parallel>, #tpu.dimension_semantics<subcore_parallel>], iteration_bounds = array<i64: 2, 16>, scalar_prefetch = 0 : i64, scratch_operands = 30 : i64, tpu.core_type = #tpu.core_type<sc_vector_subcore>, window_params = [{transform_indices = #map}, {transform_indices = #map}, {transform_indices = #map1}, {transform_indices = #map1}, {transform_indices = #map}, {transform_indices = #map}]} {
    %mul3A = arith.constant 2 : i32
    %mul3A_0 = arith.muli %arg1, %mul3A : i32
    %add3A = arith.addi %mul3A_0, %arg0 : i32
    %mul3A_1 = arith.constant 10240 : i32
    %mul3A_2 = arith.muli %add3A, %mul3A_1 : i32
    "tpu.region"() ({
      %run_scoped3A = tpu.sem_alloc : memref<!tpu.dma_semaphore, #tpu.memory_space<semaphore_mem>>
      %dma_start3A_88 = tpu.memref_slice %arg4[%mul3A_2] : memref<327680xi32, #tpu.memory_space<hbm>> -> memref<128xi32, #tpu.memory_space<hbm>>
      %dma_start3A_89 = tpu.memref_slice %arg4[%mul3A_2] : memref<327680xi32, #tpu.memory_space<hbm>> -> memref<128xi32, #tpu.memory_space<hbm>>
      tpu.enqueue_dma source(%dma_start3A_89 : memref<128xi32, #tpu.memory_space<hbm>>) target(%arg8 : memref<128xi32, #tpu.memory_space<vmem>>) target_semaphore(%run_scoped3A : memref<!tpu.dma_semaphore, #tpu.memory_space<semaphore_mem>>)
      %dma_wait3A_90 = tpu.memref_slice %arg4[%mul3A_2] : memref<327680xi32, #tpu.memory_space<hbm>> -> memref<128xi32, #tpu.memory_space<hbm>>
      %dma_wait3A_91 = tpu.memref_slice %arg4[%mul3A_2] : memref<327680xi32, #tpu.memory_space<hbm>> -> memref<128xi32, #tpu.memory_space<hbm>>
      tpu.wait_dma2 semaphore(%run_scoped3A : memref<!tpu.dma_semaphore, #tpu.memory_space<semaphore_mem>>) src(%dma_wait3A_91 : memref<128xi32, #tpu.memory_space<hbm>>) dst(%arg8 : memref<128xi32, #tpu.memory_space<vmem>>)
      tpu.yield
    }) : () -> ()
    "tpu.region"() ({
      %run_scoped3A = tpu.sem_alloc : memref<!tpu.dma_semaphore, #tpu.memory_space<semaphore_mem>>
      %dma_start3A_88 = tpu.memref_slice %arg5[%mul3A_2] : memref<327680xi32, #tpu.memory_space<hbm>> -> memref<128xi32, #tpu.memory_space<hbm>>
      %dma_start3A_89 = tpu.memref_slice %arg5[%mul3A_2] : memref<327680xi32, #tpu.memory_space<hbm>> -> memref<128xi32, #tpu.memory_space<hbm>>
      tpu.enqueue_dma source(%dma_start3A_89 : memref<128xi32, #tpu.memory_space<hbm>>) target(%arg9 : memref<128xi32, #tpu.memory_space<vmem>>) target_semaphore(%run_scoped3A : memref<!tpu.dma_semaphore, #tpu.memory_space<semaphore_mem>>)
      %dma_wait3A_90 = tpu.memref_slice %arg5[%mul3A_2] : memref<327680xi32, #tpu.memory_space<hbm>> -> memref<128xi32, #tpu.memory_space<hbm>>
      %dma_wait3A_91 = tpu.memref_slice %arg5[%mul3A_2] : memref<327680xi32, #tpu.memory_space<hbm>> -> memref<128xi32, #tpu.memory_space<hbm>>
      tpu.wait_dma2 semaphore(%run_scoped3A : memref<!tpu.dma_semaphore, #tpu.memory_space<semaphore_mem>>) src(%dma_wait3A_91 : memref<128xi32, #tpu.memory_space<hbm>>) dst(%arg9 : memref<128xi32, #tpu.memory_space<vmem>>)
      tpu.yield
    }) : () -> ()
    %dma_start3A = arith.constant 0 : i32
    %dma_start3A_3 = arith.constant 0 : i32
    %dma_start3A_4 = tpu.memref_slice %arg2[%dma_start3A, %dma_start3A_3] : memref<10000x128xf32, #tpu.memory_space<hbm>> -> memref<10000x128xf32, #tpu.memory_space<hbm>>
    tpu.enqueue_indirect_dma source(%dma_start3A_4 : memref<10000x128xf32, #tpu.memory_space<hbm>>) target(%arg14 : memref<128x128xf32, #tpu.memory_space<vmem>>) offsets(%arg8 : memref<128xi32, #tpu.memory_space<vmem>>) semaphore(%arg26 : memref<!tpu.dma_semaphore, #tpu.memory_space<semaphore_mem>>)
    %dma_start3A_5 = arith.constant 0 : i32
    %dma_start3A_6 = arith.constant 0 : i32
    %dma_start3A_7 = tpu.memref_slice %arg3[%dma_start3A_5, %dma_start3A_6] : memref<10000x128xf32, #tpu.memory_space<hbm>> -> memref<10000x128xf32, #tpu.memory_space<hbm>>
    tpu.enqueue_indirect_dma source(%dma_start3A_7 : memref<10000x128xf32, #tpu.memory_space<hbm>>) target(%arg15 : memref<128x128xf32, #tpu.memory_space<vmem>>) offsets(%arg9 : memref<128xi32, #tpu.memory_space<vmem>>) semaphore(%arg27 : memref<!tpu.dma_semaphore, #tpu.memory_space<semaphore_mem>>)
    %add3A_8 = arith.constant 128 : i32
    %add3A_9 = arith.addi %mul3A_2, %add3A_8 : i32
    "tpu.region"() ({
      %run_scoped3A = tpu.sem_alloc : memref<!tpu.dma_semaphore, #tpu.memory_space<semaphore_mem>>
      %dma_start3A_88 = tpu.memref_slice %arg4[%add3A_9] : memref<327680xi32, #tpu.memory_space<hbm>> -> memref<128xi32, #tpu.memory_space<hbm>>
      %dma_start3A_89 = tpu.memref_slice %arg4[%add3A_9] : memref<327680xi32, #tpu.memory_space<hbm>> -> memref<128xi32, #tpu.memory_space<hbm>>
      tpu.enqueue_dma source(%dma_start3A_89 : memref<128xi32, #tpu.memory_space<hbm>>) target(%arg10 : memref<128xi32, #tpu.memory_space<vmem>>) target_semaphore(%run_scoped3A : memref<!tpu.dma_semaphore, #tpu.memory_space<semaphore_mem>>)
      %dma_wait3A_90 = tpu.memref_slice %arg4[%add3A_9] : memref<327680xi32, #tpu.memory_space<hbm>> -> memref<128xi32, #tpu.memory_space<hbm>>
      %dma_wait3A_91 = tpu.memref_slice %arg4[%add3A_9] : memref<327680xi32, #tpu.memory_space<hbm>> -> memref<128xi32, #tpu.memory_space<hbm>>
      tpu.wait_dma2 semaphore(%run_scoped3A : memref<!tpu.dma_semaphore, #tpu.memory_space<semaphore_mem>>) src(%dma_wait3A_91 : memref<128xi32, #tpu.memory_space<hbm>>) dst(%arg10 : memref<128xi32, #tpu.memory_space<vmem>>)
      tpu.yield
    }) : () -> ()
    %add3A_10 = arith.constant 128 : i32
    %add3A_11 = arith.addi %mul3A_2, %add3A_10 : i32
    "tpu.region"() ({
      %run_scoped3A = tpu.sem_alloc : memref<!tpu.dma_semaphore, #tpu.memory_space<semaphore_mem>>
      %dma_start3A_88 = tpu.memref_slice %arg5[%add3A_11] : memref<327680xi32, #tpu.memory_space<hbm>> -> memref<128xi32, #tpu.memory_space<hbm>>
      %dma_start3A_89 = tpu.memref_slice %arg5[%add3A_11] : memref<327680xi32, #tpu.memory_space<hbm>> -> memref<128xi32, #tpu.memory_space<hbm>>
      tpu.enqueue_dma source(%dma_start3A_89 : memref<128xi32, #tpu.memory_space<hbm>>) target(%arg11 : memref<128xi32, #tpu.memory_space<vmem>>) target_semaphore(%run_scoped3A : memref<!tpu.dma_semaphore, #tpu.memory_space<semaphore_mem>>)
      %dma_wait3A_90 = tpu.memref_slice %arg5[%add3A_11] : memref<327680xi32, #tpu.memory_space<hbm>> -> memref<128xi32, #tpu.memory_space<hbm>>
      %dma_wait3A_91 = tpu.memref_slice %arg5[%add3A_11] : memref<327680xi32, #tpu.memory_space<hbm>> -> memref<128xi32, #tpu.memory_space<hbm>>
      tpu.wait_dma2 semaphore(%run_scoped3A : memref<!tpu.dma_semaphore, #tpu.memory_space<semaphore_mem>>) src(%dma_wait3A_91 : memref<128xi32, #tpu.memory_space<hbm>>) dst(%arg11 : memref<128xi32, #tpu.memory_space<vmem>>)
      tpu.yield
    }) : () -> ()
    %dma_start3A_12 = arith.constant 0 : i32
    %dma_start3A_13 = arith.constant 0 : i32
    %dma_start3A_14 = tpu.memref_slice %arg2[%dma_start3A_12, %dma_start3A_13] : memref<10000x128xf32, #tpu.memory_space<hbm>> -> memref<10000x128xf32, #tpu.memory_space<hbm>>
    tpu.enqueue_indirect_dma source(%dma_start3A_14 : memref<10000x128xf32, #tpu.memory_space<hbm>>) target(%arg16 : memref<128x128xf32, #tpu.memory_space<vmem>>) offsets(%arg10 : memref<128xi32, #tpu.memory_space<vmem>>) semaphore(%arg28 : memref<!tpu.dma_semaphore, #tpu.memory_space<semaphore_mem>>)
    %dma_start3A_15 = arith.constant 0 : i32
    %dma_start3A_16 = arith.constant 0 : i32
    %dma_start3A_17 = tpu.memref_slice %arg3[%dma_start3A_15, %dma_start3A_16] : memref<10000x128xf32, #tpu.memory_space<hbm>> -> memref<10000x128xf32, #tpu.memory_space<hbm>>
    tpu.enqueue_indirect_dma source(%dma_start3A_17 : memref<10000x128xf32, #tpu.memory_space<hbm>>) target(%arg17 : memref<128x128xf32, #tpu.memory_space<vmem>>) offsets(%arg11 : memref<128xi32, #tpu.memory_space<vmem>>) semaphore(%arg29 : memref<!tpu.dma_semaphore, #tpu.memory_space<semaphore_mem>>)
    %add3A_18 = arith.constant 256 : i32
    %add3A_19 = arith.addi %mul3A_2, %add3A_18 : i32
    %dma_start3A_20 = tpu.memref_slice %arg4[%add3A_19] : memref<327680xi32, #tpu.memory_space<hbm>> -> memref<128xi32, #tpu.memory_space<hbm>>
    %dma_start3A_21 = tpu.memref_slice %arg4[%add3A_19] : memref<327680xi32, #tpu.memory_space<hbm>> -> memref<128xi32, #tpu.memory_space<hbm>>
    tpu.enqueue_dma source(%dma_start3A_21 : memref<128xi32, #tpu.memory_space<hbm>>) target(%arg12 : memref<128xi32, #tpu.memory_space<vmem>>) target_semaphore(%arg24 : memref<!tpu.dma_semaphore, #tpu.memory_space<semaphore_mem>>)
    %add3A_22 = arith.constant 256 : i32
    %add3A_23 = arith.addi %mul3A_2, %add3A_22 : i32
    %dma_start3A_24 = tpu.memref_slice %arg5[%add3A_23] : memref<327680xi32, #tpu.memory_space<hbm>> -> memref<128xi32, #tpu.memory_space<hbm>>
    %dma_start3A_25 = tpu.memref_slice %arg5[%add3A_23] : memref<327680xi32, #tpu.memory_space<hbm>> -> memref<128xi32, #tpu.memory_space<hbm>>
    tpu.enqueue_dma source(%dma_start3A_25 : memref<128xi32, #tpu.memory_space<hbm>>) target(%arg13 : memref<128xi32, #tpu.memory_space<vmem>>) target_semaphore(%arg25 : memref<!tpu.dma_semaphore, #tpu.memory_space<semaphore_mem>>)
    %scan3A = arith.constant 0 : i32
    %scan3A_26 = arith.constant 2 : i32
    %scan3A_27 = arith.constant 78 : i32
    %scan3A_28 = arith.addi %scan3A_26, %scan3A_27 : i32
    %scan3A_29 = arith.constant 1 : i32
    scf.for %scan3A_88 = %scan3A_26 to %scan3A_28 step %scan3A_29  : i32 {
      %jit3A = arith.constant 3 : i32
      %eq3A = arith.constant 0 : i32
      %eq3A_89 = arith.cmpi eq, %jit3A, %eq3A : i32
      %jit3A_90 = arith.constant 1 : i32
      %select_n3A = arith.select %eq3A_89, %jit3A_90, %jit3A : i32
      %rem3A = arith.remsi %scan3A_88, %select_n3A : i32
      %ne3A = arith.constant 0 : i32
      %ne3A_91 = arith.cmpi ne, %rem3A, %ne3A : i32
      %lt3A = arith.constant 0 : i32
      %lt3A_92 = arith.cmpi slt, %rem3A, %lt3A : i32
      %lt3A_93 = arith.constant 0 : i32
      %lt3A_94 = arith.cmpi slt, %select_n3A, %lt3A_93 : i32
      %ne3A_95 = arith.xori %lt3A_92, %lt3A_94 : i1
      %and3A = arith.andi %ne3A_95, %ne3A_91 : i1
      %add3A_96 = arith.addi %rem3A, %select_n3A : i32
      %select_n3A_97 = arith.select %and3A, %add3A_96, %rem3A : i32
      %eq3A_98 = arith.constant 2 : i32
      %eq3A_99 = arith.cmpi eq, %select_n3A_97, %eq3A_98 : i32
      %convert_element_type3A = arith.extui %eq3A_99 : i1 to i32
      %cond3A = arith.constant 0 : i32
      %cond3A_100 = arith.cmpi ne, %convert_element_type3A, %cond3A : i32
      scf.if %cond3A_100 {
        %mul3A_143 = arith.constant 128 : i32
        %mul3A_144 = arith.muli %scan3A_88, %mul3A_143 : i32
        %add3A_145 = arith.addi %mul3A_2, %mul3A_144 : i32
        %dma_wait3A_146 = tpu.memref_slice %arg4[%add3A_145] : memref<327680xi32, #tpu.memory_space<hbm>> -> memref<128xi32, #tpu.memory_space<hbm>>
        %dma_wait3A_147 = tpu.memref_slice %arg4[%add3A_145] : memref<327680xi32, #tpu.memory_space<hbm>> -> memref<128xi32, #tpu.memory_space<hbm>>
        tpu.wait_dma2 semaphore(%arg24 : memref<!tpu.dma_semaphore, #tpu.memory_space<semaphore_mem>>) src(%dma_wait3A_147 : memref<128xi32, #tpu.memory_space<hbm>>) dst(%arg12 : memref<128xi32, #tpu.memory_space<vmem>>)
        %dma_wait3A_148 = tpu.memref_slice %arg5[%add3A_145] : memref<327680xi32, #tpu.memory_space<hbm>> -> memref<128xi32, #tpu.memory_space<hbm>>
        %dma_wait3A_149 = tpu.memref_slice %arg5[%add3A_145] : memref<327680xi32, #tpu.memory_space<hbm>> -> memref<128xi32, #tpu.memory_space<hbm>>
        tpu.wait_dma2 semaphore(%arg25 : memref<!tpu.dma_semaphore, #tpu.memory_space<semaphore_mem>>) src(%dma_wait3A_149 : memref<128xi32, #tpu.memory_space<hbm>>) dst(%arg13 : memref<128xi32, #tpu.memory_space<vmem>>)
        %ge3A = arith.constant 3 : i32
        %ge3A_150 = arith.cmpi sge, %scan3A_88, %ge3A : i32
        %convert_element_type3A_151 = arith.extui %ge3A_150 : i1 to i32
        %cond3A_152 = arith.constant 0 : i32
        %cond3A_153 = arith.cmpi ne, %convert_element_type3A_151, %cond3A_152 : i32
        scf.if %cond3A_153 {
          %sub3A_185 = arith.constant 3 : i32
          %sub3A_186 = arith.subi %scan3A_88, %sub3A_185 : i32
          %mul3A_187 = arith.constant 128 : i32
          %mul3A_188 = arith.muli %sub3A_186, %mul3A_187 : i32
          %add3A_189 = arith.addi %mul3A_2, %mul3A_188 : i32
          %dma_wait3A_190 = arith.constant 0 : i32
          %dma_wait3A_191 = tpu.memref_slice %arg6[%add3A_189, %dma_wait3A_190] : memref<327680x128xf32, #tpu.memory_space<hbm>> -> memref<128x128xf32, #tpu.memory_space<hbm>>
          %dma_wait3A_192 = arith.constant 0 : i32
          %dma_wait3A_193 = tpu.memref_slice %arg6[%add3A_189, %dma_wait3A_192] : memref<327680x128xf32, #tpu.memory_space<hbm>> -> memref<128x128xf32, #tpu.memory_space<hbm>>
          tpu.wait_dma2 semaphore(%arg36 : memref<!tpu.dma_semaphore, #tpu.memory_space<semaphore_mem>>) src(%arg18 : memref<128x128xf32, #tpu.memory_space<vmem>>) dst(%dma_wait3A_193 : memref<128x128xf32, #tpu.memory_space<hbm>>)
          %dma_wait3A_194 = arith.constant 0 : i32
          %dma_wait3A_195 = tpu.memref_slice %arg7[%add3A_189, %dma_wait3A_194] : memref<327680x128xf32, #tpu.memory_space<hbm>> -> memref<128x128xf32, #tpu.memory_space<hbm>>
          %dma_wait3A_196 = arith.constant 0 : i32
          %dma_wait3A_197 = tpu.memref_slice %arg7[%add3A_189, %dma_wait3A_196] : memref<327680x128xf32, #tpu.memory_space<hbm>> -> memref<128x128xf32, #tpu.memory_space<hbm>>
          tpu.wait_dma2 semaphore(%arg37 : memref<!tpu.dma_semaphore, #tpu.memory_space<semaphore_mem>>) src(%arg19 : memref<128x128xf32, #tpu.memory_space<vmem>>) dst(%dma_wait3A_197 : memref<128x128xf32, #tpu.memory_space<hbm>>)
        } else {
        }
        %dma_start3A_154 = arith.constant 0 : i32
        %dma_start3A_155 = arith.constant 0 : i32
        %dma_start3A_156 = tpu.memref_slice %arg2[%dma_start3A_154, %dma_start3A_155] : memref<10000x128xf32, #tpu.memory_space<hbm>> -> memref<10000x128xf32, #tpu.memory_space<hbm>>
        tpu.enqueue_indirect_dma source(%dma_start3A_156 : memref<10000x128xf32, #tpu.memory_space<hbm>>) target(%arg18 : memref<128x128xf32, #tpu.memory_space<vmem>>) offsets(%arg12 : memref<128xi32, #tpu.memory_space<vmem>>) semaphore(%arg30 : memref<!tpu.dma_semaphore, #tpu.memory_space<semaphore_mem>>)
        %dma_start3A_157 = arith.constant 0 : i32
        %dma_start3A_158 = arith.constant 0 : i32
        %dma_start3A_159 = tpu.memref_slice %arg3[%dma_start3A_157, %dma_start3A_158] : memref<10000x128xf32, #tpu.memory_space<hbm>> -> memref<10000x128xf32, #tpu.memory_space<hbm>>
        tpu.enqueue_indirect_dma source(%dma_start3A_159 : memref<10000x128xf32, #tpu.memory_space<hbm>>) target(%arg19 : memref<128x128xf32, #tpu.memory_space<vmem>>) offsets(%arg13 : memref<128xi32, #tpu.memory_space<vmem>>) semaphore(%arg31 : memref<!tpu.dma_semaphore, #tpu.memory_space<semaphore_mem>>)
        %sub3A = arith.constant 2 : i32
        %sub3A_160 = arith.subi %scan3A_88, %sub3A : i32
        %mul3A_161 = arith.constant 128 : i32
        %mul3A_162 = arith.muli %sub3A_160, %mul3A_161 : i32
        %add3A_163 = arith.addi %mul3A_2, %mul3A_162 : i32
        %dma_wait3A_164 = arith.constant 0 : i32
        %dma_wait3A_165 = arith.constant 0 : i32
        %dma_wait3A_166 = tpu.memref_slice %arg2[%dma_wait3A_164, %dma_wait3A_165] : memref<10000x128xf32, #tpu.memory_space<hbm>> -> memref<10000x128xf32, #tpu.memory_space<hbm>>
        tpu.wait_indirect_dma semaphore(%arg26 : memref<!tpu.dma_semaphore, #tpu.memory_space<semaphore_mem>>) src(%dma_wait3A_166 : memref<10000x128xf32, #tpu.memory_space<hbm>>) dst(%arg14 : memref<128x128xf32, #tpu.memory_space<vmem>>)
        %dma_wait3A_167 = arith.constant 0 : i32
        %dma_wait3A_168 = arith.constant 0 : i32
        %dma_wait3A_169 = tpu.memref_slice %arg3[%dma_wait3A_167, %dma_wait3A_168] : memref<10000x128xf32, #tpu.memory_space<hbm>> -> memref<10000x128xf32, #tpu.memory_space<hbm>>
        tpu.wait_indirect_dma semaphore(%arg27 : memref<!tpu.dma_semaphore, #tpu.memory_space<semaphore_mem>>) src(%dma_wait3A_169 : memref<10000x128xf32, #tpu.memory_space<hbm>>) dst(%arg15 : memref<128x128xf32, #tpu.memory_space<vmem>>)
        %dma_start3A_170 = arith.constant 0 : i32
        %dma_start3A_171 = tpu.memref_slice %arg6[%add3A_163, %dma_start3A_170] : memref<327680x128xf32, #tpu.memory_space<hbm>> -> memref<128x128xf32, #tpu.memory_space<hbm>>
        %dma_start3A_172 = arith.constant 0 : i32
        %dma_start3A_173 = tpu.memref_slice %arg6[%add3A_163, %dma_start3A_172] : memref<327680x128xf32, #tpu.memory_space<hbm>> -> memref<128x128xf32, #tpu.memory_space<hbm>>
        tpu.enqueue_dma source(%arg14 : memref<128x128xf32, #tpu.memory_space<vmem>>) target(%dma_start3A_173 : memref<128x128xf32, #tpu.memory_space<hbm>>) target_semaphore(%arg32 : memref<!tpu.dma_semaphore, #tpu.memory_space<semaphore_mem>>)
        %dma_start3A_174 = arith.constant 0 : i32
        %dma_start3A_175 = tpu.memref_slice %arg7[%add3A_163, %dma_start3A_174] : memref<327680x128xf32, #tpu.memory_space<hbm>> -> memref<128x128xf32, #tpu.memory_space<hbm>>
        %dma_start3A_176 = arith.constant 0 : i32
        %dma_start3A_177 = tpu.memref_slice %arg7[%add3A_163, %dma_start3A_176] : memref<327680x128xf32, #tpu.memory_space<hbm>> -> memref<128x128xf32, #tpu.memory_space<hbm>>
        tpu.enqueue_dma source(%arg15 : memref<128x128xf32, #tpu.memory_space<vmem>>) target(%dma_start3A_177 : memref<128x128xf32, #tpu.memory_space<hbm>>) target_semaphore(%arg33 : memref<!tpu.dma_semaphore, #tpu.memory_space<semaphore_mem>>)
        %add3A_178 = arith.constant 1 : i32
        %add3A_179 = arith.addi %scan3A_88, %add3A_178 : i32
        %lt3A_180 = arith.constant 80 : i32
        %lt3A_181 = arith.cmpi slt, %add3A_179, %lt3A_180 : i32
        %convert_element_type3A_182 = arith.extui %lt3A_181 : i1 to i32
        %cond3A_183 = arith.constant 0 : i32
        %cond3A_184 = arith.cmpi ne, %convert_element_type3A_182, %cond3A_183 : i32
        scf.if %cond3A_184 {
          %add3A_185 = arith.constant 1 : i32
          %add3A_186 = arith.addi %scan3A_88, %add3A_185 : i32
          %mul3A_187 = arith.constant 128 : i32
          %mul3A_188 = arith.muli %add3A_186, %mul3A_187 : i32
          %add3A_189 = arith.addi %mul3A_2, %mul3A_188 : i32
          %dma_start3A_190 = tpu.memref_slice %arg4[%add3A_189] : memref<327680xi32, #tpu.memory_space<hbm>> -> memref<128xi32, #tpu.memory_space<hbm>>
          %dma_start3A_191 = tpu.memref_slice %arg4[%add3A_189] : memref<327680xi32, #tpu.memory_space<hbm>> -> memref<128xi32, #tpu.memory_space<hbm>>
          tpu.enqueue_dma source(%dma_start3A_191 : memref<128xi32, #tpu.memory_space<hbm>>) target(%arg8 : memref<128xi32, #tpu.memory_space<vmem>>) target_semaphore(%arg20 : memref<!tpu.dma_semaphore, #tpu.memory_space<semaphore_mem>>)
          %dma_start3A_192 = tpu.memref_slice %arg5[%add3A_189] : memref<327680xi32, #tpu.memory_space<hbm>> -> memref<128xi32, #tpu.memory_space<hbm>>
          %dma_start3A_193 = tpu.memref_slice %arg5[%add3A_189] : memref<327680xi32, #tpu.memory_space<hbm>> -> memref<128xi32, #tpu.memory_space<hbm>>
          tpu.enqueue_dma source(%dma_start3A_193 : memref<128xi32, #tpu.memory_space<hbm>>) target(%arg9 : memref<128xi32, #tpu.memory_space<vmem>>) target_semaphore(%arg21 : memref<!tpu.dma_semaphore, #tpu.memory_space<semaphore_mem>>)
        } else {
        }
      } else {
      }
      %jit3A_101 = arith.constant 3 : i32
      %eq3A_102 = arith.constant 0 : i32
      %eq3A_103 = arith.cmpi eq, %jit3A_101, %eq3A_102 : i32
      %jit3A_104 = arith.constant 1 : i32
      %select_n3A_105 = arith.select %eq3A_103, %jit3A_104, %jit3A_101 : i32
      %rem3A_106 = arith.remsi %scan3A_88, %select_n3A_105 : i32
      %ne3A_107 = arith.constant 0 : i32
      %ne3A_108 = arith.cmpi ne, %rem3A_106, %ne3A_107 : i32
      %lt3A_109 = arith.constant 0 : i32
      %lt3A_110 = arith.cmpi slt, %rem3A_106, %lt3A_109 : i32
      %lt3A_111 = arith.constant 0 : i32
      %lt3A_112 = arith.cmpi slt, %select_n3A_105, %lt3A_111 : i32
      %ne3A_113 = arith.xori %lt3A_110, %lt3A_112 : i1
      %and3A_114 = arith.andi %ne3A_113, %ne3A_108 : i1
      %add3A_115 = arith.addi %rem3A_106, %select_n3A_105 : i32
      %select_n3A_116 = arith.select %and3A_114, %add3A_115, %rem3A_106 : i32
      %eq3A_117 = arith.constant 0 : i32
      %eq3A_118 = arith.cmpi eq, %select_n3A_116, %eq3A_117 : i32
      %convert_element_type3A_119 = arith.extui %eq3A_118 : i1 to i32
      %cond3A_120 = arith.constant 0 : i32
      %cond3A_121 = arith.cmpi ne, %convert_element_type3A_119, %cond3A_120 : i32
      scf.if %cond3A_121 {
        %mul3A_143 = arith.constant 128 : i32
        %mul3A_144 = arith.muli %scan3A_88, %mul3A_143 : i32
        %add3A_145 = arith.addi %mul3A_2, %mul3A_144 : i32
        %dma_wait3A_146 = tpu.memref_slice %arg4[%add3A_145] : memref<327680xi32, #tpu.memory_space<hbm>> -> memref<128xi32, #tpu.memory_space<hbm>>
        %dma_wait3A_147 = tpu.memref_slice %arg4[%add3A_145] : memref<327680xi32, #tpu.memory_space<hbm>> -> memref<128xi32, #tpu.memory_space<hbm>>
        tpu.wait_dma2 semaphore(%arg20 : memref<!tpu.dma_semaphore, #tpu.memory_space<semaphore_mem>>) src(%dma_wait3A_147 : memref<128xi32, #tpu.memory_space<hbm>>) dst(%arg8 : memref<128xi32, #tpu.memory_space<vmem>>)
        %dma_wait3A_148 = tpu.memref_slice %arg5[%add3A_145] : memref<327680xi32, #tpu.memory_space<hbm>> -> memref<128xi32, #tpu.memory_space<hbm>>
        %dma_wait3A_149 = tpu.memref_slice %arg5[%add3A_145] : memref<327680xi32, #tpu.memory_space<hbm>> -> memref<128xi32, #tpu.memory_space<hbm>>
        tpu.wait_dma2 semaphore(%arg21 : memref<!tpu.dma_semaphore, #tpu.memory_space<semaphore_mem>>) src(%dma_wait3A_149 : memref<128xi32, #tpu.memory_space<hbm>>) dst(%arg9 : memref<128xi32, #tpu.memory_space<vmem>>)
        %ge3A = arith.constant 3 : i32
        %ge3A_150 = arith.cmpi sge, %scan3A_88, %ge3A : i32
        %convert_element_type3A_151 = arith.extui %ge3A_150 : i1 to i32
        %cond3A_152 = arith.constant 0 : i32
        %cond3A_153 = arith.cmpi ne, %convert_element_type3A_151, %cond3A_152 : i32
        scf.if %cond3A_153 {
          %sub3A_185 = arith.constant 3 : i32
          %sub3A_186 = arith.subi %scan3A_88, %sub3A_185 : i32
          %mul3A_187 = arith.constant 128 : i32
          %mul3A_188 = arith.muli %sub3A_186, %mul3A_187 : i32
          %add3A_189 = arith.addi %mul3A_2, %mul3A_188 : i32
          %dma_wait3A_190 = arith.constant 0 : i32
          %dma_wait3A_191 = tpu.memref_slice %arg6[%add3A_189, %dma_wait3A_190] : memref<327680x128xf32, #tpu.memory_space<hbm>> -> memref<128x128xf32, #tpu.memory_space<hbm>>
          %dma_wait3A_192 = arith.constant 0 : i32
          %dma_wait3A_193 = tpu.memref_slice %arg6[%add3A_189, %dma_wait3A_192] : memref<327680x128xf32, #tpu.memory_space<hbm>> -> memref<128x128xf32, #tpu.memory_space<hbm>>
          tpu.wait_dma2 semaphore(%arg32 : memref<!tpu.dma_semaphore, #tpu.memory_space<semaphore_mem>>) src(%arg14 : memref<128x128xf32, #tpu.memory_space<vmem>>) dst(%dma_wait3A_193 : memref<128x128xf32, #tpu.memory_space<hbm>>)
          %dma_wait3A_194 = arith.constant 0 : i32
          %dma_wait3A_195 = tpu.memref_slice %arg7[%add3A_189, %dma_wait3A_194] : memref<327680x128xf32, #tpu.memory_space<hbm>> -> memref<128x128xf32, #tpu.memory_space<hbm>>
          %dma_wait3A_196 = arith.constant 0 : i32
          %dma_wait3A_197 = tpu.memref_slice %arg7[%add3A_189, %dma_wait3A_196] : memref<327680x128xf32, #tpu.memory_space<hbm>> -> memref<128x128xf32, #tpu.memory_space<hbm>>
          tpu.wait_dma2 semaphore(%arg33 : memref<!tpu.dma_semaphore, #tpu.memory_space<semaphore_mem>>) src(%arg15 : memref<128x128xf32, #tpu.memory_space<vmem>>) dst(%dma_wait3A_197 : memref<128x128xf32, #tpu.memory_space<hbm>>)
        } else {
        }
        %dma_start3A_154 = arith.constant 0 : i32
        %dma_start3A_155 = arith.constant 0 : i32
        %dma_start3A_156 = tpu.memref_slice %arg2[%dma_start3A_154, %dma_start3A_155] : memref<10000x128xf32, #tpu.memory_space<hbm>> -> memref<10000x128xf32, #tpu.memory_space<hbm>>
        tpu.enqueue_indirect_dma source(%dma_start3A_156 : memref<10000x128xf32, #tpu.memory_space<hbm>>) target(%arg14 : memref<128x128xf32, #tpu.memory_space<vmem>>) offsets(%arg8 : memref<128xi32, #tpu.memory_space<vmem>>) semaphore(%arg26 : memref<!tpu.dma_semaphore, #tpu.memory_space<semaphore_mem>>)
        %dma_start3A_157 = arith.constant 0 : i32
        %dma_start3A_158 = arith.constant 0 : i32
        %dma_start3A_159 = tpu.memref_slice %arg3[%dma_start3A_157, %dma_start3A_158] : memref<10000x128xf32, #tpu.memory_space<hbm>> -> memref<10000x128xf32, #tpu.memory_space<hbm>>
        tpu.enqueue_indirect_dma source(%dma_start3A_159 : memref<10000x128xf32, #tpu.memory_space<hbm>>) target(%arg15 : memref<128x128xf32, #tpu.memory_space<vmem>>) offsets(%arg9 : memref<128xi32, #tpu.memory_space<vmem>>) semaphore(%arg27 : memref<!tpu.dma_semaphore, #tpu.memory_space<semaphore_mem>>)
        %sub3A = arith.constant 2 : i32
        %sub3A_160 = arith.subi %scan3A_88, %sub3A : i32
        %mul3A_161 = arith.constant 128 : i32
        %mul3A_162 = arith.muli %sub3A_160, %mul3A_161 : i32
        %add3A_163 = arith.addi %mul3A_2, %mul3A_162 : i32
        %dma_wait3A_164 = arith.constant 0 : i32
        %dma_wait3A_165 = arith.constant 0 : i32
        %dma_wait3A_166 = tpu.memref_slice %arg2[%dma_wait3A_164, %dma_wait3A_165] : memref<10000x128xf32, #tpu.memory_space<hbm>> -> memref<10000x128xf32, #tpu.memory_space<hbm>>
        tpu.wait_indirect_dma semaphore(%arg28 : memref<!tpu.dma_semaphore, #tpu.memory_space<semaphore_mem>>) src(%dma_wait3A_166 : memref<10000x128xf32, #tpu.memory_space<hbm>>) dst(%arg16 : memref<128x128xf32, #tpu.memory_space<vmem>>)
        %dma_wait3A_167 = arith.constant 0 : i32
        %dma_wait3A_168 = arith.constant 0 : i32
        %dma_wait3A_169 = tpu.memref_slice %arg3[%dma_wait3A_167, %dma_wait3A_168] : memref<10000x128xf32, #tpu.memory_space<hbm>> -> memref<10000x128xf32, #tpu.memory_space<hbm>>
        tpu.wait_indirect_dma semaphore(%arg29 : memref<!tpu.dma_semaphore, #tpu.memory_space<semaphore_mem>>) src(%dma_wait3A_169 : memref<10000x128xf32, #tpu.memory_space<hbm>>) dst(%arg17 : memref<128x128xf32, #tpu.memory_space<vmem>>)
        %dma_start3A_170 = arith.constant 0 : i32
        %dma_start3A_171 = tpu.memref_slice %arg6[%add3A_163, %dma_start3A_170] : memref<327680x128xf32, #tpu.memory_space<hbm>> -> memref<128x128xf32, #tpu.memory_space<hbm>>
        %dma_start3A_172 = arith.constant 0 : i32
        %dma_start3A_173 = tpu.memref_slice %arg6[%add3A_163, %dma_start3A_172] : memref<327680x128xf32, #tpu.memory_space<hbm>> -> memref<128x128xf32, #tpu.memory_space<hbm>>
        tpu.enqueue_dma source(%arg16 : memref<128x128xf32, #tpu.memory_space<vmem>>) target(%dma_start3A_173 : memref<128x128xf32, #tpu.memory_space<hbm>>) target_semaphore(%arg34 : memref<!tpu.dma_semaphore, #tpu.memory_space<semaphore_mem>>)
        %dma_start3A_174 = arith.constant 0 : i32
        %dma_start3A_175 = tpu.memref_slice %arg7[%add3A_163, %dma_start3A_174] : memref<327680x128xf32, #tpu.memory_space<hbm>> -> memref<128x128xf32, #tpu.memory_space<hbm>>
        %dma_start3A_176 = arith.constant 0 : i32
        %dma_start3A_177 = tpu.memref_slice %arg7[%add3A_163, %dma_start3A_176] : memref<327680x128xf32, #tpu.memory_space<hbm>> -> memref<128x128xf32, #tpu.memory_space<hbm>>
        tpu.enqueue_dma source(%arg17 : memref<128x128xf32, #tpu.memory_space<vmem>>) target(%dma_start3A_177 : memref<128x128xf32, #tpu.memory_space<hbm>>) target_semaphore(%arg35 : memref<!tpu.dma_semaphore, #tpu.memory_space<semaphore_mem>>)
        %add3A_178 = arith.constant 1 : i32
        %add3A_179 = arith.addi %scan3A_88, %add3A_178 : i32
        %lt3A_180 = arith.constant 80 : i32
        %lt3A_181 = arith.cmpi slt, %add3A_179, %lt3A_180 : i32
        %convert_element_type3A_182 = arith.extui %lt3A_181 : i1 to i32
        %cond3A_183 = arith.constant 0 : i32
        %cond3A_184 = arith.cmpi ne, %convert_element_type3A_182, %cond3A_183 : i32
        scf.if %cond3A_184 {
          %add3A_185 = arith.constant 1 : i32
          %add3A_186 = arith.addi %scan3A_88, %add3A_185 : i32
          %mul3A_187 = arith.constant 128 : i32
          %mul3A_188 = arith.muli %add3A_186, %mul3A_187 : i32
          %add3A_189 = arith.addi %mul3A_2, %mul3A_188 : i32
          %dma_start3A_190 = tpu.memref_slice %arg4[%add3A_189] : memref<327680xi32, #tpu.memory_space<hbm>> -> memref<128xi32, #tpu.memory_space<hbm>>
          %dma_start3A_191 = tpu.memref_slice %arg4[%add3A_189] : memref<327680xi32, #tpu.memory_space<hbm>> -> memref<128xi32, #tpu.memory_space<hbm>>
          tpu.enqueue_dma source(%dma_start3A_191 : memref<128xi32, #tpu.memory_space<hbm>>) target(%arg10 : memref<128xi32, #tpu.memory_space<vmem>>) target_semaphore(%arg22 : memref<!tpu.dma_semaphore, #tpu.memory_space<semaphore_mem>>)
          %dma_start3A_192 = tpu.memref_slice %arg5[%add3A_189] : memref<327680xi32, #tpu.memory_space<hbm>> -> memref<128xi32, #tpu.memory_space<hbm>>
          %dma_start3A_193 = tpu.memref_slice %arg5[%add3A_189] : memref<327680xi32, #tpu.memory_space<hbm>> -> memref<128xi32, #tpu.memory_space<hbm>>
          tpu.enqueue_dma source(%dma_start3A_193 : memref<128xi32, #tpu.memory_space<hbm>>) target(%arg11 : memref<128xi32, #tpu.memory_space<vmem>>) target_semaphore(%arg23 : memref<!tpu.dma_semaphore, #tpu.memory_space<semaphore_mem>>)
        } else {
        }
      } else {
      }
      %jit3A_122 = arith.constant 3 : i32
      %eq3A_123 = arith.constant 0 : i32
      %eq3A_124 = arith.cmpi eq, %jit3A_122, %eq3A_123 : i32
      %jit3A_125 = arith.constant 1 : i32
      %select_n3A_126 = arith.select %eq3A_124, %jit3A_125, %jit3A_122 : i32
      %rem3A_127 = arith.remsi %scan3A_88, %select_n3A_126 : i32
      %ne3A_128 = arith.constant 0 : i32
      %ne3A_129 = arith.cmpi ne, %rem3A_127, %ne3A_128 : i32
      %lt3A_130 = arith.constant 0 : i32
      %lt3A_131 = arith.cmpi slt, %rem3A_127, %lt3A_130 : i32
      %lt3A_132 = arith.constant 0 : i32
      %lt3A_133 = arith.cmpi slt, %select_n3A_126, %lt3A_132 : i32
      %ne3A_134 = arith.xori %lt3A_131, %lt3A_133 : i1
      %and3A_135 = arith.andi %ne3A_134, %ne3A_129 : i1
      %add3A_136 = arith.addi %rem3A_127, %select_n3A_126 : i32
      %select_n3A_137 = arith.select %and3A_135, %add3A_136, %rem3A_127 : i32
      %eq3A_138 = arith.constant 1 : i32
      %eq3A_139 = arith.cmpi eq, %select_n3A_137, %eq3A_138 : i32
      %convert_element_type3A_140 = arith.extui %eq3A_139 : i1 to i32
      %cond3A_141 = arith.constant 0 : i32
      %cond3A_142 = arith.cmpi ne, %convert_element_type3A_140, %cond3A_141 : i32
      scf.if %cond3A_142 {
        %mul3A_143 = arith.constant 128 : i32
        %mul3A_144 = arith.muli %scan3A_88, %mul3A_143 : i32
        %add3A_145 = arith.addi %mul3A_2, %mul3A_144 : i32
        %dma_wait3A_146 = tpu.memref_slice %arg4[%add3A_145] : memref<327680xi32, #tpu.memory_space<hbm>> -> memref<128xi32, #tpu.memory_space<hbm>>
        %dma_wait3A_147 = tpu.memref_slice %arg4[%add3A_145] : memref<327680xi32, #tpu.memory_space<hbm>> -> memref<128xi32, #tpu.memory_space<hbm>>
        tpu.wait_dma2 semaphore(%arg22 : memref<!tpu.dma_semaphore, #tpu.memory_space<semaphore_mem>>) src(%dma_wait3A_147 : memref<128xi32, #tpu.memory_space<hbm>>) dst(%arg10 : memref<128xi32, #tpu.memory_space<vmem>>)
        %dma_wait3A_148 = tpu.memref_slice %arg5[%add3A_145] : memref<327680xi32, #tpu.memory_space<hbm>> -> memref<128xi32, #tpu.memory_space<hbm>>
        %dma_wait3A_149 = tpu.memref_slice %arg5[%add3A_145] : memref<327680xi32, #tpu.memory_space<hbm>> -> memref<128xi32, #tpu.memory_space<hbm>>
        tpu.wait_dma2 semaphore(%arg23 : memref<!tpu.dma_semaphore, #tpu.memory_space<semaphore_mem>>) src(%dma_wait3A_149 : memref<128xi32, #tpu.memory_space<hbm>>) dst(%arg11 : memref<128xi32, #tpu.memory_space<vmem>>)
        %ge3A = arith.constant 3 : i32
        %ge3A_150 = arith.cmpi sge, %scan3A_88, %ge3A : i32
        %convert_element_type3A_151 = arith.extui %ge3A_150 : i1 to i32
        %cond3A_152 = arith.constant 0 : i32
        %cond3A_153 = arith.cmpi ne, %convert_element_type3A_151, %cond3A_152 : i32
        scf.if %cond3A_153 {
          %sub3A_185 = arith.constant 3 : i32
          %sub3A_186 = arith.subi %scan3A_88, %sub3A_185 : i32
          %mul3A_187 = arith.constant 128 : i32
          %mul3A_188 = arith.muli %sub3A_186, %mul3A_187 : i32
          %add3A_189 = arith.addi %mul3A_2, %mul3A_188 : i32
          %dma_wait3A_190 = arith.constant 0 : i32
          %dma_wait3A_191 = tpu.memref_slice %arg6[%add3A_189, %dma_wait3A_190] : memref<327680x128xf32, #tpu.memory_space<hbm>> -> memref<128x128xf32, #tpu.memory_space<hbm>>
          %dma_wait3A_192 = arith.constant 0 : i32
          %dma_wait3A_193 = tpu.memref_slice %arg6[%add3A_189, %dma_wait3A_192] : memref<327680x128xf32, #tpu.memory_space<hbm>> -> memref<128x128xf32, #tpu.memory_space<hbm>>
          tpu.wait_dma2 semaphore(%arg34 : memref<!tpu.dma_semaphore, #tpu.memory_space<semaphore_mem>>) src(%arg16 : memref<128x128xf32, #tpu.memory_space<vmem>>) dst(%dma_wait3A_193 : memref<128x128xf32, #tpu.memory_space<hbm>>)
          %dma_wait3A_194 = arith.constant 0 : i32
          %dma_wait3A_195 = tpu.memref_slice %arg7[%add3A_189, %dma_wait3A_194] : memref<327680x128xf32, #tpu.memory_space<hbm>> -> memref<128x128xf32, #tpu.memory_space<hbm>>
          %dma_wait3A_196 = arith.constant 0 : i32
          %dma_wait3A_197 = tpu.memref_slice %arg7[%add3A_189, %dma_wait3A_196] : memref<327680x128xf32, #tpu.memory_space<hbm>> -> memref<128x128xf32, #tpu.memory_space<hbm>>
          tpu.wait_dma2 semaphore(%arg35 : memref<!tpu.dma_semaphore, #tpu.memory_space<semaphore_mem>>) src(%arg17 : memref<128x128xf32, #tpu.memory_space<vmem>>) dst(%dma_wait3A_197 : memref<128x128xf32, #tpu.memory_space<hbm>>)
        } else {
        }
        %dma_start3A_154 = arith.constant 0 : i32
        %dma_start3A_155 = arith.constant 0 : i32
        %dma_start3A_156 = tpu.memref_slice %arg2[%dma_start3A_154, %dma_start3A_155] : memref<10000x128xf32, #tpu.memory_space<hbm>> -> memref<10000x128xf32, #tpu.memory_space<hbm>>
        tpu.enqueue_indirect_dma source(%dma_start3A_156 : memref<10000x128xf32, #tpu.memory_space<hbm>>) target(%arg16 : memref<128x128xf32, #tpu.memory_space<vmem>>) offsets(%arg10 : memref<128xi32, #tpu.memory_space<vmem>>) semaphore(%arg28 : memref<!tpu.dma_semaphore, #tpu.memory_space<semaphore_mem>>)
        %dma_start3A_157 = arith.constant 0 : i32
        %dma_start3A_158 = arith.constant 0 : i32
        %dma_start3A_159 = tpu.memref_slice %arg3[%dma_start3A_157, %dma_start3A_158] : memref<10000x128xf32, #tpu.memory_space<hbm>> -> memref<10000x128xf32, #tpu.memory_space<hbm>>
        tpu.enqueue_indirect_dma source(%dma_start3A_159 : memref<10000x128xf32, #tpu.memory_space<hbm>>) target(%arg17 : memref<128x128xf32, #tpu.memory_space<vmem>>) offsets(%arg11 : memref<128xi32, #tpu.memory_space<vmem>>) semaphore(%arg29 : memref<!tpu.dma_semaphore, #tpu.memory_space<semaphore_mem>>)
        %sub3A = arith.constant 2 : i32
        %sub3A_160 = arith.subi %scan3A_88, %sub3A : i32
        %mul3A_161 = arith.constant 128 : i32
        %mul3A_162 = arith.muli %sub3A_160, %mul3A_161 : i32
        %add3A_163 = arith.addi %mul3A_2, %mul3A_162 : i32
        %dma_wait3A_164 = arith.constant 0 : i32
        %dma_wait3A_165 = arith.constant 0 : i32
        %dma_wait3A_166 = tpu.memref_slice %arg2[%dma_wait3A_164, %dma_wait3A_165] : memref<10000x128xf32, #tpu.memory_space<hbm>> -> memref<10000x128xf32, #tpu.memory_space<hbm>>
        tpu.wait_indirect_dma semaphore(%arg30 : memref<!tpu.dma_semaphore, #tpu.memory_space<semaphore_mem>>) src(%dma_wait3A_166 : memref<10000x128xf32, #tpu.memory_space<hbm>>) dst(%arg18 : memref<128x128xf32, #tpu.memory_space<vmem>>)
        %dma_wait3A_167 = arith.constant 0 : i32
        %dma_wait3A_168 = arith.constant 0 : i32
        %dma_wait3A_169 = tpu.memref_slice %arg3[%dma_wait3A_167, %dma_wait3A_168] : memref<10000x128xf32, #tpu.memory_space<hbm>> -> memref<10000x128xf32, #tpu.memory_space<hbm>>
        tpu.wait_indirect_dma semaphore(%arg31 : memref<!tpu.dma_semaphore, #tpu.memory_space<semaphore_mem>>) src(%dma_wait3A_169 : memref<10000x128xf32, #tpu.memory_space<hbm>>) dst(%arg19 : memref<128x128xf32, #tpu.memory_space<vmem>>)
        %dma_start3A_170 = arith.constant 0 : i32
        %dma_start3A_171 = tpu.memref_slice %arg6[%add3A_163, %dma_start3A_170] : memref<327680x128xf32, #tpu.memory_space<hbm>> -> memref<128x128xf32, #tpu.memory_space<hbm>>
        %dma_start3A_172 = arith.constant 0 : i32
        %dma_start3A_173 = tpu.memref_slice %arg6[%add3A_163, %dma_start3A_172] : memref<327680x128xf32, #tpu.memory_space<hbm>> -> memref<128x128xf32, #tpu.memory_space<hbm>>
        tpu.enqueue_dma source(%arg18 : memref<128x128xf32, #tpu.memory_space<vmem>>) target(%dma_start3A_173 : memref<128x128xf32, #tpu.memory_space<hbm>>) target_semaphore(%arg36 : memref<!tpu.dma_semaphore, #tpu.memory_space<semaphore_mem>>)
        %dma_start3A_174 = arith.constant 0 : i32
        %dma_start3A_175 = tpu.memref_slice %arg7[%add3A_163, %dma_start3A_174] : memref<327680x128xf32, #tpu.memory_space<hbm>> -> memref<128x128xf32, #tpu.memory_space<hbm>>
        %dma_start3A_176 = arith.constant 0 : i32
        %dma_start3A_177 = tpu.memref_slice %arg7[%add3A_163, %dma_start3A_176] : memref<327680x128xf32, #tpu.memory_space<hbm>> -> memref<128x128xf32, #tpu.memory_space<hbm>>
        tpu.enqueue_dma source(%arg19 : memref<128x128xf32, #tpu.memory_space<vmem>>) target(%dma_start3A_177 : memref<128x128xf32, #tpu.memory_space<hbm>>) target_semaphore(%arg37 : memref<!tpu.dma_semaphore, #tpu.memory_space<semaphore_mem>>)
        %add3A_178 = arith.constant 1 : i32
        %add3A_179 = arith.addi %scan3A_88, %add3A_178 : i32
        %lt3A_180 = arith.constant 80 : i32
        %lt3A_181 = arith.cmpi slt, %add3A_179, %lt3A_180 : i32
        %convert_element_type3A_182 = arith.extui %lt3A_181 : i1 to i32
        %cond3A_183 = arith.constant 0 : i32
        %cond3A_184 = arith.cmpi ne, %convert_element_type3A_182, %cond3A_183 : i32
        scf.if %cond3A_184 {
          %add3A_185 = arith.constant 1 : i32
          %add3A_186 = arith.addi %scan3A_88, %add3A_185 : i32
          %mul3A_187 = arith.constant 128 : i32
          %mul3A_188 = arith.muli %add3A_186, %mul3A_187 : i32
          %add3A_189 = arith.addi %mul3A_2, %mul3A_188 : i32
          %dma_start3A_190 = tpu.memref_slice %arg4[%add3A_189] : memref<327680xi32, #tpu.memory_space<hbm>> -> memref<128xi32, #tpu.memory_space<hbm>>
          %dma_start3A_191 = tpu.memref_slice %arg4[%add3A_189] : memref<327680xi32, #tpu.memory_space<hbm>> -> memref<128xi32, #tpu.memory_space<hbm>>
          tpu.enqueue_dma source(%dma_start3A_191 : memref<128xi32, #tpu.memory_space<hbm>>) target(%arg12 : memref<128xi32, #tpu.memory_space<vmem>>) target_semaphore(%arg24 : memref<!tpu.dma_semaphore, #tpu.memory_space<semaphore_mem>>)
          %dma_start3A_192 = tpu.memref_slice %arg5[%add3A_189] : memref<327680xi32, #tpu.memory_space<hbm>> -> memref<128xi32, #tpu.memory_space<hbm>>
          %dma_start3A_193 = tpu.memref_slice %arg5[%add3A_189] : memref<327680xi32, #tpu.memory_space<hbm>> -> memref<128xi32, #tpu.memory_space<hbm>>
          tpu.enqueue_dma source(%dma_start3A_193 : memref<128xi32, #tpu.memory_space<hbm>>) target(%arg13 : memref<128xi32, #tpu.memory_space<vmem>>) target_semaphore(%arg25 : memref<!tpu.dma_semaphore, #tpu.memory_space<semaphore_mem>>)
        } else {
        }
      } else {
      }
    }
    %scan3A_30 = arith.constant 78 : i32
    %add3A_31 = arith.constant 9984 : i32
    %add3A_32 = arith.addi %mul3A_2, %add3A_31 : i32
    %dma_wait3A = arith.constant 0 : i32
    %dma_wait3A_33 = arith.constant 0 : i32
    %dma_wait3A_34 = tpu.memref_slice %arg2[%dma_wait3A, %dma_wait3A_33] : memref<10000x128xf32, #tpu.memory_space<hbm>> -> memref<10000x128xf32, #tpu.memory_space<hbm>>
    tpu.wait_indirect_dma semaphore(%arg26 : memref<!tpu.dma_semaphore, #tpu.memory_space<semaphore_mem>>) src(%dma_wait3A_34 : memref<10000x128xf32, #tpu.memory_space<hbm>>) dst(%arg14 : memref<128x128xf32, #tpu.memory_space<vmem>>)
    %dma_wait3A_35 = arith.constant 0 : i32
    %dma_wait3A_36 = arith.constant 0 : i32
    %dma_wait3A_37 = tpu.memref_slice %arg3[%dma_wait3A_35, %dma_wait3A_36] : memref<10000x128xf32, #tpu.memory_space<hbm>> -> memref<10000x128xf32, #tpu.memory_space<hbm>>
    tpu.wait_indirect_dma semaphore(%arg27 : memref<!tpu.dma_semaphore, #tpu.memory_space<semaphore_mem>>) src(%dma_wait3A_37 : memref<10000x128xf32, #tpu.memory_space<hbm>>) dst(%arg15 : memref<128x128xf32, #tpu.memory_space<vmem>>)
    %dma_start3A_38 = arith.constant 0 : i32
    %dma_start3A_39 = tpu.memref_slice %arg6[%add3A_32, %dma_start3A_38] : memref<327680x128xf32, #tpu.memory_space<hbm>> -> memref<128x128xf32, #tpu.memory_space<hbm>>
    %dma_start3A_40 = arith.constant 0 : i32
    %dma_start3A_41 = tpu.memref_slice %arg6[%add3A_32, %dma_start3A_40] : memref<327680x128xf32, #tpu.memory_space<hbm>> -> memref<128x128xf32, #tpu.memory_space<hbm>>
    tpu.enqueue_dma source(%arg14 : memref<128x128xf32, #tpu.memory_space<vmem>>) target(%dma_start3A_41 : memref<128x128xf32, #tpu.memory_space<hbm>>) target_semaphore(%arg32 : memref<!tpu.dma_semaphore, #tpu.memory_space<semaphore_mem>>)
    %dma_start3A_42 = arith.constant 0 : i32
    %dma_start3A_43 = tpu.memref_slice %arg7[%add3A_32, %dma_start3A_42] : memref<327680x128xf32, #tpu.memory_space<hbm>> -> memref<128x128xf32, #tpu.memory_space<hbm>>
    %dma_start3A_44 = arith.constant 0 : i32
    %dma_start3A_45 = tpu.memref_slice %arg7[%add3A_32, %dma_start3A_44] : memref<327680x128xf32, #tpu.memory_space<hbm>> -> memref<128x128xf32, #tpu.memory_space<hbm>>
    tpu.enqueue_dma source(%arg15 : memref<128x128xf32, #tpu.memory_space<vmem>>) target(%dma_start3A_45 : memref<128x128xf32, #tpu.memory_space<hbm>>) target_semaphore(%arg33 : memref<!tpu.dma_semaphore, #tpu.memory_space<semaphore_mem>>)
    %add3A_46 = arith.constant 10112 : i32
    %add3A_47 = arith.addi %mul3A_2, %add3A_46 : i32
    %dma_wait3A_48 = arith.constant 0 : i32
    %dma_wait3A_49 = arith.constant 0 : i32
    %dma_wait3A_50 = tpu.memref_slice %arg2[%dma_wait3A_48, %dma_wait3A_49] : memref<10000x128xf32, #tpu.memory_space<hbm>> -> memref<10000x128xf32, #tpu.memory_space<hbm>>
    tpu.wait_indirect_dma semaphore(%arg28 : memref<!tpu.dma_semaphore, #tpu.memory_space<semaphore_mem>>) src(%dma_wait3A_50 : memref<10000x128xf32, #tpu.memory_space<hbm>>) dst(%arg16 : memref<128x128xf32, #tpu.memory_space<vmem>>)
    %dma_wait3A_51 = arith.constant 0 : i32
    %dma_wait3A_52 = arith.constant 0 : i32
    %dma_wait3A_53 = tpu.memref_slice %arg3[%dma_wait3A_51, %dma_wait3A_52] : memref<10000x128xf32, #tpu.memory_space<hbm>> -> memref<10000x128xf32, #tpu.memory_space<hbm>>
    tpu.wait_indirect_dma semaphore(%arg29 : memref<!tpu.dma_semaphore, #tpu.memory_space<semaphore_mem>>) src(%dma_wait3A_53 : memref<10000x128xf32, #tpu.memory_space<hbm>>) dst(%arg17 : memref<128x128xf32, #tpu.memory_space<vmem>>)
    %dma_start3A_54 = arith.constant 0 : i32
    %dma_start3A_55 = tpu.memref_slice %arg6[%add3A_47, %dma_start3A_54] : memref<327680x128xf32, #tpu.memory_space<hbm>> -> memref<128x128xf32, #tpu.memory_space<hbm>>
    %dma_start3A_56 = arith.constant 0 : i32
    %dma_start3A_57 = tpu.memref_slice %arg6[%add3A_47, %dma_start3A_56] : memref<327680x128xf32, #tpu.memory_space<hbm>> -> memref<128x128xf32, #tpu.memory_space<hbm>>
    tpu.enqueue_dma source(%arg16 : memref<128x128xf32, #tpu.memory_space<vmem>>) target(%dma_start3A_57 : memref<128x128xf32, #tpu.memory_space<hbm>>) target_semaphore(%arg34 : memref<!tpu.dma_semaphore, #tpu.memory_space<semaphore_mem>>)
    %dma_start3A_58 = arith.constant 0 : i32
    %dma_start3A_59 = tpu.memref_slice %arg7[%add3A_47, %dma_start3A_58] : memref<327680x128xf32, #tpu.memory_space<hbm>> -> memref<128x128xf32, #tpu.memory_space<hbm>>
    %dma_start3A_60 = arith.constant 0 : i32
    %dma_start3A_61 = tpu.memref_slice %arg7[%add3A_47, %dma_start3A_60] : memref<327680x128xf32, #tpu.memory_space<hbm>> -> memref<128x128xf32, #tpu.memory_space<hbm>>
    tpu.enqueue_dma source(%arg17 : memref<128x128xf32, #tpu.memory_space<vmem>>) target(%dma_start3A_61 : memref<128x128xf32, #tpu.memory_space<hbm>>) target_semaphore(%arg35 : memref<!tpu.dma_semaphore, #tpu.memory_space<semaphore_mem>>)
    %add3A_62 = arith.constant 9856 : i32
    %add3A_63 = arith.addi %mul3A_2, %add3A_62 : i32
    %dma_wait3A_64 = arith.constant 0 : i32
    %dma_wait3A_65 = tpu.memref_slice %arg6[%add3A_63, %dma_wait3A_64] : memref<327680x128xf32, #tpu.memory_space<hbm>> -> memref<128x128xf32, #tpu.memory_space<hbm>>
    %dma_wait3A_66 = arith.constant 0 : i32
    %dma_wait3A_67 = tpu.memref_slice %arg6[%add3A_63, %dma_wait3A_66] : memref<327680x128xf32, #tpu.memory_space<hbm>> -> memref<128x128xf32, #tpu.memory_space<hbm>>
    tpu.wait_dma2 semaphore(%arg36 : memref<!tpu.dma_semaphore, #tpu.memory_space<semaphore_mem>>) src(%arg18 : memref<128x128xf32, #tpu.memory_space<vmem>>) dst(%dma_wait3A_67 : memref<128x128xf32, #tpu.memory_space<hbm>>)
    %dma_wait3A_68 = arith.constant 0 : i32
    %dma_wait3A_69 = tpu.memref_slice %arg7[%add3A_63, %dma_wait3A_68] : memref<327680x128xf32, #tpu.memory_space<hbm>> -> memref<128x128xf32, #tpu.memory_space<hbm>>
    %dma_wait3A_70 = arith.constant 0 : i32
    %dma_wait3A_71 = tpu.memref_slice %arg7[%add3A_63, %dma_wait3A_70] : memref<327680x128xf32, #tpu.memory_space<hbm>> -> memref<128x128xf32, #tpu.memory_space<hbm>>
    tpu.wait_dma2 semaphore(%arg37 : memref<!tpu.dma_semaphore, #tpu.memory_space<semaphore_mem>>) src(%arg19 : memref<128x128xf32, #tpu.memory_space<vmem>>) dst(%dma_wait3A_71 : memref<128x128xf32, #tpu.memory_space<hbm>>)
    %dma_wait3A_72 = arith.constant 0 : i32
    %dma_wait3A_73 = tpu.memref_slice %arg6[%add3A_32, %dma_wait3A_72] : memref<327680x128xf32, #tpu.memory_space<hbm>> -> memref<128x128xf32, #tpu.memory_space<hbm>>
    %dma_wait3A_74 = arith.constant 0 : i32
    %dma_wait3A_75 = tpu.memref_slice %arg6[%add3A_32, %dma_wait3A_74] : memref<327680x128xf32, #tpu.memory_space<hbm>> -> memref<128x128xf32, #tpu.memory_space<hbm>>
    tpu.wait_dma2 semaphore(%arg32 : memref<!tpu.dma_semaphore, #tpu.memory_space<semaphore_mem>>) src(%arg14 : memref<128x128xf32, #tpu.memory_space<vmem>>) dst(%dma_wait3A_75 : memref<128x128xf32, #tpu.memory_space<hbm>>)
    %dma_wait3A_76 = arith.constant 0 : i32
    %dma_wait3A_77 = tpu.memref_slice %arg7[%add3A_32, %dma_wait3A_76] : memref<327680x128xf32, #tpu.memory_space<hbm>> -> memref<128x128xf32, #tpu.memory_space<hbm>>
    %dma_wait3A_78 = arith.constant 0 : i32
    %dma_wait3A_79 = tpu.memref_slice %arg7[%add3A_32, %dma_wait3A_78] : memref<327680x128xf32, #tpu.memory_space<hbm>> -> memref<128x128xf32, #tpu.memory_space<hbm>>
    tpu.wait_dma2 semaphore(%arg33 : memref<!tpu.dma_semaphore, #tpu.memory_space<semaphore_mem>>) src(%arg15 : memref<128x128xf32, #tpu.memory_space<vmem>>) dst(%dma_wait3A_79 : memref<128x128xf32, #tpu.memory_space<hbm>>)
    %dma_wait3A_80 = arith.constant 0 : i32
    %dma_wait3A_81 = tpu.memref_slice %arg6[%add3A_47, %dma_wait3A_80] : memref<327680x128xf32, #tpu.memory_space<hbm>> -> memref<128x128xf32, #tpu.memory_space<hbm>>
    %dma_wait3A_82 = arith.constant 0 : i32
    %dma_wait3A_83 = tpu.memref_slice %arg6[%add3A_47, %dma_wait3A_82] : memref<327680x128xf32, #tpu.memory_space<hbm>> -> memref<128x128xf32, #tpu.memory_space<hbm>>
    tpu.wait_dma2 semaphore(%arg34 : memref<!tpu.dma_semaphore, #tpu.memory_space<semaphore_mem>>) src(%arg16 : memref<128x128xf32, #tpu.memory_space<vmem>>) dst(%dma_wait3A_83 : memref<128x128xf32, #tpu.memory_space<hbm>>)
    %dma_wait3A_84 = arith.constant 0 : i32
    %dma_wait3A_85 = tpu.memref_slice %arg7[%add3A_47, %dma_wait3A_84] : memref<327680x128xf32, #tpu.memory_space<hbm>> -> memref<128x128xf32, #tpu.memory_space<hbm>>
    %dma_wait3A_86 = arith.constant 0 : i32
    %dma_wait3A_87 = tpu.memref_slice %arg7[%add3A_47, %dma_wait3A_86] : memref<327680x128xf32, #tpu.memory_space<hbm>> -> memref<128x128xf32, #tpu.memory_space<hbm>>
    tpu.wait_dma2 semaphore(%arg35 : memref<!tpu.dma_semaphore, #tpu.memory_space<semaphore_mem>>) src(%arg17 : memref<128x128xf32, #tpu.memory_space<vmem>>) dst(%dma_wait3A_87 : memref<128x128xf32, #tpu.memory_space<hbm>>)
    return
  }
}

#map = affine_map<(d0, d1) -> (0, 0)>
#map1 = affine_map<(d0, d1) -> (0)>
module attributes {stable_mosaic.version = 14 : i64} {
  func.func @k(%arg0: i32, %arg1: i32, %arg2: memref<10000x128xf32, #tpu.memory_space<hbm>>, %arg3: memref<10000x128xf32, #tpu.memory_space<hbm>>, %arg4: memref<327680xi32, #tpu.memory_space<hbm>>, %arg5: memref<327680xi32, #tpu.memory_space<hbm>>, %arg6: memref<327680x128xf32, #tpu.memory_space<hbm>>, %arg7: memref<327680x128xf32, #tpu.memory_space<hbm>>, %arg8: memref<128xi32, #tpu.memory_space<vmem>>, %arg9: memref<128xi32, #tpu.memory_space<vmem>>, %arg10: memref<128xi32, #tpu.memory_space<vmem>>, %arg11: memref<128xi32, #tpu.memory_space<vmem>>, %arg12: memref<128xi32, #tpu.memory_space<vmem>>, %arg13: memref<128xi32, #tpu.memory_space<vmem>>, %arg14: memref<128x128xf32, #tpu.memory_space<vmem>>, %arg15: memref<128x128xf32, #tpu.memory_space<vmem>>, %arg16: memref<128x128xf32, #tpu.memory_space<vmem>>, %arg17: memref<128x128xf32, #tpu.memory_space<vmem>>, %arg18: memref<128x128xf32, #tpu.memory_space<vmem>>, %arg19: memref<128x128xf32, #tpu.memory_space<vmem>>, %arg20: memref<!tpu.dma_semaphore, #tpu.memory_space<semaphore_mem>>, %arg21: memref<!tpu.dma_semaphore, #tpu.memory_space<semaphore_mem>>, %arg22: memref<!tpu.dma_semaphore, #tpu.memory_space<semaphore_mem>>, %arg23: memref<!tpu.dma_semaphore, #tpu.memory_space<semaphore_mem>>, %arg24: memref<!tpu.dma_semaphore, #tpu.memory_space<semaphore_mem>>, %arg25: memref<!tpu.dma_semaphore, #tpu.memory_space<semaphore_mem>>, %arg26: memref<!tpu.dma_semaphore, #tpu.memory_space<semaphore_mem>>, %arg27: memref<!tpu.dma_semaphore, #tpu.memory_space<semaphore_mem>>, %arg28: memref<!tpu.dma_semaphore, #tpu.memory_space<semaphore_mem>>, %arg29: memref<!tpu.dma_semaphore, #tpu.memory_space<semaphore_mem>>, %arg30: memref<!tpu.dma_semaphore, #tpu.memory_space<semaphore_mem>>, %arg31: memref<!tpu.dma_semaphore, #tpu.memory_space<semaphore_mem>>, %arg32: memref<!tpu.dma_semaphore, #tpu.memory_space<semaphore_mem>>, %arg33: memref<!tpu.dma_semaphore, #tpu.memory_space<semaphore_mem>>, %arg34: memref<!tpu.dma_semaphore, #tpu.memory_space<semaphore_mem>>, %arg35: memref<!tpu.dma_semaphore, #tpu.memory_space<semaphore_mem>>, %arg36: memref<!tpu.dma_semaphore, #tpu.memory_space<semaphore_mem>>, %arg37: memref<!tpu.dma_semaphore, #tpu.memory_space<semaphore_mem>>) attributes {dimension_semantics = [#tpu.dimension_semantics<core_parallel>, #tpu.dimension_semantics<subcore_parallel>], iteration_bounds = array<i64: 2, 16>, scalar_prefetch = 0 : i64, scratch_operands = 30 : i64, tpu.core_type = #tpu.core_type<sc_vector_subcore>, window_params = [{transform_indices = #map}, {transform_indices = #map}, {transform_indices = #map1}, {transform_indices = #map1}, {transform_indices = #map}, {transform_indices = #map}]} {
    %mul3A = arith.constant 2 : i32
    %mul3A_0 = arith.muli %arg1, %mul3A : i32
    %add3A = arith.addi %mul3A_0, %arg0 : i32
    %mul3A_1 = arith.constant 10240 : i32
    %mul3A_2 = arith.muli %add3A, %mul3A_1 : i32
    "tpu.region"() ({
      %run_scoped3A = tpu.sem_alloc : memref<!tpu.dma_semaphore, #tpu.memory_space<semaphore_mem>>
      %dma_start3A_88 = tpu.memref_slice %arg4[%mul3A_2] : memref<327680xi32, #tpu.memory_space<hbm>> -> memref<128xi32, #tpu.memory_space<hbm>>
      %dma_start3A_89 = tpu.memref_slice %arg4[%mul3A_2] : memref<327680xi32, #tpu.memory_space<hbm>> -> memref<128xi32, #tpu.memory_space<hbm>>
      tpu.enqueue_dma source(%dma_start3A_89 : memref<128xi32, #tpu.memory_space<hbm>>) target(%arg8 : memref<128xi32, #tpu.memory_space<vmem>>) target_semaphore(%run_scoped3A : memref<!tpu.dma_semaphore, #tpu.memory_space<semaphore_mem>>)
      %dma_wait3A_90 = tpu.memref_slice %arg4[%mul3A_2] : memref<327680xi32, #tpu.memory_space<hbm>> -> memref<128xi32, #tpu.memory_space<hbm>>
      %dma_wait3A_91 = tpu.memref_slice %arg4[%mul3A_2] : memref<327680xi32, #tpu.memory_space<hbm>> -> memref<128xi32, #tpu.memory_space<hbm>>
      tpu.wait_dma2 semaphore(%run_scoped3A : memref<!tpu.dma_semaphore, #tpu.memory_space<semaphore_mem>>) src(%dma_wait3A_91 : memref<128xi32, #tpu.memory_space<hbm>>) dst(%arg8 : memref<128xi32, #tpu.memory_space<vmem>>)
      tpu.yield
    }) : () -> ()
    "tpu.region"() ({
      %run_scoped3A = tpu.sem_alloc : memref<!tpu.dma_semaphore, #tpu.memory_space<semaphore_mem>>
      %dma_start3A_88 = tpu.memref_slice %arg5[%mul3A_2] : memref<327680xi32, #tpu.memory_space<hbm>> -> memref<128xi32, #tpu.memory_space<hbm>>
      %dma_start3A_89 = tpu.memref_slice %arg5[%mul3A_2] : memref<327680xi32, #tpu.memory_space<hbm>> -> memref<128xi32, #tpu.memory_space<hbm>>
      tpu.enqueue_dma source(%dma_start3A_89 : memref<128xi32, #tpu.memory_space<hbm>>) target(%arg9 : memref<128xi32, #tpu.memory_space<vmem>>) target_semaphore(%run_scoped3A : memref<!tpu.dma_semaphore, #tpu.memory_space<semaphore_mem>>)
      %dma_wait3A_90 = tpu.memref_slice %arg5[%mul3A_2] : memref<327680xi32, #tpu.memory_space<hbm>> -> memref<128xi32, #tpu.memory_space<hbm>>
      %dma_wait3A_91 = tpu.memref_slice %arg5[%mul3A_2] : memref<327680xi32, #tpu.memory_space<hbm>> -> memref<128xi32, #tpu.memory_space<hbm>>
      tpu.wait_dma2 semaphore(%run_scoped3A : memref<!tpu.dma_semaphore, #tpu.memory_space<semaphore_mem>>) src(%dma_wait3A_91 : memref<128xi32, #tpu.memory_space<hbm>>) dst(%arg9 : memref<128xi32, #tpu.memory_space<vmem>>)
      tpu.yield
    }) : () -> ()
    %dma_start3A = arith.constant 0 : i32
    %dma_start3A_3 = arith.constant 0 : i32
    %dma_start3A_4 = tpu.memref_slice %arg2[%dma_start3A, %dma_start3A_3] : memref<10000x128xf32, #tpu.memory_space<hbm>> -> memref<10000x128xf32, #tpu.memory_space<hbm>>
    tpu.enqueue_indirect_dma source(%dma_start3A_4 : memref<10000x128xf32, #tpu.memory_space<hbm>>) target(%arg14 : memref<128x128xf32, #tpu.memory_space<vmem>>) offsets(%arg8 : memref<128xi32, #tpu.memory_space<vmem>>) semaphore(%arg26 : memref<!tpu.dma_semaphore, #tpu.memory_space<semaphore_mem>>)
    %dma_start3A_5 = arith.constant 0 : i32
    %dma_start3A_6 = arith.constant 0 : i32
    %dma_start3A_7 = tpu.memref_slice %arg3[%dma_start3A_5, %dma_start3A_6] : memref<10000x128xf32, #tpu.memory_space<hbm>> -> memref<10000x128xf32, #tpu.memory_space<hbm>>
    tpu.enqueue_indirect_dma source(%dma_start3A_7 : memref<10000x128xf32, #tpu.memory_space<hbm>>) target(%arg15 : memref<128x128xf32, #tpu.memory_space<vmem>>) offsets(%arg9 : memref<128xi32, #tpu.memory_space<vmem>>) semaphore(%arg27 : memref<!tpu.dma_semaphore, #tpu.memory_space<semaphore_mem>>)
    %add3A_8 = arith.constant 128 : i32
    %add3A_9 = arith.addi %mul3A_2, %add3A_8 : i32
    "tpu.region"() ({
      %run_scoped3A = tpu.sem_alloc : memref<!tpu.dma_semaphore, #tpu.memory_space<semaphore_mem>>
      %dma_start3A_88 = tpu.memref_slice %arg4[%add3A_9] : memref<327680xi32, #tpu.memory_space<hbm>> -> memref<128xi32, #tpu.memory_space<hbm>>
      %dma_start3A_89 = tpu.memref_slice %arg4[%add3A_9] : memref<327680xi32, #tpu.memory_space<hbm>> -> memref<128xi32, #tpu.memory_space<hbm>>
      tpu.enqueue_dma source(%dma_start3A_89 : memref<128xi32, #tpu.memory_space<hbm>>) target(%arg10 : memref<128xi32, #tpu.memory_space<vmem>>) target_semaphore(%run_scoped3A : memref<!tpu.dma_semaphore, #tpu.memory_space<semaphore_mem>>)
      %dma_wait3A_90 = tpu.memref_slice %arg4[%add3A_9] : memref<327680xi32, #tpu.memory_space<hbm>> -> memref<128xi32, #tpu.memory_space<hbm>>
      %dma_wait3A_91 = tpu.memref_slice %arg4[%add3A_9] : memref<327680xi32, #tpu.memory_space<hbm>> -> memref<128xi32, #tpu.memory_space<hbm>>
      tpu.wait_dma2 semaphore(%run_scoped3A : memref<!tpu.dma_semaphore, #tpu.memory_space<semaphore_mem>>) src(%dma_wait3A_91 : memref<128xi32, #tpu.memory_space<hbm>>) dst(%arg10 : memref<128xi32, #tpu.memory_space<vmem>>)
      tpu.yield
    }) : () -> ()
    %add3A_10 = arith.constant 128 : i32
    %add3A_11 = arith.addi %mul3A_2, %add3A_10 : i32
    "tpu.region"() ({
      %run_scoped3A = tpu.sem_alloc : memref<!tpu.dma_semaphore, #tpu.memory_space<semaphore_mem>>
      %dma_start3A_88 = tpu.memref_slice %arg5[%add3A_11] : memref<327680xi32, #tpu.memory_space<hbm>> -> memref<128xi32, #tpu.memory_space<hbm>>
      %dma_start3A_89 = tpu.memref_slice %arg5[%add3A_11] : memref<327680xi32, #tpu.memory_space<hbm>> -> memref<128xi32, #tpu.memory_space<hbm>>
      tpu.enqueue_dma source(%dma_start3A_89 : memref<128xi32, #tpu.memory_space<hbm>>) target(%arg11 : memref<128xi32, #tpu.memory_space<vmem>>) target_semaphore(%run_scoped3A : memref<!tpu.dma_semaphore, #tpu.memory_space<semaphore_mem>>)
      %dma_wait3A_90 = tpu.memref_slice %arg5[%add3A_11] : memref<327680xi32, #tpu.memory_space<hbm>> -> memref<128xi32, #tpu.memory_space<hbm>>
      %dma_wait3A_91 = tpu.memref_slice %arg5[%add3A_11] : memref<327680xi32, #tpu.memory_space<hbm>> -> memref<128xi32, #tpu.memory_space<hbm>>
      tpu.wait_dma2 semaphore(%run_scoped3A : memref<!tpu.dma_semaphore, #tpu.memory_space<semaphore_mem>>) src(%dma_wait3A_91 : memref<128xi32, #tpu.memory_space<hbm>>) dst(%arg11 : memref<128xi32, #tpu.memory_space<vmem>>)
      tpu.yield
    }) : () -> ()
    %dma_start3A_12 = arith.constant 0 : i32
    %dma_start3A_13 = arith.constant 0 : i32
    %dma_start3A_14 = tpu.memref_slice %arg2[%dma_start3A_12, %dma_start3A_13] : memref<10000x128xf32, #tpu.memory_space<hbm>> -> memref<10000x128xf32, #tpu.memory_space<hbm>>
    tpu.enqueue_indirect_dma source(%dma_start3A_14 : memref<10000x128xf32, #tpu.memory_space<hbm>>) target(%arg16 : memref<128x128xf32, #tpu.memory_space<vmem>>) offsets(%arg10 : memref<128xi32, #tpu.memory_space<vmem>>) semaphore(%arg28 : memref<!tpu.dma_semaphore, #tpu.memory_space<semaphore_mem>>)
    %dma_start3A_15 = arith.constant 0 : i32
    %dma_start3A_16 = arith.constant 0 : i32
    %dma_start3A_17 = tpu.memref_slice %arg3[%dma_start3A_15, %dma_start3A_16] : memref<10000x128xf32, #tpu.memory_space<hbm>> -> memref<10000x128xf32, #tpu.memory_space<hbm>>
    tpu.enqueue_indirect_dma source(%dma_start3A_17 : memref<10000x128xf32, #tpu.memory_space<hbm>>) target(%arg17 : memref<128x128xf32, #tpu.memory_space<vmem>>) offsets(%arg11 : memref<128xi32, #tpu.memory_space<vmem>>) semaphore(%arg29 : memref<!tpu.dma_semaphore, #tpu.memory_space<semaphore_mem>>)
    %add3A_18 = arith.constant 256 : i32
    %add3A_19 = arith.addi %mul3A_2, %add3A_18 : i32
    %dma_start3A_20 = tpu.memref_slice %arg4[%add3A_19] : memref<327680xi32, #tpu.memory_space<hbm>> -> memref<128xi32, #tpu.memory_space<hbm>>
    %dma_start3A_21 = tpu.memref_slice %arg4[%add3A_19] : memref<327680xi32, #tpu.memory_space<hbm>> -> memref<128xi32, #tpu.memory_space<hbm>>
    tpu.enqueue_dma source(%dma_start3A_21 : memref<128xi32, #tpu.memory_space<hbm>>) target(%arg12 : memref<128xi32, #tpu.memory_space<vmem>>) target_semaphore(%arg24 : memref<!tpu.dma_semaphore, #tpu.memory_space<semaphore_mem>>)
    %add3A_22 = arith.constant 256 : i32
    %add3A_23 = arith.addi %mul3A_2, %add3A_22 : i32
    %dma_start3A_24 = tpu.memref_slice %arg5[%add3A_23] : memref<327680xi32, #tpu.memory_space<hbm>> -> memref<128xi32, #tpu.memory_space<hbm>>
    %dma_start3A_25 = tpu.memref_slice %arg5[%add3A_23] : memref<327680xi32, #tpu.memory_space<hbm>> -> memref<128xi32, #tpu.memory_space<hbm>>
    tpu.enqueue_dma source(%dma_start3A_25 : memref<128xi32, #tpu.memory_space<hbm>>) target(%arg13 : memref<128xi32, #tpu.memory_space<vmem>>) target_semaphore(%arg25 : memref<!tpu.dma_semaphore, #tpu.memory_space<semaphore_mem>>)
    %scan3A = arith.constant 0 : i32
    %scan3A_26 = arith.constant 2 : i32
    %scan3A_27 = arith.constant 78 : i32
    %scan3A_28 = arith.addi %scan3A_26, %scan3A_27 : i32
    %scan3A_29 = arith.constant 1 : i32
    scf.for %scan3A_88 = %scan3A_26 to %scan3A_28 step %scan3A_29  : i32 {
      %jit3A = arith.constant 3 : i32
      %eq3A = arith.constant 0 : i32
      %eq3A_89 = arith.cmpi eq, %jit3A, %eq3A : i32
      %jit3A_90 = arith.constant 1 : i32
      %select_n3A = arith.select %eq3A_89, %jit3A_90, %jit3A : i32
      %rem3A = arith.remsi %scan3A_88, %select_n3A : i32
      %ne3A = arith.constant 0 : i32
      %ne3A_91 = arith.cmpi ne, %rem3A, %ne3A : i32
      %lt3A = arith.constant 0 : i32
      %lt3A_92 = arith.cmpi slt, %rem3A, %lt3A : i32
      %lt3A_93 = arith.constant 0 : i32
      %lt3A_94 = arith.cmpi slt, %select_n3A, %lt3A_93 : i32
      %ne3A_95 = arith.xori %lt3A_92, %lt3A_94 : i1
      %and3A = arith.andi %ne3A_95, %ne3A_91 : i1
      %add3A_96 = arith.addi %rem3A, %select_n3A : i32
      %select_n3A_97 = arith.select %and3A, %add3A_96, %rem3A : i32
      %eq3A_98 = arith.constant 2 : i32
      %eq3A_99 = arith.cmpi eq, %select_n3A_97, %eq3A_98 : i32
      %convert_element_type3A = arith.extui %eq3A_99 : i1 to i32
      %cond3A = arith.constant 0 : i32
      %cond3A_100 = arith.cmpi ne, %convert_element_type3A, %cond3A : i32
      scf.if %cond3A_100 {
        %mul3A_143 = arith.constant 128 : i32
        %mul3A_144 = arith.muli %scan3A_88, %mul3A_143 : i32
        %add3A_145 = arith.addi %mul3A_2, %mul3A_144 : i32
        %dma_wait3A_146 = tpu.memref_slice %arg4[%add3A_145] : memref<327680xi32, #tpu.memory_space<hbm>> -> memref<128xi32, #tpu.memory_space<hbm>>
        %dma_wait3A_147 = tpu.memref_slice %arg4[%add3A_145] : memref<327680xi32, #tpu.memory_space<hbm>> -> memref<128xi32, #tpu.memory_space<hbm>>
        tpu.wait_dma2 semaphore(%arg24 : memref<!tpu.dma_semaphore, #tpu.memory_space<semaphore_mem>>) src(%dma_wait3A_147 : memref<128xi32, #tpu.memory_space<hbm>>) dst(%arg12 : memref<128xi32, #tpu.memory_space<vmem>>)
        %dma_wait3A_148 = tpu.memref_slice %arg5[%add3A_145] : memref<327680xi32, #tpu.memory_space<hbm>> -> memref<128xi32, #tpu.memory_space<hbm>>
        %dma_wait3A_149 = tpu.memref_slice %arg5[%add3A_145] : memref<327680xi32, #tpu.memory_space<hbm>> -> memref<128xi32, #tpu.memory_space<hbm>>
        tpu.wait_dma2 semaphore(%arg25 : memref<!tpu.dma_semaphore, #tpu.memory_space<semaphore_mem>>) src(%dma_wait3A_149 : memref<128xi32, #tpu.memory_space<hbm>>) dst(%arg13 : memref<128xi32, #tpu.memory_space<vmem>>)
        %ge3A = arith.constant 3 : i32
        %ge3A_150 = arith.cmpi sge, %scan3A_88, %ge3A : i32
        %convert_element_type3A_151 = arith.extui %ge3A_150 : i1 to i32
        %cond3A_152 = arith.constant 0 : i32
        %cond3A_153 = arith.cmpi ne, %convert_element_type3A_151, %cond3A_152 : i32
        scf.if %cond3A_153 {
          %sub3A_185 = arith.constant 3 : i32
          %sub3A_186 = arith.subi %scan3A_88, %sub3A_185 : i32
          %mul3A_187 = arith.constant 128 : i32
          %mul3A_188 = arith.muli %sub3A_186, %mul3A_187 : i32
          %add3A_189 = arith.addi %mul3A_2, %mul3A_188 : i32
          %dma_wait3A_190 = arith.constant 0 : i32
          %dma_wait3A_191 = tpu.memref_slice %arg6[%add3A_189, %dma_wait3A_190] : memref<327680x128xf32, #tpu.memory_space<hbm>> -> memref<128x128xf32, #tpu.memory_space<hbm>>
          %dma_wait3A_192 = arith.constant 0 : i32
          %dma_wait3A_193 = tpu.memref_slice %arg6[%add3A_189, %dma_wait3A_192] : memref<327680x128xf32, #tpu.memory_space<hbm>> -> memref<128x128xf32, #tpu.memory_space<hbm>>
          tpu.wait_dma2 semaphore(%arg36 : memref<!tpu.dma_semaphore, #tpu.memory_space<semaphore_mem>>) src(%arg18 : memref<128x128xf32, #tpu.memory_space<vmem>>) dst(%dma_wait3A_193 : memref<128x128xf32, #tpu.memory_space<hbm>>)
          %dma_wait3A_194 = arith.constant 0 : i32
          %dma_wait3A_195 = tpu.memref_slice %arg7[%add3A_189, %dma_wait3A_194] : memref<327680x128xf32, #tpu.memory_space<hbm>> -> memref<128x128xf32, #tpu.memory_space<hbm>>
          %dma_wait3A_196 = arith.constant 0 : i32
          %dma_wait3A_197 = tpu.memref_slice %arg7[%add3A_189, %dma_wait3A_196] : memref<327680x128xf32, #tpu.memory_space<hbm>> -> memref<128x128xf32, #tpu.memory_space<hbm>>
          tpu.wait_dma2 semaphore(%arg37 : memref<!tpu.dma_semaphore, #tpu.memory_space<semaphore_mem>>) src(%arg19 : memref<128x128xf32, #tpu.memory_space<vmem>>) dst(%dma_wait3A_197 : memref<128x128xf32, #tpu.memory_space<hbm>>)
        } else {
        }
        %dma_start3A_154 = arith.constant 0 : i32
        %dma_start3A_155 = arith.constant 0 : i32
        %dma_start3A_156 = tpu.memref_slice %arg2[%dma_start3A_154, %dma_start3A_155] : memref<10000x128xf32, #tpu.memory_space<hbm>> -> memref<10000x128xf32, #tpu.memory_space<hbm>>
        tpu.enqueue_indirect_dma source(%dma_start3A_156 : memref<10000x128xf32, #tpu.memory_space<hbm>>) target(%arg18 : memref<128x128xf32, #tpu.memory_space<vmem>>) offsets(%arg12 : memref<128xi32, #tpu.memory_space<vmem>>) semaphore(%arg30 : memref<!tpu.dma_semaphore, #tpu.memory_space<semaphore_mem>>)
        %dma_start3A_157 = arith.constant 0 : i32
        %dma_start3A_158 = arith.constant 0 : i32
        %dma_start3A_159 = tpu.memref_slice %arg3[%dma_start3A_157, %dma_start3A_158] : memref<10000x128xf32, #tpu.memory_space<hbm>> -> memref<10000x128xf32, #tpu.memory_space<hbm>>
        tpu.enqueue_indirect_dma source(%dma_start3A_159 : memref<10000x128xf32, #tpu.memory_space<hbm>>) target(%arg19 : memref<128x128xf32, #tpu.memory_space<vmem>>) offsets(%arg13 : memref<128xi32, #tpu.memory_space<vmem>>) semaphore(%arg31 : memref<!tpu.dma_semaphore, #tpu.memory_space<semaphore_mem>>)
        %sub3A = arith.constant 2 : i32
        %sub3A_160 = arith.subi %scan3A_88, %sub3A : i32
        %mul3A_161 = arith.constant 128 : i32
        %mul3A_162 = arith.muli %sub3A_160, %mul3A_161 : i32
        %add3A_163 = arith.addi %mul3A_2, %mul3A_162 : i32
        %dma_wait3A_164 = arith.constant 0 : i32
        %dma_wait3A_165 = arith.constant 0 : i32
        %dma_wait3A_166 = tpu.memref_slice %arg2[%dma_wait3A_164, %dma_wait3A_165] : memref<10000x128xf32, #tpu.memory_space<hbm>> -> memref<10000x128xf32, #tpu.memory_space<hbm>>
        tpu.wait_indirect_dma semaphore(%arg26 : memref<!tpu.dma_semaphore, #tpu.memory_space<semaphore_mem>>) src(%dma_wait3A_166 : memref<10000x128xf32, #tpu.memory_space<hbm>>) dst(%arg14 : memref<128x128xf32, #tpu.memory_space<vmem>>)
        %dma_wait3A_167 = arith.constant 0 : i32
        %dma_wait3A_168 = arith.constant 0 : i32
        %dma_wait3A_169 = tpu.memref_slice %arg3[%dma_wait3A_167, %dma_wait3A_168] : memref<10000x128xf32, #tpu.memory_space<hbm>> -> memref<10000x128xf32, #tpu.memory_space<hbm>>
        tpu.wait_indirect_dma semaphore(%arg27 : memref<!tpu.dma_semaphore, #tpu.memory_space<semaphore_mem>>) src(%dma_wait3A_169 : memref<10000x128xf32, #tpu.memory_space<hbm>>) dst(%arg15 : memref<128x128xf32, #tpu.memory_space<vmem>>)
        %dma_start3A_170 = arith.constant 0 : i32
        %dma_start3A_171 = tpu.memref_slice %arg6[%add3A_163, %dma_start3A_170] : memref<327680x128xf32, #tpu.memory_space<hbm>> -> memref<128x128xf32, #tpu.memory_space<hbm>>
        %dma_start3A_172 = arith.constant 0 : i32
        %dma_start3A_173 = tpu.memref_slice %arg6[%add3A_163, %dma_start3A_172] : memref<327680x128xf32, #tpu.memory_space<hbm>> -> memref<128x128xf32, #tpu.memory_space<hbm>>
        tpu.enqueue_dma source(%arg14 : memref<128x128xf32, #tpu.memory_space<vmem>>) target(%dma_start3A_173 : memref<128x128xf32, #tpu.memory_space<hbm>>) target_semaphore(%arg32 : memref<!tpu.dma_semaphore, #tpu.memory_space<semaphore_mem>>)
        %dma_start3A_174 = arith.constant 0 : i32
        %dma_start3A_175 = tpu.memref_slice %arg7[%add3A_163, %dma_start3A_174] : memref<327680x128xf32, #tpu.memory_space<hbm>> -> memref<128x128xf32, #tpu.memory_space<hbm>>
        %dma_start3A_176 = arith.constant 0 : i32
        %dma_start3A_177 = tpu.memref_slice %arg7[%add3A_163, %dma_start3A_176] : memref<327680x128xf32, #tpu.memory_space<hbm>> -> memref<128x128xf32, #tpu.memory_space<hbm>>
        tpu.enqueue_dma source(%arg15 : memref<128x128xf32, #tpu.memory_space<vmem>>) target(%dma_start3A_177 : memref<128x128xf32, #tpu.memory_space<hbm>>) target_semaphore(%arg33 : memref<!tpu.dma_semaphore, #tpu.memory_space<semaphore_mem>>)
        %add3A_178 = arith.constant 1 : i32
        %add3A_179 = arith.addi %scan3A_88, %add3A_178 : i32
        %lt3A_180 = arith.constant 80 : i32
        %lt3A_181 = arith.cmpi slt, %add3A_179, %lt3A_180 : i32
        %convert_element_type3A_182 = arith.extui %lt3A_181 : i1 to i32
        %cond3A_183 = arith.constant 0 : i32
        %cond3A_184 = arith.cmpi ne, %convert_element_type3A_182, %cond3A_183 : i32
        scf.if %cond3A_184 {
          %add3A_185 = arith.constant 1 : i32
          %add3A_186 = arith.addi %scan3A_88, %add3A_185 : i32
          %mul3A_187 = arith.constant 128 : i32
          %mul3A_188 = arith.muli %add3A_186, %mul3A_187 : i32
          %add3A_189 = arith.addi %mul3A_2, %mul3A_188 : i32
          %dma_start3A_190 = tpu.memref_slice %arg4[%add3A_189] : memref<327680xi32, #tpu.memory_space<hbm>> -> memref<128xi32, #tpu.memory_space<hbm>>
          %dma_start3A_191 = tpu.memref_slice %arg4[%add3A_189] : memref<327680xi32, #tpu.memory_space<hbm>> -> memref<128xi32, #tpu.memory_space<hbm>>
          tpu.enqueue_dma source(%dma_start3A_191 : memref<128xi32, #tpu.memory_space<hbm>>) target(%arg8 : memref<128xi32, #tpu.memory_space<vmem>>) target_semaphore(%arg20 : memref<!tpu.dma_semaphore, #tpu.memory_space<semaphore_mem>>)
          %dma_start3A_192 = tpu.memref_slice %arg5[%add3A_189] : memref<327680xi32, #tpu.memory_space<hbm>> -> memref<128xi32, #tpu.memory_space<hbm>>
          %dma_start3A_193 = tpu.memref_slice %arg5[%add3A_189] : memref<327680xi32, #tpu.memory_space<hbm>> -> memref<128xi32, #tpu.memory_space<hbm>>
          tpu.enqueue_dma source(%dma_start3A_193 : memref<128xi32, #tpu.memory_space<hbm>>) target(%arg9 : memref<128xi32, #tpu.memory_space<vmem>>) target_semaphore(%arg21 : memref<!tpu.dma_semaphore, #tpu.memory_space<semaphore_mem>>)
        } else {
        }
      } else {
      }
      %jit3A_101 = arith.constant 3 : i32
      %eq3A_102 = arith.constant 0 : i32
      %eq3A_103 = arith.cmpi eq, %jit3A_101, %eq3A_102 : i32
      %jit3A_104 = arith.constant 1 : i32
      %select_n3A_105 = arith.select %eq3A_103, %jit3A_104, %jit3A_101 : i32
      %rem3A_106 = arith.remsi %scan3A_88, %select_n3A_105 : i32
      %ne3A_107 = arith.constant 0 : i32
      %ne3A_108 = arith.cmpi ne, %rem3A_106, %ne3A_107 : i32
      %lt3A_109 = arith.constant 0 : i32
      %lt3A_110 = arith.cmpi slt, %rem3A_106, %lt3A_109 : i32
      %lt3A_111 = arith.constant 0 : i32
      %lt3A_112 = arith.cmpi slt, %select_n3A_105, %lt3A_111 : i32
      %ne3A_113 = arith.xori %lt3A_110, %lt3A_112 : i1
      %and3A_114 = arith.andi %ne3A_113, %ne3A_108 : i1
      %add3A_115 = arith.addi %rem3A_106, %select_n3A_105 : i32
      %select_n3A_116 = arith.select %and3A_114, %add3A_115, %rem3A_106 : i32
      %eq3A_117 = arith.constant 0 : i32
      %eq3A_118 = arith.cmpi eq, %select_n3A_116, %eq3A_117 : i32
      %convert_element_type3A_119 = arith.extui %eq3A_118 : i1 to i32
      %cond3A_120 = arith.constant 0 : i32
      %cond3A_121 = arith.cmpi ne, %convert_element_type3A_119, %cond3A_120 : i32
      scf.if %cond3A_121 {
        %mul3A_143 = arith.constant 128 : i32
        %mul3A_144 = arith.muli %scan3A_88, %mul3A_143 : i32
        %add3A_145 = arith.addi %mul3A_2, %mul3A_144 : i32
        %dma_wait3A_146 = tpu.memref_slice %arg4[%add3A_145] : memref<327680xi32, #tpu.memory_space<hbm>> -> memref<128xi32, #tpu.memory_space<hbm>>
        %dma_wait3A_147 = tpu.memref_slice %arg4[%add3A_145] : memref<327680xi32, #tpu.memory_space<hbm>> -> memref<128xi32, #tpu.memory_space<hbm>>
        tpu.wait_dma2 semaphore(%arg20 : memref<!tpu.dma_semaphore, #tpu.memory_space<semaphore_mem>>) src(%dma_wait3A_147 : memref<128xi32, #tpu.memory_space<hbm>>) dst(%arg8 : memref<128xi32, #tpu.memory_space<vmem>>)
        %dma_wait3A_148 = tpu.memref_slice %arg5[%add3A_145] : memref<327680xi32, #tpu.memory_space<hbm>> -> memref<128xi32, #tpu.memory_space<hbm>>
        %dma_wait3A_149 = tpu.memref_slice %arg5[%add3A_145] : memref<327680xi32, #tpu.memory_space<hbm>> -> memref<128xi32, #tpu.memory_space<hbm>>
        tpu.wait_dma2 semaphore(%arg21 : memref<!tpu.dma_semaphore, #tpu.memory_space<semaphore_mem>>) src(%dma_wait3A_149 : memref<128xi32, #tpu.memory_space<hbm>>) dst(%arg9 : memref<128xi32, #tpu.memory_space<vmem>>)
        %ge3A = arith.constant 3 : i32
        %ge3A_150 = arith.cmpi sge, %scan3A_88, %ge3A : i32
        %convert_element_type3A_151 = arith.extui %ge3A_150 : i1 to i32
        %cond3A_152 = arith.constant 0 : i32
        %cond3A_153 = arith.cmpi ne, %convert_element_type3A_151, %cond3A_152 : i32
        scf.if %cond3A_153 {
          %sub3A_185 = arith.constant 3 : i32
          %sub3A_186 = arith.subi %scan3A_88, %sub3A_185 : i32
          %mul3A_187 = arith.constant 128 : i32
          %mul3A_188 = arith.muli %sub3A_186, %mul3A_187 : i32
          %add3A_189 = arith.addi %mul3A_2, %mul3A_188 : i32
          %dma_wait3A_190 = arith.constant 0 : i32
          %dma_wait3A_191 = tpu.memref_slice %arg6[%add3A_189, %dma_wait3A_190] : memref<327680x128xf32, #tpu.memory_space<hbm>> -> memref<128x128xf32, #tpu.memory_space<hbm>>
          %dma_wait3A_192 = arith.constant 0 : i32
          %dma_wait3A_193 = tpu.memref_slice %arg6[%add3A_189, %dma_wait3A_192] : memref<327680x128xf32, #tpu.memory_space<hbm>> -> memref<128x128xf32, #tpu.memory_space<hbm>>
          tpu.wait_dma2 semaphore(%arg32 : memref<!tpu.dma_semaphore, #tpu.memory_space<semaphore_mem>>) src(%arg14 : memref<128x128xf32, #tpu.memory_space<vmem>>) dst(%dma_wait3A_193 : memref<128x128xf32, #tpu.memory_space<hbm>>)
          %dma_wait3A_194 = arith.constant 0 : i32
          %dma_wait3A_195 = tpu.memref_slice %arg7[%add3A_189, %dma_wait3A_194] : memref<327680x128xf32, #tpu.memory_space<hbm>> -> memref<128x128xf32, #tpu.memory_space<hbm>>
          %dma_wait3A_196 = arith.constant 0 : i32
          %dma_wait3A_197 = tpu.memref_slice %arg7[%add3A_189, %dma_wait3A_196] : memref<327680x128xf32, #tpu.memory_space<hbm>> -> memref<128x128xf32, #tpu.memory_space<hbm>>
          tpu.wait_dma2 semaphore(%arg33 : memref<!tpu.dma_semaphore, #tpu.memory_space<semaphore_mem>>) src(%arg15 : memref<128x128xf32, #tpu.memory_space<vmem>>) dst(%dma_wait3A_197 : memref<128x128xf32, #tpu.memory_space<hbm>>)
        } else {
        }
        %dma_start3A_154 = arith.constant 0 : i32
        %dma_start3A_155 = arith.constant 0 : i32
        %dma_start3A_156 = tpu.memref_slice %arg2[%dma_start3A_154, %dma_start3A_155] : memref<10000x128xf32, #tpu.memory_space<hbm>> -> memref<10000x128xf32, #tpu.memory_space<hbm>>
        tpu.enqueue_indirect_dma source(%dma_start3A_156 : memref<10000x128xf32, #tpu.memory_space<hbm>>) target(%arg14 : memref<128x128xf32, #tpu.memory_space<vmem>>) offsets(%arg8 : memref<128xi32, #tpu.memory_space<vmem>>) semaphore(%arg26 : memref<!tpu.dma_semaphore, #tpu.memory_space<semaphore_mem>>)
        %dma_start3A_157 = arith.constant 0 : i32
        %dma_start3A_158 = arith.constant 0 : i32
        %dma_start3A_159 = tpu.memref_slice %arg3[%dma_start3A_157, %dma_start3A_158] : memref<10000x128xf32, #tpu.memory_space<hbm>> -> memref<10000x128xf32, #tpu.memory_space<hbm>>
        tpu.enqueue_indirect_dma source(%dma_start3A_159 : memref<10000x128xf32, #tpu.memory_space<hbm>>) target(%arg15 : memref<128x128xf32, #tpu.memory_space<vmem>>) offsets(%arg9 : memref<128xi32, #tpu.memory_space<vmem>>) semaphore(%arg27 : memref<!tpu.dma_semaphore, #tpu.memory_space<semaphore_mem>>)
        %sub3A = arith.constant 2 : i32
        %sub3A_160 = arith.subi %scan3A_88, %sub3A : i32
        %mul3A_161 = arith.constant 128 : i32
        %mul3A_162 = arith.muli %sub3A_160, %mul3A_161 : i32
        %add3A_163 = arith.addi %mul3A_2, %mul3A_162 : i32
        %dma_wait3A_164 = arith.constant 0 : i32
        %dma_wait3A_165 = arith.constant 0 : i32
        %dma_wait3A_166 = tpu.memref_slice %arg2[%dma_wait3A_164, %dma_wait3A_165] : memref<10000x128xf32, #tpu.memory_space<hbm>> -> memref<10000x128xf32, #tpu.memory_space<hbm>>
        tpu.wait_indirect_dma semaphore(%arg28 : memref<!tpu.dma_semaphore, #tpu.memory_space<semaphore_mem>>) src(%dma_wait3A_166 : memref<10000x128xf32, #tpu.memory_space<hbm>>) dst(%arg16 : memref<128x128xf32, #tpu.memory_space<vmem>>)
        %dma_wait3A_167 = arith.constant 0 : i32
        %dma_wait3A_168 = arith.constant 0 : i32
        %dma_wait3A_169 = tpu.memref_slice %arg3[%dma_wait3A_167, %dma_wait3A_168] : memref<10000x128xf32, #tpu.memory_space<hbm>> -> memref<10000x128xf32, #tpu.memory_space<hbm>>
        tpu.wait_indirect_dma semaphore(%arg29 : memref<!tpu.dma_semaphore, #tpu.memory_space<semaphore_mem>>) src(%dma_wait3A_169 : memref<10000x128xf32, #tpu.memory_space<hbm>>) dst(%arg17 : memref<128x128xf32, #tpu.memory_space<vmem>>)
        %dma_start3A_170 = arith.constant 0 : i32
        %dma_start3A_171 = tpu.memref_slice %arg6[%add3A_163, %dma_start3A_170] : memref<327680x128xf32, #tpu.memory_space<hbm>> -> memref<128x128xf32, #tpu.memory_space<hbm>>
        %dma_start3A_172 = arith.constant 0 : i32
        %dma_start3A_173 = tpu.memref_slice %arg6[%add3A_163, %dma_start3A_172] : memref<327680x128xf32, #tpu.memory_space<hbm>> -> memref<128x128xf32, #tpu.memory_space<hbm>>
        tpu.enqueue_dma source(%arg16 : memref<128x128xf32, #tpu.memory_space<vmem>>) target(%dma_start3A_173 : memref<128x128xf32, #tpu.memory_space<hbm>>) target_semaphore(%arg34 : memref<!tpu.dma_semaphore, #tpu.memory_space<semaphore_mem>>)
        %dma_start3A_174 = arith.constant 0 : i32
        %dma_start3A_175 = tpu.memref_slice %arg7[%add3A_163, %dma_start3A_174] : memref<327680x128xf32, #tpu.memory_space<hbm>> -> memref<128x128xf32, #tpu.memory_space<hbm>>
        %dma_start3A_176 = arith.constant 0 : i32
        %dma_start3A_177 = tpu.memref_slice %arg7[%add3A_163, %dma_start3A_176] : memref<327680x128xf32, #tpu.memory_space<hbm>> -> memref<128x128xf32, #tpu.memory_space<hbm>>
        tpu.enqueue_dma source(%arg17 : memref<128x128xf32, #tpu.memory_space<vmem>>) target(%dma_start3A_177 : memref<128x128xf32, #tpu.memory_space<hbm>>) target_semaphore(%arg35 : memref<!tpu.dma_semaphore, #tpu.memory_space<semaphore_mem>>)
        %add3A_178 = arith.constant 1 : i32
        %add3A_179 = arith.addi %scan3A_88, %add3A_178 : i32
        %lt3A_180 = arith.constant 80 : i32
        %lt3A_181 = arith.cmpi slt, %add3A_179, %lt3A_180 : i32
        %convert_element_type3A_182 = arith.extui %lt3A_181 : i1 to i32
        %cond3A_183 = arith.constant 0 : i32
        %cond3A_184 = arith.cmpi ne, %convert_element_type3A_182, %cond3A_183 : i32
        scf.if %cond3A_184 {
          %add3A_185 = arith.constant 1 : i32
          %add3A_186 = arith.addi %scan3A_88, %add3A_185 : i32
          %mul3A_187 = arith.constant 128 : i32
          %mul3A_188 = arith.muli %add3A_186, %mul3A_187 : i32
          %add3A_189 = arith.addi %mul3A_2, %mul3A_188 : i32
          %dma_start3A_190 = tpu.memref_slice %arg4[%add3A_189] : memref<327680xi32, #tpu.memory_space<hbm>> -> memref<128xi32, #tpu.memory_space<hbm>>
          %dma_start3A_191 = tpu.memref_slice %arg4[%add3A_189] : memref<327680xi32, #tpu.memory_space<hbm>> -> memref<128xi32, #tpu.memory_space<hbm>>
          tpu.enqueue_dma source(%dma_start3A_191 : memref<128xi32, #tpu.memory_space<hbm>>) target(%arg10 : memref<128xi32, #tpu.memory_space<vmem>>) target_semaphore(%arg22 : memref<!tpu.dma_semaphore, #tpu.memory_space<semaphore_mem>>)
          %dma_start3A_192 = tpu.memref_slice %arg5[%add3A_189] : memref<327680xi32, #tpu.memory_space<hbm>> -> memref<128xi32, #tpu.memory_space<hbm>>
          %dma_start3A_193 = tpu.memref_slice %arg5[%add3A_189] : memref<327680xi32, #tpu.memory_space<hbm>> -> memref<128xi32, #tpu.memory_space<hbm>>
          tpu.enqueue_dma source(%dma_start3A_193 : memref<128xi32, #tpu.memory_space<hbm>>) target(%arg11 : memref<128xi32, #tpu.memory_space<vmem>>) target_semaphore(%arg23 : memref<!tpu.dma_semaphore, #tpu.memory_space<semaphore_mem>>)
        } else {
        }
      } else {
      }
      %jit3A_122 = arith.constant 3 : i32
      %eq3A_123 = arith.constant 0 : i32
      %eq3A_124 = arith.cmpi eq, %jit3A_122, %eq3A_123 : i32
      %jit3A_125 = arith.constant 1 : i32
      %select_n3A_126 = arith.select %eq3A_124, %jit3A_125, %jit3A_122 : i32
      %rem3A_127 = arith.remsi %scan3A_88, %select_n3A_126 : i32
      %ne3A_128 = arith.constant 0 : i32
      %ne3A_129 = arith.cmpi ne, %rem3A_127, %ne3A_128 : i32
      %lt3A_130 = arith.constant 0 : i32
      %lt3A_131 = arith.cmpi slt, %rem3A_127, %lt3A_130 : i32
      %lt3A_132 = arith.constant 0 : i32
      %lt3A_133 = arith.cmpi slt, %select_n3A_126, %lt3A_132 : i32
      %ne3A_134 = arith.xori %lt3A_131, %lt3A_133 : i1
      %and3A_135 = arith.andi %ne3A_134, %ne3A_129 : i1
      %add3A_136 = arith.addi %rem3A_127, %select_n3A_126 : i32
      %select_n3A_137 = arith.select %and3A_135, %add3A_136, %rem3A_127 : i32
      %eq3A_138 = arith.constant 1 : i32
      %eq3A_139 = arith.cmpi eq, %select_n3A_137, %eq3A_138 : i32
      %convert_element_type3A_140 = arith.extui %eq3A_139 : i1 to i32
      %cond3A_141 = arith.constant 0 : i32
      %cond3A_142 = arith.cmpi ne, %convert_element_type3A_140, %cond3A_141 : i32
      scf.if %cond3A_142 {
        %mul3A_143 = arith.constant 128 : i32
        %mul3A_144 = arith.muli %scan3A_88, %mul3A_143 : i32
        %add3A_145 = arith.addi %mul3A_2, %mul3A_144 : i32
        %dma_wait3A_146 = tpu.memref_slice %arg4[%add3A_145] : memref<327680xi32, #tpu.memory_space<hbm>> -> memref<128xi32, #tpu.memory_space<hbm>>
        %dma_wait3A_147 = tpu.memref_slice %arg4[%add3A_145] : memref<327680xi32, #tpu.memory_space<hbm>> -> memref<128xi32, #tpu.memory_space<hbm>>
        tpu.wait_dma2 semaphore(%arg22 : memref<!tpu.dma_semaphore, #tpu.memory_space<semaphore_mem>>) src(%dma_wait3A_147 : memref<128xi32, #tpu.memory_space<hbm>>) dst(%arg10 : memref<128xi32, #tpu.memory_space<vmem>>)
        %dma_wait3A_148 = tpu.memref_slice %arg5[%add3A_145] : memref<327680xi32, #tpu.memory_space<hbm>> -> memref<128xi32, #tpu.memory_space<hbm>>
        %dma_wait3A_149 = tpu.memref_slice %arg5[%add3A_145] : memref<327680xi32, #tpu.memory_space<hbm>> -> memref<128xi32, #tpu.memory_space<hbm>>
        tpu.wait_dma2 semaphore(%arg23 : memref<!tpu.dma_semaphore, #tpu.memory_space<semaphore_mem>>) src(%dma_wait3A_149 : memref<128xi32, #tpu.memory_space<hbm>>) dst(%arg11 : memref<128xi32, #tpu.memory_space<vmem>>)
        %ge3A = arith.constant 3 : i32
        %ge3A_150 = arith.cmpi sge, %scan3A_88, %ge3A : i32
        %convert_element_type3A_151 = arith.extui %ge3A_150 : i1 to i32
        %cond3A_152 = arith.constant 0 : i32
        %cond3A_153 = arith.cmpi ne, %convert_element_type3A_151, %cond3A_152 : i32
        scf.if %cond3A_153 {
          %sub3A_185 = arith.constant 3 : i32
          %sub3A_186 = arith.subi %scan3A_88, %sub3A_185 : i32
          %mul3A_187 = arith.constant 128 : i32
          %mul3A_188 = arith.muli %sub3A_186, %mul3A_187 : i32
          %add3A_189 = arith.addi %mul3A_2, %mul3A_188 : i32
          %dma_wait3A_190 = arith.constant 0 : i32
          %dma_wait3A_191 = tpu.memref_slice %arg6[%add3A_189, %dma_wait3A_190] : memref<327680x128xf32, #tpu.memory_space<hbm>> -> memref<128x128xf32, #tpu.memory_space<hbm>>
          %dma_wait3A_192 = arith.constant 0 : i32
          %dma_wait3A_193 = tpu.memref_slice %arg6[%add3A_189, %dma_wait3A_192] : memref<327680x128xf32, #tpu.memory_space<hbm>> -> memref<128x128xf32, #tpu.memory_space<hbm>>
          tpu.wait_dma2 semaphore(%arg34 : memref<!tpu.dma_semaphore, #tpu.memory_space<semaphore_mem>>) src(%arg16 : memref<128x128xf32, #tpu.memory_space<vmem>>) dst(%dma_wait3A_193 : memref<128x128xf32, #tpu.memory_space<hbm>>)
          %dma_wait3A_194 = arith.constant 0 : i32
          %dma_wait3A_195 = tpu.memref_slice %arg7[%add3A_189, %dma_wait3A_194] : memref<327680x128xf32, #tpu.memory_space<hbm>> -> memref<128x128xf32, #tpu.memory_space<hbm>>
          %dma_wait3A_196 = arith.constant 0 : i32
          %dma_wait3A_197 = tpu.memref_slice %arg7[%add3A_189, %dma_wait3A_196] : memref<327680x128xf32, #tpu.memory_space<hbm>> -> memref<128x128xf32, #tpu.memory_space<hbm>>
          tpu.wait_dma2 semaphore(%arg35 : memref<!tpu.dma_semaphore, #tpu.memory_space<semaphore_mem>>) src(%arg17 : memref<128x128xf32, #tpu.memory_space<vmem>>) dst(%dma_wait3A_197 : memref<128x128xf32, #tpu.memory_space<hbm>>)
        } else {
        }
        %dma_start3A_154 = arith.constant 0 : i32
        %dma_start3A_155 = arith.constant 0 : i32
        %dma_start3A_156 = tpu.memref_slice %arg2[%dma_start3A_154, %dma_start3A_155] : memref<10000x128xf32, #tpu.memory_space<hbm>> -> memref<10000x128xf32, #tpu.memory_space<hbm>>
        tpu.enqueue_indirect_dma source(%dma_start3A_156 : memref<10000x128xf32, #tpu.memory_space<hbm>>) target(%arg16 : memref<128x128xf32, #tpu.memory_space<vmem>>) offsets(%arg10 : memref<128xi32, #tpu.memory_space<vmem>>) semaphore(%arg28 : memref<!tpu.dma_semaphore, #tpu.memory_space<semaphore_mem>>)
        %dma_start3A_157 = arith.constant 0 : i32
        %dma_start3A_158 = arith.constant 0 : i32
        %dma_start3A_159 = tpu.memref_slice %arg3[%dma_start3A_157, %dma_start3A_158] : memref<10000x128xf32, #tpu.memory_space<hbm>> -> memref<10000x128xf32, #tpu.memory_space<hbm>>
        tpu.enqueue_indirect_dma source(%dma_start3A_159 : memref<10000x128xf32, #tpu.memory_space<hbm>>) target(%arg17 : memref<128x128xf32, #tpu.memory_space<vmem>>) offsets(%arg11 : memref<128xi32, #tpu.memory_space<vmem>>) semaphore(%arg29 : memref<!tpu.dma_semaphore, #tpu.memory_space<semaphore_mem>>)
        %sub3A = arith.constant 2 : i32
        %sub3A_160 = arith.subi %scan3A_88, %sub3A : i32
        %mul3A_161 = arith.constant 128 : i32
        %mul3A_162 = arith.muli %sub3A_160, %mul3A_161 : i32
        %add3A_163 = arith.addi %mul3A_2, %mul3A_162 : i32
        %dma_wait3A_164 = arith.constant 0 : i32
        %dma_wait3A_165 = arith.constant 0 : i32
        %dma_wait3A_166 = tpu.memref_slice %arg2[%dma_wait3A_164, %dma_wait3A_165] : memref<10000x128xf32, #tpu.memory_space<hbm>> -> memref<10000x128xf32, #tpu.memory_space<hbm>>
        tpu.wait_indirect_dma semaphore(%arg30 : memref<!tpu.dma_semaphore, #tpu.memory_space<semaphore_mem>>) src(%dma_wait3A_166 : memref<10000x128xf32, #tpu.memory_space<hbm>>) dst(%arg18 : memref<128x128xf32, #tpu.memory_space<vmem>>)
        %dma_wait3A_167 = arith.constant 0 : i32
        %dma_wait3A_168 = arith.constant 0 : i32
        %dma_wait3A_169 = tpu.memref_slice %arg3[%dma_wait3A_167, %dma_wait3A_168] : memref<10000x128xf32, #tpu.memory_space<hbm>> -> memref<10000x128xf32, #tpu.memory_space<hbm>>
        tpu.wait_indirect_dma semaphore(%arg31 : memref<!tpu.dma_semaphore, #tpu.memory_space<semaphore_mem>>) src(%dma_wait3A_169 : memref<10000x128xf32, #tpu.memory_space<hbm>>) dst(%arg19 : memref<128x128xf32, #tpu.memory_space<vmem>>)
        %dma_start3A_170 = arith.constant 0 : i32
        %dma_start3A_171 = tpu.memref_slice %arg6[%add3A_163, %dma_start3A_170] : memref<327680x128xf32, #tpu.memory_space<hbm>> -> memref<128x128xf32, #tpu.memory_space<hbm>>
        %dma_start3A_172 = arith.constant 0 : i32
        %dma_start3A_173 = tpu.memref_slice %arg6[%add3A_163, %dma_start3A_172] : memref<327680x128xf32, #tpu.memory_space<hbm>> -> memref<128x128xf32, #tpu.memory_space<hbm>>
        tpu.enqueue_dma source(%arg18 : memref<128x128xf32, #tpu.memory_space<vmem>>) target(%dma_start3A_173 : memref<128x128xf32, #tpu.memory_space<hbm>>) target_semaphore(%arg36 : memref<!tpu.dma_semaphore, #tpu.memory_space<semaphore_mem>>)
        %dma_start3A_174 = arith.constant 0 : i32
        %dma_start3A_175 = tpu.memref_slice %arg7[%add3A_163, %dma_start3A_174] : memref<327680x128xf32, #tpu.memory_space<hbm>> -> memref<128x128xf32, #tpu.memory_space<hbm>>
        %dma_start3A_176 = arith.constant 0 : i32
        %dma_start3A_177 = tpu.memref_slice %arg7[%add3A_163, %dma_start3A_176] : memref<327680x128xf32, #tpu.memory_space<hbm>> -> memref<128x128xf32, #tpu.memory_space<hbm>>
        tpu.enqueue_dma source(%arg19 : memref<128x128xf32, #tpu.memory_space<vmem>>) target(%dma_start3A_177 : memref<128x128xf32, #tpu.memory_space<hbm>>) target_semaphore(%arg37 : memref<!tpu.dma_semaphore, #tpu.memory_space<semaphore_mem>>)
        %add3A_178 = arith.constant 1 : i32
        %add3A_179 = arith.addi %scan3A_88, %add3A_178 : i32
        %lt3A_180 = arith.constant 80 : i32
        %lt3A_181 = arith.cmpi slt, %add3A_179, %lt3A_180 : i32
        %convert_element_type3A_182 = arith.extui %lt3A_181 : i1 to i32
        %cond3A_183 = arith.constant 0 : i32
        %cond3A_184 = arith.cmpi ne, %convert_element_type3A_182, %cond3A_183 : i32
        scf.if %cond3A_184 {
          %add3A_185 = arith.constant 1 : i32
          %add3A_186 = arith.addi %scan3A_88, %add3A_185 : i32
          %mul3A_187 = arith.constant 128 : i32
          %mul3A_188 = arith.muli %add3A_186, %mul3A_187 : i32
          %add3A_189 = arith.addi %mul3A_2, %mul3A_188 : i32
          %dma_start3A_190 = tpu.memref_slice %arg4[%add3A_189] : memref<327680xi32, #tpu.memory_space<hbm>> -> memref<128xi32, #tpu.memory_space<hbm>>
          %dma_start3A_191 = tpu.memref_slice %arg4[%add3A_189] : memref<327680xi32, #tpu.memory_space<hbm>> -> memref<128xi32, #tpu.memory_space<hbm>>
          tpu.enqueue_dma source(%dma_start3A_191 : memref<128xi32, #tpu.memory_space<hbm>>) target(%arg12 : memref<128xi32, #tpu.memory_space<vmem>>) target_semaphore(%arg24 : memref<!tpu.dma_semaphore, #tpu.memory_space<semaphore_mem>>)
          %dma_start3A_192 = tpu.memref_slice %arg5[%add3A_189] : memref<327680xi32, #tpu.memory_space<hbm>> -> memref<128xi32, #tpu.memory_space<hbm>>
          %dma_start3A_193 = tpu.memref_slice %arg5[%add3A_189] : memref<327680xi32, #tpu.memory_space<hbm>> -> memref<128xi32, #tpu.memory_space<hbm>>
          tpu.enqueue_dma source(%dma_start3A_193 : memref<128xi32, #tpu.memory_space<hbm>>) target(%arg13 : memref<128xi32, #tpu.memory_space<vmem>>) target_semaphore(%arg25 : memref<!tpu.dma_semaphore, #tpu.memory_space<semaphore_mem>>)
        } else {
        }
      } else {
      }
    }
    %scan3A_30 = arith.constant 78 : i32
    %add3A_31 = arith.constant 9984 : i32
    %add3A_32 = arith.addi %mul3A_2, %add3A_31 : i32
    %dma_wait3A = arith.constant 0 : i32
    %dma_wait3A_33 = arith.constant 0 : i32
    %dma_wait3A_34 = tpu.memref_slice %arg2[%dma_wait3A, %dma_wait3A_33] : memref<10000x128xf32, #tpu.memory_space<hbm>> -> memref<10000x128xf32, #tpu.memory_space<hbm>>
    tpu.wait_indirect_dma semaphore(%arg26 : memref<!tpu.dma_semaphore, #tpu.memory_space<semaphore_mem>>) src(%dma_wait3A_34 : memref<10000x128xf32, #tpu.memory_space<hbm>>) dst(%arg14 : memref<128x128xf32, #tpu.memory_space<vmem>>)
    %dma_wait3A_35 = arith.constant 0 : i32
    %dma_wait3A_36 = arith.constant 0 : i32
    %dma_wait3A_37 = tpu.memref_slice %arg3[%dma_wait3A_35, %dma_wait3A_36] : memref<10000x128xf32, #tpu.memory_space<hbm>> -> memref<10000x128xf32, #tpu.memory_space<hbm>>
    tpu.wait_indirect_dma semaphore(%arg27 : memref<!tpu.dma_semaphore, #tpu.memory_space<semaphore_mem>>) src(%dma_wait3A_37 : memref<10000x128xf32, #tpu.memory_space<hbm>>) dst(%arg15 : memref<128x128xf32, #tpu.memory_space<vmem>>)
    %dma_start3A_38 = arith.constant 0 : i32
    %dma_start3A_39 = tpu.memref_slice %arg6[%add3A_32, %dma_start3A_38] : memref<327680x128xf32, #tpu.memory_space<hbm>> -> memref<128x128xf32, #tpu.memory_space<hbm>>
    %dma_start3A_40 = arith.constant 0 : i32
    %dma_start3A_41 = tpu.memref_slice %arg6[%add3A_32, %dma_start3A_40] : memref<327680x128xf32, #tpu.memory_space<hbm>> -> memref<128x128xf32, #tpu.memory_space<hbm>>
    tpu.enqueue_dma source(%arg14 : memref<128x128xf32, #tpu.memory_space<vmem>>) target(%dma_start3A_41 : memref<128x128xf32, #tpu.memory_space<hbm>>) target_semaphore(%arg32 : memref<!tpu.dma_semaphore, #tpu.memory_space<semaphore_mem>>)
    %dma_start3A_42 = arith.constant 0 : i32
    %dma_start3A_43 = tpu.memref_slice %arg7[%add3A_32, %dma_start3A_42] : memref<327680x128xf32, #tpu.memory_space<hbm>> -> memref<128x128xf32, #tpu.memory_space<hbm>>
    %dma_start3A_44 = arith.constant 0 : i32
    %dma_start3A_45 = tpu.memref_slice %arg7[%add3A_32, %dma_start3A_44] : memref<327680x128xf32, #tpu.memory_space<hbm>> -> memref<128x128xf32, #tpu.memory_space<hbm>>
    tpu.enqueue_dma source(%arg15 : memref<128x128xf32, #tpu.memory_space<vmem>>) target(%dma_start3A_45 : memref<128x128xf32, #tpu.memory_space<hbm>>) target_semaphore(%arg33 : memref<!tpu.dma_semaphore, #tpu.memory_space<semaphore_mem>>)
    %add3A_46 = arith.constant 10112 : i32
    %add3A_47 = arith.addi %mul3A_2, %add3A_46 : i32
    %dma_wait3A_48 = arith.constant 0 : i32
    %dma_wait3A_49 = arith.constant 0 : i32
    %dma_wait3A_50 = tpu.memref_slice %arg2[%dma_wait3A_48, %dma_wait3A_49] : memref<10000x128xf32, #tpu.memory_space<hbm>> -> memref<10000x128xf32, #tpu.memory_space<hbm>>
    tpu.wait_indirect_dma semaphore(%arg28 : memref<!tpu.dma_semaphore, #tpu.memory_space<semaphore_mem>>) src(%dma_wait3A_50 : memref<10000x128xf32, #tpu.memory_space<hbm>>) dst(%arg16 : memref<128x128xf32, #tpu.memory_space<vmem>>)
    %dma_wait3A_51 = arith.constant 0 : i32
    %dma_wait3A_52 = arith.constant 0 : i32
    %dma_wait3A_53 = tpu.memref_slice %arg3[%dma_wait3A_51, %dma_wait3A_52] : memref<10000x128xf32, #tpu.memory_space<hbm>> -> memref<10000x128xf32, #tpu.memory_space<hbm>>
    tpu.wait_indirect_dma semaphore(%arg29 : memref<!tpu.dma_semaphore, #tpu.memory_space<semaphore_mem>>) src(%dma_wait3A_53 : memref<10000x128xf32, #tpu.memory_space<hbm>>) dst(%arg17 : memref<128x128xf32, #tpu.memory_space<vmem>>)
    %dma_start3A_54 = arith.constant 0 : i32
    %dma_start3A_55 = tpu.memref_slice %arg6[%add3A_47, %dma_start3A_54] : memref<327680x128xf32, #tpu.memory_space<hbm>> -> memref<128x128xf32, #tpu.memory_space<hbm>>
    %dma_start3A_56 = arith.constant 0 : i32
    %dma_start3A_57 = tpu.memref_slice %arg6[%add3A_47, %dma_start3A_56] : memref<327680x128xf32, #tpu.memory_space<hbm>> -> memref<128x128xf32, #tpu.memory_space<hbm>>
    tpu.enqueue_dma source(%arg16 : memref<128x128xf32, #tpu.memory_space<vmem>>) target(%dma_start3A_57 : memref<128x128xf32, #tpu.memory_space<hbm>>) target_semaphore(%arg34 : memref<!tpu.dma_semaphore, #tpu.memory_space<semaphore_mem>>)
    %dma_start3A_58 = arith.constant 0 : i32
    %dma_start3A_59 = tpu.memref_slice %arg7[%add3A_47, %dma_start3A_58] : memref<327680x128xf32, #tpu.memory_space<hbm>> -> memref<128x128xf32, #tpu.memory_space<hbm>>
    %dma_start3A_60 = arith.constant 0 : i32
    %dma_start3A_61 = tpu.memref_slice %arg7[%add3A_47, %dma_start3A_60] : memref<327680x128xf32, #tpu.memory_space<hbm>> -> memref<128x128xf32, #tpu.memory_space<hbm>>
    tpu.enqueue_dma source(%arg17 : memref<128x128xf32, #tpu.memory_space<vmem>>) target(%dma_start3A_61 : memref<128x128xf32, #tpu.memory_space<hbm>>) target_semaphore(%arg35 : memref<!tpu.dma_semaphore, #tpu.memory_space<semaphore_mem>>)
    %add3A_62 = arith.constant 9856 : i32
    %add3A_63 = arith.addi %mul3A_2, %add3A_62 : i32
    %dma_wait3A_64 = arith.constant 0 : i32
    %dma_wait3A_65 = tpu.memref_slice %arg6[%add3A_63, %dma_wait3A_64] : memref<327680x128xf32, #tpu.memory_space<hbm>> -> memref<128x128xf32, #tpu.memory_space<hbm>>
    %dma_wait3A_66 = arith.constant 0 : i32
    %dma_wait3A_67 = tpu.memref_slice %arg6[%add3A_63, %dma_wait3A_66] : memref<327680x128xf32, #tpu.memory_space<hbm>> -> memref<128x128xf32, #tpu.memory_space<hbm>>
    tpu.wait_dma2 semaphore(%arg36 : memref<!tpu.dma_semaphore, #tpu.memory_space<semaphore_mem>>) src(%arg18 : memref<128x128xf32, #tpu.memory_space<vmem>>) dst(%dma_wait3A_67 : memref<128x128xf32, #tpu.memory_space<hbm>>)
    %dma_wait3A_68 = arith.constant 0 : i32
    %dma_wait3A_69 = tpu.memref_slice %arg7[%add3A_63, %dma_wait3A_68] : memref<327680x128xf32, #tpu.memory_space<hbm>> -> memref<128x128xf32, #tpu.memory_space<hbm>>
    %dma_wait3A_70 = arith.constant 0 : i32
    %dma_wait3A_71 = tpu.memref_slice %arg7[%add3A_63, %dma_wait3A_70] : memref<327680x128xf32, #tpu.memory_space<hbm>> -> memref<128x128xf32, #tpu.memory_space<hbm>>
    tpu.wait_dma2 semaphore(%arg37 : memref<!tpu.dma_semaphore, #tpu.memory_space<semaphore_mem>>) src(%arg19 : memref<128x128xf32, #tpu.memory_space<vmem>>) dst(%dma_wait3A_71 : memref<128x128xf32, #tpu.memory_space<hbm>>)
    %dma_wait3A_72 = arith.constant 0 : i32
    %dma_wait3A_73 = tpu.memref_slice %arg6[%add3A_32, %dma_wait3A_72] : memref<327680x128xf32, #tpu.memory_space<hbm>> -> memref<128x128xf32, #tpu.memory_space<hbm>>
    %dma_wait3A_74 = arith.constant 0 : i32
    %dma_wait3A_75 = tpu.memref_slice %arg6[%add3A_32, %dma_wait3A_74] : memref<327680x128xf32, #tpu.memory_space<hbm>> -> memref<128x128xf32, #tpu.memory_space<hbm>>
    tpu.wait_dma2 semaphore(%arg32 : memref<!tpu.dma_semaphore, #tpu.memory_space<semaphore_mem>>) src(%arg14 : memref<128x128xf32, #tpu.memory_space<vmem>>) dst(%dma_wait3A_75 : memref<128x128xf32, #tpu.memory_space<hbm>>)
    %dma_wait3A_76 = arith.constant 0 : i32
    %dma_wait3A_77 = tpu.memref_slice %arg7[%add3A_32, %dma_wait3A_76] : memref<327680x128xf32, #tpu.memory_space<hbm>> -> memref<128x128xf32, #tpu.memory_space<hbm>>
    %dma_wait3A_78 = arith.constant 0 : i32
    %dma_wait3A_79 = tpu.memref_slice %arg7[%add3A_32, %dma_wait3A_78] : memref<327680x128xf32, #tpu.memory_space<hbm>> -> memref<128x128xf32, #tpu.memory_space<hbm>>
    tpu.wait_dma2 semaphore(%arg33 : memref<!tpu.dma_semaphore, #tpu.memory_space<semaphore_mem>>) src(%arg15 : memref<128x128xf32, #tpu.memory_space<vmem>>) dst(%dma_wait3A_79 : memref<128x128xf32, #tpu.memory_space<hbm>>)
    %dma_wait3A_80 = arith.constant 0 : i32
    %dma_wait3A_81 = tpu.memref_slice %arg6[%add3A_47, %dma_wait3A_80] : memref<327680x128xf32, #tpu.memory_space<hbm>> -> memref<128x128xf32, #tpu.memory_space<hbm>>
    %dma_wait3A_82 = arith.constant 0 : i32
    %dma_wait3A_83 = tpu.memref_slice %arg6[%add3A_47, %dma_wait3A_82] : memref<327680x128xf32, #tpu.memory_space<hbm>> -> memref<128x128xf32, #tpu.memory_space<hbm>>
    tpu.wait_dma2 semaphore(%arg34 : memref<!tpu.dma_semaphore, #tpu.memory_space<semaphore_mem>>) src(%arg16 : memref<128x128xf32, #tpu.memory_space<vmem>>) dst(%dma_wait3A_83 : memref<128x128xf32, #tpu.memory_space<hbm>>)
    %dma_wait3A_84 = arith.constant 0 : i32
    %dma_wait3A_85 = tpu.memref_slice %arg7[%add3A_47, %dma_wait3A_84] : memref<327680x128xf32, #tpu.memory_space<hbm>> -> memref<128x128xf32, #tpu.memory_space<hbm>>
    %dma_wait3A_86 = arith.constant 0 : i32
    %dma_wait3A_87 = tpu.memref_slice %arg7[%add3A_47, %dma_wait3A_86] : memref<327680x128xf32, #tpu.memory_space<hbm>> -> memref<128x128xf32, #tpu.memory_space<hbm>>
    tpu.wait_dma2 semaphore(%arg35 : memref<!tpu.dma_semaphore, #tpu.memory_space<semaphore_mem>>) src(%arg17 : memref<128x128xf32, #tpu.memory_space<vmem>>) dst(%dma_wait3A_87 : memref<128x128xf32, #tpu.memory_space<hbm>>)
    return
  }
}

#map = affine_map<(d0, d1) -> (0, 0)>
#map1 = affine_map<(d0, d1) -> (0)>
#map2 = affine_map<(d0, d1) -> (0, 0, 0)>
module attributes {stable_mosaic.version = 14 : i64} {
  func.func @k(%arg0: i32, %arg1: i32, %arg2: memref<327680x128xf32, #tpu.memory_space<hbm>>, %arg3: memref<327680xi32, #tpu.memory_space<hbm>>, %arg4: memref<624x128xf32, #tpu.memory_space<hbm>>, %arg5: memref<2x10000x128xf32, #tpu.memory_space<hbm>>, %arg6: memref<128xi32, #tpu.memory_space<vmem>>, %arg7: memref<128xi32, #tpu.memory_space<vmem>>, %arg8: memref<128x128xf32, #tpu.memory_space<vmem>>, %arg9: memref<128x128xf32, #tpu.memory_space<vmem>>, %arg10: memref<!tpu.dma_semaphore, #tpu.memory_space<semaphore_mem>>, %arg11: memref<!tpu.dma_semaphore, #tpu.memory_space<semaphore_mem>>, %arg12: memref<!tpu.dma_semaphore, #tpu.memory_space<semaphore_mem>>, %arg13: memref<!tpu.dma_semaphore, #tpu.memory_space<semaphore_mem>>, %arg14: memref<10016x128xf32, #tpu.memory_space<vmem_shared>>) attributes {dimension_semantics = [#tpu.dimension_semantics<core_parallel>, #tpu.dimension_semantics<subcore_parallel>], iteration_bounds = array<i64: 2, 16>, scalar_prefetch = 0 : i64, scratch_operands = 9 : i64, tpu.core_type = #tpu.core_type<sc_vector_subcore>, window_params = [{transform_indices = #map}, {transform_indices = #map1}, {transform_indices = #map}, {transform_indices = #map2}]} {
    %mul3A = arith.constant 2 : i32
    %mul3A_0 = arith.muli %arg1, %mul3A : i32
    %add3A = arith.addi %mul3A_0, %arg0 : i32
    %mul3A_1 = arith.constant 10240 : i32
    %mul3A_2 = arith.muli %add3A, %mul3A_1 : i32
    %dma_start3A = tpu.memref_slice %arg3[%mul3A_2] : memref<327680xi32, #tpu.memory_space<hbm>> -> memref<128xi32, #tpu.memory_space<hbm>>
    %dma_start3A_3 = tpu.memref_slice %arg3[%mul3A_2] : memref<327680xi32, #tpu.memory_space<hbm>> -> memref<128xi32, #tpu.memory_space<hbm>>
    tpu.enqueue_dma source(%dma_start3A_3 : memref<128xi32, #tpu.memory_space<hbm>>) target(%arg6 : memref<128xi32, #tpu.memory_space<vmem>>) target_semaphore(%arg10 : memref<!tpu.dma_semaphore, #tpu.memory_space<semaphore_mem>>)
    %dma_start3A_4 = arith.constant 0 : i32
    %dma_start3A_5 = tpu.memref_slice %arg2[%mul3A_2, %dma_start3A_4] : memref<327680x128xf32, #tpu.memory_space<hbm>> -> memref<128x128xf32, #tpu.memory_space<hbm>>
    %dma_start3A_6 = arith.constant 0 : i32
    %dma_start3A_7 = tpu.memref_slice %arg2[%mul3A_2, %dma_start3A_6] : memref<327680x128xf32, #tpu.memory_space<hbm>> -> memref<128x128xf32, #tpu.memory_space<hbm>>
    tpu.enqueue_dma source(%dma_start3A_7 : memref<128x128xf32, #tpu.memory_space<hbm>>) target(%arg8 : memref<128x128xf32, #tpu.memory_space<vmem>>) target_semaphore(%arg11 : memref<!tpu.dma_semaphore, #tpu.memory_space<semaphore_mem>>)
    %mul3A_8 = arith.constant 624 : i32
    %mul3A_9 = arith.muli %arg1, %mul3A_8 : i32
    "tpu.region"() ({
      %run_scoped3A = tpu.sem_alloc : memref<!tpu.dma_semaphore, #tpu.memory_space<semaphore_mem>>
      %dma_start3A_27 = arith.constant 0 : i32
      %dma_start3A_28 = tpu.memref_slice %arg14[%mul3A_9, %dma_start3A_27] : memref<10016x128xf32, #tpu.memory_space<vmem_shared>> -> memref<624x128xf32, #tpu.memory_space<vmem_shared>>
      tpu.enqueue_dma source(%arg4 : memref<624x128xf32, #tpu.memory_space<hbm>>) target(%dma_start3A_28 : memref<624x128xf32, #tpu.memory_space<vmem_shared>>) target_semaphore(%run_scoped3A : memref<!tpu.dma_semaphore, #tpu.memory_space<semaphore_mem>>)
      %dma_wait3A = arith.constant 0 : i32
      %dma_wait3A_29 = tpu.memref_slice %arg14[%mul3A_9, %dma_wait3A] : memref<10016x128xf32, #tpu.memory_space<vmem_shared>> -> memref<624x128xf32, #tpu.memory_space<vmem_shared>>
      tpu.wait_dma2 semaphore(%run_scoped3A : memref<!tpu.dma_semaphore, #tpu.memory_space<semaphore_mem>>) src(%arg4 : memref<624x128xf32, #tpu.memory_space<hbm>>) dst(%dma_wait3A_29 : memref<624x128xf32, #tpu.memory_space<vmem_shared>>)
      tpu.yield
    }) : () -> ()
    %eq3A = arith.constant 15 : i32
    %eq3A_10 = arith.cmpi eq, %arg1, %eq3A : i32
    %convert_element_type3A = arith.extui %eq3A_10 : i1 to i32
    %cond3A = arith.constant 0 : i32
    %cond3A_11 = arith.cmpi ne, %convert_element_type3A, %cond3A : i32
    scf.if %cond3A_11 {
      "tpu.region"() ({
        %run_scoped3A = tpu.sem_alloc : memref<!tpu.dma_semaphore, #tpu.memory_space<semaphore_mem>>
        %dma_start3A_27 = arith.constant 9984 : i32
        %dma_start3A_28 = arith.constant 0 : i32
        %dma_start3A_29 = tpu.memref_slice %arg14[%dma_start3A_27, %dma_start3A_28] : memref<10016x128xf32, #tpu.memory_space<vmem_shared>> -> memref<16x128xf32, #tpu.memory_space<vmem_shared>>
        %dma_start3A_30 = arith.constant 0 : i32
        %dma_start3A_31 = arith.constant 0 : i32
        %dma_start3A_32 = tpu.memref_slice %arg4[%dma_start3A_30, %dma_start3A_31] : memref<624x128xf32, #tpu.memory_space<hbm>> -> memref<16x128xf32, #tpu.memory_space<hbm>>
        tpu.enqueue_dma source(%dma_start3A_32 : memref<16x128xf32, #tpu.memory_space<hbm>>) target(%dma_start3A_29 : memref<16x128xf32, #tpu.memory_space<vmem_shared>>) target_semaphore(%run_scoped3A : memref<!tpu.dma_semaphore, #tpu.memory_space<semaphore_mem>>)
        %dma_wait3A = arith.constant 9984 : i32
        %dma_wait3A_33 = arith.constant 0 : i32
        %dma_wait3A_34 = tpu.memref_slice %arg14[%dma_wait3A, %dma_wait3A_33] : memref<10016x128xf32, #tpu.memory_space<vmem_shared>> -> memref<16x128xf32, #tpu.memory_space<vmem_shared>>
        %dma_wait3A_35 = arith.constant 0 : i32
        %dma_wait3A_36 = arith.constant 0 : i32
        %dma_wait3A_37 = tpu.memref_slice %arg4[%dma_wait3A_35, %dma_wait3A_36] : memref<624x128xf32, #tpu.memory_space<hbm>> -> memref<16x128xf32, #tpu.memory_space<hbm>>
        tpu.wait_dma2 semaphore(%run_scoped3A : memref<!tpu.dma_semaphore, #tpu.memory_space<semaphore_mem>>) src(%dma_wait3A_37 : memref<16x128xf32, #tpu.memory_space<hbm>>) dst(%dma_wait3A_34 : memref<16x128xf32, #tpu.memory_space<vmem_shared>>)
        tpu.yield
      }) : () -> ()
    } else {
    }
    %barrier3A = arith.constant 0 : index
    tpu.barrier barrier_id(%barrier3A)
    %scan3A = arith.constant 0 : i32
    %scan3A_12 = arith.constant 0 : i32
    %scan3A_13 = arith.constant 80 : i32
    %scan3A_14 = arith.addi %scan3A_12, %scan3A_13 : i32
    %scan3A_15 = arith.constant 1 : i32
    scf.for %scan3A_27 = %scan3A_12 to %scan3A_14 step %scan3A_15  : i32 {
      %jit3A = arith.constant 2 : i32
      %eq3A_28 = arith.constant 0 : i32
      %eq3A_29 = arith.cmpi eq, %jit3A, %eq3A_28 : i32
      %jit3A_30 = arith.constant 1 : i32
      %select_n3A = arith.select %eq3A_29, %jit3A_30, %jit3A : i32
      %rem3A = arith.remsi %scan3A_27, %select_n3A : i32
      %ne3A = arith.constant 0 : i32
      %ne3A_31 = arith.cmpi ne, %rem3A, %ne3A : i32
      %lt3A = arith.constant 0 : i32
      %lt3A_32 = arith.cmpi slt, %rem3A, %lt3A : i32
      %lt3A_33 = arith.constant 0 : i32
      %lt3A_34 = arith.cmpi slt, %select_n3A, %lt3A_33 : i32
      %ne3A_35 = arith.xori %lt3A_32, %lt3A_34 : i1
      %and3A = arith.andi %ne3A_35, %ne3A_31 : i1
      %add3A_36 = arith.addi %rem3A, %select_n3A : i32
      %select_n3A_37 = arith.select %and3A, %add3A_36, %rem3A : i32
      %eq3A_38 = arith.constant 0 : i32
      %eq3A_39 = arith.cmpi eq, %select_n3A_37, %eq3A_38 : i32
      %convert_element_type3A_40 = arith.extui %eq3A_39 : i1 to i32
      %cond3A_41 = arith.constant 0 : i32
      %cond3A_42 = arith.cmpi ne, %convert_element_type3A_40, %cond3A_41 : i32
      scf.if %cond3A_42 {
        %mul3A_64 = arith.constant 128 : i32
        %mul3A_65 = arith.muli %scan3A_27, %mul3A_64 : i32
        %add3A_66 = arith.addi %mul3A_2, %mul3A_65 : i32
        %dma_wait3A = tpu.memref_slice %arg3[%add3A_66] : memref<327680xi32, #tpu.memory_space<hbm>> -> memref<128xi32, #tpu.memory_space<hbm>>
        %dma_wait3A_67 = tpu.memref_slice %arg3[%add3A_66] : memref<327680xi32, #tpu.memory_space<hbm>> -> memref<128xi32, #tpu.memory_space<hbm>>
        tpu.wait_dma2 semaphore(%arg10 : memref<!tpu.dma_semaphore, #tpu.memory_space<semaphore_mem>>) src(%dma_wait3A_67 : memref<128xi32, #tpu.memory_space<hbm>>) dst(%arg6 : memref<128xi32, #tpu.memory_space<vmem>>)
        %dma_wait3A_68 = arith.constant 0 : i32
        %dma_wait3A_69 = tpu.memref_slice %arg2[%add3A_66, %dma_wait3A_68] : memref<327680x128xf32, #tpu.memory_space<hbm>> -> memref<128x128xf32, #tpu.memory_space<hbm>>
        %dma_wait3A_70 = arith.constant 0 : i32
        %dma_wait3A_71 = tpu.memref_slice %arg2[%add3A_66, %dma_wait3A_70] : memref<327680x128xf32, #tpu.memory_space<hbm>> -> memref<128x128xf32, #tpu.memory_space<hbm>>
        tpu.wait_dma2 semaphore(%arg11 : memref<!tpu.dma_semaphore, #tpu.memory_space<semaphore_mem>>) src(%dma_wait3A_71 : memref<128x128xf32, #tpu.memory_space<hbm>>) dst(%arg8 : memref<128x128xf32, #tpu.memory_space<vmem>>)
        %add3A_72 = arith.constant 1 : i32
        %add3A_73 = arith.addi %scan3A_27, %add3A_72 : i32
        %lt3A_74 = arith.constant 80 : i32
        %lt3A_75 = arith.cmpi slt, %add3A_73, %lt3A_74 : i32
        %convert_element_type3A_76 = arith.extui %lt3A_75 : i1 to i32
        %cond3A_77 = arith.constant 0 : i32
        %cond3A_78 = arith.cmpi ne, %convert_element_type3A_76, %cond3A_77 : i32
        scf.if %cond3A_78 {
          %add3A_79 = arith.constant 1 : i32
          %add3A_80 = arith.addi %scan3A_27, %add3A_79 : i32
          %mul3A_81 = arith.constant 128 : i32
          %mul3A_82 = arith.muli %add3A_80, %mul3A_81 : i32
          %add3A_83 = arith.addi %mul3A_2, %mul3A_82 : i32
          %dma_start3A_84 = tpu.memref_slice %arg3[%add3A_83] : memref<327680xi32, #tpu.memory_space<hbm>> -> memref<128xi32, #tpu.memory_space<hbm>>
          %dma_start3A_85 = tpu.memref_slice %arg3[%add3A_83] : memref<327680xi32, #tpu.memory_space<hbm>> -> memref<128xi32, #tpu.memory_space<hbm>>
          tpu.enqueue_dma source(%dma_start3A_85 : memref<128xi32, #tpu.memory_space<hbm>>) target(%arg7 : memref<128xi32, #tpu.memory_space<vmem>>) target_semaphore(%arg12 : memref<!tpu.dma_semaphore, #tpu.memory_space<semaphore_mem>>)
          %dma_start3A_86 = arith.constant 0 : i32
          %dma_start3A_87 = tpu.memref_slice %arg2[%add3A_83, %dma_start3A_86] : memref<327680x128xf32, #tpu.memory_space<hbm>> -> memref<128x128xf32, #tpu.memory_space<hbm>>
          %dma_start3A_88 = arith.constant 0 : i32
          %dma_start3A_89 = tpu.memref_slice %arg2[%add3A_83, %dma_start3A_88] : memref<327680x128xf32, #tpu.memory_space<hbm>> -> memref<128x128xf32, #tpu.memory_space<hbm>>
          tpu.enqueue_dma source(%dma_start3A_89 : memref<128x128xf32, #tpu.memory_space<hbm>>) target(%arg9 : memref<128x128xf32, #tpu.memory_space<vmem>>) target_semaphore(%arg13 : memref<!tpu.dma_semaphore, #tpu.memory_space<semaphore_mem>>)
        } else {
        }
        "tpu.region"() ({
          %run_scoped3A = tpu.sem_alloc : memref<!tpu.dma_semaphore, #tpu.memory_space<semaphore_mem>>
          %dma_start3A_79 = arith.constant 0 : i32
          %dma_start3A_80 = arith.constant 0 : i32
          %dma_start3A_81 = tpu.memref_slice %arg14[%dma_start3A_79, %dma_start3A_80] : memref<10016x128xf32, #tpu.memory_space<vmem_shared>> -> memref<10016x128xf32, #tpu.memory_space<vmem_shared>>
          tpu.enqueue_indirect_dma source(%arg8 : memref<128x128xf32, #tpu.memory_space<vmem>>) target(%dma_start3A_81 : memref<10016x128xf32, #tpu.memory_space<vmem_shared>>) offsets(%arg6 : memref<128xi32, #tpu.memory_space<vmem>>) semaphore(%run_scoped3A : memref<!tpu.dma_semaphore, #tpu.memory_space<semaphore_mem>>) {add = true}
          %dma_wait3A_82 = arith.constant 0 : i32
          %dma_wait3A_83 = arith.constant 0 : i32
          %dma_wait3A_84 = tpu.memref_slice %arg14[%dma_wait3A_82, %dma_wait3A_83] : memref<10016x128xf32, #tpu.memory_space<vmem_shared>> -> memref<10016x128xf32, #tpu.memory_space<vmem_shared>>
          tpu.wait_indirect_dma semaphore(%run_scoped3A : memref<!tpu.dma_semaphore, #tpu.memory_space<semaphore_mem>>) src(%arg8 : memref<128x128xf32, #tpu.memory_space<vmem>>) dst(%dma_wait3A_84 : memref<10016x128xf32, #tpu.memory_space<vmem_shared>>)
          tpu.yield
        }) : () -> ()
      } else {
      }
      %jit3A_43 = arith.constant 2 : i32
      %eq3A_44 = arith.constant 0 : i32
      %eq3A_45 = arith.cmpi eq, %jit3A_43, %eq3A_44 : i32
      %jit3A_46 = arith.constant 1 : i32
      %select_n3A_47 = arith.select %eq3A_45, %jit3A_46, %jit3A_43 : i32
      %rem3A_48 = arith.remsi %scan3A_27, %select_n3A_47 : i32
      %ne3A_49 = arith.constant 0 : i32
      %ne3A_50 = arith.cmpi ne, %rem3A_48, %ne3A_49 : i32
      %lt3A_51 = arith.constant 0 : i32
      %lt3A_52 = arith.cmpi slt, %rem3A_48, %lt3A_51 : i32
      %lt3A_53 = arith.constant 0 : i32
      %lt3A_54 = arith.cmpi slt, %select_n3A_47, %lt3A_53 : i32
      %ne3A_55 = arith.xori %lt3A_52, %lt3A_54 : i1
      %and3A_56 = arith.andi %ne3A_55, %ne3A_50 : i1
      %add3A_57 = arith.addi %rem3A_48, %select_n3A_47 : i32
      %select_n3A_58 = arith.select %and3A_56, %add3A_57, %rem3A_48 : i32
      %eq3A_59 = arith.constant 1 : i32
      %eq3A_60 = arith.cmpi eq, %select_n3A_58, %eq3A_59 : i32
      %convert_element_type3A_61 = arith.extui %eq3A_60 : i1 to i32
      %cond3A_62 = arith.constant 0 : i32
      %cond3A_63 = arith.cmpi ne, %convert_element_type3A_61, %cond3A_62 : i32
      scf.if %cond3A_63 {
        %mul3A_64 = arith.constant 128 : i32
        %mul3A_65 = arith.muli %scan3A_27, %mul3A_64 : i32
        %add3A_66 = arith.addi %mul3A_2, %mul3A_65 : i32
        %dma_wait3A = tpu.memref_slice %arg3[%add3A_66] : memref<327680xi32, #tpu.memory_space<hbm>> -> memref<128xi32, #tpu.memory_space<hbm>>
        %dma_wait3A_67 = tpu.memref_slice %arg3[%add3A_66] : memref<327680xi32, #tpu.memory_space<hbm>> -> memref<128xi32, #tpu.memory_space<hbm>>
        tpu.wait_dma2 semaphore(%arg12 : memref<!tpu.dma_semaphore, #tpu.memory_space<semaphore_mem>>) src(%dma_wait3A_67 : memref<128xi32, #tpu.memory_space<hbm>>) dst(%arg7 : memref<128xi32, #tpu.memory_space<vmem>>)
        %dma_wait3A_68 = arith.constant 0 : i32
        %dma_wait3A_69 = tpu.memref_slice %arg2[%add3A_66, %dma_wait3A_68] : memref<327680x128xf32, #tpu.memory_space<hbm>> -> memref<128x128xf32, #tpu.memory_space<hbm>>
        %dma_wait3A_70 = arith.constant 0 : i32
        %dma_wait3A_71 = tpu.memref_slice %arg2[%add3A_66, %dma_wait3A_70] : memref<327680x128xf32, #tpu.memory_space<hbm>> -> memref<128x128xf32, #tpu.memory_space<hbm>>
        tpu.wait_dma2 semaphore(%arg13 : memref<!tpu.dma_semaphore, #tpu.memory_space<semaphore_mem>>) src(%dma_wait3A_71 : memref<128x128xf32, #tpu.memory_space<hbm>>) dst(%arg9 : memref<128x128xf32, #tpu.memory_space<vmem>>)
        %add3A_72 = arith.constant 1 : i32
        %add3A_73 = arith.addi %scan3A_27, %add3A_72 : i32
        %lt3A_74 = arith.constant 80 : i32
        %lt3A_75 = arith.cmpi slt, %add3A_73, %lt3A_74 : i32
        %convert_element_type3A_76 = arith.extui %lt3A_75 : i1 to i32
        %cond3A_77 = arith.constant 0 : i32
        %cond3A_78 = arith.cmpi ne, %convert_element_type3A_76, %cond3A_77 : i32
        scf.if %cond3A_78 {
          %add3A_79 = arith.constant 1 : i32
          %add3A_80 = arith.addi %scan3A_27, %add3A_79 : i32
          %mul3A_81 = arith.constant 128 : i32
          %mul3A_82 = arith.muli %add3A_80, %mul3A_81 : i32
          %add3A_83 = arith.addi %mul3A_2, %mul3A_82 : i32
          %dma_start3A_84 = tpu.memref_slice %arg3[%add3A_83] : memref<327680xi32, #tpu.memory_space<hbm>> -> memref<128xi32, #tpu.memory_space<hbm>>
          %dma_start3A_85 = tpu.memref_slice %arg3[%add3A_83] : memref<327680xi32, #tpu.memory_space<hbm>> -> memref<128xi32, #tpu.memory_space<hbm>>
          tpu.enqueue_dma source(%dma_start3A_85 : memref<128xi32, #tpu.memory_space<hbm>>) target(%arg6 : memref<128xi32, #tpu.memory_space<vmem>>) target_semaphore(%arg10 : memref<!tpu.dma_semaphore, #tpu.memory_space<semaphore_mem>>)
          %dma_start3A_86 = arith.constant 0 : i32
          %dma_start3A_87 = tpu.memref_slice %arg2[%add3A_83, %dma_start3A_86] : memref<327680x128xf32, #tpu.memory_space<hbm>> -> memref<128x128xf32, #tpu.memory_space<hbm>>
          %dma_start3A_88 = arith.constant 0 : i32
          %dma_start3A_89 = tpu.memref_slice %arg2[%add3A_83, %dma_start3A_88] : memref<327680x128xf32, #tpu.memory_space<hbm>> -> memref<128x128xf32, #tpu.memory_space<hbm>>
          tpu.enqueue_dma source(%dma_start3A_89 : memref<128x128xf32, #tpu.memory_space<hbm>>) target(%arg8 : memref<128x128xf32, #tpu.memory_space<vmem>>) target_semaphore(%arg11 : memref<!tpu.dma_semaphore, #tpu.memory_space<semaphore_mem>>)
        } else {
        }
        "tpu.region"() ({
          %run_scoped3A = tpu.sem_alloc : memref<!tpu.dma_semaphore, #tpu.memory_space<semaphore_mem>>
          %dma_start3A_79 = arith.constant 0 : i32
          %dma_start3A_80 = arith.constant 0 : i32
          %dma_start3A_81 = tpu.memref_slice %arg14[%dma_start3A_79, %dma_start3A_80] : memref<10016x128xf32, #tpu.memory_space<vmem_shared>> -> memref<10016x128xf32, #tpu.memory_space<vmem_shared>>
          tpu.enqueue_indirect_dma source(%arg9 : memref<128x128xf32, #tpu.memory_space<vmem>>) target(%dma_start3A_81 : memref<10016x128xf32, #tpu.memory_space<vmem_shared>>) offsets(%arg7 : memref<128xi32, #tpu.memory_space<vmem>>) semaphore(%run_scoped3A : memref<!tpu.dma_semaphore, #tpu.memory_space<semaphore_mem>>) {add = true}
          %dma_wait3A_82 = arith.constant 0 : i32
          %dma_wait3A_83 = arith.constant 0 : i32
          %dma_wait3A_84 = tpu.memref_slice %arg14[%dma_wait3A_82, %dma_wait3A_83] : memref<10016x128xf32, #tpu.memory_space<vmem_shared>> -> memref<10016x128xf32, #tpu.memory_space<vmem_shared>>
          tpu.wait_indirect_dma semaphore(%run_scoped3A : memref<!tpu.dma_semaphore, #tpu.memory_space<semaphore_mem>>) src(%arg9 : memref<128x128xf32, #tpu.memory_space<vmem>>) dst(%dma_wait3A_84 : memref<10016x128xf32, #tpu.memory_space<vmem_shared>>)
          tpu.yield
        }) : () -> ()
      } else {
      }
    }
    %scan3A_16 = arith.constant 80 : i32
    %barrier3A_17 = arith.constant 0 : index
    tpu.barrier barrier_id(%barrier3A_17)
    %mul3A_18 = arith.constant 624 : i32
    %mul3A_19 = arith.muli %arg1, %mul3A_18 : i32
    %mul3A_20 = arith.constant 624 : i32
    %mul3A_21 = arith.muli %arg1, %mul3A_20 : i32
    "tpu.region"() ({
      %run_scoped3A = tpu.sem_alloc : memref<!tpu.dma_semaphore, #tpu.memory_space<semaphore_mem>>
      %dma_start3A_27 = arith.constant 0 : i32
      %dma_start3A_28 = tpu.memref_slice %arg5[%arg0, %mul3A_21, %dma_start3A_27] : memref<2x10000x128xf32, #tpu.memory_space<hbm>> -> memref<1x624x128xf32, #tpu.memory_space<hbm>>
      %dma_start3A_29 = tpu.memref_squeeze %dma_start3A_28 : memref<1x624x128xf32, #tpu.memory_space<hbm>> -> memref<624x128xf32, #tpu.memory_space<hbm>>
      %dma_start3A_30 = arith.constant 0 : i32
      %dma_start3A_31 = tpu.memref_slice %arg14[%mul3A_19, %dma_start3A_30] : memref<10016x128xf32, #tpu.memory_space<vmem_shared>> -> memref<624x128xf32, #tpu.memory_space<vmem_shared>>
      tpu.enqueue_dma source(%dma_start3A_31 : memref<624x128xf32, #tpu.memory_space<vmem_shared>>) target(%dma_start3A_29 : memref<624x128xf32, #tpu.memory_space<hbm>>) target_semaphore(%run_scoped3A : memref<!tpu.dma_semaphore, #tpu.memory_space<semaphore_mem>>)
      %dma_wait3A = arith.constant 0 : i32
      %dma_wait3A_32 = tpu.memref_slice %arg5[%arg0, %mul3A_21, %dma_wait3A] : memref<2x10000x128xf32, #tpu.memory_space<hbm>> -> memref<1x624x128xf32, #tpu.memory_space<hbm>>
      %dma_wait3A_33 = tpu.memref_squeeze %dma_wait3A_32 : memref<1x624x128xf32, #tpu.memory_space<hbm>> -> memref<624x128xf32, #tpu.memory_space<hbm>>
      %dma_wait3A_34 = arith.constant 0 : i32
      %dma_wait3A_35 = tpu.memref_slice %arg14[%mul3A_19, %dma_wait3A_34] : memref<10016x128xf32, #tpu.memory_space<vmem_shared>> -> memref<624x128xf32, #tpu.memory_space<vmem_shared>>
      tpu.wait_dma2 semaphore(%run_scoped3A : memref<!tpu.dma_semaphore, #tpu.memory_space<semaphore_mem>>) src(%dma_wait3A_35 : memref<624x128xf32, #tpu.memory_space<vmem_shared>>) dst(%dma_wait3A_33 : memref<624x128xf32, #tpu.memory_space<hbm>>)
      tpu.yield
    }) : () -> ()
    %eq3A_22 = arith.constant 15 : i32
    %eq3A_23 = arith.cmpi eq, %arg1, %eq3A_22 : i32
    %convert_element_type3A_24 = arith.extui %eq3A_23 : i1 to i32
    %cond3A_25 = arith.constant 0 : i32
    %cond3A_26 = arith.cmpi ne, %convert_element_type3A_24, %cond3A_25 : i32
    scf.if %cond3A_26 {
      "tpu.region"() ({
        %run_scoped3A = tpu.sem_alloc : memref<!tpu.dma_semaphore, #tpu.memory_space<semaphore_mem>>
        %dma_start3A_27 = arith.constant 9984 : i32
        %dma_start3A_28 = arith.constant 0 : i32
        %dma_start3A_29 = tpu.memref_slice %arg5[%arg0, %dma_start3A_27, %dma_start3A_28] : memref<2x10000x128xf32, #tpu.memory_space<hbm>> -> memref<1x16x128xf32, #tpu.memory_space<hbm>>
        %dma_start3A_30 = tpu.memref_squeeze %dma_start3A_29 : memref<1x16x128xf32, #tpu.memory_space<hbm>> -> memref<16x128xf32, #tpu.memory_space<hbm>>
        %dma_start3A_31 = arith.constant 9984 : i32
        %dma_start3A_32 = arith.constant 0 : i32
        %dma_start3A_33 = tpu.memref_slice %arg14[%dma_start3A_31, %dma_start3A_32] : memref<10016x128xf32, #tpu.memory_space<vmem_shared>> -> memref<16x128xf32, #tpu.memory_space<vmem_shared>>
        tpu.enqueue_dma source(%dma_start3A_33 : memref<16x128xf32, #tpu.memory_space<vmem_shared>>) target(%dma_start3A_30 : memref<16x128xf32, #tpu.memory_space<hbm>>) target_semaphore(%run_scoped3A : memref<!tpu.dma_semaphore, #tpu.memory_space<semaphore_mem>>)
        %dma_wait3A = arith.constant 9984 : i32
        %dma_wait3A_34 = arith.constant 0 : i32
        %dma_wait3A_35 = tpu.memref_slice %arg5[%arg0, %dma_wait3A, %dma_wait3A_34] : memref<2x10000x128xf32, #tpu.memory_space<hbm>> -> memref<1x16x128xf32, #tpu.memory_space<hbm>>
        %dma_wait3A_36 = tpu.memref_squeeze %dma_wait3A_35 : memref<1x16x128xf32, #tpu.memory_space<hbm>> -> memref<16x128xf32, #tpu.memory_space<hbm>>
        %dma_wait3A_37 = arith.constant 9984 : i32
        %dma_wait3A_38 = arith.constant 0 : i32
        %dma_wait3A_39 = tpu.memref_slice %arg14[%dma_wait3A_37, %dma_wait3A_38] : memref<10016x128xf32, #tpu.memory_space<vmem_shared>> -> memref<16x128xf32, #tpu.memory_space<vmem_shared>>
        tpu.wait_dma2 semaphore(%run_scoped3A : memref<!tpu.dma_semaphore, #tpu.memory_space<semaphore_mem>>) src(%dma_wait3A_39 : memref<16x128xf32, #tpu.memory_space<vmem_shared>>) dst(%dma_wait3A_36 : memref<16x128xf32, #tpu.memory_space<hbm>>)
        tpu.yield
      }) : () -> ()
    } else {
    }
    return
  }
}

#map = affine_map<(d0, d1) -> (0, 0)>
#map1 = affine_map<(d0, d1) -> (0)>
#map2 = affine_map<(d0, d1) -> (0, 0, 0)>
module attributes {stable_mosaic.version = 14 : i64} {
  func.func @k(%arg0: i32, %arg1: i32, %arg2: memref<327680x128xf32, #tpu.memory_space<hbm>>, %arg3: memref<327680xi32, #tpu.memory_space<hbm>>, %arg4: memref<624x128xf32, #tpu.memory_space<hbm>>, %arg5: memref<2x10000x128xf32, #tpu.memory_space<hbm>>, %arg6: memref<128xi32, #tpu.memory_space<vmem>>, %arg7: memref<128xi32, #tpu.memory_space<vmem>>, %arg8: memref<128x128xf32, #tpu.memory_space<vmem>>, %arg9: memref<128x128xf32, #tpu.memory_space<vmem>>, %arg10: memref<!tpu.dma_semaphore, #tpu.memory_space<semaphore_mem>>, %arg11: memref<!tpu.dma_semaphore, #tpu.memory_space<semaphore_mem>>, %arg12: memref<!tpu.dma_semaphore, #tpu.memory_space<semaphore_mem>>, %arg13: memref<!tpu.dma_semaphore, #tpu.memory_space<semaphore_mem>>, %arg14: memref<10016x128xf32, #tpu.memory_space<vmem_shared>>) attributes {dimension_semantics = [#tpu.dimension_semantics<core_parallel>, #tpu.dimension_semantics<subcore_parallel>], iteration_bounds = array<i64: 2, 16>, scalar_prefetch = 0 : i64, scratch_operands = 9 : i64, tpu.core_type = #tpu.core_type<sc_vector_subcore>, window_params = [{transform_indices = #map}, {transform_indices = #map1}, {transform_indices = #map}, {transform_indices = #map2}]} {
    %mul3A = arith.constant 2 : i32
    %mul3A_0 = arith.muli %arg1, %mul3A : i32
    %add3A = arith.addi %mul3A_0, %arg0 : i32
    %mul3A_1 = arith.constant 10240 : i32
    %mul3A_2 = arith.muli %add3A, %mul3A_1 : i32
    %dma_start3A = tpu.memref_slice %arg3[%mul3A_2] : memref<327680xi32, #tpu.memory_space<hbm>> -> memref<128xi32, #tpu.memory_space<hbm>>
    %dma_start3A_3 = tpu.memref_slice %arg3[%mul3A_2] : memref<327680xi32, #tpu.memory_space<hbm>> -> memref<128xi32, #tpu.memory_space<hbm>>
    tpu.enqueue_dma source(%dma_start3A_3 : memref<128xi32, #tpu.memory_space<hbm>>) target(%arg6 : memref<128xi32, #tpu.memory_space<vmem>>) target_semaphore(%arg10 : memref<!tpu.dma_semaphore, #tpu.memory_space<semaphore_mem>>)
    %dma_start3A_4 = arith.constant 0 : i32
    %dma_start3A_5 = tpu.memref_slice %arg2[%mul3A_2, %dma_start3A_4] : memref<327680x128xf32, #tpu.memory_space<hbm>> -> memref<128x128xf32, #tpu.memory_space<hbm>>
    %dma_start3A_6 = arith.constant 0 : i32
    %dma_start3A_7 = tpu.memref_slice %arg2[%mul3A_2, %dma_start3A_6] : memref<327680x128xf32, #tpu.memory_space<hbm>> -> memref<128x128xf32, #tpu.memory_space<hbm>>
    tpu.enqueue_dma source(%dma_start3A_7 : memref<128x128xf32, #tpu.memory_space<hbm>>) target(%arg8 : memref<128x128xf32, #tpu.memory_space<vmem>>) target_semaphore(%arg11 : memref<!tpu.dma_semaphore, #tpu.memory_space<semaphore_mem>>)
    %mul3A_8 = arith.constant 624 : i32
    %mul3A_9 = arith.muli %arg1, %mul3A_8 : i32
    "tpu.region"() ({
      %run_scoped3A = tpu.sem_alloc : memref<!tpu.dma_semaphore, #tpu.memory_space<semaphore_mem>>
      %dma_start3A_27 = arith.constant 0 : i32
      %dma_start3A_28 = tpu.memref_slice %arg14[%mul3A_9, %dma_start3A_27] : memref<10016x128xf32, #tpu.memory_space<vmem_shared>> -> memref<624x128xf32, #tpu.memory_space<vmem_shared>>
      tpu.enqueue_dma source(%arg4 : memref<624x128xf32, #tpu.memory_space<hbm>>) target(%dma_start3A_28 : memref<624x128xf32, #tpu.memory_space<vmem_shared>>) target_semaphore(%run_scoped3A : memref<!tpu.dma_semaphore, #tpu.memory_space<semaphore_mem>>)
      %dma_wait3A = arith.constant 0 : i32
      %dma_wait3A_29 = tpu.memref_slice %arg14[%mul3A_9, %dma_wait3A] : memref<10016x128xf32, #tpu.memory_space<vmem_shared>> -> memref<624x128xf32, #tpu.memory_space<vmem_shared>>
      tpu.wait_dma2 semaphore(%run_scoped3A : memref<!tpu.dma_semaphore, #tpu.memory_space<semaphore_mem>>) src(%arg4 : memref<624x128xf32, #tpu.memory_space<hbm>>) dst(%dma_wait3A_29 : memref<624x128xf32, #tpu.memory_space<vmem_shared>>)
      tpu.yield
    }) : () -> ()
    %eq3A = arith.constant 15 : i32
    %eq3A_10 = arith.cmpi eq, %arg1, %eq3A : i32
    %convert_element_type3A = arith.extui %eq3A_10 : i1 to i32
    %cond3A = arith.constant 0 : i32
    %cond3A_11 = arith.cmpi ne, %convert_element_type3A, %cond3A : i32
    scf.if %cond3A_11 {
      "tpu.region"() ({
        %run_scoped3A = tpu.sem_alloc : memref<!tpu.dma_semaphore, #tpu.memory_space<semaphore_mem>>
        %dma_start3A_27 = arith.constant 9984 : i32
        %dma_start3A_28 = arith.constant 0 : i32
        %dma_start3A_29 = tpu.memref_slice %arg14[%dma_start3A_27, %dma_start3A_28] : memref<10016x128xf32, #tpu.memory_space<vmem_shared>> -> memref<16x128xf32, #tpu.memory_space<vmem_shared>>
        %dma_start3A_30 = arith.constant 0 : i32
        %dma_start3A_31 = arith.constant 0 : i32
        %dma_start3A_32 = tpu.memref_slice %arg4[%dma_start3A_30, %dma_start3A_31] : memref<624x128xf32, #tpu.memory_space<hbm>> -> memref<16x128xf32, #tpu.memory_space<hbm>>
        tpu.enqueue_dma source(%dma_start3A_32 : memref<16x128xf32, #tpu.memory_space<hbm>>) target(%dma_start3A_29 : memref<16x128xf32, #tpu.memory_space<vmem_shared>>) target_semaphore(%run_scoped3A : memref<!tpu.dma_semaphore, #tpu.memory_space<semaphore_mem>>)
        %dma_wait3A = arith.constant 9984 : i32
        %dma_wait3A_33 = arith.constant 0 : i32
        %dma_wait3A_34 = tpu.memref_slice %arg14[%dma_wait3A, %dma_wait3A_33] : memref<10016x128xf32, #tpu.memory_space<vmem_shared>> -> memref<16x128xf32, #tpu.memory_space<vmem_shared>>
        %dma_wait3A_35 = arith.constant 0 : i32
        %dma_wait3A_36 = arith.constant 0 : i32
        %dma_wait3A_37 = tpu.memref_slice %arg4[%dma_wait3A_35, %dma_wait3A_36] : memref<624x128xf32, #tpu.memory_space<hbm>> -> memref<16x128xf32, #tpu.memory_space<hbm>>
        tpu.wait_dma2 semaphore(%run_scoped3A : memref<!tpu.dma_semaphore, #tpu.memory_space<semaphore_mem>>) src(%dma_wait3A_37 : memref<16x128xf32, #tpu.memory_space<hbm>>) dst(%dma_wait3A_34 : memref<16x128xf32, #tpu.memory_space<vmem_shared>>)
        tpu.yield
      }) : () -> ()
    } else {
    }
    %barrier3A = arith.constant 0 : index
    tpu.barrier barrier_id(%barrier3A)
    %scan3A = arith.constant 0 : i32
    %scan3A_12 = arith.constant 0 : i32
    %scan3A_13 = arith.constant 80 : i32
    %scan3A_14 = arith.addi %scan3A_12, %scan3A_13 : i32
    %scan3A_15 = arith.constant 1 : i32
    scf.for %scan3A_27 = %scan3A_12 to %scan3A_14 step %scan3A_15  : i32 {
      %jit3A = arith.constant 2 : i32
      %eq3A_28 = arith.constant 0 : i32
      %eq3A_29 = arith.cmpi eq, %jit3A, %eq3A_28 : i32
      %jit3A_30 = arith.constant 1 : i32
      %select_n3A = arith.select %eq3A_29, %jit3A_30, %jit3A : i32
      %rem3A = arith.remsi %scan3A_27, %select_n3A : i32
      %ne3A = arith.constant 0 : i32
      %ne3A_31 = arith.cmpi ne, %rem3A, %ne3A : i32
      %lt3A = arith.constant 0 : i32
      %lt3A_32 = arith.cmpi slt, %rem3A, %lt3A : i32
      %lt3A_33 = arith.constant 0 : i32
      %lt3A_34 = arith.cmpi slt, %select_n3A, %lt3A_33 : i32
      %ne3A_35 = arith.xori %lt3A_32, %lt3A_34 : i1
      %and3A = arith.andi %ne3A_35, %ne3A_31 : i1
      %add3A_36 = arith.addi %rem3A, %select_n3A : i32
      %select_n3A_37 = arith.select %and3A, %add3A_36, %rem3A : i32
      %eq3A_38 = arith.constant 0 : i32
      %eq3A_39 = arith.cmpi eq, %select_n3A_37, %eq3A_38 : i32
      %convert_element_type3A_40 = arith.extui %eq3A_39 : i1 to i32
      %cond3A_41 = arith.constant 0 : i32
      %cond3A_42 = arith.cmpi ne, %convert_element_type3A_40, %cond3A_41 : i32
      scf.if %cond3A_42 {
        %mul3A_64 = arith.constant 128 : i32
        %mul3A_65 = arith.muli %scan3A_27, %mul3A_64 : i32
        %add3A_66 = arith.addi %mul3A_2, %mul3A_65 : i32
        %dma_wait3A = tpu.memref_slice %arg3[%add3A_66] : memref<327680xi32, #tpu.memory_space<hbm>> -> memref<128xi32, #tpu.memory_space<hbm>>
        %dma_wait3A_67 = tpu.memref_slice %arg3[%add3A_66] : memref<327680xi32, #tpu.memory_space<hbm>> -> memref<128xi32, #tpu.memory_space<hbm>>
        tpu.wait_dma2 semaphore(%arg10 : memref<!tpu.dma_semaphore, #tpu.memory_space<semaphore_mem>>) src(%dma_wait3A_67 : memref<128xi32, #tpu.memory_space<hbm>>) dst(%arg6 : memref<128xi32, #tpu.memory_space<vmem>>)
        %dma_wait3A_68 = arith.constant 0 : i32
        %dma_wait3A_69 = tpu.memref_slice %arg2[%add3A_66, %dma_wait3A_68] : memref<327680x128xf32, #tpu.memory_space<hbm>> -> memref<128x128xf32, #tpu.memory_space<hbm>>
        %dma_wait3A_70 = arith.constant 0 : i32
        %dma_wait3A_71 = tpu.memref_slice %arg2[%add3A_66, %dma_wait3A_70] : memref<327680x128xf32, #tpu.memory_space<hbm>> -> memref<128x128xf32, #tpu.memory_space<hbm>>
        tpu.wait_dma2 semaphore(%arg11 : memref<!tpu.dma_semaphore, #tpu.memory_space<semaphore_mem>>) src(%dma_wait3A_71 : memref<128x128xf32, #tpu.memory_space<hbm>>) dst(%arg8 : memref<128x128xf32, #tpu.memory_space<vmem>>)
        %add3A_72 = arith.constant 1 : i32
        %add3A_73 = arith.addi %scan3A_27, %add3A_72 : i32
        %lt3A_74 = arith.constant 80 : i32
        %lt3A_75 = arith.cmpi slt, %add3A_73, %lt3A_74 : i32
        %convert_element_type3A_76 = arith.extui %lt3A_75 : i1 to i32
        %cond3A_77 = arith.constant 0 : i32
        %cond3A_78 = arith.cmpi ne, %convert_element_type3A_76, %cond3A_77 : i32
        scf.if %cond3A_78 {
          %add3A_79 = arith.constant 1 : i32
          %add3A_80 = arith.addi %scan3A_27, %add3A_79 : i32
          %mul3A_81 = arith.constant 128 : i32
          %mul3A_82 = arith.muli %add3A_80, %mul3A_81 : i32
          %add3A_83 = arith.addi %mul3A_2, %mul3A_82 : i32
          %dma_start3A_84 = tpu.memref_slice %arg3[%add3A_83] : memref<327680xi32, #tpu.memory_space<hbm>> -> memref<128xi32, #tpu.memory_space<hbm>>
          %dma_start3A_85 = tpu.memref_slice %arg3[%add3A_83] : memref<327680xi32, #tpu.memory_space<hbm>> -> memref<128xi32, #tpu.memory_space<hbm>>
          tpu.enqueue_dma source(%dma_start3A_85 : memref<128xi32, #tpu.memory_space<hbm>>) target(%arg7 : memref<128xi32, #tpu.memory_space<vmem>>) target_semaphore(%arg12 : memref<!tpu.dma_semaphore, #tpu.memory_space<semaphore_mem>>)
          %dma_start3A_86 = arith.constant 0 : i32
          %dma_start3A_87 = tpu.memref_slice %arg2[%add3A_83, %dma_start3A_86] : memref<327680x128xf32, #tpu.memory_space<hbm>> -> memref<128x128xf32, #tpu.memory_space<hbm>>
          %dma_start3A_88 = arith.constant 0 : i32
          %dma_start3A_89 = tpu.memref_slice %arg2[%add3A_83, %dma_start3A_88] : memref<327680x128xf32, #tpu.memory_space<hbm>> -> memref<128x128xf32, #tpu.memory_space<hbm>>
          tpu.enqueue_dma source(%dma_start3A_89 : memref<128x128xf32, #tpu.memory_space<hbm>>) target(%arg9 : memref<128x128xf32, #tpu.memory_space<vmem>>) target_semaphore(%arg13 : memref<!tpu.dma_semaphore, #tpu.memory_space<semaphore_mem>>)
        } else {
        }
        "tpu.region"() ({
          %run_scoped3A = tpu.sem_alloc : memref<!tpu.dma_semaphore, #tpu.memory_space<semaphore_mem>>
          %dma_start3A_79 = arith.constant 0 : i32
          %dma_start3A_80 = arith.constant 0 : i32
          %dma_start3A_81 = tpu.memref_slice %arg14[%dma_start3A_79, %dma_start3A_80] : memref<10016x128xf32, #tpu.memory_space<vmem_shared>> -> memref<10016x128xf32, #tpu.memory_space<vmem_shared>>
          tpu.enqueue_indirect_dma source(%arg8 : memref<128x128xf32, #tpu.memory_space<vmem>>) target(%dma_start3A_81 : memref<10016x128xf32, #tpu.memory_space<vmem_shared>>) offsets(%arg6 : memref<128xi32, #tpu.memory_space<vmem>>) semaphore(%run_scoped3A : memref<!tpu.dma_semaphore, #tpu.memory_space<semaphore_mem>>) {add = true}
          %dma_wait3A_82 = arith.constant 0 : i32
          %dma_wait3A_83 = arith.constant 0 : i32
          %dma_wait3A_84 = tpu.memref_slice %arg14[%dma_wait3A_82, %dma_wait3A_83] : memref<10016x128xf32, #tpu.memory_space<vmem_shared>> -> memref<10016x128xf32, #tpu.memory_space<vmem_shared>>
          tpu.wait_indirect_dma semaphore(%run_scoped3A : memref<!tpu.dma_semaphore, #tpu.memory_space<semaphore_mem>>) src(%arg8 : memref<128x128xf32, #tpu.memory_space<vmem>>) dst(%dma_wait3A_84 : memref<10016x128xf32, #tpu.memory_space<vmem_shared>>)
          tpu.yield
        }) : () -> ()
      } else {
      }
      %jit3A_43 = arith.constant 2 : i32
      %eq3A_44 = arith.constant 0 : i32
      %eq3A_45 = arith.cmpi eq, %jit3A_43, %eq3A_44 : i32
      %jit3A_46 = arith.constant 1 : i32
      %select_n3A_47 = arith.select %eq3A_45, %jit3A_46, %jit3A_43 : i32
      %rem3A_48 = arith.remsi %scan3A_27, %select_n3A_47 : i32
      %ne3A_49 = arith.constant 0 : i32
      %ne3A_50 = arith.cmpi ne, %rem3A_48, %ne3A_49 : i32
      %lt3A_51 = arith.constant 0 : i32
      %lt3A_52 = arith.cmpi slt, %rem3A_48, %lt3A_51 : i32
      %lt3A_53 = arith.constant 0 : i32
      %lt3A_54 = arith.cmpi slt, %select_n3A_47, %lt3A_53 : i32
      %ne3A_55 = arith.xori %lt3A_52, %lt3A_54 : i1
      %and3A_56 = arith.andi %ne3A_55, %ne3A_50 : i1
      %add3A_57 = arith.addi %rem3A_48, %select_n3A_47 : i32
      %select_n3A_58 = arith.select %and3A_56, %add3A_57, %rem3A_48 : i32
      %eq3A_59 = arith.constant 1 : i32
      %eq3A_60 = arith.cmpi eq, %select_n3A_58, %eq3A_59 : i32
      %convert_element_type3A_61 = arith.extui %eq3A_60 : i1 to i32
      %cond3A_62 = arith.constant 0 : i32
      %cond3A_63 = arith.cmpi ne, %convert_element_type3A_61, %cond3A_62 : i32
      scf.if %cond3A_63 {
        %mul3A_64 = arith.constant 128 : i32
        %mul3A_65 = arith.muli %scan3A_27, %mul3A_64 : i32
        %add3A_66 = arith.addi %mul3A_2, %mul3A_65 : i32
        %dma_wait3A = tpu.memref_slice %arg3[%add3A_66] : memref<327680xi32, #tpu.memory_space<hbm>> -> memref<128xi32, #tpu.memory_space<hbm>>
        %dma_wait3A_67 = tpu.memref_slice %arg3[%add3A_66] : memref<327680xi32, #tpu.memory_space<hbm>> -> memref<128xi32, #tpu.memory_space<hbm>>
        tpu.wait_dma2 semaphore(%arg12 : memref<!tpu.dma_semaphore, #tpu.memory_space<semaphore_mem>>) src(%dma_wait3A_67 : memref<128xi32, #tpu.memory_space<hbm>>) dst(%arg7 : memref<128xi32, #tpu.memory_space<vmem>>)
        %dma_wait3A_68 = arith.constant 0 : i32
        %dma_wait3A_69 = tpu.memref_slice %arg2[%add3A_66, %dma_wait3A_68] : memref<327680x128xf32, #tpu.memory_space<hbm>> -> memref<128x128xf32, #tpu.memory_space<hbm>>
        %dma_wait3A_70 = arith.constant 0 : i32
        %dma_wait3A_71 = tpu.memref_slice %arg2[%add3A_66, %dma_wait3A_70] : memref<327680x128xf32, #tpu.memory_space<hbm>> -> memref<128x128xf32, #tpu.memory_space<hbm>>
        tpu.wait_dma2 semaphore(%arg13 : memref<!tpu.dma_semaphore, #tpu.memory_space<semaphore_mem>>) src(%dma_wait3A_71 : memref<128x128xf32, #tpu.memory_space<hbm>>) dst(%arg9 : memref<128x128xf32, #tpu.memory_space<vmem>>)
        %add3A_72 = arith.constant 1 : i32
        %add3A_73 = arith.addi %scan3A_27, %add3A_72 : i32
        %lt3A_74 = arith.constant 80 : i32
        %lt3A_75 = arith.cmpi slt, %add3A_73, %lt3A_74 : i32
        %convert_element_type3A_76 = arith.extui %lt3A_75 : i1 to i32
        %cond3A_77 = arith.constant 0 : i32
        %cond3A_78 = arith.cmpi ne, %convert_element_type3A_76, %cond3A_77 : i32
        scf.if %cond3A_78 {
          %add3A_79 = arith.constant 1 : i32
          %add3A_80 = arith.addi %scan3A_27, %add3A_79 : i32
          %mul3A_81 = arith.constant 128 : i32
          %mul3A_82 = arith.muli %add3A_80, %mul3A_81 : i32
          %add3A_83 = arith.addi %mul3A_2, %mul3A_82 : i32
          %dma_start3A_84 = tpu.memref_slice %arg3[%add3A_83] : memref<327680xi32, #tpu.memory_space<hbm>> -> memref<128xi32, #tpu.memory_space<hbm>>
          %dma_start3A_85 = tpu.memref_slice %arg3[%add3A_83] : memref<327680xi32, #tpu.memory_space<hbm>> -> memref<128xi32, #tpu.memory_space<hbm>>
          tpu.enqueue_dma source(%dma_start3A_85 : memref<128xi32, #tpu.memory_space<hbm>>) target(%arg6 : memref<128xi32, #tpu.memory_space<vmem>>) target_semaphore(%arg10 : memref<!tpu.dma_semaphore, #tpu.memory_space<semaphore_mem>>)
          %dma_start3A_86 = arith.constant 0 : i32
          %dma_start3A_87 = tpu.memref_slice %arg2[%add3A_83, %dma_start3A_86] : memref<327680x128xf32, #tpu.memory_space<hbm>> -> memref<128x128xf32, #tpu.memory_space<hbm>>
          %dma_start3A_88 = arith.constant 0 : i32
          %dma_start3A_89 = tpu.memref_slice %arg2[%add3A_83, %dma_start3A_88] : memref<327680x128xf32, #tpu.memory_space<hbm>> -> memref<128x128xf32, #tpu.memory_space<hbm>>
          tpu.enqueue_dma source(%dma_start3A_89 : memref<128x128xf32, #tpu.memory_space<hbm>>) target(%arg8 : memref<128x128xf32, #tpu.memory_space<vmem>>) target_semaphore(%arg11 : memref<!tpu.dma_semaphore, #tpu.memory_space<semaphore_mem>>)
        } else {
        }
        "tpu.region"() ({
          %run_scoped3A = tpu.sem_alloc : memref<!tpu.dma_semaphore, #tpu.memory_space<semaphore_mem>>
          %dma_start3A_79 = arith.constant 0 : i32
          %dma_start3A_80 = arith.constant 0 : i32
          %dma_start3A_81 = tpu.memref_slice %arg14[%dma_start3A_79, %dma_start3A_80] : memref<10016x128xf32, #tpu.memory_space<vmem_shared>> -> memref<10016x128xf32, #tpu.memory_space<vmem_shared>>
          tpu.enqueue_indirect_dma source(%arg9 : memref<128x128xf32, #tpu.memory_space<vmem>>) target(%dma_start3A_81 : memref<10016x128xf32, #tpu.memory_space<vmem_shared>>) offsets(%arg7 : memref<128xi32, #tpu.memory_space<vmem>>) semaphore(%run_scoped3A : memref<!tpu.dma_semaphore, #tpu.memory_space<semaphore_mem>>) {add = true}
          %dma_wait3A_82 = arith.constant 0 : i32
          %dma_wait3A_83 = arith.constant 0 : i32
          %dma_wait3A_84 = tpu.memref_slice %arg14[%dma_wait3A_82, %dma_wait3A_83] : memref<10016x128xf32, #tpu.memory_space<vmem_shared>> -> memref<10016x128xf32, #tpu.memory_space<vmem_shared>>
          tpu.wait_indirect_dma semaphore(%run_scoped3A : memref<!tpu.dma_semaphore, #tpu.memory_space<semaphore_mem>>) src(%arg9 : memref<128x128xf32, #tpu.memory_space<vmem>>) dst(%dma_wait3A_84 : memref<10016x128xf32, #tpu.memory_space<vmem_shared>>)
          tpu.yield
        }) : () -> ()
      } else {
      }
    }
    %scan3A_16 = arith.constant 80 : i32
    %barrier3A_17 = arith.constant 0 : index
    tpu.barrier barrier_id(%barrier3A_17)
    %mul3A_18 = arith.constant 624 : i32
    %mul3A_19 = arith.muli %arg1, %mul3A_18 : i32
    %mul3A_20 = arith.constant 624 : i32
    %mul3A_21 = arith.muli %arg1, %mul3A_20 : i32
    "tpu.region"() ({
      %run_scoped3A = tpu.sem_alloc : memref<!tpu.dma_semaphore, #tpu.memory_space<semaphore_mem>>
      %dma_start3A_27 = arith.constant 0 : i32
      %dma_start3A_28 = tpu.memref_slice %arg5[%arg0, %mul3A_21, %dma_start3A_27] : memref<2x10000x128xf32, #tpu.memory_space<hbm>> -> memref<1x624x128xf32, #tpu.memory_space<hbm>>
      %dma_start3A_29 = tpu.memref_squeeze %dma_start3A_28 : memref<1x624x128xf32, #tpu.memory_space<hbm>> -> memref<624x128xf32, #tpu.memory_space<hbm>>
      %dma_start3A_30 = arith.constant 0 : i32
      %dma_start3A_31 = tpu.memref_slice %arg14[%mul3A_19, %dma_start3A_30] : memref<10016x128xf32, #tpu.memory_space<vmem_shared>> -> memref<624x128xf32, #tpu.memory_space<vmem_shared>>
      tpu.enqueue_dma source(%dma_start3A_31 : memref<624x128xf32, #tpu.memory_space<vmem_shared>>) target(%dma_start3A_29 : memref<624x128xf32, #tpu.memory_space<hbm>>) target_semaphore(%run_scoped3A : memref<!tpu.dma_semaphore, #tpu.memory_space<semaphore_mem>>)
      %dma_wait3A = arith.constant 0 : i32
      %dma_wait3A_32 = tpu.memref_slice %arg5[%arg0, %mul3A_21, %dma_wait3A] : memref<2x10000x128xf32, #tpu.memory_space<hbm>> -> memref<1x624x128xf32, #tpu.memory_space<hbm>>
      %dma_wait3A_33 = tpu.memref_squeeze %dma_wait3A_32 : memref<1x624x128xf32, #tpu.memory_space<hbm>> -> memref<624x128xf32, #tpu.memory_space<hbm>>
      %dma_wait3A_34 = arith.constant 0 : i32
      %dma_wait3A_35 = tpu.memref_slice %arg14[%mul3A_19, %dma_wait3A_34] : memref<10016x128xf32, #tpu.memory_space<vmem_shared>> -> memref<624x128xf32, #tpu.memory_space<vmem_shared>>
      tpu.wait_dma2 semaphore(%run_scoped3A : memref<!tpu.dma_semaphore, #tpu.memory_space<semaphore_mem>>) src(%dma_wait3A_35 : memref<624x128xf32, #tpu.memory_space<vmem_shared>>) dst(%dma_wait3A_33 : memref<624x128xf32, #tpu.memory_space<hbm>>)
      tpu.yield
    }) : () -> ()
    %eq3A_22 = arith.constant 15 : i32
    %eq3A_23 = arith.cmpi eq, %arg1, %eq3A_22 : i32
    %convert_element_type3A_24 = arith.extui %eq3A_23 : i1 to i32
    %cond3A_25 = arith.constant 0 : i32
    %cond3A_26 = arith.cmpi ne, %convert_element_type3A_24, %cond3A_25 : i32
    scf.if %cond3A_26 {
      "tpu.region"() ({
        %run_scoped3A = tpu.sem_alloc : memref<!tpu.dma_semaphore, #tpu.memory_space<semaphore_mem>>
        %dma_start3A_27 = arith.constant 9984 : i32
        %dma_start3A_28 = arith.constant 0 : i32
        %dma_start3A_29 = tpu.memref_slice %arg5[%arg0, %dma_start3A_27, %dma_start3A_28] : memref<2x10000x128xf32, #tpu.memory_space<hbm>> -> memref<1x16x128xf32, #tpu.memory_space<hbm>>
        %dma_start3A_30 = tpu.memref_squeeze %dma_start3A_29 : memref<1x16x128xf32, #tpu.memory_space<hbm>> -> memref<16x128xf32, #tpu.memory_space<hbm>>
        %dma_start3A_31 = arith.constant 9984 : i32
        %dma_start3A_32 = arith.constant 0 : i32
        %dma_start3A_33 = tpu.memref_slice %arg14[%dma_start3A_31, %dma_start3A_32] : memref<10016x128xf32, #tpu.memory_space<vmem_shared>> -> memref<16x128xf32, #tpu.memory_space<vmem_shared>>
        tpu.enqueue_dma source(%dma_start3A_33 : memref<16x128xf32, #tpu.memory_space<vmem_shared>>) target(%dma_start3A_30 : memref<16x128xf32, #tpu.memory_space<hbm>>) target_semaphore(%run_scoped3A : memref<!tpu.dma_semaphore, #tpu.memory_space<semaphore_mem>>)
        %dma_wait3A = arith.constant 9984 : i32
        %dma_wait3A_34 = arith.constant 0 : i32
        %dma_wait3A_35 = tpu.memref_slice %arg5[%arg0, %dma_wait3A, %dma_wait3A_34] : memref<2x10000x128xf32, #tpu.memory_space<hbm>> -> memref<1x16x128xf32, #tpu.memory_space<hbm>>
        %dma_wait3A_36 = tpu.memref_squeeze %dma_wait3A_35 : memref<1x16x128xf32, #tpu.memory_space<hbm>> -> memref<16x128xf32, #tpu.memory_space<hbm>>
        %dma_wait3A_37 = arith.constant 9984 : i32
        %dma_wait3A_38 = arith.constant 0 : i32
        %dma_wait3A_39 = tpu.memref_slice %arg14[%dma_wait3A_37, %dma_wait3A_38] : memref<10016x128xf32, #tpu.memory_space<vmem_shared>> -> memref<16x128xf32, #tpu.memory_space<vmem_shared>>
        tpu.wait_dma2 semaphore(%run_scoped3A : memref<!tpu.dma_semaphore, #tpu.memory_space<semaphore_mem>>) src(%dma_wait3A_39 : memref<16x128xf32, #tpu.memory_space<vmem_shared>>) dst(%dma_wait3A_36 : memref<16x128xf32, #tpu.memory_space<hbm>>)
        tpu.yield
      }) : () -> ()
    } else {
    }
    return
  }
}

#map = affine_map<(d0, d1) -> (0, 0)>
#map1 = affine_map<(d0, d1) -> (0)>
module attributes {stable_mosaic.version = 14 : i64} {
  func.func @k(%arg0: i32, %arg1: i32, %arg2: memref<10000x128xf32, #tpu.memory_space<hbm>>, %arg3: memref<10000x128xf32, #tpu.memory_space<hbm>>, %arg4: memref<327680xi32, #tpu.memory_space<hbm>>, %arg5: memref<327680xi32, #tpu.memory_space<hbm>>, %arg6: memref<327680x128xf32, #tpu.memory_space<hbm>>, %arg7: memref<327680x128xf32, #tpu.memory_space<hbm>>, %arg8: memref<128xi32, #tpu.memory_space<vmem>>, %arg9: memref<128xi32, #tpu.memory_space<vmem>>, %arg10: memref<128xi32, #tpu.memory_space<vmem>>, %arg11: memref<128xi32, #tpu.memory_space<vmem>>, %arg12: memref<128xi32, #tpu.memory_space<vmem>>, %arg13: memref<128xi32, #tpu.memory_space<vmem>>, %arg14: memref<128x128xf32, #tpu.memory_space<vmem>>, %arg15: memref<128x128xf32, #tpu.memory_space<vmem>>, %arg16: memref<128x128xf32, #tpu.memory_space<vmem>>, %arg17: memref<128x128xf32, #tpu.memory_space<vmem>>, %arg18: memref<128x128xf32, #tpu.memory_space<vmem>>, %arg19: memref<128x128xf32, #tpu.memory_space<vmem>>, %arg20: memref<!tpu.dma_semaphore, #tpu.memory_space<semaphore_mem>>, %arg21: memref<!tpu.dma_semaphore, #tpu.memory_space<semaphore_mem>>, %arg22: memref<!tpu.dma_semaphore, #tpu.memory_space<semaphore_mem>>, %arg23: memref<!tpu.dma_semaphore, #tpu.memory_space<semaphore_mem>>, %arg24: memref<!tpu.dma_semaphore, #tpu.memory_space<semaphore_mem>>, %arg25: memref<!tpu.dma_semaphore, #tpu.memory_space<semaphore_mem>>, %arg26: memref<!tpu.dma_semaphore, #tpu.memory_space<semaphore_mem>>, %arg27: memref<!tpu.dma_semaphore, #tpu.memory_space<semaphore_mem>>, %arg28: memref<!tpu.dma_semaphore, #tpu.memory_space<semaphore_mem>>, %arg29: memref<!tpu.dma_semaphore, #tpu.memory_space<semaphore_mem>>, %arg30: memref<!tpu.dma_semaphore, #tpu.memory_space<semaphore_mem>>, %arg31: memref<!tpu.dma_semaphore, #tpu.memory_space<semaphore_mem>>, %arg32: memref<!tpu.dma_semaphore, #tpu.memory_space<semaphore_mem>>, %arg33: memref<!tpu.dma_semaphore, #tpu.memory_space<semaphore_mem>>, %arg34: memref<!tpu.dma_semaphore, #tpu.memory_space<semaphore_mem>>, %arg35: memref<!tpu.dma_semaphore, #tpu.memory_space<semaphore_mem>>, %arg36: memref<!tpu.dma_semaphore, #tpu.memory_space<semaphore_mem>>, %arg37: memref<!tpu.dma_semaphore, #tpu.memory_space<semaphore_mem>>) attributes {dimension_semantics = [#tpu.dimension_semantics<core_parallel>, #tpu.dimension_semantics<subcore_parallel>], iteration_bounds = array<i64: 2, 16>, scalar_prefetch = 0 : i64, scratch_operands = 30 : i64, tpu.core_type = #tpu.core_type<sc_vector_subcore>, window_params = [{transform_indices = #map}, {transform_indices = #map}, {transform_indices = #map1}, {transform_indices = #map1}, {transform_indices = #map}, {transform_indices = #map}]} {
    %mul3A = arith.constant 2 : i32
    %mul3A_0 = arith.muli %arg1, %mul3A : i32
    %add3A = arith.addi %mul3A_0, %arg0 : i32
    %mul3A_1 = arith.constant 10240 : i32
    %mul3A_2 = arith.muli %add3A, %mul3A_1 : i32
    "tpu.region"() ({
      %run_scoped3A = tpu.sem_alloc : memref<!tpu.dma_semaphore, #tpu.memory_space<semaphore_mem>>
      %dma_start3A_88 = tpu.memref_slice %arg4[%mul3A_2] : memref<327680xi32, #tpu.memory_space<hbm>> -> memref<128xi32, #tpu.memory_space<hbm>>
      %dma_start3A_89 = tpu.memref_slice %arg4[%mul3A_2] : memref<327680xi32, #tpu.memory_space<hbm>> -> memref<128xi32, #tpu.memory_space<hbm>>
      tpu.enqueue_dma source(%dma_start3A_89 : memref<128xi32, #tpu.memory_space<hbm>>) target(%arg8 : memref<128xi32, #tpu.memory_space<vmem>>) target_semaphore(%run_scoped3A : memref<!tpu.dma_semaphore, #tpu.memory_space<semaphore_mem>>)
      %dma_wait3A_90 = tpu.memref_slice %arg4[%mul3A_2] : memref<327680xi32, #tpu.memory_space<hbm>> -> memref<128xi32, #tpu.memory_space<hbm>>
      %dma_wait3A_91 = tpu.memref_slice %arg4[%mul3A_2] : memref<327680xi32, #tpu.memory_space<hbm>> -> memref<128xi32, #tpu.memory_space<hbm>>
      tpu.wait_dma2 semaphore(%run_scoped3A : memref<!tpu.dma_semaphore, #tpu.memory_space<semaphore_mem>>) src(%dma_wait3A_91 : memref<128xi32, #tpu.memory_space<hbm>>) dst(%arg8 : memref<128xi32, #tpu.memory_space<vmem>>)
      tpu.yield
    }) : () -> ()
    "tpu.region"() ({
      %run_scoped3A = tpu.sem_alloc : memref<!tpu.dma_semaphore, #tpu.memory_space<semaphore_mem>>
      %dma_start3A_88 = tpu.memref_slice %arg5[%mul3A_2] : memref<327680xi32, #tpu.memory_space<hbm>> -> memref<128xi32, #tpu.memory_space<hbm>>
      %dma_start3A_89 = tpu.memref_slice %arg5[%mul3A_2] : memref<327680xi32, #tpu.memory_space<hbm>> -> memref<128xi32, #tpu.memory_space<hbm>>
      tpu.enqueue_dma source(%dma_start3A_89 : memref<128xi32, #tpu.memory_space<hbm>>) target(%arg9 : memref<128xi32, #tpu.memory_space<vmem>>) target_semaphore(%run_scoped3A : memref<!tpu.dma_semaphore, #tpu.memory_space<semaphore_mem>>)
      %dma_wait3A_90 = tpu.memref_slice %arg5[%mul3A_2] : memref<327680xi32, #tpu.memory_space<hbm>> -> memref<128xi32, #tpu.memory_space<hbm>>
      %dma_wait3A_91 = tpu.memref_slice %arg5[%mul3A_2] : memref<327680xi32, #tpu.memory_space<hbm>> -> memref<128xi32, #tpu.memory_space<hbm>>
      tpu.wait_dma2 semaphore(%run_scoped3A : memref<!tpu.dma_semaphore, #tpu.memory_space<semaphore_mem>>) src(%dma_wait3A_91 : memref<128xi32, #tpu.memory_space<hbm>>) dst(%arg9 : memref<128xi32, #tpu.memory_space<vmem>>)
      tpu.yield
    }) : () -> ()
    %dma_start3A = arith.constant 0 : i32
    %dma_start3A_3 = arith.constant 0 : i32
    %dma_start3A_4 = tpu.memref_slice %arg2[%dma_start3A, %dma_start3A_3] : memref<10000x128xf32, #tpu.memory_space<hbm>> -> memref<10000x128xf32, #tpu.memory_space<hbm>>
    tpu.enqueue_indirect_dma source(%dma_start3A_4 : memref<10000x128xf32, #tpu.memory_space<hbm>>) target(%arg14 : memref<128x128xf32, #tpu.memory_space<vmem>>) offsets(%arg8 : memref<128xi32, #tpu.memory_space<vmem>>) semaphore(%arg26 : memref<!tpu.dma_semaphore, #tpu.memory_space<semaphore_mem>>)
    %dma_start3A_5 = arith.constant 0 : i32
    %dma_start3A_6 = arith.constant 0 : i32
    %dma_start3A_7 = tpu.memref_slice %arg3[%dma_start3A_5, %dma_start3A_6] : memref<10000x128xf32, #tpu.memory_space<hbm>> -> memref<10000x128xf32, #tpu.memory_space<hbm>>
    tpu.enqueue_indirect_dma source(%dma_start3A_7 : memref<10000x128xf32, #tpu.memory_space<hbm>>) target(%arg15 : memref<128x128xf32, #tpu.memory_space<vmem>>) offsets(%arg9 : memref<128xi32, #tpu.memory_space<vmem>>) semaphore(%arg27 : memref<!tpu.dma_semaphore, #tpu.memory_space<semaphore_mem>>)
    %add3A_8 = arith.constant 128 : i32
    %add3A_9 = arith.addi %mul3A_2, %add3A_8 : i32
    "tpu.region"() ({
      %run_scoped3A = tpu.sem_alloc : memref<!tpu.dma_semaphore, #tpu.memory_space<semaphore_mem>>
      %dma_start3A_88 = tpu.memref_slice %arg4[%add3A_9] : memref<327680xi32, #tpu.memory_space<hbm>> -> memref<128xi32, #tpu.memory_space<hbm>>
      %dma_start3A_89 = tpu.memref_slice %arg4[%add3A_9] : memref<327680xi32, #tpu.memory_space<hbm>> -> memref<128xi32, #tpu.memory_space<hbm>>
      tpu.enqueue_dma source(%dma_start3A_89 : memref<128xi32, #tpu.memory_space<hbm>>) target(%arg10 : memref<128xi32, #tpu.memory_space<vmem>>) target_semaphore(%run_scoped3A : memref<!tpu.dma_semaphore, #tpu.memory_space<semaphore_mem>>)
      %dma_wait3A_90 = tpu.memref_slice %arg4[%add3A_9] : memref<327680xi32, #tpu.memory_space<hbm>> -> memref<128xi32, #tpu.memory_space<hbm>>
      %dma_wait3A_91 = tpu.memref_slice %arg4[%add3A_9] : memref<327680xi32, #tpu.memory_space<hbm>> -> memref<128xi32, #tpu.memory_space<hbm>>
      tpu.wait_dma2 semaphore(%run_scoped3A : memref<!tpu.dma_semaphore, #tpu.memory_space<semaphore_mem>>) src(%dma_wait3A_91 : memref<128xi32, #tpu.memory_space<hbm>>) dst(%arg10 : memref<128xi32, #tpu.memory_space<vmem>>)
      tpu.yield
    }) : () -> ()
    %add3A_10 = arith.constant 128 : i32
    %add3A_11 = arith.addi %mul3A_2, %add3A_10 : i32
    "tpu.region"() ({
      %run_scoped3A = tpu.sem_alloc : memref<!tpu.dma_semaphore, #tpu.memory_space<semaphore_mem>>
      %dma_start3A_88 = tpu.memref_slice %arg5[%add3A_11] : memref<327680xi32, #tpu.memory_space<hbm>> -> memref<128xi32, #tpu.memory_space<hbm>>
      %dma_start3A_89 = tpu.memref_slice %arg5[%add3A_11] : memref<327680xi32, #tpu.memory_space<hbm>> -> memref<128xi32, #tpu.memory_space<hbm>>
      tpu.enqueue_dma source(%dma_start3A_89 : memref<128xi32, #tpu.memory_space<hbm>>) target(%arg11 : memref<128xi32, #tpu.memory_space<vmem>>) target_semaphore(%run_scoped3A : memref<!tpu.dma_semaphore, #tpu.memory_space<semaphore_mem>>)
      %dma_wait3A_90 = tpu.memref_slice %arg5[%add3A_11] : memref<327680xi32, #tpu.memory_space<hbm>> -> memref<128xi32, #tpu.memory_space<hbm>>
      %dma_wait3A_91 = tpu.memref_slice %arg5[%add3A_11] : memref<327680xi32, #tpu.memory_space<hbm>> -> memref<128xi32, #tpu.memory_space<hbm>>
      tpu.wait_dma2 semaphore(%run_scoped3A : memref<!tpu.dma_semaphore, #tpu.memory_space<semaphore_mem>>) src(%dma_wait3A_91 : memref<128xi32, #tpu.memory_space<hbm>>) dst(%arg11 : memref<128xi32, #tpu.memory_space<vmem>>)
      tpu.yield
    }) : () -> ()
    %dma_start3A_12 = arith.constant 0 : i32
    %dma_start3A_13 = arith.constant 0 : i32
    %dma_start3A_14 = tpu.memref_slice %arg2[%dma_start3A_12, %dma_start3A_13] : memref<10000x128xf32, #tpu.memory_space<hbm>> -> memref<10000x128xf32, #tpu.memory_space<hbm>>
    tpu.enqueue_indirect_dma source(%dma_start3A_14 : memref<10000x128xf32, #tpu.memory_space<hbm>>) target(%arg16 : memref<128x128xf32, #tpu.memory_space<vmem>>) offsets(%arg10 : memref<128xi32, #tpu.memory_space<vmem>>) semaphore(%arg28 : memref<!tpu.dma_semaphore, #tpu.memory_space<semaphore_mem>>)
    %dma_start3A_15 = arith.constant 0 : i32
    %dma_start3A_16 = arith.constant 0 : i32
    %dma_start3A_17 = tpu.memref_slice %arg3[%dma_start3A_15, %dma_start3A_16] : memref<10000x128xf32, #tpu.memory_space<hbm>> -> memref<10000x128xf32, #tpu.memory_space<hbm>>
    tpu.enqueue_indirect_dma source(%dma_start3A_17 : memref<10000x128xf32, #tpu.memory_space<hbm>>) target(%arg17 : memref<128x128xf32, #tpu.memory_space<vmem>>) offsets(%arg11 : memref<128xi32, #tpu.memory_space<vmem>>) semaphore(%arg29 : memref<!tpu.dma_semaphore, #tpu.memory_space<semaphore_mem>>)
    %add3A_18 = arith.constant 256 : i32
    %add3A_19 = arith.addi %mul3A_2, %add3A_18 : i32
    %dma_start3A_20 = tpu.memref_slice %arg4[%add3A_19] : memref<327680xi32, #tpu.memory_space<hbm>> -> memref<128xi32, #tpu.memory_space<hbm>>
    %dma_start3A_21 = tpu.memref_slice %arg4[%add3A_19] : memref<327680xi32, #tpu.memory_space<hbm>> -> memref<128xi32, #tpu.memory_space<hbm>>
    tpu.enqueue_dma source(%dma_start3A_21 : memref<128xi32, #tpu.memory_space<hbm>>) target(%arg12 : memref<128xi32, #tpu.memory_space<vmem>>) target_semaphore(%arg24 : memref<!tpu.dma_semaphore, #tpu.memory_space<semaphore_mem>>)
    %add3A_22 = arith.constant 256 : i32
    %add3A_23 = arith.addi %mul3A_2, %add3A_22 : i32
    %dma_start3A_24 = tpu.memref_slice %arg5[%add3A_23] : memref<327680xi32, #tpu.memory_space<hbm>> -> memref<128xi32, #tpu.memory_space<hbm>>
    %dma_start3A_25 = tpu.memref_slice %arg5[%add3A_23] : memref<327680xi32, #tpu.memory_space<hbm>> -> memref<128xi32, #tpu.memory_space<hbm>>
    tpu.enqueue_dma source(%dma_start3A_25 : memref<128xi32, #tpu.memory_space<hbm>>) target(%arg13 : memref<128xi32, #tpu.memory_space<vmem>>) target_semaphore(%arg25 : memref<!tpu.dma_semaphore, #tpu.memory_space<semaphore_mem>>)
    %scan3A = arith.constant 0 : i32
    %scan3A_26 = arith.constant 2 : i32
    %scan3A_27 = arith.constant 78 : i32
    %scan3A_28 = arith.addi %scan3A_26, %scan3A_27 : i32
    %scan3A_29 = arith.constant 1 : i32
    scf.for %scan3A_88 = %scan3A_26 to %scan3A_28 step %scan3A_29  : i32 {
      %jit3A = arith.constant 3 : i32
      %eq3A = arith.constant 0 : i32
      %eq3A_89 = arith.cmpi eq, %jit3A, %eq3A : i32
      %jit3A_90 = arith.constant 1 : i32
      %select_n3A = arith.select %eq3A_89, %jit3A_90, %jit3A : i32
      %rem3A = arith.remsi %scan3A_88, %select_n3A : i32
      %ne3A = arith.constant 0 : i32
      %ne3A_91 = arith.cmpi ne, %rem3A, %ne3A : i32
      %lt3A = arith.constant 0 : i32
      %lt3A_92 = arith.cmpi slt, %rem3A, %lt3A : i32
      %lt3A_93 = arith.constant 0 : i32
      %lt3A_94 = arith.cmpi slt, %select_n3A, %lt3A_93 : i32
      %ne3A_95 = arith.xori %lt3A_92, %lt3A_94 : i1
      %and3A = arith.andi %ne3A_95, %ne3A_91 : i1
      %add3A_96 = arith.addi %rem3A, %select_n3A : i32
      %select_n3A_97 = arith.select %and3A, %add3A_96, %rem3A : i32
      %eq3A_98 = arith.constant 2 : i32
      %eq3A_99 = arith.cmpi eq, %select_n3A_97, %eq3A_98 : i32
      %convert_element_type3A = arith.extui %eq3A_99 : i1 to i32
      %cond3A = arith.constant 0 : i32
      %cond3A_100 = arith.cmpi ne, %convert_element_type3A, %cond3A : i32
      scf.if %cond3A_100 {
        %mul3A_143 = arith.constant 128 : i32
        %mul3A_144 = arith.muli %scan3A_88, %mul3A_143 : i32
        %add3A_145 = arith.addi %mul3A_2, %mul3A_144 : i32
        %dma_wait3A_146 = tpu.memref_slice %arg4[%add3A_145] : memref<327680xi32, #tpu.memory_space<hbm>> -> memref<128xi32, #tpu.memory_space<hbm>>
        %dma_wait3A_147 = tpu.memref_slice %arg4[%add3A_145] : memref<327680xi32, #tpu.memory_space<hbm>> -> memref<128xi32, #tpu.memory_space<hbm>>
        tpu.wait_dma2 semaphore(%arg24 : memref<!tpu.dma_semaphore, #tpu.memory_space<semaphore_mem>>) src(%dma_wait3A_147 : memref<128xi32, #tpu.memory_space<hbm>>) dst(%arg12 : memref<128xi32, #tpu.memory_space<vmem>>)
        %dma_wait3A_148 = tpu.memref_slice %arg5[%add3A_145] : memref<327680xi32, #tpu.memory_space<hbm>> -> memref<128xi32, #tpu.memory_space<hbm>>
        %dma_wait3A_149 = tpu.memref_slice %arg5[%add3A_145] : memref<327680xi32, #tpu.memory_space<hbm>> -> memref<128xi32, #tpu.memory_space<hbm>>
        tpu.wait_dma2 semaphore(%arg25 : memref<!tpu.dma_semaphore, #tpu.memory_space<semaphore_mem>>) src(%dma_wait3A_149 : memref<128xi32, #tpu.memory_space<hbm>>) dst(%arg13 : memref<128xi32, #tpu.memory_space<vmem>>)
        %ge3A = arith.constant 3 : i32
        %ge3A_150 = arith.cmpi sge, %scan3A_88, %ge3A : i32
        %convert_element_type3A_151 = arith.extui %ge3A_150 : i1 to i32
        %cond3A_152 = arith.constant 0 : i32
        %cond3A_153 = arith.cmpi ne, %convert_element_type3A_151, %cond3A_152 : i32
        scf.if %cond3A_153 {
          %sub3A_185 = arith.constant 3 : i32
          %sub3A_186 = arith.subi %scan3A_88, %sub3A_185 : i32
          %mul3A_187 = arith.constant 128 : i32
          %mul3A_188 = arith.muli %sub3A_186, %mul3A_187 : i32
          %add3A_189 = arith.addi %mul3A_2, %mul3A_188 : i32
          %dma_wait3A_190 = arith.constant 0 : i32
          %dma_wait3A_191 = tpu.memref_slice %arg6[%add3A_189, %dma_wait3A_190] : memref<327680x128xf32, #tpu.memory_space<hbm>> -> memref<128x128xf32, #tpu.memory_space<hbm>>
          %dma_wait3A_192 = arith.constant 0 : i32
          %dma_wait3A_193 = tpu.memref_slice %arg6[%add3A_189, %dma_wait3A_192] : memref<327680x128xf32, #tpu.memory_space<hbm>> -> memref<128x128xf32, #tpu.memory_space<hbm>>
          tpu.wait_dma2 semaphore(%arg36 : memref<!tpu.dma_semaphore, #tpu.memory_space<semaphore_mem>>) src(%arg18 : memref<128x128xf32, #tpu.memory_space<vmem>>) dst(%dma_wait3A_193 : memref<128x128xf32, #tpu.memory_space<hbm>>)
          %dma_wait3A_194 = arith.constant 0 : i32
          %dma_wait3A_195 = tpu.memref_slice %arg7[%add3A_189, %dma_wait3A_194] : memref<327680x128xf32, #tpu.memory_space<hbm>> -> memref<128x128xf32, #tpu.memory_space<hbm>>
          %dma_wait3A_196 = arith.constant 0 : i32
          %dma_wait3A_197 = tpu.memref_slice %arg7[%add3A_189, %dma_wait3A_196] : memref<327680x128xf32, #tpu.memory_space<hbm>> -> memref<128x128xf32, #tpu.memory_space<hbm>>
          tpu.wait_dma2 semaphore(%arg37 : memref<!tpu.dma_semaphore, #tpu.memory_space<semaphore_mem>>) src(%arg19 : memref<128x128xf32, #tpu.memory_space<vmem>>) dst(%dma_wait3A_197 : memref<128x128xf32, #tpu.memory_space<hbm>>)
        } else {
        }
        %dma_start3A_154 = arith.constant 0 : i32
        %dma_start3A_155 = arith.constant 0 : i32
        %dma_start3A_156 = tpu.memref_slice %arg2[%dma_start3A_154, %dma_start3A_155] : memref<10000x128xf32, #tpu.memory_space<hbm>> -> memref<10000x128xf32, #tpu.memory_space<hbm>>
        tpu.enqueue_indirect_dma source(%dma_start3A_156 : memref<10000x128xf32, #tpu.memory_space<hbm>>) target(%arg18 : memref<128x128xf32, #tpu.memory_space<vmem>>) offsets(%arg12 : memref<128xi32, #tpu.memory_space<vmem>>) semaphore(%arg30 : memref<!tpu.dma_semaphore, #tpu.memory_space<semaphore_mem>>)
        %dma_start3A_157 = arith.constant 0 : i32
        %dma_start3A_158 = arith.constant 0 : i32
        %dma_start3A_159 = tpu.memref_slice %arg3[%dma_start3A_157, %dma_start3A_158] : memref<10000x128xf32, #tpu.memory_space<hbm>> -> memref<10000x128xf32, #tpu.memory_space<hbm>>
        tpu.enqueue_indirect_dma source(%dma_start3A_159 : memref<10000x128xf32, #tpu.memory_space<hbm>>) target(%arg19 : memref<128x128xf32, #tpu.memory_space<vmem>>) offsets(%arg13 : memref<128xi32, #tpu.memory_space<vmem>>) semaphore(%arg31 : memref<!tpu.dma_semaphore, #tpu.memory_space<semaphore_mem>>)
        %sub3A = arith.constant 2 : i32
        %sub3A_160 = arith.subi %scan3A_88, %sub3A : i32
        %mul3A_161 = arith.constant 128 : i32
        %mul3A_162 = arith.muli %sub3A_160, %mul3A_161 : i32
        %add3A_163 = arith.addi %mul3A_2, %mul3A_162 : i32
        %dma_wait3A_164 = arith.constant 0 : i32
        %dma_wait3A_165 = arith.constant 0 : i32
        %dma_wait3A_166 = tpu.memref_slice %arg2[%dma_wait3A_164, %dma_wait3A_165] : memref<10000x128xf32, #tpu.memory_space<hbm>> -> memref<10000x128xf32, #tpu.memory_space<hbm>>
        tpu.wait_indirect_dma semaphore(%arg26 : memref<!tpu.dma_semaphore, #tpu.memory_space<semaphore_mem>>) src(%dma_wait3A_166 : memref<10000x128xf32, #tpu.memory_space<hbm>>) dst(%arg14 : memref<128x128xf32, #tpu.memory_space<vmem>>)
        %dma_wait3A_167 = arith.constant 0 : i32
        %dma_wait3A_168 = arith.constant 0 : i32
        %dma_wait3A_169 = tpu.memref_slice %arg3[%dma_wait3A_167, %dma_wait3A_168] : memref<10000x128xf32, #tpu.memory_space<hbm>> -> memref<10000x128xf32, #tpu.memory_space<hbm>>
        tpu.wait_indirect_dma semaphore(%arg27 : memref<!tpu.dma_semaphore, #tpu.memory_space<semaphore_mem>>) src(%dma_wait3A_169 : memref<10000x128xf32, #tpu.memory_space<hbm>>) dst(%arg15 : memref<128x128xf32, #tpu.memory_space<vmem>>)
        %dma_start3A_170 = arith.constant 0 : i32
        %dma_start3A_171 = tpu.memref_slice %arg6[%add3A_163, %dma_start3A_170] : memref<327680x128xf32, #tpu.memory_space<hbm>> -> memref<128x128xf32, #tpu.memory_space<hbm>>
        %dma_start3A_172 = arith.constant 0 : i32
        %dma_start3A_173 = tpu.memref_slice %arg6[%add3A_163, %dma_start3A_172] : memref<327680x128xf32, #tpu.memory_space<hbm>> -> memref<128x128xf32, #tpu.memory_space<hbm>>
        tpu.enqueue_dma source(%arg14 : memref<128x128xf32, #tpu.memory_space<vmem>>) target(%dma_start3A_173 : memref<128x128xf32, #tpu.memory_space<hbm>>) target_semaphore(%arg32 : memref<!tpu.dma_semaphore, #tpu.memory_space<semaphore_mem>>)
        %dma_start3A_174 = arith.constant 0 : i32
        %dma_start3A_175 = tpu.memref_slice %arg7[%add3A_163, %dma_start3A_174] : memref<327680x128xf32, #tpu.memory_space<hbm>> -> memref<128x128xf32, #tpu.memory_space<hbm>>
        %dma_start3A_176 = arith.constant 0 : i32
        %dma_start3A_177 = tpu.memref_slice %arg7[%add3A_163, %dma_start3A_176] : memref<327680x128xf32, #tpu.memory_space<hbm>> -> memref<128x128xf32, #tpu.memory_space<hbm>>
        tpu.enqueue_dma source(%arg15 : memref<128x128xf32, #tpu.memory_space<vmem>>) target(%dma_start3A_177 : memref<128x128xf32, #tpu.memory_space<hbm>>) target_semaphore(%arg33 : memref<!tpu.dma_semaphore, #tpu.memory_space<semaphore_mem>>)
        %add3A_178 = arith.constant 1 : i32
        %add3A_179 = arith.addi %scan3A_88, %add3A_178 : i32
        %lt3A_180 = arith.constant 80 : i32
        %lt3A_181 = arith.cmpi slt, %add3A_179, %lt3A_180 : i32
        %convert_element_type3A_182 = arith.extui %lt3A_181 : i1 to i32
        %cond3A_183 = arith.constant 0 : i32
        %cond3A_184 = arith.cmpi ne, %convert_element_type3A_182, %cond3A_183 : i32
        scf.if %cond3A_184 {
          %add3A_185 = arith.constant 1 : i32
          %add3A_186 = arith.addi %scan3A_88, %add3A_185 : i32
          %mul3A_187 = arith.constant 128 : i32
          %mul3A_188 = arith.muli %add3A_186, %mul3A_187 : i32
          %add3A_189 = arith.addi %mul3A_2, %mul3A_188 : i32
          %dma_start3A_190 = tpu.memref_slice %arg4[%add3A_189] : memref<327680xi32, #tpu.memory_space<hbm>> -> memref<128xi32, #tpu.memory_space<hbm>>
          %dma_start3A_191 = tpu.memref_slice %arg4[%add3A_189] : memref<327680xi32, #tpu.memory_space<hbm>> -> memref<128xi32, #tpu.memory_space<hbm>>
          tpu.enqueue_dma source(%dma_start3A_191 : memref<128xi32, #tpu.memory_space<hbm>>) target(%arg8 : memref<128xi32, #tpu.memory_space<vmem>>) target_semaphore(%arg20 : memref<!tpu.dma_semaphore, #tpu.memory_space<semaphore_mem>>)
          %dma_start3A_192 = tpu.memref_slice %arg5[%add3A_189] : memref<327680xi32, #tpu.memory_space<hbm>> -> memref<128xi32, #tpu.memory_space<hbm>>
          %dma_start3A_193 = tpu.memref_slice %arg5[%add3A_189] : memref<327680xi32, #tpu.memory_space<hbm>> -> memref<128xi32, #tpu.memory_space<hbm>>
          tpu.enqueue_dma source(%dma_start3A_193 : memref<128xi32, #tpu.memory_space<hbm>>) target(%arg9 : memref<128xi32, #tpu.memory_space<vmem>>) target_semaphore(%arg21 : memref<!tpu.dma_semaphore, #tpu.memory_space<semaphore_mem>>)
        } else {
        }
      } else {
      }
      %jit3A_101 = arith.constant 3 : i32
      %eq3A_102 = arith.constant 0 : i32
      %eq3A_103 = arith.cmpi eq, %jit3A_101, %eq3A_102 : i32
      %jit3A_104 = arith.constant 1 : i32
      %select_n3A_105 = arith.select %eq3A_103, %jit3A_104, %jit3A_101 : i32
      %rem3A_106 = arith.remsi %scan3A_88, %select_n3A_105 : i32
      %ne3A_107 = arith.constant 0 : i32
      %ne3A_108 = arith.cmpi ne, %rem3A_106, %ne3A_107 : i32
      %lt3A_109 = arith.constant 0 : i32
      %lt3A_110 = arith.cmpi slt, %rem3A_106, %lt3A_109 : i32
      %lt3A_111 = arith.constant 0 : i32
      %lt3A_112 = arith.cmpi slt, %select_n3A_105, %lt3A_111 : i32
      %ne3A_113 = arith.xori %lt3A_110, %lt3A_112 : i1
      %and3A_114 = arith.andi %ne3A_113, %ne3A_108 : i1
      %add3A_115 = arith.addi %rem3A_106, %select_n3A_105 : i32
      %select_n3A_116 = arith.select %and3A_114, %add3A_115, %rem3A_106 : i32
      %eq3A_117 = arith.constant 0 : i32
      %eq3A_118 = arith.cmpi eq, %select_n3A_116, %eq3A_117 : i32
      %convert_element_type3A_119 = arith.extui %eq3A_118 : i1 to i32
      %cond3A_120 = arith.constant 0 : i32
      %cond3A_121 = arith.cmpi ne, %convert_element_type3A_119, %cond3A_120 : i32
      scf.if %cond3A_121 {
        %mul3A_143 = arith.constant 128 : i32
        %mul3A_144 = arith.muli %scan3A_88, %mul3A_143 : i32
        %add3A_145 = arith.addi %mul3A_2, %mul3A_144 : i32
        %dma_wait3A_146 = tpu.memref_slice %arg4[%add3A_145] : memref<327680xi32, #tpu.memory_space<hbm>> -> memref<128xi32, #tpu.memory_space<hbm>>
        %dma_wait3A_147 = tpu.memref_slice %arg4[%add3A_145] : memref<327680xi32, #tpu.memory_space<hbm>> -> memref<128xi32, #tpu.memory_space<hbm>>
        tpu.wait_dma2 semaphore(%arg20 : memref<!tpu.dma_semaphore, #tpu.memory_space<semaphore_mem>>) src(%dma_wait3A_147 : memref<128xi32, #tpu.memory_space<hbm>>) dst(%arg8 : memref<128xi32, #tpu.memory_space<vmem>>)
        %dma_wait3A_148 = tpu.memref_slice %arg5[%add3A_145] : memref<327680xi32, #tpu.memory_space<hbm>> -> memref<128xi32, #tpu.memory_space<hbm>>
        %dma_wait3A_149 = tpu.memref_slice %arg5[%add3A_145] : memref<327680xi32, #tpu.memory_space<hbm>> -> memref<128xi32, #tpu.memory_space<hbm>>
        tpu.wait_dma2 semaphore(%arg21 : memref<!tpu.dma_semaphore, #tpu.memory_space<semaphore_mem>>) src(%dma_wait3A_149 : memref<128xi32, #tpu.memory_space<hbm>>) dst(%arg9 : memref<128xi32, #tpu.memory_space<vmem>>)
        %ge3A = arith.constant 3 : i32
        %ge3A_150 = arith.cmpi sge, %scan3A_88, %ge3A : i32
        %convert_element_type3A_151 = arith.extui %ge3A_150 : i1 to i32
        %cond3A_152 = arith.constant 0 : i32
        %cond3A_153 = arith.cmpi ne, %convert_element_type3A_151, %cond3A_152 : i32
        scf.if %cond3A_153 {
          %sub3A_185 = arith.constant 3 : i32
          %sub3A_186 = arith.subi %scan3A_88, %sub3A_185 : i32
          %mul3A_187 = arith.constant 128 : i32
          %mul3A_188 = arith.muli %sub3A_186, %mul3A_187 : i32
          %add3A_189 = arith.addi %mul3A_2, %mul3A_188 : i32
          %dma_wait3A_190 = arith.constant 0 : i32
          %dma_wait3A_191 = tpu.memref_slice %arg6[%add3A_189, %dma_wait3A_190] : memref<327680x128xf32, #tpu.memory_space<hbm>> -> memref<128x128xf32, #tpu.memory_space<hbm>>
          %dma_wait3A_192 = arith.constant 0 : i32
          %dma_wait3A_193 = tpu.memref_slice %arg6[%add3A_189, %dma_wait3A_192] : memref<327680x128xf32, #tpu.memory_space<hbm>> -> memref<128x128xf32, #tpu.memory_space<hbm>>
          tpu.wait_dma2 semaphore(%arg32 : memref<!tpu.dma_semaphore, #tpu.memory_space<semaphore_mem>>) src(%arg14 : memref<128x128xf32, #tpu.memory_space<vmem>>) dst(%dma_wait3A_193 : memref<128x128xf32, #tpu.memory_space<hbm>>)
          %dma_wait3A_194 = arith.constant 0 : i32
          %dma_wait3A_195 = tpu.memref_slice %arg7[%add3A_189, %dma_wait3A_194] : memref<327680x128xf32, #tpu.memory_space<hbm>> -> memref<128x128xf32, #tpu.memory_space<hbm>>
          %dma_wait3A_196 = arith.constant 0 : i32
          %dma_wait3A_197 = tpu.memref_slice %arg7[%add3A_189, %dma_wait3A_196] : memref<327680x128xf32, #tpu.memory_space<hbm>> -> memref<128x128xf32, #tpu.memory_space<hbm>>
          tpu.wait_dma2 semaphore(%arg33 : memref<!tpu.dma_semaphore, #tpu.memory_space<semaphore_mem>>) src(%arg15 : memref<128x128xf32, #tpu.memory_space<vmem>>) dst(%dma_wait3A_197 : memref<128x128xf32, #tpu.memory_space<hbm>>)
        } else {
        }
        %dma_start3A_154 = arith.constant 0 : i32
        %dma_start3A_155 = arith.constant 0 : i32
        %dma_start3A_156 = tpu.memref_slice %arg2[%dma_start3A_154, %dma_start3A_155] : memref<10000x128xf32, #tpu.memory_space<hbm>> -> memref<10000x128xf32, #tpu.memory_space<hbm>>
        tpu.enqueue_indirect_dma source(%dma_start3A_156 : memref<10000x128xf32, #tpu.memory_space<hbm>>) target(%arg14 : memref<128x128xf32, #tpu.memory_space<vmem>>) offsets(%arg8 : memref<128xi32, #tpu.memory_space<vmem>>) semaphore(%arg26 : memref<!tpu.dma_semaphore, #tpu.memory_space<semaphore_mem>>)
        %dma_start3A_157 = arith.constant 0 : i32
        %dma_start3A_158 = arith.constant 0 : i32
        %dma_start3A_159 = tpu.memref_slice %arg3[%dma_start3A_157, %dma_start3A_158] : memref<10000x128xf32, #tpu.memory_space<hbm>> -> memref<10000x128xf32, #tpu.memory_space<hbm>>
        tpu.enqueue_indirect_dma source(%dma_start3A_159 : memref<10000x128xf32, #tpu.memory_space<hbm>>) target(%arg15 : memref<128x128xf32, #tpu.memory_space<vmem>>) offsets(%arg9 : memref<128xi32, #tpu.memory_space<vmem>>) semaphore(%arg27 : memref<!tpu.dma_semaphore, #tpu.memory_space<semaphore_mem>>)
        %sub3A = arith.constant 2 : i32
        %sub3A_160 = arith.subi %scan3A_88, %sub3A : i32
        %mul3A_161 = arith.constant 128 : i32
        %mul3A_162 = arith.muli %sub3A_160, %mul3A_161 : i32
        %add3A_163 = arith.addi %mul3A_2, %mul3A_162 : i32
        %dma_wait3A_164 = arith.constant 0 : i32
        %dma_wait3A_165 = arith.constant 0 : i32
        %dma_wait3A_166 = tpu.memref_slice %arg2[%dma_wait3A_164, %dma_wait3A_165] : memref<10000x128xf32, #tpu.memory_space<hbm>> -> memref<10000x128xf32, #tpu.memory_space<hbm>>
        tpu.wait_indirect_dma semaphore(%arg28 : memref<!tpu.dma_semaphore, #tpu.memory_space<semaphore_mem>>) src(%dma_wait3A_166 : memref<10000x128xf32, #tpu.memory_space<hbm>>) dst(%arg16 : memref<128x128xf32, #tpu.memory_space<vmem>>)
        %dma_wait3A_167 = arith.constant 0 : i32
        %dma_wait3A_168 = arith.constant 0 : i32
        %dma_wait3A_169 = tpu.memref_slice %arg3[%dma_wait3A_167, %dma_wait3A_168] : memref<10000x128xf32, #tpu.memory_space<hbm>> -> memref<10000x128xf32, #tpu.memory_space<hbm>>
        tpu.wait_indirect_dma semaphore(%arg29 : memref<!tpu.dma_semaphore, #tpu.memory_space<semaphore_mem>>) src(%dma_wait3A_169 : memref<10000x128xf32, #tpu.memory_space<hbm>>) dst(%arg17 : memref<128x128xf32, #tpu.memory_space<vmem>>)
        %dma_start3A_170 = arith.constant 0 : i32
        %dma_start3A_171 = tpu.memref_slice %arg6[%add3A_163, %dma_start3A_170] : memref<327680x128xf32, #tpu.memory_space<hbm>> -> memref<128x128xf32, #tpu.memory_space<hbm>>
        %dma_start3A_172 = arith.constant 0 : i32
        %dma_start3A_173 = tpu.memref_slice %arg6[%add3A_163, %dma_start3A_172] : memref<327680x128xf32, #tpu.memory_space<hbm>> -> memref<128x128xf32, #tpu.memory_space<hbm>>
        tpu.enqueue_dma source(%arg16 : memref<128x128xf32, #tpu.memory_space<vmem>>) target(%dma_start3A_173 : memref<128x128xf32, #tpu.memory_space<hbm>>) target_semaphore(%arg34 : memref<!tpu.dma_semaphore, #tpu.memory_space<semaphore_mem>>)
        %dma_start3A_174 = arith.constant 0 : i32
        %dma_start3A_175 = tpu.memref_slice %arg7[%add3A_163, %dma_start3A_174] : memref<327680x128xf32, #tpu.memory_space<hbm>> -> memref<128x128xf32, #tpu.memory_space<hbm>>
        %dma_start3A_176 = arith.constant 0 : i32
        %dma_start3A_177 = tpu.memref_slice %arg7[%add3A_163, %dma_start3A_176] : memref<327680x128xf32, #tpu.memory_space<hbm>> -> memref<128x128xf32, #tpu.memory_space<hbm>>
        tpu.enqueue_dma source(%arg17 : memref<128x128xf32, #tpu.memory_space<vmem>>) target(%dma_start3A_177 : memref<128x128xf32, #tpu.memory_space<hbm>>) target_semaphore(%arg35 : memref<!tpu.dma_semaphore, #tpu.memory_space<semaphore_mem>>)
        %add3A_178 = arith.constant 1 : i32
        %add3A_179 = arith.addi %scan3A_88, %add3A_178 : i32
        %lt3A_180 = arith.constant 80 : i32
        %lt3A_181 = arith.cmpi slt, %add3A_179, %lt3A_180 : i32
        %convert_element_type3A_182 = arith.extui %lt3A_181 : i1 to i32
        %cond3A_183 = arith.constant 0 : i32
        %cond3A_184 = arith.cmpi ne, %convert_element_type3A_182, %cond3A_183 : i32
        scf.if %cond3A_184 {
          %add3A_185 = arith.constant 1 : i32
          %add3A_186 = arith.addi %scan3A_88, %add3A_185 : i32
          %mul3A_187 = arith.constant 128 : i32
          %mul3A_188 = arith.muli %add3A_186, %mul3A_187 : i32
          %add3A_189 = arith.addi %mul3A_2, %mul3A_188 : i32
          %dma_start3A_190 = tpu.memref_slice %arg4[%add3A_189] : memref<327680xi32, #tpu.memory_space<hbm>> -> memref<128xi32, #tpu.memory_space<hbm>>
          %dma_start3A_191 = tpu.memref_slice %arg4[%add3A_189] : memref<327680xi32, #tpu.memory_space<hbm>> -> memref<128xi32, #tpu.memory_space<hbm>>
          tpu.enqueue_dma source(%dma_start3A_191 : memref<128xi32, #tpu.memory_space<hbm>>) target(%arg10 : memref<128xi32, #tpu.memory_space<vmem>>) target_semaphore(%arg22 : memref<!tpu.dma_semaphore, #tpu.memory_space<semaphore_mem>>)
          %dma_start3A_192 = tpu.memref_slice %arg5[%add3A_189] : memref<327680xi32, #tpu.memory_space<hbm>> -> memref<128xi32, #tpu.memory_space<hbm>>
          %dma_start3A_193 = tpu.memref_slice %arg5[%add3A_189] : memref<327680xi32, #tpu.memory_space<hbm>> -> memref<128xi32, #tpu.memory_space<hbm>>
          tpu.enqueue_dma source(%dma_start3A_193 : memref<128xi32, #tpu.memory_space<hbm>>) target(%arg11 : memref<128xi32, #tpu.memory_space<vmem>>) target_semaphore(%arg23 : memref<!tpu.dma_semaphore, #tpu.memory_space<semaphore_mem>>)
        } else {
        }
      } else {
      }
      %jit3A_122 = arith.constant 3 : i32
      %eq3A_123 = arith.constant 0 : i32
      %eq3A_124 = arith.cmpi eq, %jit3A_122, %eq3A_123 : i32
      %jit3A_125 = arith.constant 1 : i32
      %select_n3A_126 = arith.select %eq3A_124, %jit3A_125, %jit3A_122 : i32
      %rem3A_127 = arith.remsi %scan3A_88, %select_n3A_126 : i32
      %ne3A_128 = arith.constant 0 : i32
      %ne3A_129 = arith.cmpi ne, %rem3A_127, %ne3A_128 : i32
      %lt3A_130 = arith.constant 0 : i32
      %lt3A_131 = arith.cmpi slt, %rem3A_127, %lt3A_130 : i32
      %lt3A_132 = arith.constant 0 : i32
      %lt3A_133 = arith.cmpi slt, %select_n3A_126, %lt3A_132 : i32
      %ne3A_134 = arith.xori %lt3A_131, %lt3A_133 : i1
      %and3A_135 = arith.andi %ne3A_134, %ne3A_129 : i1
      %add3A_136 = arith.addi %rem3A_127, %select_n3A_126 : i32
      %select_n3A_137 = arith.select %and3A_135, %add3A_136, %rem3A_127 : i32
      %eq3A_138 = arith.constant 1 : i32
      %eq3A_139 = arith.cmpi eq, %select_n3A_137, %eq3A_138 : i32
      %convert_element_type3A_140 = arith.extui %eq3A_139 : i1 to i32
      %cond3A_141 = arith.constant 0 : i32
      %cond3A_142 = arith.cmpi ne, %convert_element_type3A_140, %cond3A_141 : i32
      scf.if %cond3A_142 {
        %mul3A_143 = arith.constant 128 : i32
        %mul3A_144 = arith.muli %scan3A_88, %mul3A_143 : i32
        %add3A_145 = arith.addi %mul3A_2, %mul3A_144 : i32
        %dma_wait3A_146 = tpu.memref_slice %arg4[%add3A_145] : memref<327680xi32, #tpu.memory_space<hbm>> -> memref<128xi32, #tpu.memory_space<hbm>>
        %dma_wait3A_147 = tpu.memref_slice %arg4[%add3A_145] : memref<327680xi32, #tpu.memory_space<hbm>> -> memref<128xi32, #tpu.memory_space<hbm>>
        tpu.wait_dma2 semaphore(%arg22 : memref<!tpu.dma_semaphore, #tpu.memory_space<semaphore_mem>>) src(%dma_wait3A_147 : memref<128xi32, #tpu.memory_space<hbm>>) dst(%arg10 : memref<128xi32, #tpu.memory_space<vmem>>)
        %dma_wait3A_148 = tpu.memref_slice %arg5[%add3A_145] : memref<327680xi32, #tpu.memory_space<hbm>> -> memref<128xi32, #tpu.memory_space<hbm>>
        %dma_wait3A_149 = tpu.memref_slice %arg5[%add3A_145] : memref<327680xi32, #tpu.memory_space<hbm>> -> memref<128xi32, #tpu.memory_space<hbm>>
        tpu.wait_dma2 semaphore(%arg23 : memref<!tpu.dma_semaphore, #tpu.memory_space<semaphore_mem>>) src(%dma_wait3A_149 : memref<128xi32, #tpu.memory_space<hbm>>) dst(%arg11 : memref<128xi32, #tpu.memory_space<vmem>>)
        %ge3A = arith.constant 3 : i32
        %ge3A_150 = arith.cmpi sge, %scan3A_88, %ge3A : i32
        %convert_element_type3A_151 = arith.extui %ge3A_150 : i1 to i32
        %cond3A_152 = arith.constant 0 : i32
        %cond3A_153 = arith.cmpi ne, %convert_element_type3A_151, %cond3A_152 : i32
        scf.if %cond3A_153 {
          %sub3A_185 = arith.constant 3 : i32
          %sub3A_186 = arith.subi %scan3A_88, %sub3A_185 : i32
          %mul3A_187 = arith.constant 128 : i32
          %mul3A_188 = arith.muli %sub3A_186, %mul3A_187 : i32
          %add3A_189 = arith.addi %mul3A_2, %mul3A_188 : i32
          %dma_wait3A_190 = arith.constant 0 : i32
          %dma_wait3A_191 = tpu.memref_slice %arg6[%add3A_189, %dma_wait3A_190] : memref<327680x128xf32, #tpu.memory_space<hbm>> -> memref<128x128xf32, #tpu.memory_space<hbm>>
          %dma_wait3A_192 = arith.constant 0 : i32
          %dma_wait3A_193 = tpu.memref_slice %arg6[%add3A_189, %dma_wait3A_192] : memref<327680x128xf32, #tpu.memory_space<hbm>> -> memref<128x128xf32, #tpu.memory_space<hbm>>
          tpu.wait_dma2 semaphore(%arg34 : memref<!tpu.dma_semaphore, #tpu.memory_space<semaphore_mem>>) src(%arg16 : memref<128x128xf32, #tpu.memory_space<vmem>>) dst(%dma_wait3A_193 : memref<128x128xf32, #tpu.memory_space<hbm>>)
          %dma_wait3A_194 = arith.constant 0 : i32
          %dma_wait3A_195 = tpu.memref_slice %arg7[%add3A_189, %dma_wait3A_194] : memref<327680x128xf32, #tpu.memory_space<hbm>> -> memref<128x128xf32, #tpu.memory_space<hbm>>
          %dma_wait3A_196 = arith.constant 0 : i32
          %dma_wait3A_197 = tpu.memref_slice %arg7[%add3A_189, %dma_wait3A_196] : memref<327680x128xf32, #tpu.memory_space<hbm>> -> memref<128x128xf32, #tpu.memory_space<hbm>>
          tpu.wait_dma2 semaphore(%arg35 : memref<!tpu.dma_semaphore, #tpu.memory_space<semaphore_mem>>) src(%arg17 : memref<128x128xf32, #tpu.memory_space<vmem>>) dst(%dma_wait3A_197 : memref<128x128xf32, #tpu.memory_space<hbm>>)
        } else {
        }
        %dma_start3A_154 = arith.constant 0 : i32
        %dma_start3A_155 = arith.constant 0 : i32
        %dma_start3A_156 = tpu.memref_slice %arg2[%dma_start3A_154, %dma_start3A_155] : memref<10000x128xf32, #tpu.memory_space<hbm>> -> memref<10000x128xf32, #tpu.memory_space<hbm>>
        tpu.enqueue_indirect_dma source(%dma_start3A_156 : memref<10000x128xf32, #tpu.memory_space<hbm>>) target(%arg16 : memref<128x128xf32, #tpu.memory_space<vmem>>) offsets(%arg10 : memref<128xi32, #tpu.memory_space<vmem>>) semaphore(%arg28 : memref<!tpu.dma_semaphore, #tpu.memory_space<semaphore_mem>>)
        %dma_start3A_157 = arith.constant 0 : i32
        %dma_start3A_158 = arith.constant 0 : i32
        %dma_start3A_159 = tpu.memref_slice %arg3[%dma_start3A_157, %dma_start3A_158] : memref<10000x128xf32, #tpu.memory_space<hbm>> -> memref<10000x128xf32, #tpu.memory_space<hbm>>
        tpu.enqueue_indirect_dma source(%dma_start3A_159 : memref<10000x128xf32, #tpu.memory_space<hbm>>) target(%arg17 : memref<128x128xf32, #tpu.memory_space<vmem>>) offsets(%arg11 : memref<128xi32, #tpu.memory_space<vmem>>) semaphore(%arg29 : memref<!tpu.dma_semaphore, #tpu.memory_space<semaphore_mem>>)
        %sub3A = arith.constant 2 : i32
        %sub3A_160 = arith.subi %scan3A_88, %sub3A : i32
        %mul3A_161 = arith.constant 128 : i32
        %mul3A_162 = arith.muli %sub3A_160, %mul3A_161 : i32
        %add3A_163 = arith.addi %mul3A_2, %mul3A_162 : i32
        %dma_wait3A_164 = arith.constant 0 : i32
        %dma_wait3A_165 = arith.constant 0 : i32
        %dma_wait3A_166 = tpu.memref_slice %arg2[%dma_wait3A_164, %dma_wait3A_165] : memref<10000x128xf32, #tpu.memory_space<hbm>> -> memref<10000x128xf32, #tpu.memory_space<hbm>>
        tpu.wait_indirect_dma semaphore(%arg30 : memref<!tpu.dma_semaphore, #tpu.memory_space<semaphore_mem>>) src(%dma_wait3A_166 : memref<10000x128xf32, #tpu.memory_space<hbm>>) dst(%arg18 : memref<128x128xf32, #tpu.memory_space<vmem>>)
        %dma_wait3A_167 = arith.constant 0 : i32
        %dma_wait3A_168 = arith.constant 0 : i32
        %dma_wait3A_169 = tpu.memref_slice %arg3[%dma_wait3A_167, %dma_wait3A_168] : memref<10000x128xf32, #tpu.memory_space<hbm>> -> memref<10000x128xf32, #tpu.memory_space<hbm>>
        tpu.wait_indirect_dma semaphore(%arg31 : memref<!tpu.dma_semaphore, #tpu.memory_space<semaphore_mem>>) src(%dma_wait3A_169 : memref<10000x128xf32, #tpu.memory_space<hbm>>) dst(%arg19 : memref<128x128xf32, #tpu.memory_space<vmem>>)
        %dma_start3A_170 = arith.constant 0 : i32
        %dma_start3A_171 = tpu.memref_slice %arg6[%add3A_163, %dma_start3A_170] : memref<327680x128xf32, #tpu.memory_space<hbm>> -> memref<128x128xf32, #tpu.memory_space<hbm>>
        %dma_start3A_172 = arith.constant 0 : i32
        %dma_start3A_173 = tpu.memref_slice %arg6[%add3A_163, %dma_start3A_172] : memref<327680x128xf32, #tpu.memory_space<hbm>> -> memref<128x128xf32, #tpu.memory_space<hbm>>
        tpu.enqueue_dma source(%arg18 : memref<128x128xf32, #tpu.memory_space<vmem>>) target(%dma_start3A_173 : memref<128x128xf32, #tpu.memory_space<hbm>>) target_semaphore(%arg36 : memref<!tpu.dma_semaphore, #tpu.memory_space<semaphore_mem>>)
        %dma_start3A_174 = arith.constant 0 : i32
        %dma_start3A_175 = tpu.memref_slice %arg7[%add3A_163, %dma_start3A_174] : memref<327680x128xf32, #tpu.memory_space<hbm>> -> memref<128x128xf32, #tpu.memory_space<hbm>>
        %dma_start3A_176 = arith.constant 0 : i32
        %dma_start3A_177 = tpu.memref_slice %arg7[%add3A_163, %dma_start3A_176] : memref<327680x128xf32, #tpu.memory_space<hbm>> -> memref<128x128xf32, #tpu.memory_space<hbm>>
        tpu.enqueue_dma source(%arg19 : memref<128x128xf32, #tpu.memory_space<vmem>>) target(%dma_start3A_177 : memref<128x128xf32, #tpu.memory_space<hbm>>) target_semaphore(%arg37 : memref<!tpu.dma_semaphore, #tpu.memory_space<semaphore_mem>>)
        %add3A_178 = arith.constant 1 : i32
        %add3A_179 = arith.addi %scan3A_88, %add3A_178 : i32
        %lt3A_180 = arith.constant 80 : i32
        %lt3A_181 = arith.cmpi slt, %add3A_179, %lt3A_180 : i32
        %convert_element_type3A_182 = arith.extui %lt3A_181 : i1 to i32
        %cond3A_183 = arith.constant 0 : i32
        %cond3A_184 = arith.cmpi ne, %convert_element_type3A_182, %cond3A_183 : i32
        scf.if %cond3A_184 {
          %add3A_185 = arith.constant 1 : i32
          %add3A_186 = arith.addi %scan3A_88, %add3A_185 : i32
          %mul3A_187 = arith.constant 128 : i32
          %mul3A_188 = arith.muli %add3A_186, %mul3A_187 : i32
          %add3A_189 = arith.addi %mul3A_2, %mul3A_188 : i32
          %dma_start3A_190 = tpu.memref_slice %arg4[%add3A_189] : memref<327680xi32, #tpu.memory_space<hbm>> -> memref<128xi32, #tpu.memory_space<hbm>>
          %dma_start3A_191 = tpu.memref_slice %arg4[%add3A_189] : memref<327680xi32, #tpu.memory_space<hbm>> -> memref<128xi32, #tpu.memory_space<hbm>>
          tpu.enqueue_dma source(%dma_start3A_191 : memref<128xi32, #tpu.memory_space<hbm>>) target(%arg12 : memref<128xi32, #tpu.memory_space<vmem>>) target_semaphore(%arg24 : memref<!tpu.dma_semaphore, #tpu.memory_space<semaphore_mem>>)
          %dma_start3A_192 = tpu.memref_slice %arg5[%add3A_189] : memref<327680xi32, #tpu.memory_space<hbm>> -> memref<128xi32, #tpu.memory_space<hbm>>
          %dma_start3A_193 = tpu.memref_slice %arg5[%add3A_189] : memref<327680xi32, #tpu.memory_space<hbm>> -> memref<128xi32, #tpu.memory_space<hbm>>
          tpu.enqueue_dma source(%dma_start3A_193 : memref<128xi32, #tpu.memory_space<hbm>>) target(%arg13 : memref<128xi32, #tpu.memory_space<vmem>>) target_semaphore(%arg25 : memref<!tpu.dma_semaphore, #tpu.memory_space<semaphore_mem>>)
        } else {
        }
      } else {
      }
    }
    %scan3A_30 = arith.constant 78 : i32
    %add3A_31 = arith.constant 9984 : i32
    %add3A_32 = arith.addi %mul3A_2, %add3A_31 : i32
    %dma_wait3A = arith.constant 0 : i32
    %dma_wait3A_33 = arith.constant 0 : i32
    %dma_wait3A_34 = tpu.memref_slice %arg2[%dma_wait3A, %dma_wait3A_33] : memref<10000x128xf32, #tpu.memory_space<hbm>> -> memref<10000x128xf32, #tpu.memory_space<hbm>>
    tpu.wait_indirect_dma semaphore(%arg26 : memref<!tpu.dma_semaphore, #tpu.memory_space<semaphore_mem>>) src(%dma_wait3A_34 : memref<10000x128xf32, #tpu.memory_space<hbm>>) dst(%arg14 : memref<128x128xf32, #tpu.memory_space<vmem>>)
    %dma_wait3A_35 = arith.constant 0 : i32
    %dma_wait3A_36 = arith.constant 0 : i32
    %dma_wait3A_37 = tpu.memref_slice %arg3[%dma_wait3A_35, %dma_wait3A_36] : memref<10000x128xf32, #tpu.memory_space<hbm>> -> memref<10000x128xf32, #tpu.memory_space<hbm>>
    tpu.wait_indirect_dma semaphore(%arg27 : memref<!tpu.dma_semaphore, #tpu.memory_space<semaphore_mem>>) src(%dma_wait3A_37 : memref<10000x128xf32, #tpu.memory_space<hbm>>) dst(%arg15 : memref<128x128xf32, #tpu.memory_space<vmem>>)
    %dma_start3A_38 = arith.constant 0 : i32
    %dma_start3A_39 = tpu.memref_slice %arg6[%add3A_32, %dma_start3A_38] : memref<327680x128xf32, #tpu.memory_space<hbm>> -> memref<128x128xf32, #tpu.memory_space<hbm>>
    %dma_start3A_40 = arith.constant 0 : i32
    %dma_start3A_41 = tpu.memref_slice %arg6[%add3A_32, %dma_start3A_40] : memref<327680x128xf32, #tpu.memory_space<hbm>> -> memref<128x128xf32, #tpu.memory_space<hbm>>
    tpu.enqueue_dma source(%arg14 : memref<128x128xf32, #tpu.memory_space<vmem>>) target(%dma_start3A_41 : memref<128x128xf32, #tpu.memory_space<hbm>>) target_semaphore(%arg32 : memref<!tpu.dma_semaphore, #tpu.memory_space<semaphore_mem>>)
    %dma_start3A_42 = arith.constant 0 : i32
    %dma_start3A_43 = tpu.memref_slice %arg7[%add3A_32, %dma_start3A_42] : memref<327680x128xf32, #tpu.memory_space<hbm>> -> memref<128x128xf32, #tpu.memory_space<hbm>>
    %dma_start3A_44 = arith.constant 0 : i32
    %dma_start3A_45 = tpu.memref_slice %arg7[%add3A_32, %dma_start3A_44] : memref<327680x128xf32, #tpu.memory_space<hbm>> -> memref<128x128xf32, #tpu.memory_space<hbm>>
    tpu.enqueue_dma source(%arg15 : memref<128x128xf32, #tpu.memory_space<vmem>>) target(%dma_start3A_45 : memref<128x128xf32, #tpu.memory_space<hbm>>) target_semaphore(%arg33 : memref<!tpu.dma_semaphore, #tpu.memory_space<semaphore_mem>>)
    %add3A_46 = arith.constant 10112 : i32
    %add3A_47 = arith.addi %mul3A_2, %add3A_46 : i32
    %dma_wait3A_48 = arith.constant 0 : i32
    %dma_wait3A_49 = arith.constant 0 : i32
    %dma_wait3A_50 = tpu.memref_slice %arg2[%dma_wait3A_48, %dma_wait3A_49] : memref<10000x128xf32, #tpu.memory_space<hbm>> -> memref<10000x128xf32, #tpu.memory_space<hbm>>
    tpu.wait_indirect_dma semaphore(%arg28 : memref<!tpu.dma_semaphore, #tpu.memory_space<semaphore_mem>>) src(%dma_wait3A_50 : memref<10000x128xf32, #tpu.memory_space<hbm>>) dst(%arg16 : memref<128x128xf32, #tpu.memory_space<vmem>>)
    %dma_wait3A_51 = arith.constant 0 : i32
    %dma_wait3A_52 = arith.constant 0 : i32
    %dma_wait3A_53 = tpu.memref_slice %arg3[%dma_wait3A_51, %dma_wait3A_52] : memref<10000x128xf32, #tpu.memory_space<hbm>> -> memref<10000x128xf32, #tpu.memory_space<hbm>>
    tpu.wait_indirect_dma semaphore(%arg29 : memref<!tpu.dma_semaphore, #tpu.memory_space<semaphore_mem>>) src(%dma_wait3A_53 : memref<10000x128xf32, #tpu.memory_space<hbm>>) dst(%arg17 : memref<128x128xf32, #tpu.memory_space<vmem>>)
    %dma_start3A_54 = arith.constant 0 : i32
    %dma_start3A_55 = tpu.memref_slice %arg6[%add3A_47, %dma_start3A_54] : memref<327680x128xf32, #tpu.memory_space<hbm>> -> memref<128x128xf32, #tpu.memory_space<hbm>>
    %dma_start3A_56 = arith.constant 0 : i32
    %dma_start3A_57 = tpu.memref_slice %arg6[%add3A_47, %dma_start3A_56] : memref<327680x128xf32, #tpu.memory_space<hbm>> -> memref<128x128xf32, #tpu.memory_space<hbm>>
    tpu.enqueue_dma source(%arg16 : memref<128x128xf32, #tpu.memory_space<vmem>>) target(%dma_start3A_57 : memref<128x128xf32, #tpu.memory_space<hbm>>) target_semaphore(%arg34 : memref<!tpu.dma_semaphore, #tpu.memory_space<semaphore_mem>>)
    %dma_start3A_58 = arith.constant 0 : i32
    %dma_start3A_59 = tpu.memref_slice %arg7[%add3A_47, %dma_start3A_58] : memref<327680x128xf32, #tpu.memory_space<hbm>> -> memref<128x128xf32, #tpu.memory_space<hbm>>
    %dma_start3A_60 = arith.constant 0 : i32
    %dma_start3A_61 = tpu.memref_slice %arg7[%add3A_47, %dma_start3A_60] : memref<327680x128xf32, #tpu.memory_space<hbm>> -> memref<128x128xf32, #tpu.memory_space<hbm>>
    tpu.enqueue_dma source(%arg17 : memref<128x128xf32, #tpu.memory_space<vmem>>) target(%dma_start3A_61 : memref<128x128xf32, #tpu.memory_space<hbm>>) target_semaphore(%arg35 : memref<!tpu.dma_semaphore, #tpu.memory_space<semaphore_mem>>)
    %add3A_62 = arith.constant 9856 : i32
    %add3A_63 = arith.addi %mul3A_2, %add3A_62 : i32
    %dma_wait3A_64 = arith.constant 0 : i32
    %dma_wait3A_65 = tpu.memref_slice %arg6[%add3A_63, %dma_wait3A_64] : memref<327680x128xf32, #tpu.memory_space<hbm>> -> memref<128x128xf32, #tpu.memory_space<hbm>>
    %dma_wait3A_66 = arith.constant 0 : i32
    %dma_wait3A_67 = tpu.memref_slice %arg6[%add3A_63, %dma_wait3A_66] : memref<327680x128xf32, #tpu.memory_space<hbm>> -> memref<128x128xf32, #tpu.memory_space<hbm>>
    tpu.wait_dma2 semaphore(%arg36 : memref<!tpu.dma_semaphore, #tpu.memory_space<semaphore_mem>>) src(%arg18 : memref<128x128xf32, #tpu.memory_space<vmem>>) dst(%dma_wait3A_67 : memref<128x128xf32, #tpu.memory_space<hbm>>)
    %dma_wait3A_68 = arith.constant 0 : i32
    %dma_wait3A_69 = tpu.memref_slice %arg7[%add3A_63, %dma_wait3A_68] : memref<327680x128xf32, #tpu.memory_space<hbm>> -> memref<128x128xf32, #tpu.memory_space<hbm>>
    %dma_wait3A_70 = arith.constant 0 : i32
    %dma_wait3A_71 = tpu.memref_slice %arg7[%add3A_63, %dma_wait3A_70] : memref<327680x128xf32, #tpu.memory_space<hbm>> -> memref<128x128xf32, #tpu.memory_space<hbm>>
    tpu.wait_dma2 semaphore(%arg37 : memref<!tpu.dma_semaphore, #tpu.memory_space<semaphore_mem>>) src(%arg19 : memref<128x128xf32, #tpu.memory_space<vmem>>) dst(%dma_wait3A_71 : memref<128x128xf32, #tpu.memory_space<hbm>>)
    %dma_wait3A_72 = arith.constant 0 : i32
    %dma_wait3A_73 = tpu.memref_slice %arg6[%add3A_32, %dma_wait3A_72] : memref<327680x128xf32, #tpu.memory_space<hbm>> -> memref<128x128xf32, #tpu.memory_space<hbm>>
    %dma_wait3A_74 = arith.constant 0 : i32
    %dma_wait3A_75 = tpu.memref_slice %arg6[%add3A_32, %dma_wait3A_74] : memref<327680x128xf32, #tpu.memory_space<hbm>> -> memref<128x128xf32, #tpu.memory_space<hbm>>
    tpu.wait_dma2 semaphore(%arg32 : memref<!tpu.dma_semaphore, #tpu.memory_space<semaphore_mem>>) src(%arg14 : memref<128x128xf32, #tpu.memory_space<vmem>>) dst(%dma_wait3A_75 : memref<128x128xf32, #tpu.memory_space<hbm>>)
    %dma_wait3A_76 = arith.constant 0 : i32
    %dma_wait3A_77 = tpu.memref_slice %arg7[%add3A_32, %dma_wait3A_76] : memref<327680x128xf32, #tpu.memory_space<hbm>> -> memref<128x128xf32, #tpu.memory_space<hbm>>
    %dma_wait3A_78 = arith.constant 0 : i32
    %dma_wait3A_79 = tpu.memref_slice %arg7[%add3A_32, %dma_wait3A_78] : memref<327680x128xf32, #tpu.memory_space<hbm>> -> memref<128x128xf32, #tpu.memory_space<hbm>>
    tpu.wait_dma2 semaphore(%arg33 : memref<!tpu.dma_semaphore, #tpu.memory_space<semaphore_mem>>) src(%arg15 : memref<128x128xf32, #tpu.memory_space<vmem>>) dst(%dma_wait3A_79 : memref<128x128xf32, #tpu.memory_space<hbm>>)
    %dma_wait3A_80 = arith.constant 0 : i32
    %dma_wait3A_81 = tpu.memref_slice %arg6[%add3A_47, %dma_wait3A_80] : memref<327680x128xf32, #tpu.memory_space<hbm>> -> memref<128x128xf32, #tpu.memory_space<hbm>>
    %dma_wait3A_82 = arith.constant 0 : i32
    %dma_wait3A_83 = tpu.memref_slice %arg6[%add3A_47, %dma_wait3A_82] : memref<327680x128xf32, #tpu.memory_space<hbm>> -> memref<128x128xf32, #tpu.memory_space<hbm>>
    tpu.wait_dma2 semaphore(%arg34 : memref<!tpu.dma_semaphore, #tpu.memory_space<semaphore_mem>>) src(%arg16 : memref<128x128xf32, #tpu.memory_space<vmem>>) dst(%dma_wait3A_83 : memref<128x128xf32, #tpu.memory_space<hbm>>)
    %dma_wait3A_84 = arith.constant 0 : i32
    %dma_wait3A_85 = tpu.memref_slice %arg7[%add3A_47, %dma_wait3A_84] : memref<327680x128xf32, #tpu.memory_space<hbm>> -> memref<128x128xf32, #tpu.memory_space<hbm>>
    %dma_wait3A_86 = arith.constant 0 : i32
    %dma_wait3A_87 = tpu.memref_slice %arg7[%add3A_47, %dma_wait3A_86] : memref<327680x128xf32, #tpu.memory_space<hbm>> -> memref<128x128xf32, #tpu.memory_space<hbm>>
    tpu.wait_dma2 semaphore(%arg35 : memref<!tpu.dma_semaphore, #tpu.memory_space<semaphore_mem>>) src(%arg17 : memref<128x128xf32, #tpu.memory_space<vmem>>) dst(%dma_wait3A_87 : memref<128x128xf32, #tpu.memory_space<hbm>>)
    return
  }
}

#map = affine_map<(d0, d1) -> (0, 0)>
#map1 = affine_map<(d0, d1) -> (0)>
#map2 = affine_map<(d0, d1) -> (0, 0, 0)>
module attributes {stable_mosaic.version = 14 : i64} {
  func.func @k(%arg0: i32, %arg1: i32, %arg2: memref<327680x128xf32, #tpu.memory_space<hbm>>, %arg3: memref<327680xi32, #tpu.memory_space<hbm>>, %arg4: memref<624x128xf32, #tpu.memory_space<hbm>>, %arg5: memref<2x10000x128xf32, #tpu.memory_space<hbm>>, %arg6: memref<128xi32, #tpu.memory_space<vmem>>, %arg7: memref<128xi32, #tpu.memory_space<vmem>>, %arg8: memref<128x128xf32, #tpu.memory_space<vmem>>, %arg9: memref<128x128xf32, #tpu.memory_space<vmem>>, %arg10: memref<!tpu.dma_semaphore, #tpu.memory_space<semaphore_mem>>, %arg11: memref<!tpu.dma_semaphore, #tpu.memory_space<semaphore_mem>>, %arg12: memref<!tpu.dma_semaphore, #tpu.memory_space<semaphore_mem>>, %arg13: memref<!tpu.dma_semaphore, #tpu.memory_space<semaphore_mem>>, %arg14: memref<10016x128xf32, #tpu.memory_space<vmem_shared>>) attributes {dimension_semantics = [#tpu.dimension_semantics<core_parallel>, #tpu.dimension_semantics<subcore_parallel>], iteration_bounds = array<i64: 2, 16>, scalar_prefetch = 0 : i64, scratch_operands = 9 : i64, tpu.core_type = #tpu.core_type<sc_vector_subcore>, window_params = [{transform_indices = #map}, {transform_indices = #map1}, {transform_indices = #map}, {transform_indices = #map2}]} {
    %mul3A = arith.constant 2 : i32
    %mul3A_0 = arith.muli %arg1, %mul3A : i32
    %add3A = arith.addi %mul3A_0, %arg0 : i32
    %mul3A_1 = arith.constant 10240 : i32
    %mul3A_2 = arith.muli %add3A, %mul3A_1 : i32
    %dma_start3A = tpu.memref_slice %arg3[%mul3A_2] : memref<327680xi32, #tpu.memory_space<hbm>> -> memref<128xi32, #tpu.memory_space<hbm>>
    %dma_start3A_3 = tpu.memref_slice %arg3[%mul3A_2] : memref<327680xi32, #tpu.memory_space<hbm>> -> memref<128xi32, #tpu.memory_space<hbm>>
    tpu.enqueue_dma source(%dma_start3A_3 : memref<128xi32, #tpu.memory_space<hbm>>) target(%arg6 : memref<128xi32, #tpu.memory_space<vmem>>) target_semaphore(%arg10 : memref<!tpu.dma_semaphore, #tpu.memory_space<semaphore_mem>>)
    %dma_start3A_4 = arith.constant 0 : i32
    %dma_start3A_5 = tpu.memref_slice %arg2[%mul3A_2, %dma_start3A_4] : memref<327680x128xf32, #tpu.memory_space<hbm>> -> memref<128x128xf32, #tpu.memory_space<hbm>>
    %dma_start3A_6 = arith.constant 0 : i32
    %dma_start3A_7 = tpu.memref_slice %arg2[%mul3A_2, %dma_start3A_6] : memref<327680x128xf32, #tpu.memory_space<hbm>> -> memref<128x128xf32, #tpu.memory_space<hbm>>
    tpu.enqueue_dma source(%dma_start3A_7 : memref<128x128xf32, #tpu.memory_space<hbm>>) target(%arg8 : memref<128x128xf32, #tpu.memory_space<vmem>>) target_semaphore(%arg11 : memref<!tpu.dma_semaphore, #tpu.memory_space<semaphore_mem>>)
    %mul3A_8 = arith.constant 624 : i32
    %mul3A_9 = arith.muli %arg1, %mul3A_8 : i32
    "tpu.region"() ({
      %run_scoped3A = tpu.sem_alloc : memref<!tpu.dma_semaphore, #tpu.memory_space<semaphore_mem>>
      %dma_start3A_27 = arith.constant 0 : i32
      %dma_start3A_28 = tpu.memref_slice %arg14[%mul3A_9, %dma_start3A_27] : memref<10016x128xf32, #tpu.memory_space<vmem_shared>> -> memref<624x128xf32, #tpu.memory_space<vmem_shared>>
      tpu.enqueue_dma source(%arg4 : memref<624x128xf32, #tpu.memory_space<hbm>>) target(%dma_start3A_28 : memref<624x128xf32, #tpu.memory_space<vmem_shared>>) target_semaphore(%run_scoped3A : memref<!tpu.dma_semaphore, #tpu.memory_space<semaphore_mem>>)
      %dma_wait3A = arith.constant 0 : i32
      %dma_wait3A_29 = tpu.memref_slice %arg14[%mul3A_9, %dma_wait3A] : memref<10016x128xf32, #tpu.memory_space<vmem_shared>> -> memref<624x128xf32, #tpu.memory_space<vmem_shared>>
      tpu.wait_dma2 semaphore(%run_scoped3A : memref<!tpu.dma_semaphore, #tpu.memory_space<semaphore_mem>>) src(%arg4 : memref<624x128xf32, #tpu.memory_space<hbm>>) dst(%dma_wait3A_29 : memref<624x128xf32, #tpu.memory_space<vmem_shared>>)
      tpu.yield
    }) : () -> ()
    %eq3A = arith.constant 15 : i32
    %eq3A_10 = arith.cmpi eq, %arg1, %eq3A : i32
    %convert_element_type3A = arith.extui %eq3A_10 : i1 to i32
    %cond3A = arith.constant 0 : i32
    %cond3A_11 = arith.cmpi ne, %convert_element_type3A, %cond3A : i32
    scf.if %cond3A_11 {
      "tpu.region"() ({
        %run_scoped3A = tpu.sem_alloc : memref<!tpu.dma_semaphore, #tpu.memory_space<semaphore_mem>>
        %dma_start3A_27 = arith.constant 9984 : i32
        %dma_start3A_28 = arith.constant 0 : i32
        %dma_start3A_29 = tpu.memref_slice %arg14[%dma_start3A_27, %dma_start3A_28] : memref<10016x128xf32, #tpu.memory_space<vmem_shared>> -> memref<16x128xf32, #tpu.memory_space<vmem_shared>>
        %dma_start3A_30 = arith.constant 0 : i32
        %dma_start3A_31 = arith.constant 0 : i32
        %dma_start3A_32 = tpu.memref_slice %arg4[%dma_start3A_30, %dma_start3A_31] : memref<624x128xf32, #tpu.memory_space<hbm>> -> memref<16x128xf32, #tpu.memory_space<hbm>>
        tpu.enqueue_dma source(%dma_start3A_32 : memref<16x128xf32, #tpu.memory_space<hbm>>) target(%dma_start3A_29 : memref<16x128xf32, #tpu.memory_space<vmem_shared>>) target_semaphore(%run_scoped3A : memref<!tpu.dma_semaphore, #tpu.memory_space<semaphore_mem>>)
        %dma_wait3A = arith.constant 9984 : i32
        %dma_wait3A_33 = arith.constant 0 : i32
        %dma_wait3A_34 = tpu.memref_slice %arg14[%dma_wait3A, %dma_wait3A_33] : memref<10016x128xf32, #tpu.memory_space<vmem_shared>> -> memref<16x128xf32, #tpu.memory_space<vmem_shared>>
        %dma_wait3A_35 = arith.constant 0 : i32
        %dma_wait3A_36 = arith.constant 0 : i32
        %dma_wait3A_37 = tpu.memref_slice %arg4[%dma_wait3A_35, %dma_wait3A_36] : memref<624x128xf32, #tpu.memory_space<hbm>> -> memref<16x128xf32, #tpu.memory_space<hbm>>
        tpu.wait_dma2 semaphore(%run_scoped3A : memref<!tpu.dma_semaphore, #tpu.memory_space<semaphore_mem>>) src(%dma_wait3A_37 : memref<16x128xf32, #tpu.memory_space<hbm>>) dst(%dma_wait3A_34 : memref<16x128xf32, #tpu.memory_space<vmem_shared>>)
        tpu.yield
      }) : () -> ()
    } else {
    }
    %barrier3A = arith.constant 0 : index
    tpu.barrier barrier_id(%barrier3A)
    %scan3A = arith.constant 0 : i32
    %scan3A_12 = arith.constant 0 : i32
    %scan3A_13 = arith.constant 80 : i32
    %scan3A_14 = arith.addi %scan3A_12, %scan3A_13 : i32
    %scan3A_15 = arith.constant 1 : i32
    scf.for %scan3A_27 = %scan3A_12 to %scan3A_14 step %scan3A_15  : i32 {
      %jit3A = arith.constant 2 : i32
      %eq3A_28 = arith.constant 0 : i32
      %eq3A_29 = arith.cmpi eq, %jit3A, %eq3A_28 : i32
      %jit3A_30 = arith.constant 1 : i32
      %select_n3A = arith.select %eq3A_29, %jit3A_30, %jit3A : i32
      %rem3A = arith.remsi %scan3A_27, %select_n3A : i32
      %ne3A = arith.constant 0 : i32
      %ne3A_31 = arith.cmpi ne, %rem3A, %ne3A : i32
      %lt3A = arith.constant 0 : i32
      %lt3A_32 = arith.cmpi slt, %rem3A, %lt3A : i32
      %lt3A_33 = arith.constant 0 : i32
      %lt3A_34 = arith.cmpi slt, %select_n3A, %lt3A_33 : i32
      %ne3A_35 = arith.xori %lt3A_32, %lt3A_34 : i1
      %and3A = arith.andi %ne3A_35, %ne3A_31 : i1
      %add3A_36 = arith.addi %rem3A, %select_n3A : i32
      %select_n3A_37 = arith.select %and3A, %add3A_36, %rem3A : i32
      %eq3A_38 = arith.constant 0 : i32
      %eq3A_39 = arith.cmpi eq, %select_n3A_37, %eq3A_38 : i32
      %convert_element_type3A_40 = arith.extui %eq3A_39 : i1 to i32
      %cond3A_41 = arith.constant 0 : i32
      %cond3A_42 = arith.cmpi ne, %convert_element_type3A_40, %cond3A_41 : i32
      scf.if %cond3A_42 {
        %mul3A_64 = arith.constant 128 : i32
        %mul3A_65 = arith.muli %scan3A_27, %mul3A_64 : i32
        %add3A_66 = arith.addi %mul3A_2, %mul3A_65 : i32
        %dma_wait3A = tpu.memref_slice %arg3[%add3A_66] : memref<327680xi32, #tpu.memory_space<hbm>> -> memref<128xi32, #tpu.memory_space<hbm>>
        %dma_wait3A_67 = tpu.memref_slice %arg3[%add3A_66] : memref<327680xi32, #tpu.memory_space<hbm>> -> memref<128xi32, #tpu.memory_space<hbm>>
        tpu.wait_dma2 semaphore(%arg10 : memref<!tpu.dma_semaphore, #tpu.memory_space<semaphore_mem>>) src(%dma_wait3A_67 : memref<128xi32, #tpu.memory_space<hbm>>) dst(%arg6 : memref<128xi32, #tpu.memory_space<vmem>>)
        %dma_wait3A_68 = arith.constant 0 : i32
        %dma_wait3A_69 = tpu.memref_slice %arg2[%add3A_66, %dma_wait3A_68] : memref<327680x128xf32, #tpu.memory_space<hbm>> -> memref<128x128xf32, #tpu.memory_space<hbm>>
        %dma_wait3A_70 = arith.constant 0 : i32
        %dma_wait3A_71 = tpu.memref_slice %arg2[%add3A_66, %dma_wait3A_70] : memref<327680x128xf32, #tpu.memory_space<hbm>> -> memref<128x128xf32, #tpu.memory_space<hbm>>
        tpu.wait_dma2 semaphore(%arg11 : memref<!tpu.dma_semaphore, #tpu.memory_space<semaphore_mem>>) src(%dma_wait3A_71 : memref<128x128xf32, #tpu.memory_space<hbm>>) dst(%arg8 : memref<128x128xf32, #tpu.memory_space<vmem>>)
        %add3A_72 = arith.constant 1 : i32
        %add3A_73 = arith.addi %scan3A_27, %add3A_72 : i32
        %lt3A_74 = arith.constant 80 : i32
        %lt3A_75 = arith.cmpi slt, %add3A_73, %lt3A_74 : i32
        %convert_element_type3A_76 = arith.extui %lt3A_75 : i1 to i32
        %cond3A_77 = arith.constant 0 : i32
        %cond3A_78 = arith.cmpi ne, %convert_element_type3A_76, %cond3A_77 : i32
        scf.if %cond3A_78 {
          %add3A_79 = arith.constant 1 : i32
          %add3A_80 = arith.addi %scan3A_27, %add3A_79 : i32
          %mul3A_81 = arith.constant 128 : i32
          %mul3A_82 = arith.muli %add3A_80, %mul3A_81 : i32
          %add3A_83 = arith.addi %mul3A_2, %mul3A_82 : i32
          %dma_start3A_84 = tpu.memref_slice %arg3[%add3A_83] : memref<327680xi32, #tpu.memory_space<hbm>> -> memref<128xi32, #tpu.memory_space<hbm>>
          %dma_start3A_85 = tpu.memref_slice %arg3[%add3A_83] : memref<327680xi32, #tpu.memory_space<hbm>> -> memref<128xi32, #tpu.memory_space<hbm>>
          tpu.enqueue_dma source(%dma_start3A_85 : memref<128xi32, #tpu.memory_space<hbm>>) target(%arg7 : memref<128xi32, #tpu.memory_space<vmem>>) target_semaphore(%arg12 : memref<!tpu.dma_semaphore, #tpu.memory_space<semaphore_mem>>)
          %dma_start3A_86 = arith.constant 0 : i32
          %dma_start3A_87 = tpu.memref_slice %arg2[%add3A_83, %dma_start3A_86] : memref<327680x128xf32, #tpu.memory_space<hbm>> -> memref<128x128xf32, #tpu.memory_space<hbm>>
          %dma_start3A_88 = arith.constant 0 : i32
          %dma_start3A_89 = tpu.memref_slice %arg2[%add3A_83, %dma_start3A_88] : memref<327680x128xf32, #tpu.memory_space<hbm>> -> memref<128x128xf32, #tpu.memory_space<hbm>>
          tpu.enqueue_dma source(%dma_start3A_89 : memref<128x128xf32, #tpu.memory_space<hbm>>) target(%arg9 : memref<128x128xf32, #tpu.memory_space<vmem>>) target_semaphore(%arg13 : memref<!tpu.dma_semaphore, #tpu.memory_space<semaphore_mem>>)
        } else {
        }
        "tpu.region"() ({
          %run_scoped3A = tpu.sem_alloc : memref<!tpu.dma_semaphore, #tpu.memory_space<semaphore_mem>>
          %dma_start3A_79 = arith.constant 0 : i32
          %dma_start3A_80 = arith.constant 0 : i32
          %dma_start3A_81 = tpu.memref_slice %arg14[%dma_start3A_79, %dma_start3A_80] : memref<10016x128xf32, #tpu.memory_space<vmem_shared>> -> memref<10016x128xf32, #tpu.memory_space<vmem_shared>>
          tpu.enqueue_indirect_dma source(%arg8 : memref<128x128xf32, #tpu.memory_space<vmem>>) target(%dma_start3A_81 : memref<10016x128xf32, #tpu.memory_space<vmem_shared>>) offsets(%arg6 : memref<128xi32, #tpu.memory_space<vmem>>) semaphore(%run_scoped3A : memref<!tpu.dma_semaphore, #tpu.memory_space<semaphore_mem>>) {add = true}
          %dma_wait3A_82 = arith.constant 0 : i32
          %dma_wait3A_83 = arith.constant 0 : i32
          %dma_wait3A_84 = tpu.memref_slice %arg14[%dma_wait3A_82, %dma_wait3A_83] : memref<10016x128xf32, #tpu.memory_space<vmem_shared>> -> memref<10016x128xf32, #tpu.memory_space<vmem_shared>>
          tpu.wait_indirect_dma semaphore(%run_scoped3A : memref<!tpu.dma_semaphore, #tpu.memory_space<semaphore_mem>>) src(%arg8 : memref<128x128xf32, #tpu.memory_space<vmem>>) dst(%dma_wait3A_84 : memref<10016x128xf32, #tpu.memory_space<vmem_shared>>)
          tpu.yield
        }) : () -> ()
      } else {
      }
      %jit3A_43 = arith.constant 2 : i32
      %eq3A_44 = arith.constant 0 : i32
      %eq3A_45 = arith.cmpi eq, %jit3A_43, %eq3A_44 : i32
      %jit3A_46 = arith.constant 1 : i32
      %select_n3A_47 = arith.select %eq3A_45, %jit3A_46, %jit3A_43 : i32
      %rem3A_48 = arith.remsi %scan3A_27, %select_n3A_47 : i32
      %ne3A_49 = arith.constant 0 : i32
      %ne3A_50 = arith.cmpi ne, %rem3A_48, %ne3A_49 : i32
      %lt3A_51 = arith.constant 0 : i32
      %lt3A_52 = arith.cmpi slt, %rem3A_48, %lt3A_51 : i32
      %lt3A_53 = arith.constant 0 : i32
      %lt3A_54 = arith.cmpi slt, %select_n3A_47, %lt3A_53 : i32
      %ne3A_55 = arith.xori %lt3A_52, %lt3A_54 : i1
      %and3A_56 = arith.andi %ne3A_55, %ne3A_50 : i1
      %add3A_57 = arith.addi %rem3A_48, %select_n3A_47 : i32
      %select_n3A_58 = arith.select %and3A_56, %add3A_57, %rem3A_48 : i32
      %eq3A_59 = arith.constant 1 : i32
      %eq3A_60 = arith.cmpi eq, %select_n3A_58, %eq3A_59 : i32
      %convert_element_type3A_61 = arith.extui %eq3A_60 : i1 to i32
      %cond3A_62 = arith.constant 0 : i32
      %cond3A_63 = arith.cmpi ne, %convert_element_type3A_61, %cond3A_62 : i32
      scf.if %cond3A_63 {
        %mul3A_64 = arith.constant 128 : i32
        %mul3A_65 = arith.muli %scan3A_27, %mul3A_64 : i32
        %add3A_66 = arith.addi %mul3A_2, %mul3A_65 : i32
        %dma_wait3A = tpu.memref_slice %arg3[%add3A_66] : memref<327680xi32, #tpu.memory_space<hbm>> -> memref<128xi32, #tpu.memory_space<hbm>>
        %dma_wait3A_67 = tpu.memref_slice %arg3[%add3A_66] : memref<327680xi32, #tpu.memory_space<hbm>> -> memref<128xi32, #tpu.memory_space<hbm>>
        tpu.wait_dma2 semaphore(%arg12 : memref<!tpu.dma_semaphore, #tpu.memory_space<semaphore_mem>>) src(%dma_wait3A_67 : memref<128xi32, #tpu.memory_space<hbm>>) dst(%arg7 : memref<128xi32, #tpu.memory_space<vmem>>)
        %dma_wait3A_68 = arith.constant 0 : i32
        %dma_wait3A_69 = tpu.memref_slice %arg2[%add3A_66, %dma_wait3A_68] : memref<327680x128xf32, #tpu.memory_space<hbm>> -> memref<128x128xf32, #tpu.memory_space<hbm>>
        %dma_wait3A_70 = arith.constant 0 : i32
        %dma_wait3A_71 = tpu.memref_slice %arg2[%add3A_66, %dma_wait3A_70] : memref<327680x128xf32, #tpu.memory_space<hbm>> -> memref<128x128xf32, #tpu.memory_space<hbm>>
        tpu.wait_dma2 semaphore(%arg13 : memref<!tpu.dma_semaphore, #tpu.memory_space<semaphore_mem>>) src(%dma_wait3A_71 : memref<128x128xf32, #tpu.memory_space<hbm>>) dst(%arg9 : memref<128x128xf32, #tpu.memory_space<vmem>>)
        %add3A_72 = arith.constant 1 : i32
        %add3A_73 = arith.addi %scan3A_27, %add3A_72 : i32
        %lt3A_74 = arith.constant 80 : i32
        %lt3A_75 = arith.cmpi slt, %add3A_73, %lt3A_74 : i32
        %convert_element_type3A_76 = arith.extui %lt3A_75 : i1 to i32
        %cond3A_77 = arith.constant 0 : i32
        %cond3A_78 = arith.cmpi ne, %convert_element_type3A_76, %cond3A_77 : i32
        scf.if %cond3A_78 {
          %add3A_79 = arith.constant 1 : i32
          %add3A_80 = arith.addi %scan3A_27, %add3A_79 : i32
          %mul3A_81 = arith.constant 128 : i32
          %mul3A_82 = arith.muli %add3A_80, %mul3A_81 : i32
          %add3A_83 = arith.addi %mul3A_2, %mul3A_82 : i32
          %dma_start3A_84 = tpu.memref_slice %arg3[%add3A_83] : memref<327680xi32, #tpu.memory_space<hbm>> -> memref<128xi32, #tpu.memory_space<hbm>>
          %dma_start3A_85 = tpu.memref_slice %arg3[%add3A_83] : memref<327680xi32, #tpu.memory_space<hbm>> -> memref<128xi32, #tpu.memory_space<hbm>>
          tpu.enqueue_dma source(%dma_start3A_85 : memref<128xi32, #tpu.memory_space<hbm>>) target(%arg6 : memref<128xi32, #tpu.memory_space<vmem>>) target_semaphore(%arg10 : memref<!tpu.dma_semaphore, #tpu.memory_space<semaphore_mem>>)
          %dma_start3A_86 = arith.constant 0 : i32
          %dma_start3A_87 = tpu.memref_slice %arg2[%add3A_83, %dma_start3A_86] : memref<327680x128xf32, #tpu.memory_space<hbm>> -> memref<128x128xf32, #tpu.memory_space<hbm>>
          %dma_start3A_88 = arith.constant 0 : i32
          %dma_start3A_89 = tpu.memref_slice %arg2[%add3A_83, %dma_start3A_88] : memref<327680x128xf32, #tpu.memory_space<hbm>> -> memref<128x128xf32, #tpu.memory_space<hbm>>
          tpu.enqueue_dma source(%dma_start3A_89 : memref<128x128xf32, #tpu.memory_space<hbm>>) target(%arg8 : memref<128x128xf32, #tpu.memory_space<vmem>>) target_semaphore(%arg11 : memref<!tpu.dma_semaphore, #tpu.memory_space<semaphore_mem>>)
        } else {
        }
        "tpu.region"() ({
          %run_scoped3A = tpu.sem_alloc : memref<!tpu.dma_semaphore, #tpu.memory_space<semaphore_mem>>
          %dma_start3A_79 = arith.constant 0 : i32
          %dma_start3A_80 = arith.constant 0 : i32
          %dma_start3A_81 = tpu.memref_slice %arg14[%dma_start3A_79, %dma_start3A_80] : memref<10016x128xf32, #tpu.memory_space<vmem_shared>> -> memref<10016x128xf32, #tpu.memory_space<vmem_shared>>
          tpu.enqueue_indirect_dma source(%arg9 : memref<128x128xf32, #tpu.memory_space<vmem>>) target(%dma_start3A_81 : memref<10016x128xf32, #tpu.memory_space<vmem_shared>>) offsets(%arg7 : memref<128xi32, #tpu.memory_space<vmem>>) semaphore(%run_scoped3A : memref<!tpu.dma_semaphore, #tpu.memory_space<semaphore_mem>>) {add = true}
          %dma_wait3A_82 = arith.constant 0 : i32
          %dma_wait3A_83 = arith.constant 0 : i32
          %dma_wait3A_84 = tpu.memref_slice %arg14[%dma_wait3A_82, %dma_wait3A_83] : memref<10016x128xf32, #tpu.memory_space<vmem_shared>> -> memref<10016x128xf32, #tpu.memory_space<vmem_shared>>
          tpu.wait_indirect_dma semaphore(%run_scoped3A : memref<!tpu.dma_semaphore, #tpu.memory_space<semaphore_mem>>) src(%arg9 : memref<128x128xf32, #tpu.memory_space<vmem>>) dst(%dma_wait3A_84 : memref<10016x128xf32, #tpu.memory_space<vmem_shared>>)
          tpu.yield
        }) : () -> ()
      } else {
      }
    }
    %scan3A_16 = arith.constant 80 : i32
    %barrier3A_17 = arith.constant 0 : index
    tpu.barrier barrier_id(%barrier3A_17)
    %mul3A_18 = arith.constant 624 : i32
    %mul3A_19 = arith.muli %arg1, %mul3A_18 : i32
    %mul3A_20 = arith.constant 624 : i32
    %mul3A_21 = arith.muli %arg1, %mul3A_20 : i32
    "tpu.region"() ({
      %run_scoped3A = tpu.sem_alloc : memref<!tpu.dma_semaphore, #tpu.memory_space<semaphore_mem>>
      %dma_start3A_27 = arith.constant 0 : i32
      %dma_start3A_28 = tpu.memref_slice %arg5[%arg0, %mul3A_21, %dma_start3A_27] : memref<2x10000x128xf32, #tpu.memory_space<hbm>> -> memref<1x624x128xf32, #tpu.memory_space<hbm>>
      %dma_start3A_29 = tpu.memref_squeeze %dma_start3A_28 : memref<1x624x128xf32, #tpu.memory_space<hbm>> -> memref<624x128xf32, #tpu.memory_space<hbm>>
      %dma_start3A_30 = arith.constant 0 : i32
      %dma_start3A_31 = tpu.memref_slice %arg14[%mul3A_19, %dma_start3A_30] : memref<10016x128xf32, #tpu.memory_space<vmem_shared>> -> memref<624x128xf32, #tpu.memory_space<vmem_shared>>
      tpu.enqueue_dma source(%dma_start3A_31 : memref<624x128xf32, #tpu.memory_space<vmem_shared>>) target(%dma_start3A_29 : memref<624x128xf32, #tpu.memory_space<hbm>>) target_semaphore(%run_scoped3A : memref<!tpu.dma_semaphore, #tpu.memory_space<semaphore_mem>>)
      %dma_wait3A = arith.constant 0 : i32
      %dma_wait3A_32 = tpu.memref_slice %arg5[%arg0, %mul3A_21, %dma_wait3A] : memref<2x10000x128xf32, #tpu.memory_space<hbm>> -> memref<1x624x128xf32, #tpu.memory_space<hbm>>
      %dma_wait3A_33 = tpu.memref_squeeze %dma_wait3A_32 : memref<1x624x128xf32, #tpu.memory_space<hbm>> -> memref<624x128xf32, #tpu.memory_space<hbm>>
      %dma_wait3A_34 = arith.constant 0 : i32
      %dma_wait3A_35 = tpu.memref_slice %arg14[%mul3A_19, %dma_wait3A_34] : memref<10016x128xf32, #tpu.memory_space<vmem_shared>> -> memref<624x128xf32, #tpu.memory_space<vmem_shared>>
      tpu.wait_dma2 semaphore(%run_scoped3A : memref<!tpu.dma_semaphore, #tpu.memory_space<semaphore_mem>>) src(%dma_wait3A_35 : memref<624x128xf32, #tpu.memory_space<vmem_shared>>) dst(%dma_wait3A_33 : memref<624x128xf32, #tpu.memory_space<hbm>>)
      tpu.yield
    }) : () -> ()
    %eq3A_22 = arith.constant 15 : i32
    %eq3A_23 = arith.cmpi eq, %arg1, %eq3A_22 : i32
    %convert_element_type3A_24 = arith.extui %eq3A_23 : i1 to i32
    %cond3A_25 = arith.constant 0 : i32
    %cond3A_26 = arith.cmpi ne, %convert_element_type3A_24, %cond3A_25 : i32
    scf.if %cond3A_26 {
      "tpu.region"() ({
        %run_scoped3A = tpu.sem_alloc : memref<!tpu.dma_semaphore, #tpu.memory_space<semaphore_mem>>
        %dma_start3A_27 = arith.constant 9984 : i32
        %dma_start3A_28 = arith.constant 0 : i32
        %dma_start3A_29 = tpu.memref_slice %arg5[%arg0, %dma_start3A_27, %dma_start3A_28] : memref<2x10000x128xf32, #tpu.memory_space<hbm>> -> memref<1x16x128xf32, #tpu.memory_space<hbm>>
        %dma_start3A_30 = tpu.memref_squeeze %dma_start3A_29 : memref<1x16x128xf32, #tpu.memory_space<hbm>> -> memref<16x128xf32, #tpu.memory_space<hbm>>
        %dma_start3A_31 = arith.constant 9984 : i32
        %dma_start3A_32 = arith.constant 0 : i32
        %dma_start3A_33 = tpu.memref_slice %arg14[%dma_start3A_31, %dma_start3A_32] : memref<10016x128xf32, #tpu.memory_space<vmem_shared>> -> memref<16x128xf32, #tpu.memory_space<vmem_shared>>
        tpu.enqueue_dma source(%dma_start3A_33 : memref<16x128xf32, #tpu.memory_space<vmem_shared>>) target(%dma_start3A_30 : memref<16x128xf32, #tpu.memory_space<hbm>>) target_semaphore(%run_scoped3A : memref<!tpu.dma_semaphore, #tpu.memory_space<semaphore_mem>>)
        %dma_wait3A = arith.constant 9984 : i32
        %dma_wait3A_34 = arith.constant 0 : i32
        %dma_wait3A_35 = tpu.memref_slice %arg5[%arg0, %dma_wait3A, %dma_wait3A_34] : memref<2x10000x128xf32, #tpu.memory_space<hbm>> -> memref<1x16x128xf32, #tpu.memory_space<hbm>>
        %dma_wait3A_36 = tpu.memref_squeeze %dma_wait3A_35 : memref<1x16x128xf32, #tpu.memory_space<hbm>> -> memref<16x128xf32, #tpu.memory_space<hbm>>
        %dma_wait3A_37 = arith.constant 9984 : i32
        %dma_wait3A_38 = arith.constant 0 : i32
        %dma_wait3A_39 = tpu.memref_slice %arg14[%dma_wait3A_37, %dma_wait3A_38] : memref<10016x128xf32, #tpu.memory_space<vmem_shared>> -> memref<16x128xf32, #tpu.memory_space<vmem_shared>>
        tpu.wait_dma2 semaphore(%run_scoped3A : memref<!tpu.dma_semaphore, #tpu.memory_space<semaphore_mem>>) src(%dma_wait3A_39 : memref<16x128xf32, #tpu.memory_space<vmem_shared>>) dst(%dma_wait3A_36 : memref<16x128xf32, #tpu.memory_space<hbm>>)
        tpu.yield
      }) : () -> ()
    } else {
    }
    return
  }
}

module attributes {stable_mosaic.version = 14 : i64} {
  func.func @body(%arg0: i32, %arg1: memref<2000x128xf32, #tpu.memory_space<vmem>>, %arg2: memref<128x64xf32, #tpu.memory_space<vmem>>, %arg3: memref<64xf32, #tpu.memory_space<vmem>>, %arg4: memref<64xf32, #tpu.memory_space<vmem>>, %arg5: memref<64xf32, #tpu.memory_space<vmem>>, %arg6: memref<2000x64xf32, #tpu.memory_space<vmem>>) attributes {dimension_semantics = [#tpu.dimension_semantics<arbitrary>], iteration_bounds = array<i64: 5>, scalar_prefetch = 0 : i64, scratch_operands = 0 : i64, tpu.core_type = #tpu.core_type<tc>, window_params = [{transform_indices = @transform_0, window_bounds = array<i64: 2000, 128>}, {pipeline_mode = #tpu.pipeline_mode<synchronous>, transform_indices = @transform_1, window_bounds = array<i64: 128, 64>}, {pipeline_mode = #tpu.pipeline_mode<synchronous>, transform_indices = @transform_2, window_bounds = array<i64: 64>}, {pipeline_mode = #tpu.pipeline_mode<synchronous>, transform_indices = @transform_3, window_bounds = array<i64: 64>}, {pipeline_mode = #tpu.pipeline_mode<synchronous>, transform_indices = @transform_4, window_bounds = array<i64: 64>}, {transform_indices = @transform_5, window_bounds = array<i64: 2000, 64>}]} {
    %get3A = arith.constant 0 : index
    %get3A_0 = arith.constant 0 : index
    %get3A_1 = vector.load %arg1[%get3A, %get3A_0] : memref<2000x128xf32, #tpu.memory_space<vmem>>, vector<2000x128xf32>
    %get3A_2 = arith.constant 0 : index
    %get3A_3 = arith.constant 0 : index
    %get3A_4 = vector.load %arg2[%get3A_2, %get3A_3] : memref<128x64xf32, #tpu.memory_space<vmem>>, vector<128x64xf32>
    %dot_general3A = arith.constant dense<0.000000e+00> : vector<2000x64xf32>
    %dot_general3A_5 = tpu.matmul %get3A_1, %get3A_4, %dot_general3A {dimension_numbers = #tpu.dot_dimension_numbers<[1], [0], [0], [1], [0, 0, 1, 1], [], []>, precision = #tpu.contract_precision<fp32>, transpose_lhs_hint = false} : vector<2000x128xf32>, vector<128x64xf32>, vector<2000x64xf32> -> vector<2000x64xf32>
    %get3A_6 = arith.constant 0 : index
    %get3A_7 = vector.load %arg3[%get3A_6] : memref<64xf32, #tpu.memory_space<vmem>>, vector<64xf32>
    %broadcast_in_dim3A = vector.shape_cast %get3A_7 : vector<64xf32> to vector<1x64xf32>
    %add3A = vector.broadcast %broadcast_in_dim3A : vector<1x64xf32> to vector<2000x64xf32>
    %add3A_8 = arith.addf %dot_general3A_5, %add3A : vector<2000x64xf32>
    %get3A_9 = arith.constant 0 : index
    %get3A_10 = vector.load %arg4[%get3A_9] : memref<64xf32, #tpu.memory_space<vmem>>, vector<64xf32>
    %get3A_11 = arith.constant 0 : index
    %get3A_12 = vector.load %arg5[%get3A_11] : memref<64xf32, #tpu.memory_space<vmem>>, vector<64xf32>
    %reduce_sum3A = arith.constant dense<0.000000e+00> : vector<2000xf32>
    %reduce_sum3A_13 = vector.multi_reduction <add>, %add3A_8, %reduce_sum3A [1] : vector<2000x64xf32> to vector<2000xf32>
    %broadcast_in_dim3A_14 = vector.shape_cast %reduce_sum3A_13 : vector<2000xf32> to vector<2000x1xf32>
    %div3A = arith.constant 6.400000e+01 : f32
    %div3A_15 = vector.broadcast %div3A : f32 to vector<2000x1xf32>
    %div3A_16 = arith.divf %broadcast_in_dim3A_14, %div3A_15 : vector<2000x1xf32>
    %jit3A = arith.constant 0 : i32
    %reduce_sum3A_17 = arith.constant dense<0.000000e+00> : vector<2000xf32>
    %reduce_sum3A_18 = vector.multi_reduction <add>, %add3A_8, %reduce_sum3A_17 [1] : vector<2000x64xf32> to vector<2000xf32>
    %broadcast_in_dim3A_19 = vector.shape_cast %reduce_sum3A_18 : vector<2000xf32> to vector<2000x1xf32>
    %div3A_20 = arith.constant 6.400000e+01 : f32
    %div3A_21 = vector.broadcast %div3A_20 : f32 to vector<2000x1xf32>
    %div3A_22 = arith.divf %broadcast_in_dim3A_19, %div3A_21 : vector<2000x1xf32>
    %sub3A = vector.broadcast %div3A_22 : vector<2000x1xf32> to vector<2000x64xf32>
    %sub3A_23 = arith.subf %add3A_8, %sub3A : vector<2000x64xf32>
    %square3A = arith.mulf %sub3A_23, %sub3A_23 : vector<2000x64xf32>
    %convert_element_type3A = arith.sitofp %jit3A : i32 to f32
    %sub3A_24 = arith.constant 6.400000e+01 : f32
    %sub3A_25 = arith.subf %sub3A_24, %convert_element_type3A : f32
    %reduce_sum3A_26 = arith.constant dense<0.000000e+00> : vector<2000xf32>
    %reduce_sum3A_27 = vector.multi_reduction <add>, %square3A, %reduce_sum3A_26 [1] : vector<2000x64xf32> to vector<2000xf32>
    %broadcast_in_dim3A_28 = vector.shape_cast %reduce_sum3A_27 : vector<2000xf32> to vector<2000x1xf32>
    %div3A_29 = vector.broadcast %sub3A_25 : f32 to vector<2000x1xf32>
    %div3A_30 = arith.divf %broadcast_in_dim3A_28, %div3A_29 : vector<2000x1xf32>
    %gt3A = arith.constant 0.000000e+00 : f32
    %gt3A_31 = arith.cmpf ogt, %sub3A_25, %gt3A : f32
    %jit3A_32 = arith.constant 0x7FC00000 : f32
    %broadcast_in_dim3A_33 = vector.broadcast %jit3A_32 : f32 to vector<2000x1xf32>
    %select_n3A = arith.select %gt3A_31, %div3A_30, %broadcast_in_dim3A_33 : vector<2000x1xf32>
    %sub3A_34 = vector.broadcast %div3A_16 : vector<2000x1xf32> to vector<2000x64xf32>
    %sub3A_35 = arith.subf %add3A_8, %sub3A_34 : vector<2000x64xf32>
    %add3A_36 = arith.constant 9.99999974E-6 : f32
    %add3A_37 = vector.broadcast %add3A_36 : f32 to vector<2000x1xf32>
    %add3A_38 = arith.addf %select_n3A, %add3A_37 : vector<2000x1xf32>
    %sqrt3A = math.sqrt %add3A_38 : vector<2000x1xf32>
    %div3A_39 = vector.broadcast %sqrt3A : vector<2000x1xf32> to vector<2000x64xf32>
    %div3A_40 = arith.divf %sub3A_35, %div3A_39 : vector<2000x64xf32>
    %broadcast_in_dim3A_41 = vector.shape_cast %get3A_10 : vector<64xf32> to vector<1x64xf32>
    %mul3A = vector.broadcast %broadcast_in_dim3A_41 : vector<1x64xf32> to vector<2000x64xf32>
    %mul3A_42 = arith.mulf %div3A_40, %mul3A : vector<2000x64xf32>
    %broadcast_in_dim3A_43 = vector.shape_cast %get3A_12 : vector<64xf32> to vector<1x64xf32>
    %add3A_44 = vector.broadcast %broadcast_in_dim3A_43 : vector<1x64xf32> to vector<2000x64xf32>
    %add3A_45 = arith.addf %mul3A_42, %add3A_44 : vector<2000x64xf32>
    %ge3A = arith.constant 0.000000e+00 : f32
    %ge3A_46 = vector.broadcast %ge3A : f32 to vector<2000x64xf32>
    %ge3A_47 = arith.cmpf oge, %add3A_45, %ge3A_46 : vector<2000x64xf32>
    %mul3A_48 = arith.constant 0.00999999977 : f32
    %mul3A_49 = vector.broadcast %mul3A_48 : f32 to vector<2000x64xf32>
    %mul3A_50 = arith.mulf %mul3A_49, %add3A_45 : vector<2000x64xf32>
    %select_n3A_51 = arith.select %ge3A_47, %add3A_45, %mul3A_50 : vector<2000x64xi1>, vector<2000x64xf32>
    %swap3A = arith.constant 0 : index
    %swap3A_52 = arith.constant 0 : index
    %swap3A_53 = vector.load %arg6[%swap3A, %swap3A_52] : memref<2000x64xf32, #tpu.memory_space<vmem>>, vector<2000x64xf32>
    tpu.vector_store %arg6[%swap3A, %swap3A_52], %select_n3A_51 {strides = array<i32>} : memref<2000x64xf32, #tpu.memory_space<vmem>>, vector<2000x64xf32>,
    return
  }
  func.func @transform_0(%arg0: i32) -> (i32, i32) {
    %c0_i32 = arith.constant 0 : i32
    %c0_i32_0 = arith.constant 0 : i32
    return %arg0, %c0_i32 : i32, i32
  }
  func.func @transform_1(%arg0: i32) -> (i32, i32) {
    %c0_i32 = arith.constant 0 : i32
    %c0_i32_0 = arith.constant 0 : i32
    %c0_i32_1 = arith.constant 0 : i32
    return %c0_i32, %c0_i32_0 : i32, i32
  }
  func.func @transform_2(%arg0: i32) -> i32 {
    %c0_i32 = arith.constant 0 : i32
    %c0_i32_0 = arith.constant 0 : i32
    return %c0_i32 : i32
  }
  func.func @transform_3(%arg0: i32) -> i32 {
    %c0_i32 = arith.constant 0 : i32
    %c0_i32_0 = arith.constant 0 : i32
    return %c0_i32 : i32
  }
  func.func @transform_4(%arg0: i32) -> i32 {
    %c0_i32 = arith.constant 0 : i32
    %c0_i32_0 = arith.constant 0 : i32
    return %c0_i32 : i32
  }
  func.func @transform_5(%arg0: i32) -> (i32, i32) {
    %c0_i32 = arith.constant 0 : i32
    %c0_i32_0 = arith.constant 0 : i32
    return %arg0, %c0_i32 : i32, i32
  }
}

module attributes {stable_mosaic.version = 14 : i64} {
  func.func @body(%arg0: i32, %arg1: memref<2x2000x128xf32, #tpu.memory_space<vmem>>, %arg2: memref<2000x1xf32, #tpu.memory_space<vmem>>) attributes {dimension_semantics = [#tpu.dimension_semantics<arbitrary>], iteration_bounds = array<i64: 5>, scalar_prefetch = 0 : i64, scratch_operands = 0 : i64, tpu.core_type = #tpu.core_type<tc>, window_params = [{transform_indices = @transform_0, window_bounds = array<i64: 2, 2000, 128>}, {transform_indices = @transform_1, window_bounds = array<i64: 2000, 1>}]} {
    %get3A = arith.constant 0 : index
    %get3A_0 = arith.constant 0 : index
    %get3A_1 = arith.constant 0 : index
    %get3A_2 = vector.load %arg1[%get3A, %get3A_0, %get3A_1] : memref<2x2000x128xf32, #tpu.memory_space<vmem>>, vector<1x2000x128xf32>
    %get3A_3 = vector.shape_cast %get3A_2 : vector<1x2000x128xf32> to vector<2000x128xf32>
    %get3A_4 = arith.constant 1 : index
    %get3A_5 = arith.constant 0 : index
    %get3A_6 = arith.constant 0 : index
    %get3A_7 = vector.load %arg1[%get3A_4, %get3A_5, %get3A_6] : memref<2x2000x128xf32, #tpu.memory_space<vmem>>, vector<1x2000x128xf32>
    %get3A_8 = vector.shape_cast %get3A_7 : vector<1x2000x128xf32> to vector<2000x128xf32>
    %add3A = arith.addf %get3A_3, %get3A_8 : vector<2000x128xf32>
    %slice3A = vector.extract_strided_slice %add3A {offsets = [0, 0], sizes = [2000, 1], strides = [1, 1]} : vector<2000x128xf32> to vector<2000x1xf32>
    %add3A_9 = arith.constant 1.000000e+00 : f32
    %add3A_10 = vector.broadcast %add3A_9 : f32 to vector<2000x1xf32>
    %add3A_11 = arith.addf %slice3A, %add3A_10 : vector<2000x1xf32>
    %rsqrt3A = math.rsqrt %add3A_11 : vector<2000x1xf32>
    %swap3A = arith.constant 0 : index
    %swap3A_12 = arith.constant 0 : index
    %swap3A_13 = vector.load %arg2[%swap3A, %swap3A_12] : memref<2000x1xf32, #tpu.memory_space<vmem>>, vector<2000x1xf32>
    tpu.vector_store %arg2[%swap3A, %swap3A_12], %rsqrt3A {strides = array<i32>} : memref<2000x1xf32, #tpu.memory_space<vmem>>, vector<2000x1xf32>,
    return
  }
  func.func @transform_0(%arg0: i32) -> (i32, i32, i32) {
    %c0_i32 = arith.constant 0 : i32
    %c0_i32_0 = arith.constant 0 : i32
    %c0_i32_1 = arith.constant 0 : i32
    return %c0_i32, %arg0, %c0_i32_0 : i32, i32, i32
  }
  func.func @transform_1(%arg0: i32) -> (i32, i32) {
    %c0_i32 = arith.constant 0 : i32
    %c0_i32_0 = arith.constant 0 : i32
    return %arg0, %c0_i32 : i32, i32
  }
}

module attributes {stable_mosaic.version = 14 : i64} {
  func.func @body(%arg0: i32, %arg1: memref<2000x64xf32, #tpu.memory_space<vmem>>, %arg2: memref<2000x1xf32, #tpu.memory_space<vmem>>, %arg3: memref<64x192xf32, #tpu.memory_space<vmem>>, %arg4: memref<64xf32, #tpu.memory_space<vmem>>, %arg5: memref<2000x128xf32, #tpu.memory_space<vmem>>, %arg6: memref<2000x128xf32, #tpu.memory_space<vmem>>) attributes {dimension_semantics = [#tpu.dimension_semantics<arbitrary>], iteration_bounds = array<i64: 5>, scalar_prefetch = 0 : i64, scratch_operands = 0 : i64, tpu.core_type = #tpu.core_type<tc>, window_params = [{transform_indices = @transform_0, window_bounds = array<i64: 2000, 64>}, {transform_indices = @transform_1, window_bounds = array<i64: 2000, 1>}, {pipeline_mode = #tpu.pipeline_mode<synchronous>, transform_indices = @transform_2, window_bounds = array<i64: 64, 192>}, {pipeline_mode = #tpu.pipeline_mode<synchronous>, transform_indices = @transform_3, window_bounds = array<i64: 64>}, {transform_indices = @transform_4, window_bounds = array<i64: 2000, 128>}, {transform_indices = @transform_5, window_bounds = array<i64: 2000, 128>}]} {
    %get3A = arith.constant 0 : index
    %get3A_0 = arith.constant 0 : index
    %get3A_1 = vector.load %arg1[%get3A, %get3A_0] : memref<2000x64xf32, #tpu.memory_space<vmem>>, vector<2000x64xf32>
    %get3A_2 = arith.constant 0 : index
    %get3A_3 = arith.constant 0 : index
    %get3A_4 = vector.load %arg3[%get3A_2, %get3A_3] : memref<64x192xf32, #tpu.memory_space<vmem>>, vector<64x192xf32>
    %dot_general3A = arith.constant dense<0.000000e+00> : vector<2000x192xf32>
    %dot_general3A_5 = tpu.matmul %get3A_1, %get3A_4, %dot_general3A {dimension_numbers = #tpu.dot_dimension_numbers<[1], [0], [0], [1], [0, 0, 1, 1], [], []>, precision = #tpu.contract_precision<fp32>, transpose_lhs_hint = false} : vector<2000x64xf32>, vector<64x192xf32>, vector<2000x192xf32> -> vector<2000x192xf32>
    %get3A_6 = arith.constant 0 : index
    %get3A_7 = arith.constant 0 : index
    %get3A_8 = vector.load %arg2[%get3A_6, %get3A_7] : memref<2000x1xf32, #tpu.memory_space<vmem>>, vector<2000x1xf32>
    %slice3A = vector.extract_strided_slice %dot_general3A_5 {offsets = [0, 0], sizes = [2000, 64], strides = [1, 1]} : vector<2000x192xf32> to vector<2000x64xf32>
    %slice3A_9 = vector.extract_strided_slice %dot_general3A_5 {offsets = [0, 64], sizes = [2000, 64], strides = [1, 1]} : vector<2000x192xf32> to vector<2000x64xf32>
    %mul3A = vector.broadcast %get3A_8 : vector<2000x1xf32> to vector<2000x64xf32>
    %mul3A_10 = arith.mulf %slice3A_9, %mul3A : vector<2000x64xf32>
    %concatenate3A = tpu.concatenate %slice3A, %mul3A_10 in 1 : vector<2000x64xf32>, vector<2000x64xf32> -> vector<2000x128xf32>
    %swap3A = arith.constant 0 : index
    %swap3A_11 = arith.constant 0 : index
    %swap3A_12 = vector.load %arg5[%swap3A, %swap3A_11] : memref<2000x128xf32, #tpu.memory_space<vmem>>, vector<2000x128xf32>
    tpu.vector_store %arg5[%swap3A, %swap3A_11], %concatenate3A {strides = array<i32>} : memref<2000x128xf32, #tpu.memory_space<vmem>>, vector<2000x128xf32>,
    %slice3A_13 = vector.extract_strided_slice %dot_general3A_5 {offsets = [0, 128], sizes = [2000, 64], strides = [1, 1]} : vector<2000x192xf32> to vector<2000x64xf32>
    %get3A_14 = arith.constant 0 : index
    %get3A_15 = vector.load %arg4[%get3A_14] : memref<64xf32, #tpu.memory_space<vmem>>, vector<64xf32>
    %broadcast_in_dim3A = vector.shape_cast %get3A_15 : vector<64xf32> to vector<1x64xf32>
    %add3A = vector.broadcast %broadcast_in_dim3A : vector<1x64xf32> to vector<2000x64xf32>
    %add3A_16 = arith.addf %slice3A_13, %add3A : vector<2000x64xf32>
    %broadcast_in_dim3A_17 = arith.constant 0.000000e+00 : f32
    %broadcast_in_dim3A_18 = vector.broadcast %broadcast_in_dim3A_17 : f32 to vector<2000x64xf32>
    %concatenate3A_19 = tpu.concatenate %add3A_16, %broadcast_in_dim3A_18 in 1 : vector<2000x64xf32>, vector<2000x64xf32> -> vector<2000x128xf32>
    %swap3A_20 = arith.constant 0 : index
    %swap3A_21 = arith.constant 0 : index
    %swap3A_22 = vector.load %arg6[%swap3A_20, %swap3A_21] : memref<2000x128xf32, #tpu.memory_space<vmem>>, vector<2000x128xf32>
    tpu.vector_store %arg6[%swap3A_20, %swap3A_21], %concatenate3A_19 {strides = array<i32>} : memref<2000x128xf32, #tpu.memory_space<vmem>>, vector<2000x128xf32>,
    return
  }
  func.func @transform_0(%arg0: i32) -> (i32, i32) {
    %c0_i32 = arith.constant 0 : i32
    %c0_i32_0 = arith.constant 0 : i32
    return %arg0, %c0_i32 : i32, i32
  }
  func.func @transform_1(%arg0: i32) -> (i32, i32) {
    %c0_i32 = arith.constant 0 : i32
    %c0_i32_0 = arith.constant 0 : i32
    return %arg0, %c0_i32 : i32, i32
  }
  func.func @transform_2(%arg0: i32) -> (i32, i32) {
    %c0_i32 = arith.constant 0 : i32
    %c0_i32_0 = arith.constant 0 : i32
    %c0_i32_1 = arith.constant 0 : i32
    return %c0_i32, %c0_i32_0 : i32, i32
  }
  func.func @transform_3(%arg0: i32) -> i32 {
    %c0_i32 = arith.constant 0 : i32
    %c0_i32_0 = arith.constant 0 : i32
    return %c0_i32 : i32
  }
  func.func @transform_4(%arg0: i32) -> (i32, i32) {
    %c0_i32 = arith.constant 0 : i32
    %c0_i32_0 = arith.constant 0 : i32
    return %arg0, %c0_i32 : i32, i32
  }
  func.func @transform_5(%arg0: i32) -> (i32, i32) {
    %c0_i32 = arith.constant 0 : i32
    %c0_i32_0 = arith.constant 0 : i32
    return %arg0, %c0_i32 : i32, i32
  }
}

module attributes {stable_mosaic.version = 14 : i64} {
  func.func @body(%arg0: i32, %arg1: memref<2048x128xf32, #tpu.memory_space<vmem>>, %arg2: memref<2048x128xf32, #tpu.memory_space<vmem>>, %arg3: memref<327680xf32, #tpu.memory_space<vmem>>, %arg4: memref<64x64xf32, #tpu.memory_space<vmem>>, %arg5: memref<64xf32, #tpu.memory_space<vmem>>, %arg6: memref<64xf32, #tpu.memory_space<vmem>>, %arg7: memref<64xf32, #tpu.memory_space<vmem>>, %arg8: memref<64xf32, #tpu.memory_space<vmem>>, %arg9: memref<64xf32, #tpu.memory_space<vmem>>, %arg10: memref<2048x128xf32, #tpu.memory_space<vmem>>) attributes {dimension_semantics = [#tpu.dimension_semantics<arbitrary>], iteration_bounds = array<i64: 160>, scalar_prefetch = 0 : i64, scratch_operands = 0 : i64, tpu.core_type = #tpu.core_type<tc>, window_params = [{transform_indices = @transform_0, window_bounds = array<i64: 2048, 128>}, {transform_indices = @transform_1, window_bounds = array<i64: 2048, 128>}, {pipeline_mode = #tpu.pipeline_mode<synchronous>, transform_indices = @transform_2, window_bounds = array<i64: 327680>}, {pipeline_mode = #tpu.pipeline_mode<synchronous>, transform_indices = @transform_3, window_bounds = array<i64: 64, 64>}, {pipeline_mode = #tpu.pipeline_mode<synchronous>, transform_indices = @transform_4, window_bounds = array<i64: 64>}, {pipeline_mode = #tpu.pipeline_mode<synchronous>, transform_indices = @transform_5, window_bounds = array<i64: 64>}, {pipeline_mode = #tpu.pipeline_mode<synchronous>, transform_indices = @transform_6, window_bounds = array<i64: 64>}, {pipeline_mode = #tpu.pipeline_mode<synchronous>, transform_indices = @transform_7, window_bounds = array<i64: 64>}, {pipeline_mode = #tpu.pipeline_mode<synchronous>, transform_indices = @transform_8, window_bounds = array<i64: 64>}, {transform_indices = @transform_9, window_bounds = array<i64: 2048, 128>}]} {
    %get3A = arith.constant 0 : index
    %get3A_0 = arith.constant 0 : index
    %get3A_1 = vector.load %arg1[%get3A, %get3A_0] : memref<2048x128xf32, #tpu.memory_space<vmem>>, vector<2048x128xf32>
    %slice3A = vector.extract_strided_slice %get3A_1 {offsets = [0, 0], sizes = [2048, 64], strides = [1, 1]} : vector<2048x128xf32> to vector<2048x64xf32>
    %get3A_2 = arith.constant 0 : index
    %get3A_3 = arith.constant 0 : index
    %get3A_4 = vector.load %arg2[%get3A_2, %get3A_3] : memref<2048x128xf32, #tpu.memory_space<vmem>>, vector<2048x64xf32>
    %add3A = arith.addf %slice3A, %get3A_4 : vector<2048x64xf32>
    %get3A_5 = arith.constant 0 : index
    %get3A_6 = vector.load %arg6[%get3A_5] : memref<64xf32, #tpu.memory_space<vmem>>, vector<64xf32>
    %get3A_7 = arith.constant 0 : index
    %get3A_8 = vector.load %arg7[%get3A_7] : memref<64xf32, #tpu.memory_space<vmem>>, vector<64xf32>
    %reduce_sum3A = arith.constant dense<0.000000e+00> : vector<2048xf32>
    %reduce_sum3A_9 = vector.multi_reduction <add>, %add3A, %reduce_sum3A [1] : vector<2048x64xf32> to vector<2048xf32>
    %broadcast_in_dim3A = vector.shape_cast %reduce_sum3A_9 : vector<2048xf32> to vector<2048x1xf32>
    %div3A = arith.constant 6.400000e+01 : f32
    %div3A_10 = vector.broadcast %div3A : f32 to vector<2048x1xf32>
    %div3A_11 = arith.divf %broadcast_in_dim3A, %div3A_10 : vector<2048x1xf32>
    %jit3A = arith.constant 0 : i32
    %reduce_sum3A_12 = arith.constant dense<0.000000e+00> : vector<2048xf32>
    %reduce_sum3A_13 = vector.multi_reduction <add>, %add3A, %reduce_sum3A_12 [1] : vector<2048x64xf32> to vector<2048xf32>
    %broadcast_in_dim3A_14 = vector.shape_cast %reduce_sum3A_13 : vector<2048xf32> to vector<2048x1xf32>
    %div3A_15 = arith.constant 6.400000e+01 : f32
    %div3A_16 = vector.broadcast %div3A_15 : f32 to vector<2048x1xf32>
    %div3A_17 = arith.divf %broadcast_in_dim3A_14, %div3A_16 : vector<2048x1xf32>
    %sub3A = vector.broadcast %div3A_17 : vector<2048x1xf32> to vector<2048x64xf32>
    %sub3A_18 = arith.subf %add3A, %sub3A : vector<2048x64xf32>
    %square3A = arith.mulf %sub3A_18, %sub3A_18 : vector<2048x64xf32>
    %convert_element_type3A = arith.sitofp %jit3A : i32 to f32
    %sub3A_19 = arith.constant 6.400000e+01 : f32
    %sub3A_20 = arith.subf %sub3A_19, %convert_element_type3A : f32
    %reduce_sum3A_21 = arith.constant dense<0.000000e+00> : vector<2048xf32>
    %reduce_sum3A_22 = vector.multi_reduction <add>, %square3A, %reduce_sum3A_21 [1] : vector<2048x64xf32> to vector<2048xf32>
    %broadcast_in_dim3A_23 = vector.shape_cast %reduce_sum3A_22 : vector<2048xf32> to vector<2048x1xf32>
    %div3A_24 = vector.broadcast %sub3A_20 : f32 to vector<2048x1xf32>
    %div3A_25 = arith.divf %broadcast_in_dim3A_23, %div3A_24 : vector<2048x1xf32>
    %gt3A = arith.constant 0.000000e+00 : f32
    %gt3A_26 = arith.cmpf ogt, %sub3A_20, %gt3A : f32
    %jit3A_27 = arith.constant 0x7FC00000 : f32
    %broadcast_in_dim3A_28 = vector.broadcast %jit3A_27 : f32 to vector<2048x1xf32>
    %select_n3A = arith.select %gt3A_26, %div3A_25, %broadcast_in_dim3A_28 : vector<2048x1xf32>
    %sub3A_29 = vector.broadcast %div3A_11 : vector<2048x1xf32> to vector<2048x64xf32>
    %sub3A_30 = arith.subf %add3A, %sub3A_29 : vector<2048x64xf32>
    %add3A_31 = arith.constant 9.99999974E-6 : f32
    %add3A_32 = vector.broadcast %add3A_31 : f32 to vector<2048x1xf32>
    %add3A_33 = arith.addf %select_n3A, %add3A_32 : vector<2048x1xf32>
    %sqrt3A = math.sqrt %add3A_33 : vector<2048x1xf32>
    %div3A_34 = vector.broadcast %sqrt3A : vector<2048x1xf32> to vector<2048x64xf32>
    %div3A_35 = arith.divf %sub3A_30, %div3A_34 : vector<2048x64xf32>
    %broadcast_in_dim3A_36 = vector.shape_cast %get3A_6 : vector<64xf32> to vector<1x64xf32>
    %mul3A = vector.broadcast %broadcast_in_dim3A_36 : vector<1x64xf32> to vector<2048x64xf32>
    %mul3A_37 = arith.mulf %div3A_35, %mul3A : vector<2048x64xf32>
    %broadcast_in_dim3A_38 = vector.shape_cast %get3A_8 : vector<64xf32> to vector<1x64xf32>
    %add3A_39 = vector.broadcast %broadcast_in_dim3A_38 : vector<1x64xf32> to vector<2048x64xf32>
    %add3A_40 = arith.addf %mul3A_37, %add3A_39 : vector<2048x64xf32>
    %ge3A = arith.constant 0.000000e+00 : f32
    %ge3A_41 = vector.broadcast %ge3A : f32 to vector<2048x64xf32>
    %ge3A_42 = arith.cmpf oge, %add3A_40, %ge3A_41 : vector<2048x64xf32>
    %mul3A_43 = arith.constant 2.000000e-01 : f32
    %mul3A_44 = vector.broadcast %mul3A_43 : f32 to vector<2048x64xf32>
    %mul3A_45 = arith.mulf %mul3A_44, %add3A_40 : vector<2048x64xf32>
    %select_n3A_46 = arith.select %ge3A_42, %add3A_40, %mul3A_45 : vector<2048x64xi1>, vector<2048x64xf32>
    %get3A_47 = arith.constant 0 : index
    %get3A_48 = arith.constant 0 : index
    %get3A_49 = vector.load %arg4[%get3A_47, %get3A_48] : memref<64x64xf32, #tpu.memory_space<vmem>>, vector<64x64xf32>
    %dot_general3A = arith.constant dense<0.000000e+00> : vector<2048x64xf32>
    %dot_general3A_50 = tpu.matmul %select_n3A_46, %get3A_49, %dot_general3A {dimension_numbers = #tpu.dot_dimension_numbers<[1], [0], [0], [1], [0, 0, 1, 1], [], []>, precision = #tpu.contract_precision<fp32>, transpose_lhs_hint = false} : vector<2048x64xf32>, vector<64x64xf32>, vector<2048x64xf32> -> vector<2048x64xf32>
    %get3A_51 = arith.constant 0 : index
    %get3A_52 = vector.load %arg5[%get3A_51] : memref<64xf32, #tpu.memory_space<vmem>>, vector<64xf32>
    %broadcast_in_dim3A_53 = vector.shape_cast %get3A_52 : vector<64xf32> to vector<1x64xf32>
    %add3A_54 = vector.broadcast %broadcast_in_dim3A_53 : vector<1x64xf32> to vector<2048x64xf32>
    %add3A_55 = arith.addf %dot_general3A_50, %add3A_54 : vector<2048x64xf32>
    %get3A_56 = arith.constant 0 : index
    %get3A_57 = vector.load %arg8[%get3A_56] : memref<64xf32, #tpu.memory_space<vmem>>, vector<64xf32>
    %get3A_58 = arith.constant 0 : index
    %get3A_59 = vector.load %arg9[%get3A_58] : memref<64xf32, #tpu.memory_space<vmem>>, vector<64xf32>
    %reduce_sum3A_60 = arith.constant dense<0.000000e+00> : vector<2048xf32>
    %reduce_sum3A_61 = vector.multi_reduction <add>, %add3A_55, %reduce_sum3A_60 [1] : vector<2048x64xf32> to vector<2048xf32>
    %broadcast_in_dim3A_62 = vector.shape_cast %reduce_sum3A_61 : vector<2048xf32> to vector<2048x1xf32>
    %div3A_63 = arith.constant 6.400000e+01 : f32
    %div3A_64 = vector.broadcast %div3A_63 : f32 to vector<2048x1xf32>
    %div3A_65 = arith.divf %broadcast_in_dim3A_62, %div3A_64 : vector<2048x1xf32>
    %jit3A_66 = arith.constant 0 : i32
    %reduce_sum3A_67 = arith.constant dense<0.000000e+00> : vector<2048xf32>
    %reduce_sum3A_68 = vector.multi_reduction <add>, %add3A_55, %reduce_sum3A_67 [1] : vector<2048x64xf32> to vector<2048xf32>
    %broadcast_in_dim3A_69 = vector.shape_cast %reduce_sum3A_68 : vector<2048xf32> to vector<2048x1xf32>
    %div3A_70 = arith.constant 6.400000e+01 : f32
    %div3A_71 = vector.broadcast %div3A_70 : f32 to vector<2048x1xf32>
    %div3A_72 = arith.divf %broadcast_in_dim3A_69, %div3A_71 : vector<2048x1xf32>
    %sub3A_73 = vector.broadcast %div3A_72 : vector<2048x1xf32> to vector<2048x64xf32>
    %sub3A_74 = arith.subf %add3A_55, %sub3A_73 : vector<2048x64xf32>
    %square3A_75 = arith.mulf %sub3A_74, %sub3A_74 : vector<2048x64xf32>
    %convert_element_type3A_76 = arith.sitofp %jit3A_66 : i32 to f32
    %sub3A_77 = arith.constant 6.400000e+01 : f32
    %sub3A_78 = arith.subf %sub3A_77, %convert_element_type3A_76 : f32
    %reduce_sum3A_79 = arith.constant dense<0.000000e+00> : vector<2048xf32>
    %reduce_sum3A_80 = vector.multi_reduction <add>, %square3A_75, %reduce_sum3A_79 [1] : vector<2048x64xf32> to vector<2048xf32>
    %broadcast_in_dim3A_81 = vector.shape_cast %reduce_sum3A_80 : vector<2048xf32> to vector<2048x1xf32>
    %div3A_82 = vector.broadcast %sub3A_78 : f32 to vector<2048x1xf32>
    %div3A_83 = arith.divf %broadcast_in_dim3A_81, %div3A_82 : vector<2048x1xf32>
    %gt3A_84 = arith.constant 0.000000e+00 : f32
    %gt3A_85 = arith.cmpf ogt, %sub3A_78, %gt3A_84 : f32
    %jit3A_86 = arith.constant 0x7FC00000 : f32
    %broadcast_in_dim3A_87 = vector.broadcast %jit3A_86 : f32 to vector<2048x1xf32>
    %select_n3A_88 = arith.select %gt3A_85, %div3A_83, %broadcast_in_dim3A_87 : vector<2048x1xf32>
    %sub3A_89 = vector.broadcast %div3A_65 : vector<2048x1xf32> to vector<2048x64xf32>
    %sub3A_90 = arith.subf %add3A_55, %sub3A_89 : vector<2048x64xf32>
    %add3A_91 = arith.constant 9.99999974E-6 : f32
    %add3A_92 = vector.broadcast %add3A_91 : f32 to vector<2048x1xf32>
    %add3A_93 = arith.addf %select_n3A_88, %add3A_92 : vector<2048x1xf32>
    %sqrt3A_94 = math.sqrt %add3A_93 : vector<2048x1xf32>
    %div3A_95 = vector.broadcast %sqrt3A_94 : vector<2048x1xf32> to vector<2048x64xf32>
    %div3A_96 = arith.divf %sub3A_90, %div3A_95 : vector<2048x64xf32>
    %broadcast_in_dim3A_97 = vector.shape_cast %get3A_57 : vector<64xf32> to vector<1x64xf32>
    %mul3A_98 = vector.broadcast %broadcast_in_dim3A_97 : vector<1x64xf32> to vector<2048x64xf32>
    %mul3A_99 = arith.mulf %div3A_96, %mul3A_98 : vector<2048x64xf32>
    %broadcast_in_dim3A_100 = vector.shape_cast %get3A_59 : vector<64xf32> to vector<1x64xf32>
    %add3A_101 = vector.broadcast %broadcast_in_dim3A_100 : vector<1x64xf32> to vector<2048x64xf32>
    %add3A_102 = arith.addf %mul3A_99, %add3A_101 : vector<2048x64xf32>
    %ge3A_103 = arith.constant 0.000000e+00 : f32
    %ge3A_104 = vector.broadcast %ge3A_103 : f32 to vector<2048x64xf32>
    %ge3A_105 = arith.cmpf oge, %add3A_102, %ge3A_104 : vector<2048x64xf32>
    %mul3A_106 = arith.constant 2.000000e-01 : f32
    %mul3A_107 = vector.broadcast %mul3A_106 : f32 to vector<2048x64xf32>
    %mul3A_108 = arith.mulf %mul3A_107, %add3A_102 : vector<2048x64xf32>
    %select_n3A_109 = arith.select %ge3A_105, %add3A_102, %mul3A_108 : vector<2048x64xi1>, vector<2048x64xf32>
    %mul3A_110 = arith.constant 2048 : i32
    %mul3A_111 = arith.muli %arg0, %mul3A_110 : i32
    %get3A_112 = arith.index_cast %mul3A_111 : i32 to index
    %get3A_113 = vector.load %arg3[%get3A_112] : memref<327680xf32, #tpu.memory_space<vmem>>, vector<2048xf32>
    %reshape3A = vector.shape_cast %get3A_113 : vector<2048xf32> to vector<2048x1xf32>
    %mul3A_114 = vector.broadcast %reshape3A : vector<2048x1xf32> to vector<2048x64xf32>
    %mul3A_115 = arith.mulf %select_n3A_109, %mul3A_114 : vector<2048x64xf32>
    %slice3A_116 = vector.extract_strided_slice %get3A_1 {offsets = [0, 64], sizes = [2048, 64], strides = [1, 1]} : vector<2048x128xf32> to vector<2048x64xf32>
    %concatenate3A = tpu.concatenate %mul3A_115, %slice3A_116 in 1 : vector<2048x64xf32>, vector<2048x64xf32> -> vector<2048x128xf32>
    %swap3A = arith.constant 0 : index
    %swap3A_117 = arith.constant 0 : index
    %swap3A_118 = vector.load %arg10[%swap3A, %swap3A_117] : memref<2048x128xf32, #tpu.memory_space<vmem>>, vector<2048x128xf32>
    tpu.vector_store %arg10[%swap3A, %swap3A_117], %concatenate3A {strides = array<i32>} : memref<2048x128xf32, #tpu.memory_space<vmem>>, vector<2048x128xf32>,
    return
  }
  func.func @transform_0(%arg0: i32) -> (i32, i32) {
    %c0_i32 = arith.constant 0 : i32
    %c0_i32_0 = arith.constant 0 : i32
    return %arg0, %c0_i32 : i32, i32
  }
  func.func @transform_1(%arg0: i32) -> (i32, i32) {
    %c0_i32 = arith.constant 0 : i32
    %c0_i32_0 = arith.constant 0 : i32
    return %arg0, %c0_i32 : i32, i32
  }
  func.func @transform_2(%arg0: i32) -> i32 {
    %c0_i32 = arith.constant 0 : i32
    %c0_i32_0 = arith.constant 0 : i32
    return %c0_i32 : i32
  }
  func.func @transform_3(%arg0: i32) -> (i32, i32) {
    %c0_i32 = arith.constant 0 : i32
    %c0_i32_0 = arith.constant 0 : i32
    %c0_i32_1 = arith.constant 0 : i32
    return %c0_i32, %c0_i32_0 : i32, i32
  }
  func.func @transform_4(%arg0: i32) -> i32 {
    %c0_i32 = arith.constant 0 : i32
    %c0_i32_0 = arith.constant 0 : i32
    return %c0_i32 : i32
  }
  func.func @transform_5(%arg0: i32) -> i32 {
    %c0_i32 = arith.constant 0 : i32
    %c0_i32_0 = arith.constant 0 : i32
    return %c0_i32 : i32
  }
  func.func @transform_6(%arg0: i32) -> i32 {
    %c0_i32 = arith.constant 0 : i32
    %c0_i32_0 = arith.constant 0 : i32
    return %c0_i32 : i32
  }
  func.func @transform_7(%arg0: i32) -> i32 {
    %c0_i32 = arith.constant 0 : i32
    %c0_i32_0 = arith.constant 0 : i32
    return %c0_i32 : i32
  }
  func.func @transform_8(%arg0: i32) -> i32 {
    %c0_i32 = arith.constant 0 : i32
    %c0_i32_0 = arith.constant 0 : i32
    return %c0_i32 : i32
  }
  func.func @transform_9(%arg0: i32) -> (i32, i32) {
    %c0_i32 = arith.constant 0 : i32
    %c0_i32_0 = arith.constant 0 : i32
    return %arg0, %c0_i32 : i32, i32
  }
}

module attributes {stable_mosaic.version = 14 : i64} {
  func.func @body(%arg0: i32, %arg1: memref<2x2000x128xf32, #tpu.memory_space<vmem>>, %arg2: memref<2000x128xf32, #tpu.memory_space<vmem>>, %arg3: memref<2000x1xf32, #tpu.memory_space<vmem>>, %arg4: memref<64xf32, #tpu.memory_space<vmem>>, %arg5: memref<64xf32, #tpu.memory_space<vmem>>, %arg6: memref<64xf32, #tpu.memory_space<vmem>>, %arg7: memref<2000x64xf32, #tpu.memory_space<vmem>>) attributes {dimension_semantics = [#tpu.dimension_semantics<arbitrary>], iteration_bounds = array<i64: 5>, scalar_prefetch = 0 : i64, scratch_operands = 0 : i64, tpu.core_type = #tpu.core_type<tc>, window_params = [{transform_indices = @transform_0, window_bounds = array<i64: 2, 2000, 128>}, {transform_indices = @transform_1, window_bounds = array<i64: 2000, 128>}, {transform_indices = @transform_2, window_bounds = array<i64: 2000, 1>}, {pipeline_mode = #tpu.pipeline_mode<synchronous>, transform_indices = @transform_3, window_bounds = array<i64: 64>}, {pipeline_mode = #tpu.pipeline_mode<synchronous>, transform_indices = @transform_4, window_bounds = array<i64: 64>}, {pipeline_mode = #tpu.pipeline_mode<synchronous>, transform_indices = @transform_5, window_bounds = array<i64: 64>}, {transform_indices = @transform_6, window_bounds = array<i64: 2000, 64>}]} {
    %get3A = arith.constant 0 : index
    %get3A_0 = arith.constant 0 : index
    %get3A_1 = arith.constant 0 : index
    %get3A_2 = vector.load %arg1[%get3A, %get3A_0, %get3A_1] : memref<2x2000x128xf32, #tpu.memory_space<vmem>>, vector<1x2000x128xf32>
    %get3A_3 = vector.shape_cast %get3A_2 : vector<1x2000x128xf32> to vector<2000x128xf32>
    %get3A_4 = arith.constant 1 : index
    %get3A_5 = arith.constant 0 : index
    %get3A_6 = arith.constant 0 : index
    %get3A_7 = vector.load %arg1[%get3A_4, %get3A_5, %get3A_6] : memref<2x2000x128xf32, #tpu.memory_space<vmem>>, vector<1x2000x128xf32>
    %get3A_8 = vector.shape_cast %get3A_7 : vector<1x2000x128xf32> to vector<2000x128xf32>
    %add3A = arith.addf %get3A_3, %get3A_8 : vector<2000x128xf32>
    %get3A_9 = arith.constant 0 : index
    %get3A_10 = arith.constant 0 : index
    %get3A_11 = vector.load %arg3[%get3A_9, %get3A_10] : memref<2000x1xf32, #tpu.memory_space<vmem>>, vector<2000x1xf32>
    %slice3A = vector.extract_strided_slice %add3A {offsets = [0, 64], sizes = [2000, 64], strides = [1, 1]} : vector<2000x128xf32> to vector<2000x64xf32>
    %get3A_12 = arith.constant 0 : index
    %get3A_13 = arith.constant 64 : index
    %get3A_14 = vector.load %arg2[%get3A_12, %get3A_13] : memref<2000x128xf32, #tpu.memory_space<vmem>>, vector<2000x64xf32>
    %add3A_15 = arith.addf %slice3A, %get3A_14 : vector<2000x64xf32>
    %mul3A = vector.broadcast %get3A_11 : vector<2000x1xf32> to vector<2000x64xf32>
    %mul3A_16 = arith.mulf %add3A_15, %mul3A : vector<2000x64xf32>
    %get3A_17 = arith.constant 0 : index
    %get3A_18 = vector.load %arg4[%get3A_17] : memref<64xf32, #tpu.memory_space<vmem>>, vector<64xf32>
    %broadcast_in_dim3A = vector.shape_cast %get3A_18 : vector<64xf32> to vector<1x64xf32>
    %add3A_19 = vector.broadcast %broadcast_in_dim3A : vector<1x64xf32> to vector<2000x64xf32>
    %add3A_20 = arith.addf %mul3A_16, %add3A_19 : vector<2000x64xf32>
    %slice3A_21 = vector.extract_strided_slice %add3A {offsets = [0, 0], sizes = [2000, 64], strides = [1, 1]} : vector<2000x128xf32> to vector<2000x64xf32>
    %add3A_22 = arith.addf %add3A_20, %slice3A_21 : vector<2000x64xf32>
    %get3A_23 = arith.constant 0 : index
    %get3A_24 = vector.load %arg5[%get3A_23] : memref<64xf32, #tpu.memory_space<vmem>>, vector<64xf32>
    %get3A_25 = arith.constant 0 : index
    %get3A_26 = vector.load %arg6[%get3A_25] : memref<64xf32, #tpu.memory_space<vmem>>, vector<64xf32>
    %reduce_sum3A = arith.constant dense<0.000000e+00> : vector<2000xf32>
    %reduce_sum3A_27 = vector.multi_reduction <add>, %add3A_22, %reduce_sum3A [1] : vector<2000x64xf32> to vector<2000xf32>
    %broadcast_in_dim3A_28 = vector.shape_cast %reduce_sum3A_27 : vector<2000xf32> to vector<2000x1xf32>
    %div3A = arith.constant 6.400000e+01 : f32
    %div3A_29 = vector.broadcast %div3A : f32 to vector<2000x1xf32>
    %div3A_30 = arith.divf %broadcast_in_dim3A_28, %div3A_29 : vector<2000x1xf32>
    %jit3A = arith.constant 0 : i32
    %reduce_sum3A_31 = arith.constant dense<0.000000e+00> : vector<2000xf32>
    %reduce_sum3A_32 = vector.multi_reduction <add>, %add3A_22, %reduce_sum3A_31 [1] : vector<2000x64xf32> to vector<2000xf32>
    %broadcast_in_dim3A_33 = vector.shape_cast %reduce_sum3A_32 : vector<2000xf32> to vector<2000x1xf32>
    %div3A_34 = arith.constant 6.400000e+01 : f32
    %div3A_35 = vector.broadcast %div3A_34 : f32 to vector<2000x1xf32>
    %div3A_36 = arith.divf %broadcast_in_dim3A_33, %div3A_35 : vector<2000x1xf32>
    %sub3A = vector.broadcast %div3A_36 : vector<2000x1xf32> to vector<2000x64xf32>
    %sub3A_37 = arith.subf %add3A_22, %sub3A : vector<2000x64xf32>
    %square3A = arith.mulf %sub3A_37, %sub3A_37 : vector<2000x64xf32>
    %convert_element_type3A = arith.sitofp %jit3A : i32 to f32
    %sub3A_38 = arith.constant 6.400000e+01 : f32
    %sub3A_39 = arith.subf %sub3A_38, %convert_element_type3A : f32
    %reduce_sum3A_40 = arith.constant dense<0.000000e+00> : vector<2000xf32>
    %reduce_sum3A_41 = vector.multi_reduction <add>, %square3A, %reduce_sum3A_40 [1] : vector<2000x64xf32> to vector<2000xf32>
    %broadcast_in_dim3A_42 = vector.shape_cast %reduce_sum3A_41 : vector<2000xf32> to vector<2000x1xf32>
    %div3A_43 = vector.broadcast %sub3A_39 : f32 to vector<2000x1xf32>
    %div3A_44 = arith.divf %broadcast_in_dim3A_42, %div3A_43 : vector<2000x1xf32>
    %gt3A = arith.constant 0.000000e+00 : f32
    %gt3A_45 = arith.cmpf ogt, %sub3A_39, %gt3A : f32
    %jit3A_46 = arith.constant 0x7FC00000 : f32
    %broadcast_in_dim3A_47 = vector.broadcast %jit3A_46 : f32 to vector<2000x1xf32>
    %select_n3A = arith.select %gt3A_45, %div3A_44, %broadcast_in_dim3A_47 : vector<2000x1xf32>
    %sub3A_48 = vector.broadcast %div3A_30 : vector<2000x1xf32> to vector<2000x64xf32>
    %sub3A_49 = arith.subf %add3A_22, %sub3A_48 : vector<2000x64xf32>
    %add3A_50 = arith.constant 9.99999974E-6 : f32
    %add3A_51 = vector.broadcast %add3A_50 : f32 to vector<2000x1xf32>
    %add3A_52 = arith.addf %select_n3A, %add3A_51 : vector<2000x1xf32>
    %sqrt3A = math.sqrt %add3A_52 : vector<2000x1xf32>
    %div3A_53 = vector.broadcast %sqrt3A : vector<2000x1xf32> to vector<2000x64xf32>
    %div3A_54 = arith.divf %sub3A_49, %div3A_53 : vector<2000x64xf32>
    %broadcast_in_dim3A_55 = vector.shape_cast %get3A_24 : vector<64xf32> to vector<1x64xf32>
    %mul3A_56 = vector.broadcast %broadcast_in_dim3A_55 : vector<1x64xf32> to vector<2000x64xf32>
    %mul3A_57 = arith.mulf %div3A_54, %mul3A_56 : vector<2000x64xf32>
    %broadcast_in_dim3A_58 = vector.shape_cast %get3A_26 : vector<64xf32> to vector<1x64xf32>
    %add3A_59 = vector.broadcast %broadcast_in_dim3A_58 : vector<1x64xf32> to vector<2000x64xf32>
    %add3A_60 = arith.addf %mul3A_57, %add3A_59 : vector<2000x64xf32>
    %ge3A = arith.constant 0.000000e+00 : f32
    %ge3A_61 = vector.broadcast %ge3A : f32 to vector<2000x64xf32>
    %ge3A_62 = arith.cmpf oge, %add3A_60, %ge3A_61 : vector<2000x64xf32>
    %mul3A_63 = arith.constant 0.00999999977 : f32
    %mul3A_64 = vector.broadcast %mul3A_63 : f32 to vector<2000x64xf32>
    %mul3A_65 = arith.mulf %mul3A_64, %add3A_60 : vector<2000x64xf32>
    %select_n3A_66 = arith.select %ge3A_62, %add3A_60, %mul3A_65 : vector<2000x64xi1>, vector<2000x64xf32>
    %swap3A = arith.constant 0 : index
    %swap3A_67 = arith.constant 0 : index
    %swap3A_68 = vector.load %arg7[%swap3A, %swap3A_67] : memref<2000x64xf32, #tpu.memory_space<vmem>>, vector<2000x64xf32>
    tpu.vector_store %arg7[%swap3A, %swap3A_67], %select_n3A_66 {strides = array<i32>} : memref<2000x64xf32, #tpu.memory_space<vmem>>, vector<2000x64xf32>,
    return
  }
  func.func @transform_0(%arg0: i32) -> (i32, i32, i32) {
    %c0_i32 = arith.constant 0 : i32
    %c0_i32_0 = arith.constant 0 : i32
    %c0_i32_1 = arith.constant 0 : i32
    return %c0_i32, %arg0, %c0_i32_0 : i32, i32, i32
  }
  func.func @transform_1(%arg0: i32) -> (i32, i32) {
    %c0_i32 = arith.constant 0 : i32
    %c0_i32_0 = arith.constant 0 : i32
    return %arg0, %c0_i32 : i32, i32
  }
  func.func @transform_2(%arg0: i32) -> (i32, i32) {
    %c0_i32 = arith.constant 0 : i32
    %c0_i32_0 = arith.constant 0 : i32
    return %arg0, %c0_i32 : i32, i32
  }
  func.func @transform_3(%arg0: i32) -> i32 {
    %c0_i32 = arith.constant 0 : i32
    %c0_i32_0 = arith.constant 0 : i32
    return %c0_i32 : i32
  }
  func.func @transform_4(%arg0: i32) -> i32 {
    %c0_i32 = arith.constant 0 : i32
    %c0_i32_0 = arith.constant 0 : i32
    return %c0_i32 : i32
  }
  func.func @transform_5(%arg0: i32) -> i32 {
    %c0_i32 = arith.constant 0 : i32
    %c0_i32_0 = arith.constant 0 : i32
    return %c0_i32 : i32
  }
  func.func @transform_6(%arg0: i32) -> (i32, i32) {
    %c0_i32 = arith.constant 0 : i32
    %c0_i32_0 = arith.constant 0 : i32
    return %arg0, %c0_i32 : i32, i32
  }
}

module attributes {stable_mosaic.version = 14 : i64} {
  func.func @body(%arg0: i32, %arg1: memref<2x2000x128xf32, #tpu.memory_space<vmem>>, %arg2: memref<2000x128xf32, #tpu.memory_space<vmem>>, %arg3: memref<2000x1xf32, #tpu.memory_space<vmem>>, %arg4: memref<64xf32, #tpu.memory_space<vmem>>, %arg5: memref<64xf32, #tpu.memory_space<vmem>>, %arg6: memref<64xf32, #tpu.memory_space<vmem>>, %arg7: memref<2000x64xf32, #tpu.memory_space<vmem>>, %arg8: memref<2000x64xf32, #tpu.memory_space<vmem>>) attributes {dimension_semantics = [#tpu.dimension_semantics<arbitrary>], iteration_bounds = array<i64: 5>, scalar_prefetch = 0 : i64, scratch_operands = 0 : i64, tpu.core_type = #tpu.core_type<tc>, window_params = [{transform_indices = @transform_0, window_bounds = array<i64: 2, 2000, 128>}, {transform_indices = @transform_1, window_bounds = array<i64: 2000, 128>}, {transform_indices = @transform_2, window_bounds = array<i64: 2000, 1>}, {pipeline_mode = #tpu.pipeline_mode<synchronous>, transform_indices = @transform_3, window_bounds = array<i64: 64>}, {pipeline_mode = #tpu.pipeline_mode<synchronous>, transform_indices = @transform_4, window_bounds = array<i64: 64>}, {pipeline_mode = #tpu.pipeline_mode<synchronous>, transform_indices = @transform_5, window_bounds = array<i64: 64>}, {transform_indices = @transform_6, window_bounds = array<i64: 2000, 64>}, {transform_indices = @transform_7, window_bounds = array<i64: 2000, 64>}]} {
    %get3A = arith.constant 0 : index
    %get3A_0 = arith.constant 0 : index
    %get3A_1 = arith.constant 0 : index
    %get3A_2 = vector.load %arg1[%get3A, %get3A_0, %get3A_1] : memref<2x2000x128xf32, #tpu.memory_space<vmem>>, vector<1x2000x128xf32>
    %get3A_3 = vector.shape_cast %get3A_2 : vector<1x2000x128xf32> to vector<2000x128xf32>
    %get3A_4 = arith.constant 1 : index
    %get3A_5 = arith.constant 0 : index
    %get3A_6 = arith.constant 0 : index
    %get3A_7 = vector.load %arg1[%get3A_4, %get3A_5, %get3A_6] : memref<2x2000x128xf32, #tpu.memory_space<vmem>>, vector<1x2000x128xf32>
    %get3A_8 = vector.shape_cast %get3A_7 : vector<1x2000x128xf32> to vector<2000x128xf32>
    %add3A = arith.addf %get3A_3, %get3A_8 : vector<2000x128xf32>
    %get3A_9 = arith.constant 0 : index
    %get3A_10 = arith.constant 0 : index
    %get3A_11 = vector.load %arg3[%get3A_9, %get3A_10] : memref<2000x1xf32, #tpu.memory_space<vmem>>, vector<2000x1xf32>
    %slice3A = vector.extract_strided_slice %add3A {offsets = [0, 64], sizes = [2000, 64], strides = [1, 1]} : vector<2000x128xf32> to vector<2000x64xf32>
    %get3A_12 = arith.constant 0 : index
    %get3A_13 = arith.constant 64 : index
    %get3A_14 = vector.load %arg2[%get3A_12, %get3A_13] : memref<2000x128xf32, #tpu.memory_space<vmem>>, vector<2000x64xf32>
    %add3A_15 = arith.addf %slice3A, %get3A_14 : vector<2000x64xf32>
    %mul3A = vector.broadcast %get3A_11 : vector<2000x1xf32> to vector<2000x64xf32>
    %mul3A_16 = arith.mulf %add3A_15, %mul3A : vector<2000x64xf32>
    %get3A_17 = arith.constant 0 : index
    %get3A_18 = vector.load %arg4[%get3A_17] : memref<64xf32, #tpu.memory_space<vmem>>, vector<64xf32>
    %broadcast_in_dim3A = vector.shape_cast %get3A_18 : vector<64xf32> to vector<1x64xf32>
    %add3A_19 = vector.broadcast %broadcast_in_dim3A : vector<1x64xf32> to vector<2000x64xf32>
    %add3A_20 = arith.addf %mul3A_16, %add3A_19 : vector<2000x64xf32>
    %slice3A_21 = vector.extract_strided_slice %add3A {offsets = [0, 0], sizes = [2000, 64], strides = [1, 1]} : vector<2000x128xf32> to vector<2000x64xf32>
    %add3A_22 = arith.addf %add3A_20, %slice3A_21 : vector<2000x64xf32>
    %get3A_23 = arith.constant 0 : index
    %get3A_24 = vector.load %arg5[%get3A_23] : memref<64xf32, #tpu.memory_space<vmem>>, vector<64xf32>
    %get3A_25 = arith.constant 0 : index
    %get3A_26 = vector.load %arg6[%get3A_25] : memref<64xf32, #tpu.memory_space<vmem>>, vector<64xf32>
    %reduce_sum3A = arith.constant dense<0.000000e+00> : vector<2000xf32>
    %reduce_sum3A_27 = vector.multi_reduction <add>, %add3A_22, %reduce_sum3A [1] : vector<2000x64xf32> to vector<2000xf32>
    %broadcast_in_dim3A_28 = vector.shape_cast %reduce_sum3A_27 : vector<2000xf32> to vector<2000x1xf32>
    %div3A = arith.constant 6.400000e+01 : f32
    %div3A_29 = vector.broadcast %div3A : f32 to vector<2000x1xf32>
    %div3A_30 = arith.divf %broadcast_in_dim3A_28, %div3A_29 : vector<2000x1xf32>
    %jit3A = arith.constant 0 : i32
    %reduce_sum3A_31 = arith.constant dense<0.000000e+00> : vector<2000xf32>
    %reduce_sum3A_32 = vector.multi_reduction <add>, %add3A_22, %reduce_sum3A_31 [1] : vector<2000x64xf32> to vector<2000xf32>
    %broadcast_in_dim3A_33 = vector.shape_cast %reduce_sum3A_32 : vector<2000xf32> to vector<2000x1xf32>
    %div3A_34 = arith.constant 6.400000e+01 : f32
    %div3A_35 = vector.broadcast %div3A_34 : f32 to vector<2000x1xf32>
    %div3A_36 = arith.divf %broadcast_in_dim3A_33, %div3A_35 : vector<2000x1xf32>
    %sub3A = vector.broadcast %div3A_36 : vector<2000x1xf32> to vector<2000x64xf32>
    %sub3A_37 = arith.subf %add3A_22, %sub3A : vector<2000x64xf32>
    %square3A = arith.mulf %sub3A_37, %sub3A_37 : vector<2000x64xf32>
    %convert_element_type3A = arith.sitofp %jit3A : i32 to f32
    %sub3A_38 = arith.constant 6.400000e+01 : f32
    %sub3A_39 = arith.subf %sub3A_38, %convert_element_type3A : f32
    %reduce_sum3A_40 = arith.constant dense<0.000000e+00> : vector<2000xf32>
    %reduce_sum3A_41 = vector.multi_reduction <add>, %square3A, %reduce_sum3A_40 [1] : vector<2000x64xf32> to vector<2000xf32>
    %broadcast_in_dim3A_42 = vector.shape_cast %reduce_sum3A_41 : vector<2000xf32> to vector<2000x1xf32>
    %div3A_43 = vector.broadcast %sub3A_39 : f32 to vector<2000x1xf32>
    %div3A_44 = arith.divf %broadcast_in_dim3A_42, %div3A_43 : vector<2000x1xf32>
    %gt3A = arith.constant 0.000000e+00 : f32
    %gt3A_45 = arith.cmpf ogt, %sub3A_39, %gt3A : f32
    %jit3A_46 = arith.constant 0x7FC00000 : f32
    %broadcast_in_dim3A_47 = vector.broadcast %jit3A_46 : f32 to vector<2000x1xf32>
    %select_n3A = arith.select %gt3A_45, %div3A_44, %broadcast_in_dim3A_47 : vector<2000x1xf32>
    %sub3A_48 = vector.broadcast %div3A_30 : vector<2000x1xf32> to vector<2000x64xf32>
    %sub3A_49 = arith.subf %add3A_22, %sub3A_48 : vector<2000x64xf32>
    %add3A_50 = arith.constant 9.99999974E-6 : f32
    %add3A_51 = vector.broadcast %add3A_50 : f32 to vector<2000x1xf32>
    %add3A_52 = arith.addf %select_n3A, %add3A_51 : vector<2000x1xf32>
    %sqrt3A = math.sqrt %add3A_52 : vector<2000x1xf32>
    %div3A_53 = vector.broadcast %sqrt3A : vector<2000x1xf32> to vector<2000x64xf32>
    %div3A_54 = arith.divf %sub3A_49, %div3A_53 : vector<2000x64xf32>
    %broadcast_in_dim3A_55 = vector.shape_cast %get3A_24 : vector<64xf32> to vector<1x64xf32>
    %mul3A_56 = vector.broadcast %broadcast_in_dim3A_55 : vector<1x64xf32> to vector<2000x64xf32>
    %mul3A_57 = arith.mulf %div3A_54, %mul3A_56 : vector<2000x64xf32>
    %broadcast_in_dim3A_58 = vector.shape_cast %get3A_26 : vector<64xf32> to vector<1x64xf32>
    %add3A_59 = vector.broadcast %broadcast_in_dim3A_58 : vector<1x64xf32> to vector<2000x64xf32>
    %add3A_60 = arith.addf %mul3A_57, %add3A_59 : vector<2000x64xf32>
    %ge3A = arith.constant 0.000000e+00 : f32
    %ge3A_61 = vector.broadcast %ge3A : f32 to vector<2000x64xf32>
    %ge3A_62 = arith.cmpf oge, %add3A_60, %ge3A_61 : vector<2000x64xf32>
    %mul3A_63 = arith.constant 0.00999999977 : f32
    %mul3A_64 = vector.broadcast %mul3A_63 : f32 to vector<2000x64xf32>
    %mul3A_65 = arith.mulf %mul3A_64, %add3A_60 : vector<2000x64xf32>
    %select_n3A_66 = arith.select %ge3A_62, %add3A_60, %mul3A_65 : vector<2000x64xi1>, vector<2000x64xf32>
    %get3A_67 = arith.constant 0 : index
    %get3A_68 = arith.constant 0 : index
    %get3A_69 = vector.load %arg7[%get3A_67, %get3A_68] : memref<2000x64xf32, #tpu.memory_space<vmem>>, vector<2000x64xf32>
    %add3A_70 = arith.addf %select_n3A_66, %get3A_69 : vector<2000x64xf32>
    %swap3A = arith.constant 0 : index
    %swap3A_71 = arith.constant 0 : index
    %swap3A_72 = vector.load %arg8[%swap3A, %swap3A_71] : memref<2000x64xf32, #tpu.memory_space<vmem>>, vector<2000x64xf32>
    tpu.vector_store %arg8[%swap3A, %swap3A_71], %add3A_70 {strides = array<i32>} : memref<2000x64xf32, #tpu.memory_space<vmem>>, vector<2000x64xf32>,
    return
  }
  func.func @transform_0(%arg0: i32) -> (i32, i32, i32) {
    %c0_i32 = arith.constant 0 : i32
    %c0_i32_0 = arith.constant 0 : i32
    %c0_i32_1 = arith.constant 0 : i32
    return %c0_i32, %arg0, %c0_i32_0 : i32, i32, i32
  }
  func.func @transform_1(%arg0: i32) -> (i32, i32) {
    %c0_i32 = arith.constant 0 : i32
    %c0_i32_0 = arith.constant 0 : i32
    return %arg0, %c0_i32 : i32, i32
  }
  func.func @transform_2(%arg0: i32) -> (i32, i32) {
    %c0_i32 = arith.constant 0 : i32
    %c0_i32_0 = arith.constant 0 : i32
    return %arg0, %c0_i32 : i32, i32
  }
  func.func @transform_3(%arg0: i32) -> i32 {
    %c0_i32 = arith.constant 0 : i32
    %c0_i32_0 = arith.constant 0 : i32
    return %c0_i32 : i32
  }
  func.func @transform_4(%arg0: i32) -> i32 {
    %c0_i32 = arith.constant 0 : i32
    %c0_i32_0 = arith.constant 0 : i32
    return %c0_i32 : i32
  }
  func.func @transform_5(%arg0: i32) -> i32 {
    %c0_i32 = arith.constant 0 : i32
    %c0_i32_0 = arith.constant 0 : i32
    return %c0_i32 : i32
  }
  func.func @transform_6(%arg0: i32) -> (i32, i32) {
    %c0_i32 = arith.constant 0 : i32
    %c0_i32_0 = arith.constant 0 : i32
    return %arg0, %c0_i32 : i32, i32
  }
  func.func @transform_7(%arg0: i32) -> (i32, i32) {
    %c0_i32 = arith.constant 0 : i32
    %c0_i32_0 = arith.constant 0 : i32
    return %arg0, %c0_i32 : i32, i32
  }
}

module attributes {stable_mosaic.version = 14 : i64} {
  func.func @body(%arg0: memref<10000x64xf32, #tpu.memory_space<vmem>>, %arg1: memref<1x4xf32, #tpu.memory_space<vmem>>, %arg2: memref<64x32xf32, #tpu.memory_space<vmem>>, %arg3: memref<32xf32, #tpu.memory_space<vmem>>, %arg4: memref<32x1xf32, #tpu.memory_space<vmem>>, %arg5: memref<1xf32, #tpu.memory_space<vmem>>, %arg6: memref<4x64xf32, #tpu.memory_space<vmem>>, %arg7: memref<64xf32, #tpu.memory_space<vmem>>, %arg8: memref<64xf32, #tpu.memory_space<vmem>>, %arg9: memref<64xf32, #tpu.memory_space<vmem>>, %arg10: memref<128x64xf32, #tpu.memory_space<vmem>>, %arg11: memref<64xf32, #tpu.memory_space<vmem>>, %arg12: memref<64xf32, #tpu.memory_space<vmem>>, %arg13: memref<64xf32, #tpu.memory_space<vmem>>, %arg14: memref<64x1xf32, #tpu.memory_space<vmem>>, %arg15: memref<1xf32, #tpu.memory_space<vmem>>, %arg16: memref<128x64xf32, #tpu.memory_space<vmem>>, %arg17: memref<64xf32, #tpu.memory_space<vmem>>, %arg18: memref<64xf32, #tpu.memory_space<vmem>>, %arg19: memref<64xf32, #tpu.memory_space<vmem>>, %arg20: memref<64x10xf32, #tpu.memory_space<vmem>>, %arg21: memref<10xf32, #tpu.memory_space<vmem>>, %arg22: memref<1x10xf32, #tpu.memory_space<vmem>>) attributes {dimension_semantics = [], scalar_prefetch = 0 : i64, scratch_operands = 0 : i64, tpu.core_type = #tpu.core_type<tc>} {
    %get3A = arith.constant 0 : index
    %get3A_0 = arith.constant 0 : index
    %get3A_1 = vector.load %arg0[%get3A, %get3A_0] : memref<10000x64xf32, #tpu.memory_space<vmem>>, vector<10000x64xf32>
    %get3A_2 = arith.constant 0 : index
    %get3A_3 = arith.constant 0 : index
    %get3A_4 = vector.load %arg2[%get3A_2, %get3A_3] : memref<64x32xf32, #tpu.memory_space<vmem>>, vector<64x32xf32>
    %dot_general3A = arith.constant dense<0.000000e+00> : vector<10000x32xf32>
    %dot_general3A_5 = tpu.matmul %get3A_1, %get3A_4, %dot_general3A {dimension_numbers = #tpu.dot_dimension_numbers<[1], [0], [0], [1], [0, 0, 1, 1], [], []>, precision = #tpu.contract_precision<fp32>, transpose_lhs_hint = false} : vector<10000x64xf32>, vector<64x32xf32>, vector<10000x32xf32> -> vector<10000x32xf32>
    %get3A_6 = arith.constant 0 : index
    %get3A_7 = vector.load %arg3[%get3A_6] : memref<32xf32, #tpu.memory_space<vmem>>, vector<32xf32>
    %broadcast_in_dim3A = vector.shape_cast %get3A_7 : vector<32xf32> to vector<1x32xf32>
    %add3A = vector.broadcast %broadcast_in_dim3A : vector<1x32xf32> to vector<10000x32xf32>
    %add3A_8 = arith.addf %dot_general3A_5, %add3A : vector<10000x32xf32>
    %ge3A = arith.constant 0.000000e+00 : f32
    %ge3A_9 = vector.broadcast %ge3A : f32 to vector<10000x32xf32>
    %ge3A_10 = arith.cmpf oge, %add3A_8, %ge3A_9 : vector<10000x32xf32>
    %mul3A = arith.constant 0.00999999977 : f32
    %mul3A_11 = vector.broadcast %mul3A : f32 to vector<10000x32xf32>
    %mul3A_12 = arith.mulf %mul3A_11, %add3A_8 : vector<10000x32xf32>
    %select_n3A = arith.select %ge3A_10, %add3A_8, %mul3A_12 : vector<10000x32xi1>, vector<10000x32xf32>
    %get3A_13 = arith.constant 0 : index
    %get3A_14 = arith.constant 0 : index
    %get3A_15 = vector.load %arg4[%get3A_13, %get3A_14] : memref<32x1xf32, #tpu.memory_space<vmem>>, vector<32x1xf32>
    %dot_general3A_16 = arith.constant dense<0.000000e+00> : vector<10000x1xf32>
    %dot_general3A_17 = tpu.matmul %select_n3A, %get3A_15, %dot_general3A_16 {dimension_numbers = #tpu.dot_dimension_numbers<[1], [0], [0], [1], [0, 0, 1, 1], [], []>, precision = #tpu.contract_precision<fp32>, transpose_lhs_hint = false} : vector<10000x32xf32>, vector<32x1xf32>, vector<10000x1xf32> -> vector<10000x1xf32>
    %get3A_18 = arith.constant 0 : index
    %get3A_19 = vector.load %arg5[%get3A_18] : memref<1xf32, #tpu.memory_space<vmem>>, vector<1xf32>
    %broadcast_in_dim3A_20 = vector.shape_cast %get3A_19 : vector<1xf32> to vector<1x1xf32>
    %add3A_21 = vector.broadcast %broadcast_in_dim3A_20 : vector<1x1xf32> to vector<10000x1xf32>
    %add3A_22 = arith.addf %dot_general3A_17, %add3A_21 : vector<10000x1xf32>
    %reduce_max3A = vector.shape_cast %add3A_22 : vector<10000x1xf32> to vector<1x10000x1xf32>
    %reduce_max3A_23 = arith.constant dense<0xFF800000> : vector<1xf32>
    %reduce_max3A_24 = vector.multi_reduction <maximumf>, %reduce_max3A, %reduce_max3A_23 [1, 2] : vector<1x10000x1xf32> to vector<1xf32>
    %reduce_max3A_25 = vector.shape_cast %reduce_max3A_24 : vector<1xf32> to vector<1x1x1xf32>
    %reduce_max3A_26 = vector.extract %reduce_max3A_25[0, 0, 0] : f32 from vector<1x1x1xf32>
    %sub3A = vector.broadcast %reduce_max3A_26 : f32 to vector<10000x1xf32>
    %sub3A_27 = arith.subf %add3A_22, %sub3A : vector<10000x1xf32>
    %exp3A = math.exp %sub3A_27 : vector<10000x1xf32>
    %reduce_sum3A = vector.shape_cast %exp3A : vector<10000x1xf32> to vector<1x10000x1xf32>
    %reduce_sum3A_28 = arith.constant dense<0.000000e+00> : vector<1xf32>
    %reduce_sum3A_29 = vector.multi_reduction <add>, %reduce_sum3A, %reduce_sum3A_28 [1, 2] : vector<1x10000x1xf32> to vector<1xf32>
    %reduce_sum3A_30 = vector.shape_cast %reduce_sum3A_29 : vector<1xf32> to vector<1x1x1xf32>
    %reduce_sum3A_31 = vector.extract %reduce_sum3A_30[0, 0, 0] : f32 from vector<1x1x1xf32>
    %div3A = vector.broadcast %reduce_sum3A_31 : f32 to vector<10000x1xf32>
    %div3A_32 = arith.divf %exp3A, %div3A : vector<10000x1xf32>
    %dot_general3A_33 = arith.constant dense<0.000000e+00> : vector<1x64xf32>
    %dot_general3A_34 = tpu.matmul %div3A_32, %get3A_1, %dot_general3A_33 {dimension_numbers = #tpu.dot_dimension_numbers<[0], [0], [1], [1], [0, 1, 1, 1], [], []>, precision = #tpu.contract_precision<fp32>, transpose_lhs_hint = false} : vector<10000x1xf32>, vector<10000x64xf32>, vector<1x64xf32> -> vector<1x64xf32>
    %get3A_35 = arith.constant 0 : index
    %get3A_36 = arith.constant 0 : index
    %get3A_37 = vector.load %arg1[%get3A_35, %get3A_36] : memref<1x4xf32, #tpu.memory_space<vmem>>, vector<1x4xf32>
    %get3A_38 = arith.constant 0 : index
    %get3A_39 = arith.constant 0 : index
    %get3A_40 = vector.load %arg6[%get3A_38, %get3A_39] : memref<4x64xf32, #tpu.memory_space<vmem>>, vector<4x64xf32>
    %dot_general3A_41 = arith.constant dense<0.000000e+00> : vector<1x64xf32>
    %dot_general3A_42 = tpu.matmul %get3A_37, %get3A_40, %dot_general3A_41 {dimension_numbers = #tpu.dot_dimension_numbers<[1], [0], [0], [1], [0, 0, 1, 1], [], []>, precision = #tpu.contract_precision<fp32>, transpose_lhs_hint = false} : vector<1x4xf32>, vector<4x64xf32>, vector<1x64xf32> -> vector<1x64xf32>
    %get3A_43 = arith.constant 0 : index
    %get3A_44 = vector.load %arg7[%get3A_43] : memref<64xf32, #tpu.memory_space<vmem>>, vector<64xf32>
    %broadcast_in_dim3A_45 = vector.shape_cast %get3A_44 : vector<64xf32> to vector<1x64xf32>
    %add3A_46 = arith.addf %dot_general3A_42, %broadcast_in_dim3A_45 : vector<1x64xf32>
    %get3A_47 = arith.constant 0 : index
    %get3A_48 = vector.load %arg8[%get3A_47] : memref<64xf32, #tpu.memory_space<vmem>>, vector<64xf32>
    %get3A_49 = arith.constant 0 : index
    %get3A_50 = vector.load %arg9[%get3A_49] : memref<64xf32, #tpu.memory_space<vmem>>, vector<64xf32>
    %reduce_sum3A_51 = arith.constant dense<0.000000e+00> : vector<1xf32>
    %reduce_sum3A_52 = vector.multi_reduction <add>, %add3A_46, %reduce_sum3A_51 [1] : vector<1x64xf32> to vector<1xf32>
    %broadcast_in_dim3A_53 = vector.shape_cast %reduce_sum3A_52 : vector<1xf32> to vector<1x1xf32>
    %div3A_54 = arith.constant 6.400000e+01 : f32
    %div3A_55 = vector.broadcast %div3A_54 : f32 to vector<1x1xf32>
    %div3A_56 = arith.divf %broadcast_in_dim3A_53, %div3A_55 : vector<1x1xf32>
    %jit3A = arith.constant 0 : i32
    %reduce_sum3A_57 = arith.constant dense<0.000000e+00> : vector<1xf32>
    %reduce_sum3A_58 = vector.multi_reduction <add>, %add3A_46, %reduce_sum3A_57 [1] : vector<1x64xf32> to vector<1xf32>
    %broadcast_in_dim3A_59 = vector.shape_cast %reduce_sum3A_58 : vector<1xf32> to vector<1x1xf32>
    %div3A_60 = arith.constant 6.400000e+01 : f32
    %div3A_61 = vector.broadcast %div3A_60 : f32 to vector<1x1xf32>
    %div3A_62 = arith.divf %broadcast_in_dim3A_59, %div3A_61 : vector<1x1xf32>
    %sub3A_63 = vector.broadcast %div3A_62 : vector<1x1xf32> to vector<1x64xf32>
    %sub3A_64 = arith.subf %add3A_46, %sub3A_63 : vector<1x64xf32>
    %square3A = arith.mulf %sub3A_64, %sub3A_64 : vector<1x64xf32>
    %convert_element_type3A = arith.sitofp %jit3A : i32 to f32
    %sub3A_65 = arith.constant 6.400000e+01 : f32
    %sub3A_66 = arith.subf %sub3A_65, %convert_element_type3A : f32
    %reduce_sum3A_67 = arith.constant dense<0.000000e+00> : vector<1xf32>
    %reduce_sum3A_68 = vector.multi_reduction <add>, %square3A, %reduce_sum3A_67 [1] : vector<1x64xf32> to vector<1xf32>
    %broadcast_in_dim3A_69 = vector.shape_cast %reduce_sum3A_68 : vector<1xf32> to vector<1x1xf32>
    %div3A_70 = vector.broadcast %sub3A_66 : f32 to vector<1x1xf32>
    %div3A_71 = arith.divf %broadcast_in_dim3A_69, %div3A_70 : vector<1x1xf32>
    %gt3A = arith.constant 0.000000e+00 : f32
    %gt3A_72 = arith.cmpf ogt, %sub3A_66, %gt3A : f32
    %jit3A_73 = arith.constant 0x7FC00000 : f32
    %broadcast_in_dim3A_74 = vector.broadcast %jit3A_73 : f32 to vector<1x1xf32>
    %select_n3A_75 = arith.select %gt3A_72, %div3A_71, %broadcast_in_dim3A_74 : vector<1x1xf32>
    %sub3A_76 = vector.broadcast %div3A_56 : vector<1x1xf32> to vector<1x64xf32>
    %sub3A_77 = arith.subf %add3A_46, %sub3A_76 : vector<1x64xf32>
    %add3A_78 = arith.constant 9.99999974E-6 : f32
    %add3A_79 = vector.broadcast %add3A_78 : f32 to vector<1x1xf32>
    %add3A_80 = arith.addf %select_n3A_75, %add3A_79 : vector<1x1xf32>
    %sqrt3A = math.sqrt %add3A_80 : vector<1x1xf32>
    %div3A_81 = vector.broadcast %sqrt3A : vector<1x1xf32> to vector<1x64xf32>
    %div3A_82 = arith.divf %sub3A_77, %div3A_81 : vector<1x64xf32>
    %broadcast_in_dim3A_83 = vector.shape_cast %get3A_48 : vector<64xf32> to vector<1x64xf32>
    %mul3A_84 = arith.mulf %div3A_82, %broadcast_in_dim3A_83 : vector<1x64xf32>
    %broadcast_in_dim3A_85 = vector.shape_cast %get3A_50 : vector<64xf32> to vector<1x64xf32>
    %add3A_86 = arith.addf %mul3A_84, %broadcast_in_dim3A_85 : vector<1x64xf32>
    %ge3A_87 = arith.constant 0.000000e+00 : f32
    %ge3A_88 = vector.broadcast %ge3A_87 : f32 to vector<1x64xf32>
    %ge3A_89 = arith.cmpf oge, %add3A_86, %ge3A_88 : vector<1x64xf32>
    %mul3A_90 = arith.constant 0.00999999977 : f32
    %mul3A_91 = vector.broadcast %mul3A_90 : f32 to vector<1x64xf32>
    %mul3A_92 = arith.mulf %mul3A_91, %add3A_86 : vector<1x64xf32>
    %select_n3A_93 = arith.select %ge3A_89, %add3A_86, %mul3A_92 : vector<1x64xi1>, vector<1x64xf32>
    %concatenate3A = tpu.concatenate %dot_general3A_34, %select_n3A_93 in 1 : vector<1x64xf32>, vector<1x64xf32> -> vector<1x128xf32>
    %get3A_94 = arith.constant 0 : index
    %get3A_95 = arith.constant 0 : index
    %get3A_96 = vector.load %arg10[%get3A_94, %get3A_95] : memref<128x64xf32, #tpu.memory_space<vmem>>, vector<128x64xf32>
    %dot_general3A_97 = arith.constant dense<0.000000e+00> : vector<1x64xf32>
    %dot_general3A_98 = tpu.matmul %concatenate3A, %get3A_96, %dot_general3A_97 {dimension_numbers = #tpu.dot_dimension_numbers<[1], [0], [0], [1], [0, 0, 1, 1], [], []>, precision = #tpu.contract_precision<fp32>, transpose_lhs_hint = false} : vector<1x128xf32>, vector<128x64xf32>, vector<1x64xf32> -> vector<1x64xf32>
    %get3A_99 = arith.constant 0 : index
    %get3A_100 = vector.load %arg11[%get3A_99] : memref<64xf32, #tpu.memory_space<vmem>>, vector<64xf32>
    %broadcast_in_dim3A_101 = vector.shape_cast %get3A_100 : vector<64xf32> to vector<1x64xf32>
    %add3A_102 = arith.addf %dot_general3A_98, %broadcast_in_dim3A_101 : vector<1x64xf32>
    %get3A_103 = arith.constant 0 : index
    %get3A_104 = vector.load %arg12[%get3A_103] : memref<64xf32, #tpu.memory_space<vmem>>, vector<64xf32>
    %get3A_105 = arith.constant 0 : index
    %get3A_106 = vector.load %arg13[%get3A_105] : memref<64xf32, #tpu.memory_space<vmem>>, vector<64xf32>
    %reduce_sum3A_107 = arith.constant dense<0.000000e+00> : vector<1xf32>
    %reduce_sum3A_108 = vector.multi_reduction <add>, %add3A_102, %reduce_sum3A_107 [1] : vector<1x64xf32> to vector<1xf32>
    %broadcast_in_dim3A_109 = vector.shape_cast %reduce_sum3A_108 : vector<1xf32> to vector<1x1xf32>
    %div3A_110 = arith.constant 6.400000e+01 : f32
    %div3A_111 = vector.broadcast %div3A_110 : f32 to vector<1x1xf32>
    %div3A_112 = arith.divf %broadcast_in_dim3A_109, %div3A_111 : vector<1x1xf32>
    %jit3A_113 = arith.constant 0 : i32
    %reduce_sum3A_114 = arith.constant dense<0.000000e+00> : vector<1xf32>
    %reduce_sum3A_115 = vector.multi_reduction <add>, %add3A_102, %reduce_sum3A_114 [1] : vector<1x64xf32> to vector<1xf32>
    %broadcast_in_dim3A_116 = vector.shape_cast %reduce_sum3A_115 : vector<1xf32> to vector<1x1xf32>
    %div3A_117 = arith.constant 6.400000e+01 : f32
    %div3A_118 = vector.broadcast %div3A_117 : f32 to vector<1x1xf32>
    %div3A_119 = arith.divf %broadcast_in_dim3A_116, %div3A_118 : vector<1x1xf32>
    %sub3A_120 = vector.broadcast %div3A_119 : vector<1x1xf32> to vector<1x64xf32>
    %sub3A_121 = arith.subf %add3A_102, %sub3A_120 : vector<1x64xf32>
    %square3A_122 = arith.mulf %sub3A_121, %sub3A_121 : vector<1x64xf32>
    %convert_element_type3A_123 = arith.sitofp %jit3A_113 : i32 to f32
    %sub3A_124 = arith.constant 6.400000e+01 : f32
    %sub3A_125 = arith.subf %sub3A_124, %convert_element_type3A_123 : f32
    %reduce_sum3A_126 = arith.constant dense<0.000000e+00> : vector<1xf32>
    %reduce_sum3A_127 = vector.multi_reduction <add>, %square3A_122, %reduce_sum3A_126 [1] : vector<1x64xf32> to vector<1xf32>
    %broadcast_in_dim3A_128 = vector.shape_cast %reduce_sum3A_127 : vector<1xf32> to vector<1x1xf32>
    %div3A_129 = vector.broadcast %sub3A_125 : f32 to vector<1x1xf32>
    %div3A_130 = arith.divf %broadcast_in_dim3A_128, %div3A_129 : vector<1x1xf32>
    %gt3A_131 = arith.constant 0.000000e+00 : f32
    %gt3A_132 = arith.cmpf ogt, %sub3A_125, %gt3A_131 : f32
    %jit3A_133 = arith.constant 0x7FC00000 : f32
    %broadcast_in_dim3A_134 = vector.broadcast %jit3A_133 : f32 to vector<1x1xf32>
    %select_n3A_135 = arith.select %gt3A_132, %div3A_130, %broadcast_in_dim3A_134 : vector<1x1xf32>
    %sub3A_136 = vector.broadcast %div3A_112 : vector<1x1xf32> to vector<1x64xf32>
    %sub3A_137 = arith.subf %add3A_102, %sub3A_136 : vector<1x64xf32>
    %add3A_138 = arith.constant 9.99999974E-6 : f32
    %add3A_139 = vector.broadcast %add3A_138 : f32 to vector<1x1xf32>
    %add3A_140 = arith.addf %select_n3A_135, %add3A_139 : vector<1x1xf32>
    %sqrt3A_141 = math.sqrt %add3A_140 : vector<1x1xf32>
    %div3A_142 = vector.broadcast %sqrt3A_141 : vector<1x1xf32> to vector<1x64xf32>
    %div3A_143 = arith.divf %sub3A_137, %div3A_142 : vector<1x64xf32>
    %broadcast_in_dim3A_144 = vector.shape_cast %get3A_104 : vector<64xf32> to vector<1x64xf32>
    %mul3A_145 = arith.mulf %div3A_143, %broadcast_in_dim3A_144 : vector<1x64xf32>
    %broadcast_in_dim3A_146 = vector.shape_cast %get3A_106 : vector<64xf32> to vector<1x64xf32>
    %add3A_147 = arith.addf %mul3A_145, %broadcast_in_dim3A_146 : vector<1x64xf32>
    %ge3A_148 = arith.constant 0.000000e+00 : f32
    %ge3A_149 = vector.broadcast %ge3A_148 : f32 to vector<1x64xf32>
    %ge3A_150 = arith.cmpf oge, %add3A_147, %ge3A_149 : vector<1x64xf32>
    %mul3A_151 = arith.constant 0.00999999977 : f32
    %mul3A_152 = vector.broadcast %mul3A_151 : f32 to vector<1x64xf32>
    %mul3A_153 = arith.mulf %mul3A_152, %add3A_147 : vector<1x64xf32>
    %select_n3A_154 = arith.select %ge3A_150, %add3A_147, %mul3A_153 : vector<1x64xi1>, vector<1x64xf32>
    %get3A_155 = arith.constant 0 : index
    %get3A_156 = arith.constant 0 : index
    %get3A_157 = vector.load %arg14[%get3A_155, %get3A_156] : memref<64x1xf32, #tpu.memory_space<vmem>>, vector<64x1xf32>
    %dot_general3A_158 = arith.constant dense<0.000000e+00> : vector<1x1xf32>
    %dot_general3A_159 = tpu.matmul %select_n3A_154, %get3A_157, %dot_general3A_158 {dimension_numbers = #tpu.dot_dimension_numbers<[1], [0], [0], [1], [0, 0, 1, 1], [], []>, precision = #tpu.contract_precision<fp32>, transpose_lhs_hint = false} : vector<1x64xf32>, vector<64x1xf32>, vector<1x1xf32> -> vector<1x1xf32>
    %get3A_160 = arith.constant 0 : index
    %get3A_161 = vector.load %arg15[%get3A_160] : memref<1xf32, #tpu.memory_space<vmem>>, vector<1xf32>
    %broadcast_in_dim3A_162 = vector.shape_cast %get3A_161 : vector<1xf32> to vector<1x1xf32>
    %add3A_163 = arith.addf %dot_general3A_159, %broadcast_in_dim3A_162 : vector<1x1xf32>
    %get3A_164 = arith.constant 0 : index
    %get3A_165 = arith.constant 0 : index
    %get3A_166 = vector.load %arg16[%get3A_164, %get3A_165] : memref<128x64xf32, #tpu.memory_space<vmem>>, vector<128x64xf32>
    %dot_general3A_167 = arith.constant dense<0.000000e+00> : vector<1x64xf32>
    %dot_general3A_168 = tpu.matmul %concatenate3A, %get3A_166, %dot_general3A_167 {dimension_numbers = #tpu.dot_dimension_numbers<[1], [0], [0], [1], [0, 0, 1, 1], [], []>, precision = #tpu.contract_precision<fp32>, transpose_lhs_hint = false} : vector<1x128xf32>, vector<128x64xf32>, vector<1x64xf32> -> vector<1x64xf32>
    %get3A_169 = arith.constant 0 : index
    %get3A_170 = vector.load %arg17[%get3A_169] : memref<64xf32, #tpu.memory_space<vmem>>, vector<64xf32>
    %broadcast_in_dim3A_171 = vector.shape_cast %get3A_170 : vector<64xf32> to vector<1x64xf32>
    %add3A_172 = arith.addf %dot_general3A_168, %broadcast_in_dim3A_171 : vector<1x64xf32>
    %get3A_173 = arith.constant 0 : index
    %get3A_174 = vector.load %arg18[%get3A_173] : memref<64xf32, #tpu.memory_space<vmem>>, vector<64xf32>
    %get3A_175 = arith.constant 0 : index
    %get3A_176 = vector.load %arg19[%get3A_175] : memref<64xf32, #tpu.memory_space<vmem>>, vector<64xf32>
    %reduce_sum3A_177 = arith.constant dense<0.000000e+00> : vector<1xf32>
    %reduce_sum3A_178 = vector.multi_reduction <add>, %add3A_172, %reduce_sum3A_177 [1] : vector<1x64xf32> to vector<1xf32>
    %broadcast_in_dim3A_179 = vector.shape_cast %reduce_sum3A_178 : vector<1xf32> to vector<1x1xf32>
    %div3A_180 = arith.constant 6.400000e+01 : f32
    %div3A_181 = vector.broadcast %div3A_180 : f32 to vector<1x1xf32>
    %div3A_182 = arith.divf %broadcast_in_dim3A_179, %div3A_181 : vector<1x1xf32>
    %jit3A_183 = arith.constant 0 : i32
    %reduce_sum3A_184 = arith.constant dense<0.000000e+00> : vector<1xf32>
    %reduce_sum3A_185 = vector.multi_reduction <add>, %add3A_172, %reduce_sum3A_184 [1] : vector<1x64xf32> to vector<1xf32>
    %broadcast_in_dim3A_186 = vector.shape_cast %reduce_sum3A_185 : vector<1xf32> to vector<1x1xf32>
    %div3A_187 = arith.constant 6.400000e+01 : f32
    %div3A_188 = vector.broadcast %div3A_187 : f32 to vector<1x1xf32>
    %div3A_189 = arith.divf %broadcast_in_dim3A_186, %div3A_188 : vector<1x1xf32>
    %sub3A_190 = vector.broadcast %div3A_189 : vector<1x1xf32> to vector<1x64xf32>
    %sub3A_191 = arith.subf %add3A_172, %sub3A_190 : vector<1x64xf32>
    %square3A_192 = arith.mulf %sub3A_191, %sub3A_191 : vector<1x64xf32>
    %convert_element_type3A_193 = arith.sitofp %jit3A_183 : i32 to f32
    %sub3A_194 = arith.constant 6.400000e+01 : f32
    %sub3A_195 = arith.subf %sub3A_194, %convert_element_type3A_193 : f32
    %reduce_sum3A_196 = arith.constant dense<0.000000e+00> : vector<1xf32>
    %reduce_sum3A_197 = vector.multi_reduction <add>, %square3A_192, %reduce_sum3A_196 [1] : vector<1x64xf32> to vector<1xf32>
    %broadcast_in_dim3A_198 = vector.shape_cast %reduce_sum3A_197 : vector<1xf32> to vector<1x1xf32>
    %div3A_199 = vector.broadcast %sub3A_195 : f32 to vector<1x1xf32>
    %div3A_200 = arith.divf %broadcast_in_dim3A_198, %div3A_199 : vector<1x1xf32>
    %gt3A_201 = arith.constant 0.000000e+00 : f32
    %gt3A_202 = arith.cmpf ogt, %sub3A_195, %gt3A_201 : f32
    %jit3A_203 = arith.constant 0x7FC00000 : f32
    %broadcast_in_dim3A_204 = vector.broadcast %jit3A_203 : f32 to vector<1x1xf32>
    %select_n3A_205 = arith.select %gt3A_202, %div3A_200, %broadcast_in_dim3A_204 : vector<1x1xf32>
    %sub3A_206 = vector.broadcast %div3A_182 : vector<1x1xf32> to vector<1x64xf32>
    %sub3A_207 = arith.subf %add3A_172, %sub3A_206 : vector<1x64xf32>
    %add3A_208 = arith.constant 9.99999974E-6 : f32
    %add3A_209 = vector.broadcast %add3A_208 : f32 to vector<1x1xf32>
    %add3A_210 = arith.addf %select_n3A_205, %add3A_209 : vector<1x1xf32>
    %sqrt3A_211 = math.sqrt %add3A_210 : vector<1x1xf32>
    %div3A_212 = vector.broadcast %sqrt3A_211 : vector<1x1xf32> to vector<1x64xf32>
    %div3A_213 = arith.divf %sub3A_207, %div3A_212 : vector<1x64xf32>
    %broadcast_in_dim3A_214 = vector.shape_cast %get3A_174 : vector<64xf32> to vector<1x64xf32>
    %mul3A_215 = arith.mulf %div3A_213, %broadcast_in_dim3A_214 : vector<1x64xf32>
    %broadcast_in_dim3A_216 = vector.shape_cast %get3A_176 : vector<64xf32> to vector<1x64xf32>
    %add3A_217 = arith.addf %mul3A_215, %broadcast_in_dim3A_216 : vector<1x64xf32>
    %ge3A_218 = arith.constant 0.000000e+00 : f32
    %ge3A_219 = vector.broadcast %ge3A_218 : f32 to vector<1x64xf32>
    %ge3A_220 = arith.cmpf oge, %add3A_217, %ge3A_219 : vector<1x64xf32>
    %mul3A_221 = arith.constant 0.00999999977 : f32
    %mul3A_222 = vector.broadcast %mul3A_221 : f32 to vector<1x64xf32>
    %mul3A_223 = arith.mulf %mul3A_222, %add3A_217 : vector<1x64xf32>
    %select_n3A_224 = arith.select %ge3A_220, %add3A_217, %mul3A_223 : vector<1x64xi1>, vector<1x64xf32>
    %get3A_225 = arith.constant 0 : index
    %get3A_226 = arith.constant 0 : index
    %get3A_227 = vector.load %arg20[%get3A_225, %get3A_226] : memref<64x10xf32, #tpu.memory_space<vmem>>, vector<64x10xf32>
    %dot_general3A_228 = arith.constant dense<0.000000e+00> : vector<1x10xf32>
    %dot_general3A_229 = tpu.matmul %select_n3A_224, %get3A_227, %dot_general3A_228 {dimension_numbers = #tpu.dot_dimension_numbers<[1], [0], [0], [1], [0, 0, 1, 1], [], []>, precision = #tpu.contract_precision<fp32>, transpose_lhs_hint = false} : vector<1x64xf32>, vector<64x10xf32>, vector<1x10xf32> -> vector<1x10xf32>
    %get3A_230 = arith.constant 0 : index
    %get3A_231 = vector.load %arg21[%get3A_230] : memref<10xf32, #tpu.memory_space<vmem>>, vector<10xf32>
    %broadcast_in_dim3A_232 = vector.shape_cast %get3A_231 : vector<10xf32> to vector<1x10xf32>
    %add3A_233 = arith.addf %dot_general3A_229, %broadcast_in_dim3A_232 : vector<1x10xf32>
    %reduce_sum3A_234 = arith.constant dense<0.000000e+00> : vector<1xf32>
    %reduce_sum3A_235 = vector.multi_reduction <add>, %add3A_233, %reduce_sum3A_234 [1] : vector<1x10xf32> to vector<1xf32>
    %broadcast_in_dim3A_236 = vector.shape_cast %reduce_sum3A_235 : vector<1xf32> to vector<1x1xf32>
    %div3A_237 = arith.constant 1.000000e+01 : f32
    %div3A_238 = vector.broadcast %div3A_237 : f32 to vector<1x1xf32>
    %div3A_239 = arith.divf %broadcast_in_dim3A_236, %div3A_238 : vector<1x1xf32>
    %sub3A_240 = vector.broadcast %div3A_239 : vector<1x1xf32> to vector<1x10xf32>
    %sub3A_241 = arith.subf %add3A_233, %sub3A_240 : vector<1x10xf32>
    %add3A_242 = vector.broadcast %add3A_163 : vector<1x1xf32> to vector<1x10xf32>
    %add3A_243 = arith.addf %add3A_242, %sub3A_241 : vector<1x10xf32>
    %swap3A = arith.constant 0 : index
    %swap3A_244 = arith.constant 0 : index
    %swap3A_245 = vector.load %arg22[%swap3A, %swap3A_244] : memref<1x10xf32, #tpu.memory_space<vmem>>, vector<1x10xf32>
    tpu.vector_store %arg22[%swap3A, %swap3A_244], %add3A_243 {strides = array<i32>} : memref<1x10xf32, #tpu.memory_space<vmem>>, vector<1x10xf32>,
    return
  }
}

</mosaic_0001>

<sc_bundles>
// kernel: kernel.21.cloned.1.call-start
scs
__scs_entry_jumppad:
0x0: {  	(pc) =	sbr.rel $0x88, $3  }
0x1: {  	(tag) =	ssettag $0x0;
	lr =	simm.s32 $0x1  }
0x2: {  	[smem:$0x3F61] =	sst lr;
	_ =	strace $0xD0000000  }
0x3: {  	_ = 	snop  }
0x4: {  	_ = 	snop  }
0x5: {  	_ = 	snop  }
0x6: {  	_ = 	snop  }
0x7: {  	_ = 	snop  }
__scs_overlays_trampoline_lowered:
0x8: {  	[smem:$0x3F70] =	sst s0  }
0x9: {  	[smem:$0x3F71] =	sst s1  }
0xa: {  	[smem:$0x3F72] =	sst s2  }
0xb: {  	[smem:$0x3F73] =	sst s3  }
0xc: {  	[smem:$0x3F74] =	sst s4  }
0xd: {  	[smem:$0x3F75] =	sst s5  }
0xe: {  	[smem:$0x3F76] =	sst s6  }
0xf: {  	[smem:$0x3F77] =	sst s7  }
0x10: {  	[smem:$0x3F78] =	sst s8  }
0x11: {  	[smem:$0x3F79] =	sst s9;
	s0 =	simm.s32 @!p0 $0x0  }
0x12: {  	s1 =	sld [smem:$0x3F5F];
	s0 =	simm.s32 @p0 $0x1  }
0x13: {  	[smem:$0x3F7A] =	sst s0;
	s0 =	simm.s32 @!p1 $0x0  }
0x14: {  	s2 =	sld [smem:$0x3F5E];
	s0 =	simm.s32 @p1 $0x1  }
0x15: {  	[smem:$0x3F7B] =	sst s0;
	s0 =	simm.s32 @!p2 $0x0  }
0x16: {  	s3 =	sld [smem:$0x3FDB];
	s0 =	simm.s32 @p2 $0x1  }
0x17: {  	s4 =	simm.s32 $0x1BF5;
	[smem:$0x3F7D] =	sst s0  }
0x18: {  	s0 =	sld [smem:$0x3F60];
	_ =	swait.ge [sflag:s4], $0x0  }
0x19: {  	s7 =	sld [smem:$0x3F61]  }
0x1a: {  	s8 =	sadd.s32 $0xFFFFE003, lr  }
0x1b: {  	s9 =	sadd.s32 $0xFFFFFEF7, lr;
	s5 =	simm.s32 $0xFFFFFFFF;
	p2 =	slt.u32 s8, $0xFFFFF086  }
0x1c: {  	p1 =	slt.u32 s9, $0xF7A;
	s5 =	simm.s32 @!p2 $0x0  }
0x1d: {  	s5 =	simm.s32 @p1 $0x1;
	p0 =	seq.s32 s7, s2  }
0x1e: {  	s7 =	smul.u32 @!p0 $0xF7A, s2;
	p2 =	seq.s32 @!p0 s5, $0x0  }
0x1f: {  	s9 =	smul.u32 $0xF7A, s1;
	s8 =	simm.s32 @!p0 $0x1BF5;
	p2 =	por !p2, p0  }
0x20: {  	[sflag:s8] =	ssyncset.s32 @!p0 $0xFFFFF086;
	s6 =	sadd.s32 @!p0 s3, s7;
	s7 =	simm.s32 @!p0 $0x108  }
0x21: {  	s3 =	sadd.s32 s3, s9;
	s6 =	sadd.s32 @!p0 $0x88, s6;
	s7 =	simm.s32 @p2 $0x1082  }
0x22: {  	[simem:s7], [sflag:s8] =	dma.local @!p0 [hbm:s6], $0xF7A  }
0x23: {  	s9 =	sor.u32 $0xD0000000, s2;
	s6 =	simm.s32 $0x108;
	_ =	swait.ge @!p0 [sflag:s8], $0x0  }
0x24: {  	s3 =	sadd.s32 $0x88, s3;
	s6 =	simm.s32 @!p1 $0x1082;
	[sflag:s4] =	ssyncset.s32 $0xFFFFF086  }
0x25: {  	[simem:s6], [sflag:s4] =	dma.local [hbm:s3], $0xF7A  }
0x26: {  	[smem:$0x3F61] =	sst s1;
	(tag) =	ssettag s2;
	_ =	strace s9  }
0x27: {  	s1 =	sld [smem:$0x3F71]  }
0x28: {  	s2 =	sld [smem:$0x3F72]  }
0x29: {  	s4 =	sld [smem:$0x3F74]  }
0x2a: {  	p0 =	seq.s32 s5, $0x0;
	s5 =	sld [smem:$0x3F75]  }
0x2b: {  	s6 =	sld [smem:$0x3F76]  }
0x2c: {  	s7 =	sld [smem:$0x3F77]  }
0x2d: {  	s3 =	simm.s32 $0x108;
	s8 =	sld [smem:$0x3F78]  }
0x2e: {  	s3 =	simm.s32 @!p0 $0x1082;
	s9 =	sld [smem:$0x3F79]  }
0x2f: {  	lr =	sadd.s32 s0, s3;
	s0 =	sld [smem:$0x3F70]  }
0x30: {  	s3 =	sld [smem:$0x3F73]  }
0x31: {  	[smem:$0x3F7C] =	sst s10  }
0x32: {  	s10 =	sld [smem:$0x3F7A];
	_ =	sdelay $0x3  }
0x33: {  	p0 =	seq.s32 s10, $0x1;
	s10 =	sld [smem:$0x3F7C];
	_ =	sdelay $0x3  }
0x34: {  	[smem:$0x3F7C] =	sst s10  }
0x35: {  	s10 =	sld [smem:$0x3F7B];
	_ =	sdelay $0x3  }
0x36: {  	p1 =	seq.s32 s10, $0x1;
	s10 =	sld [smem:$0x3F7C];
	_ =	sdelay $0x3  }
0x37: {  	[smem:$0x3F7C] =	sst s10  }
0x38: {  	s10 =	sld [smem:$0x3F7D]  }
0x39: {  	_ = 	snop;
	(pc) =	sbr.ind lr, $3  }
0x3a: {  	_ = 	snop  }
0x3b: {  	_ = 	snop  }
0x3c: {  	p2 =	seq.s32 s10, $0x1;
	s10 =	sld [smem:$0x3F7C]  }
0x3d: {  	_ =	shalt  }
0x3e: {  	_ =	shalt  }
0x3f: {  	_ =	shalt  }
0x40: {  	_ =	shalt  }
0x41: {  	_ =	shalt  }
0x42: {  	_ =	shalt  }
0x43: {  	_ =	shalt  }
0x44: {  	_ =	shalt  }
0x45: {  	_ =	shalt  }
0x46: {  	_ =	shalt  }
0x47: {  	_ =	shalt  }
0x48: {  	_ =	shalt  }
0x49: {  	_ =	shalt  }
0x4a: {  	_ =	shalt  }
0x4b: {  	_ =	shalt  }
0x4c: {  	_ =	shalt  }
0x4d: {  	_ =	shalt  }
0x4e: {  	_ =	shalt  }
0x4f: {  	_ =	shalt  }
0x50: {  	_ =	shalt  }
0x51: {  	_ =	shalt  }
0x52: {  	_ =	shalt  }
0x53: {  	_ =	shalt  }
0x54: {  	_ =	shalt  }
0x55: {  	_ =	shalt  }
0x56: {  	_ =	shalt  }
0x57: {  	_ =	shalt  }
0x58: {  	_ =	shalt  }
0x59: {  	_ =	shalt  }
0x5a: {  	_ =	shalt  }
0x5b: {  	_ =	shalt  }
0x5c: {  	_ =	shalt  }
0x5d: {  	_ =	shalt  }
0x5e: {  	_ =	shalt  }
0x5f: {  	_ =	shalt  }
0x60: {  	_ =	shalt  }
0x61: {  	_ =	shalt  }
0x62: {  	_ =	shalt  }
0x63: {  	_ =	shalt  }
0x64: {  	_ =	shalt  }
0x65: {  	_ =	shalt  }
0x66: {  	_ =	shalt  }
0x67: {  	_ =	shalt  }
0x68: {  	_ =	shalt  }
0x69: {  	_ =	shalt  }
0x6a: {  	_ =	shalt  }
0x6b: {  	_ =	shalt  }
0x6c: {  	_ =	shalt  }
0x6d: {  	_ =	shalt  }
0x6e: {  	_ =	shalt  }
0x6f: {  	_ =	shalt  }
0x70: {  	_ =	shalt  }
0x71: {  	_ =	shalt  }
0x72: {  	_ =	shalt  }
0x73: {  	_ =	shalt  }
0x74: {  	_ =	shalt  }
0x75: {  	_ =	shalt  }
0x76: {  	_ =	shalt  }
0x77: {  	_ =	shalt  }
0x78: {  	_ =	shalt  }
0x79: {  	_ =	shalt  }
0x7a: {  	_ =	shalt  }
0x7b: {  	_ =	shalt  }
0x7c: {  	_ =	shalt  }
0x7d: {  	_ =	shalt  }
0x7e: {  	_ =	shalt  }
0x7f: {  	_ =	shalt  }
0x80: {  	_ =	shalt  }
0x81: {  	_ =	shalt  }
0x82: {  	_ =	shalt  }
0x83: {  	_ =	shalt  }
0x84: {  	_ =	shalt  }
0x85: {  	_ =	shalt  }
0x86: {  	_ =	shalt  }
0x87: {  	_ =	shalt  }
.Lfunc_end0:
.L_simem_size_0:
called_computation_lowered:
.L_overlay_start_0:
0x88: {  	s2 =	sld [smem:$0x3FD9]  }
0x89: {  	s3 =	sld [smem:$0x3FFE];
	_ =	sdelay $0x1  }
0x8a: {  	s1 =	srdreg.scid  }
0x8b: {  	s0 =	sand.u32 $0x1, s1  }
0x8c: {  	s16 =	sshll.u32 s0, $0xA;
	s2 =	sadd.s32 s3, s2  }
0x8d: {  	s2 =	sadd.s32 s2, s16  }
0x8e: {  	[smem:$0x3F88] =	sst s2  }
0x8f: {  	_ = 	snop  }
0x90: {  	(tm) =	ssettm $0x1  }
0x91: {  	s17 =	sld [smem:$0x3FFB];
	_ =	sdelay $0x3  }
0x92: {  	_ =	strace s17  }
0x93: {  	s2 =	sld [smem:$0x3FFC];
	_ =	sdelay $0x3  }
0x94: {  	_ =	strace s2  }
0x95: {  	s2 =	sld [smem:$0x3FFD];
	_ =	sdelay $0x3  }
0x96: {  	_ =	strace s2  }
0x97: {  	_ =	strace $0x8FFFFFFF  }
0x98: {  	s18 =	sld [smem:$0x3FDB];
	_ =	sdelay $0x1  }
0x99: {  	s19 =	simm.s32 $_scs_section_size  }
0x9a: {  	s4 =	simm.s32 $_size__tile_overlayer_lowered;
	s5 =	simm.s32 $_tile_overlayer_lowered  }
0x9b: {  	s22 =	simm.s32 $0x1BFF;
	s21 =	sshll.u32 s5, $0x1;
	s2 =	sadd.s32 s19, s18  }
0x9c: {  	s6 =	simm.s32 $0x0;
	s20 =	sshll.u32 s4, $0x1;
	s4 =	sadd.s32 s21, s2  }
0x9d: {  	[timem:s6], [sflag:s22] =	dma.local [hbm:s4], s20  }
0x9e: {  	_ =	swait.ge [sflag:s22], s20  }
0x9f: {  	s3 =	ssub.s32 $0x0, s20;
	[sflag:s22] =	ssyncset.done $0x0  }
0xa0: {  	[sflag:s22] =	ssyncadd.s32 s3;
	_ =	sdelay $0x1  }
0xa1: {  	s23 =	simm.s32 $0x1B8B  }
0xa2: {  	_ =	swait.ge [sflag:s23], $0x1  }
0xa3: {  	[sflag:s23] =	ssyncset.done $0x0  }
0xa4: {  	s25 =	simm.s32 $0x1B8E;
	s24 =	sld [smem:$0x3FFE];
	[sflag:s23] =	ssyncadd.s32 $0xFFFFFFFF  }
0xa5: {  	s26 =	simm.s32 $execute0_lowered;
	[smem:$0x3FD2] =	sst s25  }
0xa6: {  	s4 =	sshll.u32 s26, $0x1;
	_ =	strace $0x80000046;
	[dreg:$0x1] =	wrdreg $0xFFFFFFFF  }
0xa7: {  	s28 =	simm.s32 $_size_execute0_lowered;
	s2 =	sadd.s32 s2, s4;
	[dreg:$0x0] =	wrdreg $0x0  }
0xa8: {  	s4 =	sshll.u32 s28, $0x1;
	[dreg:$0x2] =	wrdreg s2  }
0xa9: {  	[dreg:$0x3] =	wrdreg s4  }
0xaa: {  	[dreg:$0x4] =	wrdreg $0xC0  }
0xab: {  	_ =	task [dreg:s6], $0x5FFFF  }
0xac: {  	[dreg:$0x1] =	wrdreg $0xFFFFFFFF  }
0xad: {  	[dreg:$0x0] =	wrdreg $0x60  }
0xae: {  	[dreg:$0x2] =	wrdreg s24  }
0xaf: {  	[dreg:$0x3] =	wrdreg $0x40800  }
0xb0: {  	[dreg:$0x4] =	wrdreg $0x9  }
0xb1: {  	_ =	task.clear_ibuf [dreg:s6], $0x5FFFF;
	_ =	strace $0x90000046  }
0xb2: {  	s29 =	simm.s32 $0x9;
	_ =	strace $0x80000048  }
0xb3: {  	_ =	swait.ge [sflag:s29], $0x1  }
0xb4: {  	[sflag:s29] =	ssyncadd.s32 $0xFFFFFFFF  }
0xb5: {  	_ =	strace $0x90000048  }
0xb6: {  	_ =	sfence  }
0xb7: {  	s30 =	sld [smem:$0x0];
	_ =	sdelay $0x2  }
0xb8: {  	s31 =	sshll.u32 s1, $0xD;
	s1 =	sshrl.u32 s1, $0x2  }
0xb9: {  	s3 =	sand.u32 $0x4000, s31;
	s1 =	sadd.s32 s1, s30  }
0xba: {  	s0 =	sor.u32 s3, s0;
	s1 =	sshll.u32 s1, $0x11  }
0xbb: {  	s0 =	sor.u32 s1, s0  }
0xbc: {  	s0 =	sadd.s32 $0x8F2B, s0  }
0xbd: {  	[sflag:s0] =	ssyncadd.remote.s32 $0x1  }
0xbe: {  	_ =	sfence.sel $0xFFFF  }
0xbf: {  	[dreg:$0x0] =	wrdreg $0xFFFFFFFF;
	(pc) =	sbr.abs _section_cstart, $3  }
0xc0: {  	[dreg:$0x1] =	wrdreg $0xFFFFFFFF  }
0xc1: {  	_ =	task.clear_ibuf [dreg:s6], $0x2FFFF;
	_ =	strace $0x9FFFFFFF  }
0xc2: {  	(tm) =	ssettm $0x7FFFFFFF  }
0xc3: {  	_ =	shalt  }
tec
execute0_lowered:
.L_overlay_start_1:
0x0: {  	(tag) =	ssettag $0x1  }
0x1: {  	s6 =	rddreg [dreg:$0x0]  }
0x2: {  	s2 =	rddreg [dreg:$0x1]  }
0x3: {  	s0 =	rddreg [dreg:$0x2]  }
0x4: {  	s3 =	simm.s32 $0x0;
	s1 =	stileid.u32;
	s5 =	srdreg.scid  }
0x5: {  	[smem:$0x7FF] =	sst s3;
	s4 =	smul.u32 $0xA00, s1  }
0x6: {  	s7 =	sand.u32 $0x1, s5;
	s8 =	smul.u32 $0x4E000, s1;
	s5 =	sadd.s32 $0x17A00, s6  }
0x7: {  	s12 =	smul.u32 $0x13800, s1;
	s13 =	sadd.s32 $0x1AA00, s6;
	s15 =	sadd.s32 $0x138000, s2  }
0x8: {  	p0 =	sne.s32 s1, $0xF;
	s31 =	sshll.u32 s1, $0x6;
	s10 =	smul.u32 $0x138800, s7  }
0x9: {  	_ =	strace $0x80000047;
	s11 =	ssub.s32 $0x2, s7;
	s29 =	smul.u32 $0x500, s7  }
0xa: {  	s9 =	sadd.s32 s4, s6;
	s25 =	sshrl.u32 s11, $0x1;
	s8 =	sshrl.u32 s8, $0x2  }
0xb: {  	s4 =	sadd.s32 $0x1A200, s6;
	s11 =	ssub.s32 s11, s25;
	s14 =	sadd.s32 s8, s2  }
0xc: {  	s26 =	sadd.s32 s12, s10;
	s28 =	sshrl.u32 s10, $0x3;
	s9 =	sadd.s32 s29, s9  }
0xd: {  	s10 =	simm.s32 $0x80;
	s12 =	sor.u32 $0x1C01, s31;
	s6 =	sshrl.u32 s26, $0x3  }
0xe: {  	s30 =	sadd.s32 s13, s28;
	s8 =	smax.u32 s11, $0x1;
	s9 =	sadd.s32 $0xDA00, s9  }
0xf: {  	s11 =	simm.s32 $0x1;
	s6 =	sadd.s32 s13, s6;
	s7 =	sadd.s32 $0x27000, s30  }
0x10: {  	s13 =	sshrl.u32 s14, $0x3;
	s14 =	sshrl.u32 @!p0 s15, $0x3;
	s15 =	simm.s32 $0x0  }
.LBB2_1:
0x11: {  	[tilespmem:s10], [sflag:$0x1] =	stream.linear.gather [hbm4b:s4+s3], $0x4000, $0x38;
	[tilespmem:$0x17980] =	vst v63  }
0x12: {  	_ =	swait.ge [sflag:s11], $0x4000  }
0x13: {  	[sflag:s11] =	ssyncset.done $0x0  }
0x14: {  	[sflag:s11] =	ssyncadd.s32 $0xFFFFC000  }
0x15: {  	[spmem:s13], [sflag:s12] =	dma.local [hbm:s5], $0x2700  }
0x16: {  	_ =	swait.ge [sflag:s11], $0x2700  }
0x17: {  	[sflag:s11] =	ssyncset.done $0x0  }
0x18: {  	s16 =	simm.s32 @!p0 $0x1;
	[sflag:s11] =	ssyncadd.s32 $0xFFFFD900  }
0x19: {  	[spmem:s14], [sflag:s12] =	dma.local @!p0 [hbm:s5], $0x100  }
0x1a: {  	_ =	swait.ge @!p0 [sflag:s16], $0x100  }
0x1b: {  	[sflag:s16] =	ssyncset.done @!p0 $0x0  }
0x1c: {  	[sflag:s16] =	ssyncadd.s32 @!p0 $0xFFFFFF00  }
0x1d: {  	s31 =	sadd.s32 $0x0, s9;
	[bflag:$0x0] =	sbarrier.arrive $0xFFFF  }
0x1e: {  	[tilespmem:s3], [sflag:$0x1] =	stream.linear.gather [hbm4b:s31+s3], $0x80, $0x38;
	[tilespmem:$0x17980] =	vst v63  }
0x1f: {  	_ =	swait.ge [sflag:s11], $0x80  }
0x20: {  	[sflag:s11] =	ssyncset.done $0x0  }
0x21: {  	[sflag:s11] =	ssyncadd.s32 $0xFFFFFF80  }
0x22: {  	[spmem:s2] =	stream.indirect.scatter.add.f32 [tilespmem:s10], [sflag:$0x1], $0x80, s3, s10, $0xb8;
	[tilespmem:$0x17980] =	vst v63  }
0x23: {  	_ =	swait.ge [sflag:s11], $0x4000  }
0x24: {  	s17 =	simm.s32 $0x20;
	s16 =	simm.s32 $0x10;
	[sflag:s11] =	ssyncset.done $0x0  }
.LBB2_2:
0x25: {  	s18 =	sadd.s32 s16, s9  }
0x26: {  	[sflag:s11] =	ssyncadd.s32 $0xFFFFC000;
	s16 =	smov.u32 s17;
	s19 =	sadd.s32 $0x10, s17  }
0x27: {  	[tilespmem:s3], [sflag:$0x1] =	stream.linear.gather [hbm4b:s18+s3], $0x80, $0x38;
	[tilespmem:$0x17980] =	vst v63  }
0x28: {  	p1 =	sne.s32 s17, $0x4F0;
	_ =	swait.ge [sflag:s11], $0x80  }
.Ltmp0:
0x29: {  	[sflag:s11] =	ssyncset.done $0x0;
	(pc) =	sbr.rel @p1 .LBB2_2-.Ltmp0, $4  }
0x2a: {  	[sflag:s11] =	ssyncadd.s32 $0xFFFFFF80  }
0x2b: {  	[spmem:s2] =	stream.indirect.scatter.add.f32 [tilespmem:s10], [sflag:$0x1], $0x80, s3, s10, $0xb8;
	[tilespmem:$0x17980] =	vst v63  }
0x2c: {  	_ =	swait.ge [sflag:s11], $0x4000  }
0x2d: {  	s17 =	smov.u32 s19;
	[sflag:s11] =	ssyncset.done $0x0  }
0x2e: {  	s16 =	sadd.s32 s16, s9;
	[sflag:s11] =	ssyncadd.s32 $0xFFFFC000  }
0x2f: {  	[tilespmem:s3], [sflag:$0x1] =	stream.linear.gather [hbm4b:s16+s3], $0x80, $0x38;
	[tilespmem:$0x17980] =	vst v63  }
0x30: {  	_ =	swait.ge [sflag:s11], $0x80  }
0x31: {  	[sflag:s11] =	ssyncset.done $0x0  }
0x32: {  	[sflag:s11] =	ssyncadd.s32 $0xFFFFFF80  }
0x33: {  	[spmem:s2] =	stream.indirect.scatter.add.f32 [tilespmem:s10], [sflag:$0x1], $0x80, s3, s10, $0xb8;
	[tilespmem:$0x17980] =	vst v63  }
0x34: {  	_ =	swait.ge [sflag:s11], $0x4000  }
0x35: {  	[sflag:s11] =	ssyncset.done $0x0  }
0x36: {  	[sflag:s11] =	ssyncadd.s32 $0xFFFFC000  }
0x37: {  	[bflag:$0x0] =	sbarrier.arrive $0xFFFF  }
0x38: {  	[hbm:s6], [sflag:s12] =	dma.local [spmem:s13], $0x2700  }
0x39: {  	s15 =	sadd.s32 $0x1, s15;
	_ =	swait.ge [sflag:s11], $0x2700  }
0x3a: {  	p1 =	sne.s32 s15, s8;
	[sflag:s11] =	ssyncset.done $0x0  }
.Ltmp1:
0x3b: {  	s16 =	simm.s32 @!p0 $0x1;
	[sflag:s11] =	ssyncadd.s32 $0xFFFFD900;
	(pc) =	sbr.rel @p1 .LBB2_1-.Ltmp1, $4  }
0x3c: {  	[hbm:s7], [sflag:s12] =	dma.local @!p0 [spmem:s14], $0x100  }
0x3d: {  	_ =	swait.ge @!p0 [sflag:s16], $0x100  }
0x3e: {  	[sflag:s16] =	ssyncset.done @!p0 $0x0  }
0x3f: {  	[sflag:s16] =	ssyncadd.s32 @!p0 $0xFFFFFF00  }
0x40: {  	_ =	sfence.sel $0x180000  }
0x41: {  	[bflag:$0x0] =	sbarrier.arrive $0xFFFF  }
0x42: {  	p0 =	sne.s32 s1, $0x0;
	_ =	strace $0x90000047  }
0x43: {  	s0 =	sadd.s32 @!p0 $0x100000, s0;
	[bflag:$0x2] =	sbarrier.arrive $0xFFFF  }
0x44: {  	[sflag:s0] =	ssyncadd.tile.s32 @!p0 $0x1;
	_ =	shalt  }
.Lfunc_end2:
_tile_overlayer_lowered:
.L_overlay_start_2:
0x45: {  	(tag) =	ssettag $0x2  }
0x46: {  	s0 =	rddreg [dreg:$0x0];
	s2 =	stileid.u32  }
0x47: {  	s1 =	rddreg [dreg:$0x1];
	p0 =	sne.s32 s2, $0x0  }
0x48: {  	s3 =	rddreg [dreg:$0x2];
	[bflag:$0x3] =	sbarrier.arrive $0xFFFF;
	s2 =	simm.s32 @!p0 $0x1C01  }
0x49: {  	[timem:s3], [sflag:s2] =	dma.local @!p0 [hbm:s0], s1  }
0x4a: {  	s0 =	simm.s32 @!p0 $0x1  }
0x4b: {  	_ =	swait.ge @!p0 [sflag:s0], s1  }
0x4c: {  	s1 =	ssub.s32 @!p0 $0x0, s1;
	[sflag:s0] =	ssyncset.done @!p0 $0x0  }
0x4d: {  	[sflag:s0] =	ssyncadd.s32 @!p0 s1  }
0x4e: {  	[bflag:$0x3] =	sbarrier.arrive $0xFFFF  }
0x4f: {  	_ =	shalt  }

// kernel: kernel.24.cloned.1.call-start
scs
__scs_entry_jumppad:
0x0: {  	(pc) =	sbr.rel $0x88, $3  }
0x1: {  	(tag) =	ssettag $0x0;
	lr =	simm.s32 $0x1  }
0x2: {  	[smem:$0x3F61] =	sst lr;
	_ =	strace $0xD0000000  }
0x3: {  	_ = 	snop  }
0x4: {  	_ = 	snop  }
0x5: {  	_ = 	snop  }
0x6: {  	_ = 	snop  }
0x7: {  	_ = 	snop  }
__scs_overlays_trampoline_lowered:
0x8: {  	[smem:$0x3F70] =	sst s0  }
0x9: {  	[smem:$0x3F71] =	sst s1  }
0xa: {  	[smem:$0x3F72] =	sst s2  }
0xb: {  	[smem:$0x3F73] =	sst s3  }
0xc: {  	[smem:$0x3F74] =	sst s4  }
0xd: {  	[smem:$0x3F75] =	sst s5  }
0xe: {  	[smem:$0x3F76] =	sst s6  }
0xf: {  	[smem:$0x3F77] =	sst s7  }
0x10: {  	[smem:$0x3F78] =	sst s8  }
0x11: {  	[smem:$0x3F79] =	sst s9;
	s0 =	simm.s32 @!p0 $0x0  }
0x12: {  	s1 =	sld [smem:$0x3F5F];
	s0 =	simm.s32 @p0 $0x1  }
0x13: {  	[smem:$0x3F7A] =	sst s0;
	s0 =	simm.s32 @!p1 $0x0  }
0x14: {  	s2 =	sld [smem:$0x3F5E];
	s0 =	simm.s32 @p1 $0x1  }
0x15: {  	[smem:$0x3F7B] =	sst s0;
	s0 =	simm.s32 @!p2 $0x0  }
0x16: {  	s3 =	sld [smem:$0x3FDB];
	s0 =	simm.s32 @p2 $0x1  }
0x17: {  	s4 =	simm.s32 $0x1BF5;
	[smem:$0x3F7D] =	sst s0  }
0x18: {  	s0 =	sld [smem:$0x3F60];
	_ =	swait.ge [sflag:s4], $0x0  }
0x19: {  	s7 =	sld [smem:$0x3F61]  }
0x1a: {  	s8 =	sadd.s32 $0xFFFFE003, lr  }
0x1b: {  	s9 =	sadd.s32 $0xFFFFFEF7, lr;
	s5 =	simm.s32 $0xFFFFFFFF;
	p2 =	slt.u32 s8, $0xFFFFF086  }
0x1c: {  	p1 =	slt.u32 s9, $0xF7A;
	s5 =	simm.s32 @!p2 $0x0  }
0x1d: {  	s5 =	simm.s32 @p1 $0x1;
	p0 =	seq.s32 s7, s2  }
0x1e: {  	s7 =	smul.u32 @!p0 $0xF7A, s2;
	p2 =	seq.s32 @!p0 s5, $0x0  }
0x1f: {  	s9 =	smul.u32 $0xF7A, s1;
	s8 =	simm.s32 @!p0 $0x1BF5;
	p2 =	por !p2, p0  }
0x20: {  	[sflag:s8] =	ssyncset.s32 @!p0 $0xFFFFF086;
	s6 =	sadd.s32 @!p0 s3, s7;
	s7 =	simm.s32 @!p0 $0x108  }
0x21: {  	s3 =	sadd.s32 s3, s9;
	s6 =	sadd.s32 @!p0 $0x88, s6;
	s7 =	simm.s32 @p2 $0x1082  }
0x22: {  	[simem:s7], [sflag:s8] =	dma.local @!p0 [hbm:s6], $0xF7A  }
0x23: {  	s9 =	sor.u32 $0xD0000000, s2;
	s6 =	simm.s32 $0x108;
	_ =	swait.ge @!p0 [sflag:s8], $0x0  }
0x24: {  	s3 =	sadd.s32 $0x88, s3;
	s6 =	simm.s32 @!p1 $0x1082;
	[sflag:s4] =	ssyncset.s32 $0xFFFFF086  }
0x25: {  	[simem:s6], [sflag:s4] =	dma.local [hbm:s3], $0xF7A  }
0x26: {  	[smem:$0x3F61] =	sst s1;
	(tag) =	ssettag s2;
	_ =	strace s9  }
0x27: {  	s1 =	sld [smem:$0x3F71]  }
0x28: {  	s2 =	sld [smem:$0x3F72]  }
0x29: {  	s4 =	sld [smem:$0x3F74]  }
0x2a: {  	p0 =	seq.s32 s5, $0x0;
	s5 =	sld [smem:$0x3F75]  }
0x2b: {  	s6 =	sld [smem:$0x3F76]  }
0x2c: {  	s7 =	sld [smem:$0x3F77]  }
0x2d: {  	s3 =	simm.s32 $0x108;
	s8 =	sld [smem:$0x3F78]  }
0x2e: {  	s3 =	simm.s32 @!p0 $0x1082;
	s9 =	sld [smem:$0x3F79]  }
0x2f: {  	lr =	sadd.s32 s0, s3;
	s0 =	sld [smem:$0x3F70]  }
0x30: {  	s3 =	sld [smem:$0x3F73]  }
0x31: {  	[smem:$0x3F7C] =	sst s10  }
0x32: {  	s10 =	sld [smem:$0x3F7A];
	_ =	sdelay $0x3  }
0x33: {  	p0 =	seq.s32 s10, $0x1;
	s10 =	sld [smem:$0x3F7C];
	_ =	sdelay $0x3  }
0x34: {  	[smem:$0x3F7C] =	sst s10  }
0x35: {  	s10 =	sld [smem:$0x3F7B];
	_ =	sdelay $0x3  }
0x36: {  	p1 =	seq.s32 s10, $0x1;
	s10 =	sld [smem:$0x3F7C];
	_ =	sdelay $0x3  }
0x37: {  	[smem:$0x3F7C] =	sst s10  }
0x38: {  	s10 =	sld [smem:$0x3F7D]  }
0x39: {  	_ = 	snop;
	(pc) =	sbr.ind lr, $3  }
0x3a: {  	_ = 	snop  }
0x3b: {  	_ = 	snop  }
0x3c: {  	p2 =	seq.s32 s10, $0x1;
	s10 =	sld [smem:$0x3F7C]  }
0x3d: {  	_ =	shalt  }
0x3e: {  	_ =	shalt  }
0x3f: {  	_ =	shalt  }
0x40: {  	_ =	shalt  }
0x41: {  	_ =	shalt  }
0x42: {  	_ =	shalt  }
0x43: {  	_ =	shalt  }
0x44: {  	_ =	shalt  }
0x45: {  	_ =	shalt  }
0x46: {  	_ =	shalt  }
0x47: {  	_ =	shalt  }
0x48: {  	_ =	shalt  }
0x49: {  	_ =	shalt  }
0x4a: {  	_ =	shalt  }
0x4b: {  	_ =	shalt  }
0x4c: {  	_ =	shalt  }
0x4d: {  	_ =	shalt  }
0x4e: {  	_ =	shalt  }
0x4f: {  	_ =	shalt  }
0x50: {  	_ =	shalt  }
0x51: {  	_ =	shalt  }
0x52: {  	_ =	shalt  }
0x53: {  	_ =	shalt  }
0x54: {  	_ =	shalt  }
0x55: {  	_ =	shalt  }
0x56: {  	_ =	shalt  }
0x57: {  	_ =	shalt  }
0x58: {  	_ =	shalt  }
0x59: {  	_ =	shalt  }
0x5a: {  	_ =	shalt  }
0x5b: {  	_ =	shalt  }
0x5c: {  	_ =	shalt  }
0x5d: {  	_ =	shalt  }
0x5e: {  	_ =	shalt  }
0x5f: {  	_ =	shalt  }
0x60: {  	_ =	shalt  }
0x61: {  	_ =	shalt  }
0x62: {  	_ =	shalt  }
0x63: {  	_ =	shalt  }
0x64: {  	_ =	shalt  }
0x65: {  	_ =	shalt  }
0x66: {  	_ =	shalt  }
0x67: {  	_ =	shalt  }
0x68: {  	_ =	shalt  }
0x69: {  	_ =	shalt  }
0x6a: {  	_ =	shalt  }
0x6b: {  	_ =	shalt  }
0x6c: {  	_ =	shalt  }
0x6d: {  	_ =	shalt  }
0x6e: {  	_ =	shalt  }
0x6f: {  	_ =	shalt  }
0x70: {  	_ =	shalt  }
0x71: {  	_ =	shalt  }
0x72: {  	_ =	shalt  }
0x73: {  	_ =	shalt  }
0x74: {  	_ =	shalt  }
0x75: {  	_ =	shalt  }
0x76: {  	_ =	shalt  }
0x77: {  	_ =	shalt  }
0x78: {  	_ =	shalt  }
0x79: {  	_ =	shalt  }
0x7a: {  	_ =	shalt  }
0x7b: {  	_ =	shalt  }
0x7c: {  	_ =	shalt  }
0x7d: {  	_ =	shalt  }
0x7e: {  	_ =	shalt  }
0x7f: {  	_ =	shalt  }
0x80: {  	_ =	shalt  }
0x81: {  	_ =	shalt  }
0x82: {  	_ =	shalt  }
0x83: {  	_ =	shalt  }
0x84: {  	_ =	shalt  }
0x85: {  	_ =	shalt  }
0x86: {  	_ =	shalt  }
0x87: {  	_ =	shalt  }
.Lfunc_end0:
.L_simem_size_0:
called_computation.1_lowered:
.L_overlay_start_0:
0x88: {  	s2 =	sld [smem:$0x3FD9]  }
0x89: {  	s3 =	sld [smem:$0x3FFE];
	_ =	sdelay $0x1  }
0x8a: {  	s1 =	srdreg.scid  }
0x8b: {  	s0 =	sand.u32 $0x1, s1  }
0x8c: {  	s16 =	sshll.u32 s0, $0xA;
	s2 =	sadd.s32 s3, s2  }
0x8d: {  	s2 =	sadd.s32 s2, s16  }
0x8e: {  	[smem:$0x3F88] =	sst s2  }
0x8f: {  	_ = 	snop  }
0x90: {  	(tm) =	ssettm $0x1  }
0x91: {  	s17 =	sld [smem:$0x3FFB];
	_ =	sdelay $0x3  }
0x92: {  	_ =	strace s17  }
0x93: {  	s2 =	sld [smem:$0x3FFC];
	_ =	sdelay $0x3  }
0x94: {  	_ =	strace s2  }
0x95: {  	s2 =	sld [smem:$0x3FFD];
	_ =	sdelay $0x3  }
0x96: {  	_ =	strace s2  }
0x97: {  	_ =	strace $0x8FFFFFFF  }
0x98: {  	s18 =	sld [smem:$0x3FDB];
	_ =	sdelay $0x1  }
0x99: {  	s19 =	simm.s32 $_scs_section_size  }
0x9a: {  	s4 =	simm.s32 $_size__tile_overlayer_lowered;
	s5 =	simm.s32 $_tile_overlayer_lowered  }
0x9b: {  	s22 =	simm.s32 $0x1BFF;
	s21 =	sshll.u32 s5, $0x1;
	s2 =	sadd.s32 s19, s18  }
0x9c: {  	s6 =	simm.s32 $0x0;
	s20 =	sshll.u32 s4, $0x1;
	s4 =	sadd.s32 s21, s2  }
0x9d: {  	[timem:s6], [sflag:s22] =	dma.local [hbm:s4], s20  }
0x9e: {  	_ =	swait.ge [sflag:s22], s20  }
0x9f: {  	s3 =	ssub.s32 $0x0, s20;
	[sflag:s22] =	ssyncset.done $0x0  }
0xa0: {  	[sflag:s22] =	ssyncadd.s32 s3;
	_ =	sdelay $0x1  }
0xa1: {  	s23 =	simm.s32 $0x1B8B  }
0xa2: {  	_ =	swait.ge [sflag:s23], $0x1  }
0xa3: {  	[sflag:s23] =	ssyncset.done $0x0  }
0xa4: {  	s25 =	simm.s32 $0x1B8E;
	s24 =	sld [smem:$0x3FFE];
	[sflag:s23] =	ssyncadd.s32 $0xFFFFFFFF  }
0xa5: {  	s26 =	simm.s32 $execute0_lowered;
	[smem:$0x3FD2] =	sst s25  }
0xa6: {  	s4 =	sshll.u32 s26, $0x1;
	_ =	strace $0x80000049;
	[dreg:$0x1] =	wrdreg $0xFFFFFFFF  }
0xa7: {  	s28 =	simm.s32 $_size_execute0_lowered;
	s2 =	sadd.s32 s2, s4;
	[dreg:$0x0] =	wrdreg $0x0  }
0xa8: {  	s4 =	sshll.u32 s28, $0x1;
	[dreg:$0x2] =	wrdreg s2  }
0xa9: {  	[dreg:$0x3] =	wrdreg s4  }
0xaa: {  	[dreg:$0x4] =	wrdreg $0xC0  }
0xab: {  	_ =	task [dreg:s6], $0x5FFFF  }
0xac: {  	[dreg:$0x1] =	wrdreg $0xFFFFFFFF  }
0xad: {  	[dreg:$0x0] =	wrdreg $0x60  }
0xae: {  	[dreg:$0x2] =	wrdreg s24  }
0xaf: {  	[dreg:$0x3] =	wrdreg $0x9  }
0xb0: {  	_ =	task.clear_ibuf [dreg:s6], $0x4FFFF;
	_ =	strace $0x90000049  }
0xb1: {  	s29 =	simm.s32 $0x9;
	_ =	strace $0x8000004B  }
0xb2: {  	_ =	swait.ge [sflag:s29], $0x1  }
0xb3: {  	[sflag:s29] =	ssyncadd.s32 $0xFFFFFFFF  }
0xb4: {  	_ =	strace $0x9000004B  }
0xb5: {  	_ =	sfence  }
0xb6: {  	s30 =	sld [smem:$0x0];
	_ =	sdelay $0x2  }
0xb7: {  	s31 =	sshll.u32 s1, $0xD;
	s1 =	sshrl.u32 s1, $0x2  }
0xb8: {  	s3 =	sand.u32 $0x4000, s31;
	s1 =	sadd.s32 s1, s30  }
0xb9: {  	s0 =	sor.u32 s3, s0;
	s1 =	sshll.u32 s1, $0x11  }
0xba: {  	s0 =	sor.u32 s1, s0  }
0xbb: {  	s0 =	sadd.s32 $0x8F2B, s0  }
0xbc: {  	[sflag:s0] =	ssyncadd.remote.s32 $0x1  }
0xbd: {  	_ =	sfence.sel $0xFFFF  }
0xbe: {  	[dreg:$0x0] =	wrdreg $0xFFFFFFFF;
	(pc) =	sbr.abs _section_cstart, $3  }
0xbf: {  	[dreg:$0x1] =	wrdreg $0xFFFFFFFF  }
0xc0: {  	_ =	task.clear_ibuf [dreg:s6], $0x2FFFF;
	_ =	strace $0x9FFFFFFF  }
0xc1: {  	(tm) =	ssettm $0x7FFFFFFF  }
tec
execute0_lowered:
.L_overlay_start_1:
0x0: {  	(tag) =	ssettag $0x1  }
0x1: {  	s0 =	rddreg [dreg:$0x0];
	s2 =	simm.s32 $0x0  }
0x2: {  	s1 =	srdreg.scid;
	s13 =	stileid.u32;
	s28 =	simm.s32 $0xC300  }
0x3: {  	s29 =	simm.s32 $0x200;
	s30 =	simm.s32 $0x280;
	s31 =	simm.s32 $0x1  }
0x4: {  	[smem:$0x7FF] =	sst s2;
	s1 =	sand.u32 $0x1, s1;
	s3 =	sshll.u32 s13, $0x1  }
0x5: {  	s4 =	sadd.s32 $0xA3E00, s0;
	s7 =	sadd.s32 $0x72C00, s0;
	s18 =	smul.u32 $0x5000, s13  }
0x6: {  	s8 =	sadd.s32 $0x68C00, s0;
	s10 =	sadd.s32 $0xCB000, s0;
	s25 =	smul.u32 $0x50000, s13  }
0x7: {  	s13 =	simm.s32 $0x8;
	s5 =	sor.u32 s1, s3;
	s9 =	ssub.s32 $0x2, s1  }
0x8: {  	_ =	strace $0x8000004A;
	s6 =	smul.u32 $0x2800, s5;
	s11 =	sshrl.u32 s9, $0x1  }
0x9: {  	s3 =	sadd.s32 $0x41400, s0;
	s0 =	sadd.s32 $0x5CB000, s0;
	s9 =	ssub.s32 s9, s11  }
0xa: {  	s19 =	smul.u32 $0x2800, s1;
	s6 =	sshrl.u32 s6, $0x3;
	s9 =	smax.u32 s9, $0x1  }
0xb: {  	s1 =	smul.u32 $0x28000, s1;
	s15 =	sadd.s32 s7, s6;
	[dreg:$0xc] =	wrdreg s9  }
0xc: {  	s16 =	sadd.s32 s8, s6;
	s17 =	sor.u32 $0x10, s6;
	[dreg:$0x2] =	wrdreg s15  }
0xd: {  	s5 =	smul.u32 $0x140000, s5;
	[dreg:$0x3] =	wrdreg s16;
	s12 =	sadd.s32 s7, s17  }
0xe: {  	s6 =	sor.u32 $0x20, s6;
	s11 =	sadd.s32 s8, s17;
	[dreg:$0x4] =	wrdreg s12  }
0xf: {  	s5 =	sshrl.u32 s5, $0x3;
	s14 =	sadd.s32 s7, s6;
	[dreg:$0x5] =	wrdreg s11  }
0x10: {  	s20 =	sadd.s32 $0x27000, s5;
	s6 =	sadd.s32 s8, s6;
	[dreg:$0x6] =	wrdreg s14  }
0x11: {  	s5 =	sadd.s32 $0x27800, s5;
	s21 =	sadd.s32 s10, s20;
	[dreg:$0x7] =	wrdreg s6  }
0x12: {  	s26 =	sadd.s32 s25, s10;
	s22 =	sadd.s32 s10, s5;
	[dreg:$0x8] =	wrdreg s21  }
0x13: {  	s9 =	simm.s32 $0xC;
	s5 =	sadd.s32 s0, s5;
	[dreg:$0xa] =	wrdreg s22  }
0x14: {  	s11 =	sadd.s32 s19, s18;
	s6 =	sadd.s32 s0, s20;
	[dreg:$0xb] =	wrdreg s5  }
0x15: {  	s0 =	sadd.s32 s25, s0;
	s5 =	sadd.s32 s1, s26;
	s21 =	simm.s32 $0x80  }
0x16: {  	s22 =	simm.s32 $0x300;
	s26 =	simm.s32 $0x8300;
	s12 =	simm.s32 $0x7  }
0x17: {  	s18 =	simm.s32 $0x5;
	s19 =	simm.s32 $0x6;
	s25 =	simm.s32 $0x300  }
0x18: {  	s14 =	simm.s32 $0x100;
	[dreg:$0x9] =	wrdreg s6;
	s23 =	sor.u32 $0x180, s11  }
.Ltmp0:
0x19: {  	[dreg:$0xd] =	wrdreg s5;
	s0 =	sadd.s32 s1, s0;
	(pc) =	sbr.rel .LBB2_1-.Ltmp0, $4  }
0x1a: {  	s1 =	simm.s32 $0x9;
	s5 =	simm.s32 $0xA;
	s6 =	simm.s32 $0x3  }
0x1b: {  	s11 =	simm.s32 $0x0;
	s24 =	sshrl.u32 s23, $0x3;
	[dreg:$0xe] =	wrdreg s0  }
0x1c: {  	s23 =	simm.s32 $0x4300;
	s0 =	simm.s32 $0x2;
	s16 =	sadd.s32 s24, s8  }
0x1d: {  	s17 =	sadd.s32 s24, s7;
	s7 =	simm.s32 $0x4;
	s8 =	simm.s32 $0xB  }
.LBB2_11:
0x1e: {  	_ =	swait.ge [sflag:s12], $0x4000  }
0x1f: {  	[sflag:s12] =	ssyncset.done $0x0  }
0x20: {  	[sflag:s12] =	ssyncadd.s32 $0xFFFFC000  }
0x21: {  	_ =	swait.ge [sflag:s13], $0x4000  }
0x22: {  	[sflag:s13] =	ssyncset.done $0x0  }
0x23: {  	s22 =	simm.s32 $0x300;
	s15 =	rddreg [dreg:$0x8];
	[sflag:s13] =	ssyncadd.s32 $0xFFFFC000  }
0x24: {  	[hbm4b:s15+s2] =	stream.linear.scatter [tilespmem:s22], [sflag:$0xD], $0x4000, $0x38;
	[tilespmem:$0x18300] =	vst v63  }
0x25: {  	s23 =	simm.s32 $0x4300;
	s24 =	rddreg [dreg:$0x9]  }
0x26: {  	[hbm4b:s24+s2] =	stream.linear.scatter [tilespmem:s23], [sflag:$0xE], $0x4000, $0x38;
	[tilespmem:$0x18300] =	vst v63  }
0x27: {  	_ =	swait.ge [sflag:s1], $0x4000  }
0x28: {  	[sflag:s1] =	ssyncset.done $0x0  }
0x29: {  	[sflag:s1] =	ssyncadd.s32 $0xFFFFC000  }
0x2a: {  	_ =	swait.ge [sflag:s5], $0x4000  }
0x2b: {  	[sflag:s5] =	ssyncset.done $0x0  }
0x2c: {  	s10 =	rddreg [dreg:$0xa];
	[sflag:s5] =	ssyncadd.s32 $0xFFFFC000  }
0x2d: {  	[hbm4b:s10+s2] =	stream.linear.scatter [tilespmem:s26], [sflag:$0xF], $0x4000, $0x38;
	[tilespmem:$0x18300] =	vst v63  }
0x2e: {  	s11 =	rddreg [dreg:$0xb];
	s10 =	simm.s32 $0x11  }
0x2f: {  	[hbm4b:s11+s2] =	stream.linear.scatter [tilespmem:s28], [sflag:$0x10], $0x4000, $0x38;
	[tilespmem:$0x18300] =	vst v63  }
0x30: {  	_ =	swait.ge [sflag:s10], $0x4000  }
0x31: {  	[sflag:s10] =	ssyncset.done $0x0  }
0x32: {  	s20 =	simm.s32 $0x12;
	[sflag:s10] =	ssyncadd.s32 $0xFFFFC000  }
0x33: {  	_ =	swait.ge [sflag:s20], $0x4000  }
0x34: {  	[sflag:s20] =	ssyncset.done $0x0  }
0x35: {  	s24 =	simm.s32 $0xD;
	[sflag:s20] =	ssyncadd.s32 $0xFFFFC000  }
0x36: {  	_ =	swait.ge [sflag:s24], $0x4000  }
0x37: {  	[sflag:s24] =	ssyncset.done $0x0  }
0x38: {  	s11 =	simm.s32 $0xE;
	[sflag:s24] =	ssyncadd.s32 $0xFFFFC000  }
0x39: {  	_ =	swait.ge [sflag:s11], $0x4000  }
0x3a: {  	[sflag:s11] =	ssyncset.done $0x0  }
0x3b: {  	s15 =	simm.s32 $0xF;
	[sflag:s11] =	ssyncadd.s32 $0xFFFFC000  }
0x3c: {  	_ =	swait.ge [sflag:s15], $0x4000  }
0x3d: {  	[sflag:s15] =	ssyncset.done $0x0  }
0x3e: {  	s20 =	simm.s32 $0x10;
	[sflag:s15] =	ssyncadd.s32 $0xFFFFC000  }
0x3f: {  	_ =	swait.ge [sflag:s20], $0x4000  }
0x40: {  	s11 =	rddreg [dreg:$0xf]  }
0x41: {  	s24 =	rddreg [dreg:$0xc];
	s11 =	sadd.s32 $0x1, s11  }
0x42: {  	p0 =	sne.s32 s11, s24  }
.Ltmp1:
0x43: {  	_ = 	snop;
	(pc) =	sbr.rel @!p0 .LBB2_12-.Ltmp1, $3  }
0x44: {  	_ =	sdelay $0x1  }
0x45: {  	[sflag:s20] =	ssyncset.done $0x0  }
0x46: {  	[sflag:s20] =	ssyncadd.s32 $0xFFFFC000  }
.LBB2_1:
0x47: {  	[dreg:$0xf] =	wrdreg s11  }
0x48: {  	s15 =	rddreg [dreg:$0x2];
	s20 =	simm.s32 $0x13  }
0x49: {  	[tilespmem:s2], [sflag:$0x13] =	stream.linear.gather [hbm4b:s15+s2], $0x80, $0x38;
	[tilespmem:$0x18300] =	vst v63  }
0x4a: {  	_ =	swait.ge [sflag:s20], $0x80  }
0x4b: {  	[sflag:s20] =	ssyncset.done $0x0  }
0x4c: {  	s11 =	rddreg [dreg:$0x3];
	[sflag:s20] =	ssyncadd.s32 $0xFFFFFF80  }
0x4d: {  	[tilespmem:s21], [sflag:$0x13] =	stream.linear.gather [hbm4b:s11+s2], $0x80, $0x38;
	[tilespmem:$0x18300] =	vst v63  }
0x4e: {  	_ =	swait.ge [sflag:s20], $0x80  }
0x4f: {  	[sflag:s20] =	ssyncset.done $0x0  }
0x50: {  	[sflag:s20] =	ssyncadd.s32 $0xFFFFFF80  }
0x51: {  	[tilespmem:s22], [sflag:$0x7] =	stream.indirect.gather [hbm4b:s3+s21], $0x80, s2, s21, $0xb8;
	[tilespmem:$0x18300] =	vst v63  }
0x52: {  	_ = 	snop  }
0x53: {  	[tilespmem:s23], [sflag:$0x8] =	stream.indirect.gather [hbm4b:s4+s21], $0x80, s21, s21, $0xb8;
	[tilespmem:$0x18300] =	vst v63  }
0x54: {  	s11 =	simm.s32 $0x100;
	s24 =	rddreg [dreg:$0x4]  }
0x55: {  	[tilespmem:s11], [sflag:$0x13] =	stream.linear.gather [hbm4b:s24+s2], $0x80, $0x38;
	[tilespmem:$0x18300] =	vst v63  }
0x56: {  	_ =	swait.ge [sflag:s20], $0x80  }
0x57: {  	[sflag:s20] =	ssyncset.done $0x0  }
0x58: {  	s24 =	simm.s32 $0x180;
	s23 =	rddreg [dreg:$0x5];
	[sflag:s20] =	ssyncadd.s32 $0xFFFFFF80  }
0x59: {  	[tilespmem:s24], [sflag:$0x13] =	stream.linear.gather [hbm4b:s23+s2], $0x80, $0x38;
	[tilespmem:$0x18300] =	vst v63  }
0x5a: {  	_ =	swait.ge [sflag:s20], $0x80  }
0x5b: {  	[sflag:s20] =	ssyncset.done $0x0  }
0x5c: {  	[sflag:s20] =	ssyncadd.s32 $0xFFFFFF80  }
0x5d: {  	[tilespmem:s26], [sflag:$0x9] =	stream.indirect.gather [hbm4b:s3+s21], $0x80, s11, s21, $0xb8;
	[tilespmem:$0x18300] =	vst v63  }
0x5e: {  	s23 =	rddreg [dreg:$0x6]  }
0x5f: {  	[tilespmem:s28], [sflag:$0xA] =	stream.indirect.gather [hbm4b:s4+s21], $0x80, s24, s21, $0xb8;
	[tilespmem:$0x18300] =	vst v63  }
.Ltmp2:
0x60: {  	s15 =	rddreg [dreg:$0xe];
	(pc) =	sbr.rel .LBB2_2-.Ltmp2, $4  }
0x61: {  	s10 =	simm.s32 $0x4300;
	s22 =	simm.s32 $0x0;
	s20 =	rddreg [dreg:$0xd]  }
0x62: {  	[tilespmem:s29], [sflag:$0x5] =	stream.linear.gather [hbm4b:s23+s2], $0x80, $0x38;
	[tilespmem:$0x18300] =	vst v63  }
0x63: {  	s11 =	simm.s32 $0x180;
	s24 =	rddreg [dreg:$0x7];
	s23 =	simm.s32 $0x2  }
0x64: {  	[tilespmem:s30], [sflag:$0x6] =	stream.linear.gather [hbm4b:s24+s2], $0x80, $0x38;
	[tilespmem:$0x18300] =	vst v63  }
.LBB2_7:
0x65: {  	s24 =	sadd.s32 s22, s17  }
0x66: {  	[tilespmem:s14], [sflag:$0x3] =	stream.linear.gather [hbm4b:s24+s2], $0x80, $0x38;
	[tilespmem:$0x18300] =	vst v63  }
0x67: {  	s24 =	sadd.s32 s22, s16  }
0x68: {  	[tilespmem:s11], [sflag:$0x4] =	stream.linear.gather [hbm4b:s24+s2], $0x80, $0x38;
	[tilespmem:$0x18300] =	vst v63  }
.LBB2_10:
0x69: {  	s22 =	sadd.s32 $0x10, s22  }
0x6a: {  	p0 =	sne.s32 s22, $0x4E0  }
.Ltmp3:
0x6b: {  	_ = 	snop;
	(pc) =	sbr.rel @!p0 .LBB2_11-.Ltmp3, $2  }
0x6c: {  	_ =	sdelay $0x2  }
0x6d: {  	s23 =	sadd.s32 $0x1, s23;
	s20 =	sadd.s32 $0x800, s20;
	s15 =	sadd.s32 $0x800, s15  }
.LBB2_2:
0x6e: {  	s24 =	smul.u32 $0xAB, s23;
	_ =	sdelay $0x1  }
0x6f: {  	s24 =	sshrl.u32 s24, $0x9  }
0x70: {  	s24 =	sand.u32 $0x7F, s24  }
0x71: {  	s24 =	smul.u32 $0x3, s24;
	_ =	sdelay $0x1  }
0x72: {  	s24 =	ssub.s32 s23, s24  }
0x73: {  	s24 =	sand.u32 $0xFF, s24  }
0x74: {  	p0 =	seq.s32 s24, $0x0  }
.Ltmp4:
0x75: {  	_ = 	snop;
	(pc) =	sbr.rel @p0 .LBB2_6-.Ltmp4, $1  }
0x76: {  	_ =	sdelay $0x3  }
0x77: {  	p0 =	seq.s32 s24, $0x1  }
.Ltmp5:
0x78: {  	_ = 	snop;
	(pc) =	sbr.rel @p0 .LBB2_8-.Ltmp5, $1  }
0x79: {  	_ =	sdelay $0x3  }
0x7a: {  	_ =	swait.ge [sflag:s18], $0x80  }
0x7b: {  	[sflag:s18] =	ssyncset.done $0x0  }
0x7c: {  	[sflag:s18] =	ssyncadd.s32 $0xFFFFFF80  }
0x7d: {  	_ =	swait.ge [sflag:s19], $0x80  }
0x7e: {  	p0 =	slt.u32 s23, $0x3;
	[sflag:s19] =	ssyncset.done $0x0  }
0x7f: {  	s24 =	simm.s32 @!p0 $0x11;
	[sflag:s19] =	ssyncadd.s32 $0xFFFFFF80  }
0x80: {  	_ =	swait.ge @!p0 [sflag:s24], $0x4000  }
0x81: {  	[sflag:s24] =	ssyncset.done @!p0 $0x0  }
0x82: {  	[sflag:s24] =	ssyncadd.s32 @!p0 $0xFFFFC000;
	s24 =	simm.s32 @!p0 $0x12  }
0x83: {  	_ =	swait.ge @!p0 [sflag:s24], $0x4000  }
0x84: {  	[sflag:s24] =	ssyncset.done @!p0 $0x0  }
0x85: {  	[sflag:s24] =	ssyncadd.s32 @!p0 $0xFFFFC000;
	s24 =	simm.s32 $0x10300  }
0x86: {  	[tilespmem:s24], [sflag:$0xB] =	stream.indirect.gather [hbm4b:s3+s21], $0x80, s29, s21, $0xb8;
	[tilespmem:$0x18300] =	vst v63  }
0x87: {  	s24 =	simm.s32 $0x14300  }
0x88: {  	[tilespmem:s24], [sflag:$0xC] =	stream.indirect.gather [hbm4b:s4+s21], $0x80, s30, s21, $0xb8;
	[tilespmem:$0x18300] =	vst v63  }
0x89: {  	_ =	swait.ge [sflag:s12], $0x4000  }
0x8a: {  	[sflag:s12] =	ssyncset.done $0x0  }
0x8b: {  	[sflag:s12] =	ssyncadd.s32 $0xFFFFC000  }
0x8c: {  	p0 =	seq.s32 s22, $0x4D0;
	_ =	swait.ge [sflag:s13], $0x4000  }
.Ltmp6:
0x8d: {  	[sflag:s13] =	ssyncset.done $0x0;
	(pc) =	sbr.rel @p0 .LBB2_11-.Ltmp6, $4  }
0x8e: {  	[sflag:s13] =	ssyncadd.s32 $0xFFFFC000  }
0x8f: {  	[hbm4b:s20+s2] =	stream.linear.scatter [tilespmem:s25], [sflag:$0xD], $0x4000, $0x38;
	[tilespmem:$0x18300] =	vst v63  }
0x90: {  	_ = 	snop  }
0x91: {  	[hbm4b:s15+s2] =	stream.linear.scatter [tilespmem:s10], [sflag:$0xE], $0x4000, $0x38;
	[tilespmem:$0x18300] =	vst v63  }
.Ltmp7:
0x92: {  	(pc) =	sbr.rel .LBB2_10-.Ltmp7, $4  }
0x93: {  	s24 =	sadd.s32 s22, s17  }
0x94: {  	[tilespmem:s2], [sflag:$0x1] =	stream.linear.gather [hbm4b:s24+s2], $0x80, $0x38;
	[tilespmem:$0x18300] =	vst v63  }
0x95: {  	s24 =	sadd.s32 s22, s16  }
0x96: {  	[tilespmem:s21], [sflag:$0x2] =	stream.linear.gather [hbm4b:s24+s2], $0x80, $0x38;
	[tilespmem:$0x18300] =	vst v63  }
.LBB2_6:
0x97: {  	_ =	swait.ge [sflag:s31], $0x80  }
0x98: {  	[sflag:s31] =	ssyncset.done $0x0  }
0x99: {  	[sflag:s31] =	ssyncadd.s32 $0xFFFFFF80  }
0x9a: {  	_ =	swait.ge [sflag:s0], $0x80  }
0x9b: {  	p0 =	slt.u32 s23, $0x3;
	[sflag:s0] =	ssyncset.done $0x0  }
0x9c: {  	s24 =	simm.s32 @!p0 $0xD;
	[sflag:s0] =	ssyncadd.s32 $0xFFFFFF80  }
0x9d: {  	_ =	swait.ge @!p0 [sflag:s24], $0x4000  }
0x9e: {  	[sflag:s24] =	ssyncset.done @!p0 $0x0  }
0x9f: {  	[sflag:s24] =	ssyncadd.s32 @!p0 $0xFFFFC000;
	s24 =	simm.s32 @!p0 $0xE  }
0xa0: {  	_ =	swait.ge @!p0 [sflag:s24], $0x4000  }
0xa1: {  	[sflag:s24] =	ssyncset.done @!p0 $0x0  }
0xa2: {  	[sflag:s24] =	ssyncadd.s32 @!p0 $0xFFFFC000  }
0xa3: {  	[tilespmem:s25], [sflag:$0x7] =	stream.indirect.gather [hbm4b:s3+s21], $0x80, s2, s21, $0xb8;
	[tilespmem:$0x18300] =	vst v63  }
0xa4: {  	_ = 	snop  }
0xa5: {  	[tilespmem:s10], [sflag:$0x8] =	stream.indirect.gather [hbm4b:s4+s21], $0x80, s21, s21, $0xb8;
	[tilespmem:$0x18300] =	vst v63  }
0xa6: {  	_ =	swait.ge [sflag:s1], $0x4000  }
0xa7: {  	[sflag:s1] =	ssyncset.done $0x0  }
0xa8: {  	[sflag:s1] =	ssyncadd.s32 $0xFFFFC000  }
0xa9: {  	p0 =	seq.s32 s22, $0x4D0;
	_ =	swait.ge [sflag:s5], $0x4000  }
.Ltmp8:
0xaa: {  	[sflag:s5] =	ssyncset.done $0x0;
	(pc) =	sbr.rel @!p0 .LBB2_7-.Ltmp8, $4  }
0xab: {  	[sflag:s5] =	ssyncadd.s32 $0xFFFFC000  }
0xac: {  	[hbm4b:s20+s2] =	stream.linear.scatter [tilespmem:s26], [sflag:$0xF], $0x4000, $0x38;
	[tilespmem:$0x18300] =	vst v63  }
0xad: {  	_ = 	snop  }
0xae: {  	[hbm4b:s15+s2] =	stream.linear.scatter [tilespmem:s28], [sflag:$0x10], $0x4000, $0x38;
	[tilespmem:$0x18300] =	vst v63  }
.LBB2_8:
0xaf: {  	_ =	swait.ge [sflag:s6], $0x80  }
0xb0: {  	[sflag:s6] =	ssyncset.done $0x0  }
0xb1: {  	[sflag:s6] =	ssyncadd.s32 $0xFFFFFF80  }
0xb2: {  	_ =	swait.ge [sflag:s7], $0x80  }
0xb3: {  	p0 =	slt.u32 s23, $0x3;
	[sflag:s7] =	ssyncset.done $0x0  }
0xb4: {  	s24 =	simm.s32 @!p0 $0xF;
	[sflag:s7] =	ssyncadd.s32 $0xFFFFFF80  }
0xb5: {  	_ =	swait.ge @!p0 [sflag:s24], $0x4000  }
0xb6: {  	[sflag:s24] =	ssyncset.done @!p0 $0x0  }
0xb7: {  	[sflag:s24] =	ssyncadd.s32 @!p0 $0xFFFFC000;
	s24 =	simm.s32 @!p0 $0x10  }
0xb8: {  	_ =	swait.ge @!p0 [sflag:s24], $0x4000  }
0xb9: {  	[sflag:s24] =	ssyncset.done @!p0 $0x0  }
0xba: {  	[sflag:s24] =	ssyncadd.s32 @!p0 $0xFFFFC000  }
0xbb: {  	[tilespmem:s26], [sflag:$0x9] =	stream.indirect.gather [hbm4b:s3+s21], $0x80, s14, s21, $0xb8;
	[tilespmem:$0x18300] =	vst v63  }
0xbc: {  	_ = 	snop  }
0xbd: {  	[tilespmem:s28], [sflag:$0xA] =	stream.indirect.gather [hbm4b:s4+s21], $0x80, s11, s21, $0xb8;
	[tilespmem:$0x18300] =	vst v63  }
0xbe: {  	_ =	swait.ge [sflag:s8], $0x4000  }
0xbf: {  	[sflag:s8] =	ssyncset.done $0x0  }
0xc0: {  	[sflag:s8] =	ssyncadd.s32 $0xFFFFC000  }
0xc1: {  	p0 =	seq.s32 s22, $0x4D0;
	_ =	swait.ge [sflag:s9], $0x4000  }
.Ltmp9:
0xc2: {  	[sflag:s9] =	ssyncset.done $0x0;
	(pc) =	sbr.rel @p0 .LBB2_11-.Ltmp9, $4  }
0xc3: {  	s24 =	simm.s32 $0x10300;
	[sflag:s9] =	ssyncadd.s32 $0xFFFFC000  }
0xc4: {  	[hbm4b:s20+s2] =	stream.linear.scatter [tilespmem:s24], [sflag:$0x11], $0x4000, $0x38;
	[tilespmem:$0x18300] =	vst v63  }
0xc5: {  	s24 =	simm.s32 $0x14300  }
0xc6: {  	[hbm4b:s15+s2] =	stream.linear.scatter [tilespmem:s24], [sflag:$0x12], $0x4000, $0x38;
	[tilespmem:$0x18300] =	vst v63  }
.Ltmp10:
0xc7: {  	(pc) =	sbr.rel .LBB2_10-.Ltmp10, $4  }
0xc8: {  	s24 =	sadd.s32 s22, s17  }
0xc9: {  	[tilespmem:s29], [sflag:$0x5] =	stream.linear.gather [hbm4b:s24+s2], $0x80, $0x38;
	[tilespmem:$0x18300] =	vst v63  }
0xca: {  	s24 =	sadd.s32 s22, s16  }
0xcb: {  	[tilespmem:s30], [sflag:$0x6] =	stream.linear.gather [hbm4b:s24+s2], $0x80, $0x38;
	[tilespmem:$0x18300] =	vst v63  }
.LBB2_12:
0xcc: {  	_ =	sfence.sel $0x180000  }
0xcd: {  	[bflag:$0x0] =	sbarrier.arrive $0xFFFF  }
0xce: {  	_ =	strace $0x9000004A  }
0xcf: {  	s0 =	stileid.u32;
	[bflag:$0x2] =	sbarrier.arrive $0xFFFF  }
0xd0: {  	p0 =	sne.s32 s0, $0x0;
	s0 =	rddreg [dreg:$0x1]  }
0xd1: {  	s0 =	sadd.s32 @!p0 $0x100000, s0  }
0xd2: {  	[sflag:s0] =	ssyncadd.tile.s32 @!p0 $0x1;
	_ =	shalt  }
.Lfunc_end2:
_tile_overlayer_lowered:
.L_overlay_start_2:
0xd3: {  	(tag) =	ssettag $0x2  }
0xd4: {  	s0 =	rddreg [dreg:$0x0];
	s2 =	stileid.u32  }
0xd5: {  	s1 =	rddreg [dreg:$0x1];
	p0 =	sne.s32 s2, $0x0  }
0xd6: {  	s3 =	rddreg [dreg:$0x2];
	[bflag:$0x3] =	sbarrier.arrive $0xFFFF;
	s2 =	simm.s32 @!p0 $0x1C13  }
0xd7: {  	[timem:s3], [sflag:s2] =	dma.local @!p0 [hbm:s0], s1  }
0xd8: {  	s0 =	simm.s32 @!p0 $0x13  }
0xd9: {  	_ =	swait.ge @!p0 [sflag:s0], s1  }
0xda: {  	s1 =	ssub.s32 @!p0 $0x0, s1;
	[sflag:s0] =	ssyncset.done @!p0 $0x0  }
0xdb: {  	[sflag:s0] =	ssyncadd.s32 @!p0 s1  }
0xdc: {  	[bflag:$0x3] =	sbarrier.arrive $0xFFFF  }
0xdd: {  	_ =	shalt  }

// kernel: kernel.27.cloned.1.call-start
scs
__scs_entry_jumppad:
0x0: {  	(pc) =	sbr.rel $0x88, $3  }
0x1: {  	(tag) =	ssettag $0x0;
	lr =	simm.s32 $0x1  }
0x2: {  	[smem:$0x3F61] =	sst lr;
	_ =	strace $0xD0000000  }
0x3: {  	_ = 	snop  }
0x4: {  	_ = 	snop  }
0x5: {  	_ = 	snop  }
0x6: {  	_ = 	snop  }
0x7: {  	_ = 	snop  }
__scs_overlays_trampoline_lowered:
0x8: {  	[smem:$0x3F70] =	sst s0  }
0x9: {  	[smem:$0x3F71] =	sst s1  }
0xa: {  	[smem:$0x3F72] =	sst s2  }
0xb: {  	[smem:$0x3F73] =	sst s3  }
0xc: {  	[smem:$0x3F74] =	sst s4  }
0xd: {  	[smem:$0x3F75] =	sst s5  }
0xe: {  	[smem:$0x3F76] =	sst s6  }
0xf: {  	[smem:$0x3F77] =	sst s7  }
0x10: {  	[smem:$0x3F78] =	sst s8  }
0x11: {  	[smem:$0x3F79] =	sst s9;
	s0 =	simm.s32 @!p0 $0x0  }
0x12: {  	s1 =	sld [smem:$0x3F5F];
	s0 =	simm.s32 @p0 $0x1  }
0x13: {  	[smem:$0x3F7A] =	sst s0;
	s0 =	simm.s32 @!p1 $0x0  }
0x14: {  	s2 =	sld [smem:$0x3F5E];
	s0 =	simm.s32 @p1 $0x1  }
0x15: {  	[smem:$0x3F7B] =	sst s0;
	s0 =	simm.s32 @!p2 $0x0  }
0x16: {  	s3 =	sld [smem:$0x3FDB];
	s0 =	simm.s32 @p2 $0x1  }
0x17: {  	s4 =	simm.s32 $0x1BF5;
	[smem:$0x3F7D] =	sst s0  }
0x18: {  	s0 =	sld [smem:$0x3F60];
	_ =	swait.ge [sflag:s4], $0x0  }
0x19: {  	s7 =	sld [smem:$0x3F61]  }
0x1a: {  	s8 =	sadd.s32 $0xFFFFE003, lr  }
0x1b: {  	s9 =	sadd.s32 $0xFFFFFEF7, lr;
	s5 =	simm.s32 $0xFFFFFFFF;
	p2 =	slt.u32 s8, $0xFFFFF086  }
0x1c: {  	p1 =	slt.u32 s9, $0xF7A;
	s5 =	simm.s32 @!p2 $0x0  }
0x1d: {  	s5 =	simm.s32 @p1 $0x1;
	p0 =	seq.s32 s7, s2  }
0x1e: {  	s7 =	smul.u32 @!p0 $0xF7A, s2;
	p2 =	seq.s32 @!p0 s5, $0x0  }
0x1f: {  	s9 =	smul.u32 $0xF7A, s1;
	s8 =	simm.s32 @!p0 $0x1BF5;
	p2 =	por !p2, p0  }
0x20: {  	[sflag:s8] =	ssyncset.s32 @!p0 $0xFFFFF086;
	s6 =	sadd.s32 @!p0 s3, s7;
	s7 =	simm.s32 @!p0 $0x108  }
0x21: {  	s3 =	sadd.s32 s3, s9;
	s6 =	sadd.s32 @!p0 $0x88, s6;
	s7 =	simm.s32 @p2 $0x1082  }
0x22: {  	[simem:s7], [sflag:s8] =	dma.local @!p0 [hbm:s6], $0xF7A  }
0x23: {  	s9 =	sor.u32 $0xD0000000, s2;
	s6 =	simm.s32 $0x108;
	_ =	swait.ge @!p0 [sflag:s8], $0x0  }
0x24: {  	s3 =	sadd.s32 $0x88, s3;
	s6 =	simm.s32 @!p1 $0x1082;
	[sflag:s4] =	ssyncset.s32 $0xFFFFF086  }
0x25: {  	[simem:s6], [sflag:s4] =	dma.local [hbm:s3], $0xF7A  }
0x26: {  	[smem:$0x3F61] =	sst s1;
	(tag) =	ssettag s2;
	_ =	strace s9  }
0x27: {  	s1 =	sld [smem:$0x3F71]  }
0x28: {  	s2 =	sld [smem:$0x3F72]  }
0x29: {  	s4 =	sld [smem:$0x3F74]  }
0x2a: {  	p0 =	seq.s32 s5, $0x0;
	s5 =	sld [smem:$0x3F75]  }
0x2b: {  	s6 =	sld [smem:$0x3F76]  }
0x2c: {  	s7 =	sld [smem:$0x3F77]  }
0x2d: {  	s3 =	simm.s32 $0x108;
	s8 =	sld [smem:$0x3F78]  }
0x2e: {  	s3 =	simm.s32 @!p0 $0x1082;
	s9 =	sld [smem:$0x3F79]  }
0x2f: {  	lr =	sadd.s32 s0, s3;
	s0 =	sld [smem:$0x3F70]  }
0x30: {  	s3 =	sld [smem:$0x3F73]  }
0x31: {  	[smem:$0x3F7C] =	sst s10  }
0x32: {  	s10 =	sld [smem:$0x3F7A];
	_ =	sdelay $0x3  }
0x33: {  	p0 =	seq.s32 s10, $0x1;
	s10 =	sld [smem:$0x3F7C];
	_ =	sdelay $0x3  }
0x34: {  	[smem:$0x3F7C] =	sst s10  }
0x35: {  	s10 =	sld [smem:$0x3F7B];
	_ =	sdelay $0x3  }
0x36: {  	p1 =	seq.s32 s10, $0x1;
	s10 =	sld [smem:$0x3F7C];
	_ =	sdelay $0x3  }
0x37: {  	[smem:$0x3F7C] =	sst s10  }
0x38: {  	s10 =	sld [smem:$0x3F7D]  }
0x39: {  	_ = 	snop;
	(pc) =	sbr.ind lr, $3  }
0x3a: {  	_ = 	snop  }
0x3b: {  	_ = 	snop  }
0x3c: {  	p2 =	seq.s32 s10, $0x1;
	s10 =	sld [smem:$0x3F7C]  }
0x3d: {  	_ =	shalt  }
0x3e: {  	_ =	shalt  }
0x3f: {  	_ =	shalt  }
0x40: {  	_ =	shalt  }
0x41: {  	_ =	shalt  }
0x42: {  	_ =	shalt  }
0x43: {  	_ =	shalt  }
0x44: {  	_ =	shalt  }
0x45: {  	_ =	shalt  }
0x46: {  	_ =	shalt  }
0x47: {  	_ =	shalt  }
0x48: {  	_ =	shalt  }
0x49: {  	_ =	shalt  }
0x4a: {  	_ =	shalt  }
0x4b: {  	_ =	shalt  }
0x4c: {  	_ =	shalt  }
0x4d: {  	_ =	shalt  }
0x4e: {  	_ =	shalt  }
0x4f: {  	_ =	shalt  }
0x50: {  	_ =	shalt  }
0x51: {  	_ =	shalt  }
0x52: {  	_ =	shalt  }
0x53: {  	_ =	shalt  }
0x54: {  	_ =	shalt  }
0x55: {  	_ =	shalt  }
0x56: {  	_ =	shalt  }
0x57: {  	_ =	shalt  }
0x58: {  	_ =	shalt  }
0x59: {  	_ =	shalt  }
0x5a: {  	_ =	shalt  }
0x5b: {  	_ =	shalt  }
0x5c: {  	_ =	shalt  }
0x5d: {  	_ =	shalt  }
0x5e: {  	_ =	shalt  }
0x5f: {  	_ =	shalt  }
0x60: {  	_ =	shalt  }
0x61: {  	_ =	shalt  }
0x62: {  	_ =	shalt  }
0x63: {  	_ =	shalt  }
0x64: {  	_ =	shalt  }
0x65: {  	_ =	shalt  }
0x66: {  	_ =	shalt  }
0x67: {  	_ =	shalt  }
0x68: {  	_ =	shalt  }
0x69: {  	_ =	shalt  }
0x6a: {  	_ =	shalt  }
0x6b: {  	_ =	shalt  }
0x6c: {  	_ =	shalt  }
0x6d: {  	_ =	shalt  }
0x6e: {  	_ =	shalt  }
0x6f: {  	_ =	shalt  }
0x70: {  	_ =	shalt  }
0x71: {  	_ =	shalt  }
0x72: {  	_ =	shalt  }
0x73: {  	_ =	shalt  }
0x74: {  	_ =	shalt  }
0x75: {  	_ =	shalt  }
0x76: {  	_ =	shalt  }
0x77: {  	_ =	shalt  }
0x78: {  	_ =	shalt  }
0x79: {  	_ =	shalt  }
0x7a: {  	_ =	shalt  }
0x7b: {  	_ =	shalt  }
0x7c: {  	_ =	shalt  }
0x7d: {  	_ =	shalt  }
0x7e: {  	_ =	shalt  }
0x7f: {  	_ =	shalt  }
0x80: {  	_ =	shalt  }
0x81: {  	_ =	shalt  }
0x82: {  	_ =	shalt  }
0x83: {  	_ =	shalt  }
0x84: {  	_ =	shalt  }
0x85: {  	_ =	shalt  }
0x86: {  	_ =	shalt  }
0x87: {  	_ =	shalt  }
.Lfunc_end0:
.L_simem_size_0:
called_computation.2_lowered:
.L_overlay_start_0:
0x88: {  	s2 =	sld [smem:$0x3FD9]  }
0x89: {  	s3 =	sld [smem:$0x3FFE];
	_ =	sdelay $0x1  }
0x8a: {  	s1 =	srdreg.scid  }
0x8b: {  	s0 =	sand.u32 $0x1, s1  }
0x8c: {  	s16 =	sshll.u32 s0, $0xA;
	s2 =	sadd.s32 s3, s2  }
0x8d: {  	s2 =	sadd.s32 s2, s16  }
0x8e: {  	[smem:$0x3F88] =	sst s2  }
0x8f: {  	_ = 	snop  }
0x90: {  	(tm) =	ssettm $0x1  }
0x91: {  	s17 =	sld [smem:$0x3FFB];
	_ =	sdelay $0x3  }
0x92: {  	_ =	strace s17  }
0x93: {  	s2 =	sld [smem:$0x3FFC];
	_ =	sdelay $0x3  }
0x94: {  	_ =	strace s2  }
0x95: {  	s2 =	sld [smem:$0x3FFD];
	_ =	sdelay $0x3  }
0x96: {  	_ =	strace s2  }
0x97: {  	_ =	strace $0x8FFFFFFF  }
0x98: {  	s18 =	sld [smem:$0x3FDB];
	_ =	sdelay $0x1  }
0x99: {  	s19 =	simm.s32 $_scs_section_size  }
0x9a: {  	s4 =	simm.s32 $_size__tile_overlayer_lowered;
	s5 =	simm.s32 $_tile_overlayer_lowered  }
0x9b: {  	s22 =	simm.s32 $0x1BFF;
	s21 =	sshll.u32 s5, $0x1;
	s2 =	sadd.s32 s19, s18  }
0x9c: {  	s6 =	simm.s32 $0x0;
	s20 =	sshll.u32 s4, $0x1;
	s4 =	sadd.s32 s21, s2  }
0x9d: {  	[timem:s6], [sflag:s22] =	dma.local [hbm:s4], s20  }
0x9e: {  	_ =	swait.ge [sflag:s22], s20  }
0x9f: {  	s3 =	ssub.s32 $0x0, s20;
	[sflag:s22] =	ssyncset.done $0x0  }
0xa0: {  	[sflag:s22] =	ssyncadd.s32 s3;
	_ =	sdelay $0x1  }
0xa1: {  	s23 =	simm.s32 $0x1B8B  }
0xa2: {  	_ =	swait.ge [sflag:s23], $0x1  }
0xa3: {  	[sflag:s23] =	ssyncset.done $0x0  }
0xa4: {  	s25 =	simm.s32 $0x1B8E;
	s24 =	sld [smem:$0x3FFE];
	[sflag:s23] =	ssyncadd.s32 $0xFFFFFFFF  }
0xa5: {  	s26 =	simm.s32 $execute0_lowered;
	[smem:$0x3FD2] =	sst s25  }
0xa6: {  	s4 =	sshll.u32 s26, $0x1;
	_ =	strace $0x8000004C;
	[dreg:$0x1] =	wrdreg $0xFFFFFFFF  }
0xa7: {  	s28 =	simm.s32 $_size_execute0_lowered;
	s2 =	sadd.s32 s2, s4;
	[dreg:$0x0] =	wrdreg $0x0  }
0xa8: {  	s4 =	sshll.u32 s28, $0x1;
	[dreg:$0x2] =	wrdreg s2  }
0xa9: {  	[dreg:$0x3] =	wrdreg s4  }
0xaa: {  	[dreg:$0x4] =	wrdreg $0xC0  }
0xab: {  	_ =	task [dreg:s6], $0x5FFFF  }
0xac: {  	[dreg:$0x1] =	wrdreg $0xFFFFFFFF  }
0xad: {  	[dreg:$0x0] =	wrdreg $0x60  }
0xae: {  	[dreg:$0x2] =	wrdreg s24  }
0xaf: {  	[dreg:$0x3] =	wrdreg $0x81000  }
0xb0: {  	[dreg:$0x4] =	wrdreg $0x9  }
0xb1: {  	_ =	task.clear_ibuf [dreg:s6], $0x5FFFF;
	_ =	strace $0x9000004C  }
0xb2: {  	s29 =	simm.s32 $0x9;
	_ =	strace $0x8000004E  }
0xb3: {  	_ =	swait.ge [sflag:s29], $0x1  }
0xb4: {  	[sflag:s29] =	ssyncadd.s32 $0xFFFFFFFF  }
0xb5: {  	_ =	strace $0x9000004E  }
0xb6: {  	_ =	sfence  }
0xb7: {  	s30 =	sld [smem:$0x0];
	_ =	sdelay $0x2  }
0xb8: {  	s31 =	sshll.u32 s1, $0xD;
	s1 =	sshrl.u32 s1, $0x2  }
0xb9: {  	s3 =	sand.u32 $0x4000, s31;
	s1 =	sadd.s32 s1, s30  }
0xba: {  	s0 =	sor.u32 s3, s0;
	s1 =	sshll.u32 s1, $0x11  }
0xbb: {  	s0 =	sor.u32 s1, s0  }
0xbc: {  	s0 =	sadd.s32 $0x8F2B, s0  }
0xbd: {  	[sflag:s0] =	ssyncadd.remote.s32 $0x1  }
0xbe: {  	_ =	sfence.sel $0xFFFF  }
0xbf: {  	[dreg:$0x0] =	wrdreg $0xFFFFFFFF;
	(pc) =	sbr.abs _section_cstart, $3  }
0xc0: {  	[dreg:$0x1] =	wrdreg $0xFFFFFFFF  }
0xc1: {  	_ =	task.clear_ibuf [dreg:s6], $0x2FFFF;
	_ =	strace $0x9FFFFFFF  }
0xc2: {  	(tm) =	ssettm $0x7FFFFFFF  }
0xc3: {  	_ =	shalt  }
tec
execute0_lowered:
.L_overlay_start_1:
0x0: {  	(tag) =	ssettag $0x1  }
0x1: {  	s5 =	rddreg [dreg:$0x0]  }
0x2: {  	s2 =	rddreg [dreg:$0x1]  }
0x3: {  	s0 =	rddreg [dreg:$0x2];
	s3 =	simm.s32 $0x0;
	s1 =	stileid.u32  }
0x4: {  	s4 =	srdreg.scid;
	s20 =	simm.s32 $0x4100;
	s13 =	smul.u32 $0x4E000, s1  }
0x5: {  	s21 =	simm.s32 $0x0;
	[smem:$0x7FF] =	sst s3;
	s26 =	smul.u32 $0x13800, s1  }
0x6: {  	s9 =	sand.u32 $0x1, s4;
	s22 =	sshll.u32 s1, $0x1;
	s29 =	smul.u32 $0x5000, s1  }
0x7: {  	s10 =	sadd.s32 $0xAD5000, s5;
	s12 =	sadd.s32 $0xDA00, s5;
	s19 =	smul.u32 $0x50000, s1  }
0x8: {  	s4 =	sadd.s32 $0x17A00, s5;
	s11 =	sadd.s32 $0xA3E00, s5;
	s15 =	smul.u32 $0x138800, s9  }
0x9: {  	s28 =	sshll.u32 s1, $0x6;
	s17 =	sadd.s32 $0x138000, s2;
	s18 =	smul.u32 $0x2800, s9  }
0xa: {  	p0 =	sne.s32 s1, $0xF;
	s6 =	sor.u32 s9, s22;
	s30 =	smul.u32 $0x28000, s9  }
0xb: {  	_ =	strace $0x8000004D;
	s8 =	ssub.s32 $0x2, s9;
	s7 =	smul.u32 $0x2800, s6  }
0xc: {  	s6 =	smul.u32 $0x28000, s6;
	s23 =	sshrl.u32 s8, $0x1;
	s25 =	sshrl.u32 s13, $0x2  }
0xd: {  	s31 =	sadd.s32 s19, s10;
	s19 =	simm.s32 $0x80;
	s14 =	ssub.s32 s8, s23  }
0xe: {  	s16 =	sadd.s32 s25, s2;
	s8 =	sadd.s32 s26, s15;
	s15 =	sshrl.u32 s15, $0x3  }
0xf: {  	s13 =	sadd.s32 s18, s29;
	s18 =	simm.s32 $0x4;
	s24 =	sshrl.u32 s7, $0x3  }
0x10: {  	s6 =	sadd.s32 s10, s6;
	s7 =	sor.u32 $0x1C05, s28;
	s8 =	sshrl.u32 s8, $0x3  }
0x11: {  	s13 =	sor.u32 $0x80, s13;
	s10 =	smax.u32 s14, $0x1;
	s14 =	sshrl.u32 s16, $0x3  }
0x12: {  	s16 =	sshrl.u32 @!p0 s17, $0x3;
	s17 =	simm.s32 $0x3;
	s5 =	sadd.s32 s12, s24  }
0x13: {  	s8 =	sadd.s32 s11, s8;
	s11 =	sadd.s32 s11, s15;
	s13 =	sshrl.u32 s13, $0x3  }
0x14: {  	s15 =	simm.s32 $0x5;
	s9 =	sadd.s32 $0x27000, s11;
	s11 =	sadd.s32 s30, s31  }
0x15: {  	s12 =	sadd.s32 s13, s12;
	s13 =	simm.s32 $0x100;
	s11 =	sadd.s32 $0x800, s11  }
.LBB2_1:
0x16: {  	[tilespmem:s3], [sflag:$0x1] =	stream.linear.gather [hbm4b:s5+s3], $0x80, $0x38;
	[tilespmem:$0x1BA00] =	vst v63  }
0x17: {  	_ = 	snop  }
0x18: {  	[tilespmem:s13], [sflag:$0x2] =	stream.linear.gather [hbm4b:s6+s3], $0x4000, $0x38;
	[tilespmem:$0x1BA00] =	vst v63  }
0x19: {  	[spmem:s14], [sflag:s7] =	dma.local [hbm:s4], $0x2700  }
0x1a: {  	_ =	swait.ge [sflag:s15], $0x2700  }
0x1b: {  	[sflag:s15] =	ssyncset.done $0x0  }
0x1c: {  	s22 =	simm.s32 @!p0 $0x5;
	[sflag:s15] =	ssyncadd.s32 $0xFFFFD900  }
0x1d: {  	[spmem:s16], [sflag:s7] =	dma.local @!p0 [hbm:s4], $0x100  }
0x1e: {  	_ =	swait.ge @!p0 [sflag:s22], $0x100  }
0x1f: {  	s23 =	sand.u32 $0x1, s3;
	[sflag:s22] =	ssyncset.done @!p0 $0x0  }
0x20: {  	p1 =	seq.s32 s23, $0x1;
	[sflag:s22] =	ssyncadd.s32 @!p0 $0xFFFFFF00  }
0x21: {  	s22 =	simm.s32 @p1 $0x3;
	[bflag:$0x0] =	sbarrier.arrive $0xFFFF  }
0x22: {  	_ =	swait.ge @p1 [sflag:s22], $0x80  }
0x23: {  	[sflag:s22] =	ssyncset.done @p1 $0x0  }
0x24: {  	[sflag:s22] =	ssyncadd.s32 @p1 $0xFFFFFF80;
	s22 =	simm.s32 @p1 $0x4  }
0x25: {  	_ =	swait.ge @p1 [sflag:s22], $0x4000  }
0x26: {  	[sflag:s22] =	ssyncset.done @p1 $0x0  }
0x27: {  	[sflag:s22] =	ssyncadd.s32 @p1 $0xFFFFC000;
	s22 =	simm.s32 @p1 $0x0  }
0x28: {  	[tilespmem:s22], [sflag:$0x1] =	stream.linear.gather @p1 [hbm4b:s12+s22], $0x80, $0x38;
	[tilespmem:$0x1BA00] =	vst v63  }
0x29: {  	s23 =	simm.s32 @p1 $0x100  }
0x2a: {  	[tilespmem:s23], [sflag:$0x2] =	stream.linear.gather @p1 [hbm4b:s11+s22], $0x4000, $0x38;
	[tilespmem:$0x1BA00] =	vst v63  }
0x2b: {  	s24 =	simm.s32 @!p1 $0x1;
	s22 =	simm.s32 @p1 $0x80;
	s23 =	simm.s32 @p1 $0x4100  }
0x2c: {  	[spmem:s2] =	stream.indirect.scatter.add.f32 @p1 [tilespmem:s23], [sflag:$0x5], $0x80, s22, s22, $0xb8;
	[tilespmem:$0x1BA00] =	vst v63  }
0x2d: {  	_ =	swait.ge @!p1 [sflag:s24], $0x80  }
0x2e: {  	[sflag:s24] =	ssyncset.done @!p1 $0x0  }
0x2f: {  	s22 =	simm.s32 @!p1 $0x2;
	[sflag:s24] =	ssyncadd.s32 @!p1 $0xFFFFFF80  }
0x30: {  	_ =	swait.ge @!p1 [sflag:s22], $0x4000  }
0x31: {  	[sflag:s22] =	ssyncset.done @!p1 $0x0  }
0x32: {  	s23 =	simm.s32 @!p1 $0x80;
	[sflag:s22] =	ssyncadd.s32 @!p1 $0xFFFFC000;
	s22 =	simm.s32 @!p1 $0x0  }
0x33: {  	[tilespmem:s23], [sflag:$0x3] =	stream.linear.gather @!p1 [hbm4b:s12+s22], $0x80, $0x38;
	[tilespmem:$0x1BA00] =	vst v63  }
0x34: {  	s25 =	simm.s32 @!p1 $0x4100;
	s24 =	simm.s32 @!p1 $0x6  }
0x35: {  	[tilespmem:s25], [sflag:$0x4] =	stream.linear.gather @!p1 [hbm4b:s11+s22], $0x4000, $0x38;
	[tilespmem:$0x1BA00] =	vst v63  }
0x36: {  	s26 =	simm.s32 $0x1;
	s24 =	simm.s32 @p1 $0x5;
	s25 =	simm.s32 @!p1 $0x100  }
0x37: {  	[spmem:s2] =	stream.indirect.scatter.add.f32 @!p1 [tilespmem:s25], [sflag:$0x6], $0x80, s22, s23, $0xb8;
	[tilespmem:$0x1BA00] =	vst v63  }
0x38: {  	s26 =	sand.u32 $0x1, s26;
	s25 =	simm.s32 $0x2;
	_ =	swait.ge [sflag:s24], $0x4000  }
0x39: {  	s22 =	sadd.s32 $0x10, s12;
	s23 =	sadd.s32 $0x800, s11;
	[sflag:s24] =	ssyncset.done $0x0  }
.LBB2_2:
0x3a: {  	p2 =	seq.s32 s26, $0x1  }
0x3b: {  	[sflag:s24] =	ssyncadd.s32 $0xFFFFC000;
	s26 =	smov.u32 s25;
	s25 =	sadd.s32 $0x1, s25  }
0x3c: {  	p1 =	sne.s32 s25, $0x4F;
	s28 =	simm.s32 @p2 $0x3;
	s24 =	simm.s32 @!p2 $0x6  }
0x3d: {  	_ =	swait.ge @p2 [sflag:s28], $0x80  }
0x3e: {  	[sflag:s28] =	ssyncset.done @p2 $0x0  }
0x3f: {  	[sflag:s28] =	ssyncadd.s32 @p2 $0xFFFFFF80;
	s28 =	simm.s32 @p2 $0x4  }
0x40: {  	_ =	swait.ge @p2 [sflag:s28], $0x4000  }
0x41: {  	[sflag:s28] =	ssyncset.done @p2 $0x0  }
0x42: {  	[sflag:s28] =	ssyncadd.s32 @p2 $0xFFFFC000;
	s28 =	simm.s32 @p2 $0x0  }
0x43: {  	[tilespmem:s28], [sflag:$0x1] =	stream.linear.gather @p2 [hbm4b:s22+s28], $0x80, $0x38;
	[tilespmem:$0x1BA00] =	vst v63  }
0x44: {  	s29 =	simm.s32 @p2 $0x100  }
0x45: {  	[tilespmem:s29], [sflag:$0x2] =	stream.linear.gather @p2 [hbm4b:s23+s28], $0x4000, $0x38;
	[tilespmem:$0x1BA00] =	vst v63  }
0x46: {  	s30 =	simm.s32 @!p2 $0x1;
	s28 =	simm.s32 @p2 $0x80;
	s29 =	simm.s32 @p2 $0x4100  }
0x47: {  	[spmem:s2] =	stream.indirect.scatter.add.f32 @p2 [tilespmem:s29], [sflag:$0x5], $0x80, s28, s28, $0xb8;
	[tilespmem:$0x1BA00] =	vst v63  }
0x48: {  	_ =	swait.ge @!p2 [sflag:s30], $0x80  }
0x49: {  	[sflag:s30] =	ssyncset.done @!p2 $0x0  }
0x4a: {  	s28 =	simm.s32 @!p2 $0x2;
	[sflag:s30] =	ssyncadd.s32 @!p2 $0xFFFFFF80  }
0x4b: {  	_ =	swait.ge @!p2 [sflag:s28], $0x4000  }
0x4c: {  	[sflag:s28] =	ssyncset.done @!p2 $0x0  }
0x4d: {  	s29 =	simm.s32 @!p2 $0x80;
	[sflag:s28] =	ssyncadd.s32 @!p2 $0xFFFFC000;
	s28 =	simm.s32 @!p2 $0x0  }
0x4e: {  	[tilespmem:s29], [sflag:$0x3] =	stream.linear.gather @!p2 [hbm4b:s22+s28], $0x80, $0x38;
	[tilespmem:$0x1BA00] =	vst v63  }
0x4f: {  	s30 =	simm.s32 @!p2 $0x4100  }
0x50: {  	[tilespmem:s30], [sflag:$0x4] =	stream.linear.gather @!p2 [hbm4b:s23+s28], $0x4000, $0x38;
	[tilespmem:$0x1BA00] =	vst v63  }
.Ltmp0:
0x51: {  	_ = 	snop;
	(pc) =	sbr.rel @p1 .LBB2_2-.Ltmp0, $4  }
0x52: {  	s24 =	simm.s32 @p2 $0x5;
	s30 =	simm.s32 @!p2 $0x100  }
0x53: {  	[spmem:s2] =	stream.indirect.scatter.add.f32 @!p2 [tilespmem:s30], [sflag:$0x6], $0x80, s28, s29, $0xb8;
	[tilespmem:$0x1BA00] =	vst v63  }
0x54: {  	s22 =	sadd.s32 $0x10, s22;
	_ =	swait.ge [sflag:s24], $0x4000  }
0x55: {  	s26 =	sand.u32 $0x1, s26;
	s23 =	sadd.s32 $0x800, s23;
	[sflag:s24] =	ssyncset.done $0x0  }
0x56: {  	p1 =	seq.s32 s26, $0x1  }
0x57: {  	[sflag:s24] =	ssyncadd.s32 $0xFFFFC000;
	s24 =	simm.s32 @p1 $0x3  }
0x58: {  	_ =	swait.ge @p1 [sflag:s24], $0x80  }
0x59: {  	[sflag:s24] =	ssyncset.done @p1 $0x0  }
0x5a: {  	[sflag:s24] =	ssyncadd.s32 @p1 $0xFFFFFF80;
	s24 =	simm.s32 @p1 $0x4  }
0x5b: {  	_ =	swait.ge @p1 [sflag:s24], $0x4000  }
0x5c: {  	[sflag:s24] =	ssyncset.done @p1 $0x0  }
0x5d: {  	[sflag:s24] =	ssyncadd.s32 @p1 $0xFFFFC000;
	s24 =	simm.s32 @p1 $0x0  }
0x5e: {  	[tilespmem:s24], [sflag:$0x1] =	stream.linear.gather @p1 [hbm4b:s22+s24], $0x80, $0x38;
	[tilespmem:$0x1BA00] =	vst v63  }
0x5f: {  	s25 =	simm.s32 @p1 $0x100  }
0x60: {  	[tilespmem:s25], [sflag:$0x2] =	stream.linear.gather @p1 [hbm4b:s23+s24], $0x4000, $0x38;
	[tilespmem:$0x1BA00] =	vst v63  }
0x61: {  	s26 =	simm.s32 @!p1 $0x1;
	s24 =	simm.s32 @p1 $0x80;
	s25 =	simm.s32 @p1 $0x4100  }
0x62: {  	[spmem:s2] =	stream.indirect.scatter.add.f32 @p1 [tilespmem:s25], [sflag:$0x5], $0x80, s24, s24, $0xb8;
	[tilespmem:$0x1BA00] =	vst v63  }
0x63: {  	_ =	swait.ge @!p1 [sflag:s26], $0x80  }
0x64: {  	[sflag:s26] =	ssyncset.done @!p1 $0x0  }
0x65: {  	s24 =	simm.s32 @!p1 $0x2;
	[sflag:s26] =	ssyncadd.s32 @!p1 $0xFFFFFF80  }
0x66: {  	_ =	swait.ge @!p1 [sflag:s24], $0x4000  }
0x67: {  	[sflag:s24] =	ssyncset.done @!p1 $0x0  }
0x68: {  	s25 =	simm.s32 @!p1 $0x80;
	[sflag:s24] =	ssyncadd.s32 @!p1 $0xFFFFC000;
	s24 =	simm.s32 @!p1 $0x0  }
0x69: {  	[tilespmem:s25], [sflag:$0x3] =	stream.linear.gather @!p1 [hbm4b:s22+s24], $0x80, $0x38;
	[tilespmem:$0x1BA00] =	vst v63  }
0x6a: {  	s26 =	simm.s32 @!p1 $0x4100;
	s22 =	simm.s32 @!p1 $0x6  }
0x6b: {  	[tilespmem:s26], [sflag:$0x4] =	stream.linear.gather @!p1 [hbm4b:s23+s24], $0x4000, $0x38;
	[tilespmem:$0x1BA00] =	vst v63  }
0x6c: {  	s22 =	simm.s32 @p1 $0x5;
	s23 =	simm.s32 @!p1 $0x100  }
0x6d: {  	[spmem:s2] =	stream.indirect.scatter.add.f32 @!p1 [tilespmem:s23], [sflag:$0x6], $0x80, s24, s25, $0xb8;
	[tilespmem:$0x1BA00] =	vst v63  }
0x6e: {  	_ =	swait.ge [sflag:s22], $0x4000  }
0x6f: {  	[sflag:s22] =	ssyncset.done $0x0  }
0x70: {  	[sflag:s22] =	ssyncadd.s32 $0xFFFFC000  }
0x71: {  	_ =	swait.ge [sflag:s17], $0x80  }
0x72: {  	[sflag:s17] =	ssyncset.done $0x0  }
0x73: {  	[sflag:s17] =	ssyncadd.s32 $0xFFFFFF80  }
0x74: {  	_ =	swait.ge [sflag:s18], $0x4000  }
0x75: {  	[sflag:s18] =	ssyncset.done $0x0  }
0x76: {  	[sflag:s18] =	ssyncadd.s32 $0xFFFFC000  }
0x77: {  	[spmem:s2] =	stream.indirect.scatter.add.f32 [tilespmem:s20], [sflag:$0x5], $0x80, s19, s19, $0xb8;
	[tilespmem:$0x1BA00] =	vst v63  }
0x78: {  	_ =	swait.ge [sflag:s15], $0x4000  }
0x79: {  	[sflag:s15] =	ssyncset.done $0x0  }
0x7a: {  	[sflag:s15] =	ssyncadd.s32 $0xFFFFC000  }
0x7b: {  	[bflag:$0x0] =	sbarrier.arrive $0xFFFF  }
0x7c: {  	[hbm:s8], [sflag:s7] =	dma.local [spmem:s14], $0x2700  }
0x7d: {  	s21 =	sadd.s32 $0x1, s21;
	_ =	swait.ge [sflag:s15], $0x2700  }
0x7e: {  	p1 =	sne.s32 s21, s10;
	[sflag:s15] =	ssyncset.done $0x0  }
.Ltmp1:
0x7f: {  	s22 =	simm.s32 @!p0 $0x5;
	[sflag:s15] =	ssyncadd.s32 $0xFFFFD900;
	(pc) =	sbr.rel @p1 .LBB2_1-.Ltmp1, $4  }
0x80: {  	[hbm:s9], [sflag:s7] =	dma.local @!p0 [spmem:s16], $0x100  }
0x81: {  	_ =	swait.ge @!p0 [sflag:s22], $0x100  }
0x82: {  	[sflag:s22] =	ssyncset.done @!p0 $0x0  }
0x83: {  	[sflag:s22] =	ssyncadd.s32 @!p0 $0xFFFFFF00  }
0x84: {  	_ =	sfence.sel $0x180000  }
0x85: {  	[bflag:$0x0] =	sbarrier.arrive $0xFFFF  }
0x86: {  	p0 =	sne.s32 s1, $0x0;
	_ =	strace $0x9000004D  }
0x87: {  	s0 =	sadd.s32 @!p0 $0x100000, s0;
	[bflag:$0x2] =	sbarrier.arrive $0xFFFF  }
0x88: {  	[sflag:s0] =	ssyncadd.tile.s32 @!p0 $0x1;
	_ =	shalt  }
.Lfunc_end2:
_tile_overlayer_lowered:
.L_overlay_start_2:
0x89: {  	(tag) =	ssettag $0x2  }
0x8a: {  	s0 =	rddreg [dreg:$0x0];
	s2 =	stileid.u32  }
0x8b: {  	s1 =	rddreg [dreg:$0x1];
	p0 =	sne.s32 s2, $0x0  }
0x8c: {  	s3 =	rddreg [dreg:$0x2];
	[bflag:$0x3] =	sbarrier.arrive $0xFFFF;
	s2 =	simm.s32 @!p0 $0x1C05  }
0x8d: {  	[timem:s3], [sflag:s2] =	dma.local @!p0 [hbm:s0], s1  }
0x8e: {  	s0 =	simm.s32 @!p0 $0x5  }
0x8f: {  	_ =	swait.ge @!p0 [sflag:s0], s1  }
0x90: {  	s1 =	ssub.s32 @!p0 $0x0, s1;
	[sflag:s0] =	ssyncset.done @!p0 $0x0  }
0x91: {  	[sflag:s0] =	ssyncadd.s32 @!p0 s1  }
0x92: {  	[bflag:$0x3] =	sbarrier.arrive $0xFFFF  }
0x93: {  	_ =	shalt  }

// kernel: kernel.30.cloned.1.call-start
scs
__scs_entry_jumppad:
0x0: {  	(pc) =	sbr.rel $0x88, $3  }
0x1: {  	(tag) =	ssettag $0x0;
	lr =	simm.s32 $0x1  }
0x2: {  	[smem:$0x3F61] =	sst lr;
	_ =	strace $0xD0000000  }
0x3: {  	_ = 	snop  }
0x4: {  	_ = 	snop  }
0x5: {  	_ = 	snop  }
0x6: {  	_ = 	snop  }
0x7: {  	_ = 	snop  }
__scs_overlays_trampoline_lowered:
0x8: {  	[smem:$0x3F70] =	sst s0  }
0x9: {  	[smem:$0x3F71] =	sst s1  }
0xa: {  	[smem:$0x3F72] =	sst s2  }
0xb: {  	[smem:$0x3F73] =	sst s3  }
0xc: {  	[smem:$0x3F74] =	sst s4  }
0xd: {  	[smem:$0x3F75] =	sst s5  }
0xe: {  	[smem:$0x3F76] =	sst s6  }
0xf: {  	[smem:$0x3F77] =	sst s7  }
0x10: {  	[smem:$0x3F78] =	sst s8  }
0x11: {  	[smem:$0x3F79] =	sst s9;
	s0 =	simm.s32 @!p0 $0x0  }
0x12: {  	s1 =	sld [smem:$0x3F5F];
	s0 =	simm.s32 @p0 $0x1  }
0x13: {  	[smem:$0x3F7A] =	sst s0;
	s0 =	simm.s32 @!p1 $0x0  }
0x14: {  	s2 =	sld [smem:$0x3F5E];
	s0 =	simm.s32 @p1 $0x1  }
0x15: {  	[smem:$0x3F7B] =	sst s0;
	s0 =	simm.s32 @!p2 $0x0  }
0x16: {  	s3 =	sld [smem:$0x3FDB];
	s0 =	simm.s32 @p2 $0x1  }
0x17: {  	s4 =	simm.s32 $0x1BF5;
	[smem:$0x3F7D] =	sst s0  }
0x18: {  	s0 =	sld [smem:$0x3F60];
	_ =	swait.ge [sflag:s4], $0x0  }
0x19: {  	s7 =	sld [smem:$0x3F61]  }
0x1a: {  	s8 =	sadd.s32 $0xFFFFE003, lr  }
0x1b: {  	s9 =	sadd.s32 $0xFFFFFEF7, lr;
	s5 =	simm.s32 $0xFFFFFFFF;
	p2 =	slt.u32 s8, $0xFFFFF086  }
0x1c: {  	p1 =	slt.u32 s9, $0xF7A;
	s5 =	simm.s32 @!p2 $0x0  }
0x1d: {  	s5 =	simm.s32 @p1 $0x1;
	p0 =	seq.s32 s7, s2  }
0x1e: {  	s7 =	smul.u32 @!p0 $0xF7A, s2;
	p2 =	seq.s32 @!p0 s5, $0x0  }
0x1f: {  	s9 =	smul.u32 $0xF7A, s1;
	s8 =	simm.s32 @!p0 $0x1BF5;
	p2 =	por !p2, p0  }
0x20: {  	[sflag:s8] =	ssyncset.s32 @!p0 $0xFFFFF086;
	s6 =	sadd.s32 @!p0 s3, s7;
	s7 =	simm.s32 @!p0 $0x108  }
0x21: {  	s3 =	sadd.s32 s3, s9;
	s6 =	sadd.s32 @!p0 $0x88, s6;
	s7 =	simm.s32 @p2 $0x1082  }
0x22: {  	[simem:s7], [sflag:s8] =	dma.local @!p0 [hbm:s6], $0xF7A  }
0x23: {  	s9 =	sor.u32 $0xD0000000, s2;
	s6 =	simm.s32 $0x108;
	_ =	swait.ge @!p0 [sflag:s8], $0x0  }
0x24: {  	s3 =	sadd.s32 $0x88, s3;
	s6 =	simm.s32 @!p1 $0x1082;
	[sflag:s4] =	ssyncset.s32 $0xFFFFF086  }
0x25: {  	[simem:s6], [sflag:s4] =	dma.local [hbm:s3], $0xF7A  }
0x26: {  	[smem:$0x3F61] =	sst s1;
	(tag) =	ssettag s2;
	_ =	strace s9  }
0x27: {  	s1 =	sld [smem:$0x3F71]  }
0x28: {  	s2 =	sld [smem:$0x3F72]  }
0x29: {  	s4 =	sld [smem:$0x3F74]  }
0x2a: {  	p0 =	seq.s32 s5, $0x0;
	s5 =	sld [smem:$0x3F75]  }
0x2b: {  	s6 =	sld [smem:$0x3F76]  }
0x2c: {  	s7 =	sld [smem:$0x3F77]  }
0x2d: {  	s3 =	simm.s32 $0x108;
	s8 =	sld [smem:$0x3F78]  }
0x2e: {  	s3 =	simm.s32 @!p0 $0x1082;
	s9 =	sld [smem:$0x3F79]  }
0x2f: {  	lr =	sadd.s32 s0, s3;
	s0 =	sld [smem:$0x3F70]  }
0x30: {  	s3 =	sld [smem:$0x3F73]  }
0x31: {  	[smem:$0x3F7C] =	sst s10  }
0x32: {  	s10 =	sld [smem:$0x3F7A];
	_ =	sdelay $0x3  }
0x33: {  	p0 =	seq.s32 s10, $0x1;
	s10 =	sld [smem:$0x3F7C];
	_ =	sdelay $0x3  }
0x34: {  	[smem:$0x3F7C] =	sst s10  }
0x35: {  	s10 =	sld [smem:$0x3F7B];
	_ =	sdelay $0x3  }
0x36: {  	p1 =	seq.s32 s10, $0x1;
	s10 =	sld [smem:$0x3F7C];
	_ =	sdelay $0x3  }
0x37: {  	[smem:$0x3F7C] =	sst s10  }
0x38: {  	s10 =	sld [smem:$0x3F7D]  }
0x39: {  	_ = 	snop;
	(pc) =	sbr.ind lr, $3  }
0x3a: {  	_ = 	snop  }
0x3b: {  	_ = 	snop  }
0x3c: {  	p2 =	seq.s32 s10, $0x1;
	s10 =	sld [smem:$0x3F7C]  }
0x3d: {  	_ =	shalt  }
0x3e: {  	_ =	shalt  }
0x3f: {  	_ =	shalt  }
0x40: {  	_ =	shalt  }
0x41: {  	_ =	shalt  }
0x42: {  	_ =	shalt  }
0x43: {  	_ =	shalt  }
0x44: {  	_ =	shalt  }
0x45: {  	_ =	shalt  }
0x46: {  	_ =	shalt  }
0x47: {  	_ =	shalt  }
0x48: {  	_ =	shalt  }
0x49: {  	_ =	shalt  }
0x4a: {  	_ =	shalt  }
0x4b: {  	_ =	shalt  }
0x4c: {  	_ =	shalt  }
0x4d: {  	_ =	shalt  }
0x4e: {  	_ =	shalt  }
0x4f: {  	_ =	shalt  }
0x50: {  	_ =	shalt  }
0x51: {  	_ =	shalt  }
0x52: {  	_ =	shalt  }
0x53: {  	_ =	shalt  }
0x54: {  	_ =	shalt  }
0x55: {  	_ =	shalt  }
0x56: {  	_ =	shalt  }
0x57: {  	_ =	shalt  }
0x58: {  	_ =	shalt  }
0x59: {  	_ =	shalt  }
0x5a: {  	_ =	shalt  }
0x5b: {  	_ =	shalt  }
0x5c: {  	_ =	shalt  }
0x5d: {  	_ =	shalt  }
0x5e: {  	_ =	shalt  }
0x5f: {  	_ =	shalt  }
0x60: {  	_ =	shalt  }
0x61: {  	_ =	shalt  }
0x62: {  	_ =	shalt  }
0x63: {  	_ =	shalt  }
0x64: {  	_ =	shalt  }
0x65: {  	_ =	shalt  }
0x66: {  	_ =	shalt  }
0x67: {  	_ =	shalt  }
0x68: {  	_ =	shalt  }
0x69: {  	_ =	shalt  }
0x6a: {  	_ =	shalt  }
0x6b: {  	_ =	shalt  }
0x6c: {  	_ =	shalt  }
0x6d: {  	_ =	shalt  }
0x6e: {  	_ =	shalt  }
0x6f: {  	_ =	shalt  }
0x70: {  	_ =	shalt  }
0x71: {  	_ =	shalt  }
0x72: {  	_ =	shalt  }
0x73: {  	_ =	shalt  }
0x74: {  	_ =	shalt  }
0x75: {  	_ =	shalt  }
0x76: {  	_ =	shalt  }
0x77: {  	_ =	shalt  }
0x78: {  	_ =	shalt  }
0x79: {  	_ =	shalt  }
0x7a: {  	_ =	shalt  }
0x7b: {  	_ =	shalt  }
0x7c: {  	_ =	shalt  }
0x7d: {  	_ =	shalt  }
0x7e: {  	_ =	shalt  }
0x7f: {  	_ =	shalt  }
0x80: {  	_ =	shalt  }
0x81: {  	_ =	shalt  }
0x82: {  	_ =	shalt  }
0x83: {  	_ =	shalt  }
0x84: {  	_ =	shalt  }
0x85: {  	_ =	shalt  }
0x86: {  	_ =	shalt  }
0x87: {  	_ =	shalt  }
.Lfunc_end0:
.L_simem_size_0:
called_computation.3_lowered:
.L_overlay_start_0:
0x88: {  	s2 =	sld [smem:$0x3FD9]  }
0x89: {  	s3 =	sld [smem:$0x3FFE];
	_ =	sdelay $0x1  }
0x8a: {  	s1 =	srdreg.scid  }
0x8b: {  	s0 =	sand.u32 $0x1, s1  }
0x8c: {  	s16 =	sshll.u32 s0, $0xA;
	s2 =	sadd.s32 s3, s2  }
0x8d: {  	s2 =	sadd.s32 s2, s16  }
0x8e: {  	[smem:$0x3F88] =	sst s2  }
0x8f: {  	_ = 	snop  }
0x90: {  	(tm) =	ssettm $0x1  }
0x91: {  	s17 =	sld [smem:$0x3FFB];
	_ =	sdelay $0x3  }
0x92: {  	_ =	strace s17  }
0x93: {  	s2 =	sld [smem:$0x3FFC];
	_ =	sdelay $0x3  }
0x94: {  	_ =	strace s2  }
0x95: {  	s2 =	sld [smem:$0x3FFD];
	_ =	sdelay $0x3  }
0x96: {  	_ =	strace s2  }
0x97: {  	_ =	strace $0x8FFFFFFF  }
0x98: {  	s18 =	sld [smem:$0x3FDB];
	_ =	sdelay $0x1  }
0x99: {  	s19 =	simm.s32 $_scs_section_size  }
0x9a: {  	s4 =	simm.s32 $_size__tile_overlayer_lowered;
	s5 =	simm.s32 $_tile_overlayer_lowered  }
0x9b: {  	s22 =	simm.s32 $0x1BFF;
	s21 =	sshll.u32 s5, $0x1;
	s2 =	sadd.s32 s19, s18  }
0x9c: {  	s6 =	simm.s32 $0x0;
	s20 =	sshll.u32 s4, $0x1;
	s4 =	sadd.s32 s21, s2  }
0x9d: {  	[timem:s6], [sflag:s22] =	dma.local [hbm:s4], s20  }
0x9e: {  	_ =	swait.ge [sflag:s22], s20  }
0x9f: {  	s3 =	ssub.s32 $0x0, s20;
	[sflag:s22] =	ssyncset.done $0x0  }
0xa0: {  	[sflag:s22] =	ssyncadd.s32 s3;
	_ =	sdelay $0x1  }
0xa1: {  	s23 =	simm.s32 $0x1B8B  }
0xa2: {  	_ =	swait.ge [sflag:s23], $0x1  }
0xa3: {  	[sflag:s23] =	ssyncset.done $0x0  }
0xa4: {  	s25 =	simm.s32 $0x1B8E;
	s24 =	sld [smem:$0x3FFE];
	[sflag:s23] =	ssyncadd.s32 $0xFFFFFFFF  }
0xa5: {  	s26 =	simm.s32 $execute0_lowered;
	[smem:$0x3FD2] =	sst s25  }
0xa6: {  	s4 =	sshll.u32 s26, $0x1;
	_ =	strace $0x8000004F;
	[dreg:$0x1] =	wrdreg $0xFFFFFFFF  }
0xa7: {  	s28 =	simm.s32 $_size_execute0_lowered;
	s2 =	sadd.s32 s2, s4;
	[dreg:$0x0] =	wrdreg $0x0  }
0xa8: {  	s4 =	sshll.u32 s28, $0x1;
	[dreg:$0x2] =	wrdreg s2  }
0xa9: {  	[dreg:$0x3] =	wrdreg s4  }
0xaa: {  	[dreg:$0x4] =	wrdreg $0xC0  }
0xab: {  	_ =	task [dreg:s6], $0x5FFFF  }
0xac: {  	[dreg:$0x1] =	wrdreg $0xFFFFFFFF  }
0xad: {  	[dreg:$0x0] =	wrdreg $0x60  }
0xae: {  	[dreg:$0x2] =	wrdreg s24  }
0xaf: {  	[dreg:$0x3] =	wrdreg $0x9  }
0xb0: {  	_ =	task.clear_ibuf [dreg:s6], $0x4FFFF;
	_ =	strace $0x9000004F  }
0xb1: {  	s29 =	simm.s32 $0x9;
	_ =	strace $0x80000051  }
0xb2: {  	_ =	swait.ge [sflag:s29], $0x1  }
0xb3: {  	[sflag:s29] =	ssyncadd.s32 $0xFFFFFFFF  }
0xb4: {  	_ =	strace $0x90000051  }
0xb5: {  	_ =	sfence  }
0xb6: {  	s30 =	sld [smem:$0x0];
	_ =	sdelay $0x2  }
0xb7: {  	s31 =	sshll.u32 s1, $0xD;
	s1 =	sshrl.u32 s1, $0x2  }
0xb8: {  	s3 =	sand.u32 $0x4000, s31;
	s1 =	sadd.s32 s1, s30  }
0xb9: {  	s0 =	sor.u32 s3, s0;
	s1 =	sshll.u32 s1, $0x11  }
0xba: {  	s0 =	sor.u32 s1, s0  }
0xbb: {  	s0 =	sadd.s32 $0x8F2B, s0  }
0xbc: {  	[sflag:s0] =	ssyncadd.remote.s32 $0x1  }
0xbd: {  	_ =	sfence.sel $0xFFFF  }
0xbe: {  	[dreg:$0x0] =	wrdreg $0xFFFFFFFF;
	(pc) =	sbr.abs _section_cstart, $3  }
0xbf: {  	[dreg:$0x1] =	wrdreg $0xFFFFFFFF  }
0xc0: {  	_ =	task.clear_ibuf [dreg:s6], $0x2FFFF;
	_ =	strace $0x9FFFFFFF  }
0xc1: {  	(tm) =	ssettm $0x7FFFFFFF  }
tec
execute0_lowered:
.L_overlay_start_1:
0x0: {  	(tag) =	ssettag $0x1  }
0x1: {  	s0 =	rddreg [dreg:$0x0];
	s2 =	simm.s32 $0x0  }
0x2: {  	s1 =	srdreg.scid;
	s13 =	stileid.u32;
	s28 =	simm.s32 $0xC300  }
0x3: {  	s29 =	simm.s32 $0x200;
	s30 =	simm.s32 $0x280;
	s31 =	simm.s32 $0x1  }
0x4: {  	[smem:$0x7FF] =	sst s2;
	s1 =	sand.u32 $0x1, s1;
	s3 =	sshll.u32 s13, $0x1  }
0x5: {  	s4 =	sadd.s32 $0xA3E00, s0;
	s7 =	sadd.s32 $0x72C00, s0;
	s18 =	smul.u32 $0x5000, s13  }
0x6: {  	s8 =	sadd.s32 $0x68C00, s0;
	s10 =	sadd.s32 $0xCB000, s0;
	s25 =	smul.u32 $0x50000, s13  }
0x7: {  	s13 =	simm.s32 $0x8;
	s5 =	sor.u32 s1, s3;
	s9 =	ssub.s32 $0x2, s1  }
0x8: {  	_ =	strace $0x80000050;
	s6 =	smul.u32 $0x2800, s5;
	s11 =	sshrl.u32 s9, $0x1  }
0x9: {  	s3 =	sadd.s32 $0x41400, s0;
	s0 =	sadd.s32 $0x5CB000, s0;
	s9 =	ssub.s32 s9, s11  }
0xa: {  	s19 =	smul.u32 $0x2800, s1;
	s6 =	sshrl.u32 s6, $0x3;
	s9 =	smax.u32 s9, $0x1  }
0xb: {  	s1 =	smul.u32 $0x28000, s1;
	s15 =	sadd.s32 s7, s6;
	[dreg:$0xc] =	wrdreg s9  }
0xc: {  	s16 =	sadd.s32 s8, s6;
	s17 =	sor.u32 $0x10, s6;
	[dreg:$0x2] =	wrdreg s15  }
0xd: {  	s5 =	smul.u32 $0x140000, s5;
	[dreg:$0x3] =	wrdreg s16;
	s12 =	sadd.s32 s7, s17  }
0xe: {  	s6 =	sor.u32 $0x20, s6;
	s11 =	sadd.s32 s8, s17;
	[dreg:$0x4] =	wrdreg s12  }
0xf: {  	s5 =	sshrl.u32 s5, $0x3;
	s14 =	sadd.s32 s7, s6;
	[dreg:$0x5] =	wrdreg s11  }
0x10: {  	s20 =	sadd.s32 $0x27000, s5;
	s6 =	sadd.s32 s8, s6;
	[dreg:$0x6] =	wrdreg s14  }
0x11: {  	s5 =	sadd.s32 $0x27800, s5;
	s21 =	sadd.s32 s10, s20;
	[dreg:$0x7] =	wrdreg s6  }
0x12: {  	s26 =	sadd.s32 s25, s10;
	s22 =	sadd.s32 s10, s5;
	[dreg:$0x8] =	wrdreg s21  }
0x13: {  	s9 =	simm.s32 $0xC;
	s5 =	sadd.s32 s0, s5;
	[dreg:$0xa] =	wrdreg s22  }
0x14: {  	s11 =	sadd.s32 s19, s18;
	s6 =	sadd.s32 s0, s20;
	[dreg:$0xb] =	wrdreg s5  }
0x15: {  	s0 =	sadd.s32 s25, s0;
	s5 =	sadd.s32 s1, s26;
	s21 =	simm.s32 $0x80  }
0x16: {  	s22 =	simm.s32 $0x300;
	s26 =	simm.s32 $0x8300;
	s12 =	simm.s32 $0x7  }
0x17: {  	s18 =	simm.s32 $0x5;
	s19 =	simm.s32 $0x6;
	s25 =	simm.s32 $0x300  }
0x18: {  	s14 =	simm.s32 $0x100;
	[dreg:$0x9] =	wrdreg s6;
	s23 =	sor.u32 $0x180, s11  }
.Ltmp0:
0x19: {  	[dreg:$0xd] =	wrdreg s5;
	s0 =	sadd.s32 s1, s0;
	(pc) =	sbr.rel .LBB2_1-.Ltmp0, $4  }
0x1a: {  	s1 =	simm.s32 $0x9;
	s5 =	simm.s32 $0xA;
	s6 =	simm.s32 $0x3  }
0x1b: {  	s11 =	simm.s32 $0x0;
	s24 =	sshrl.u32 s23, $0x3;
	[dreg:$0xe] =	wrdreg s0  }
0x1c: {  	s23 =	simm.s32 $0x4300;
	s0 =	simm.s32 $0x2;
	s16 =	sadd.s32 s24, s8  }
0x1d: {  	s17 =	sadd.s32 s24, s7;
	s7 =	simm.s32 $0x4;
	s8 =	simm.s32 $0xB  }
.LBB2_11:
0x1e: {  	_ =	swait.ge [sflag:s12], $0x4000  }
0x1f: {  	[sflag:s12] =	ssyncset.done $0x0  }
0x20: {  	[sflag:s12] =	ssyncadd.s32 $0xFFFFC000  }
0x21: {  	_ =	swait.ge [sflag:s13], $0x4000  }
0x22: {  	[sflag:s13] =	ssyncset.done $0x0  }
0x23: {  	s22 =	simm.s32 $0x300;
	s15 =	rddreg [dreg:$0x8];
	[sflag:s13] =	ssyncadd.s32 $0xFFFFC000  }
0x24: {  	[hbm4b:s15+s2] =	stream.linear.scatter [tilespmem:s22], [sflag:$0xD], $0x4000, $0x38;
	[tilespmem:$0x18300] =	vst v63  }
0x25: {  	s23 =	simm.s32 $0x4300;
	s24 =	rddreg [dreg:$0x9]  }
0x26: {  	[hbm4b:s24+s2] =	stream.linear.scatter [tilespmem:s23], [sflag:$0xE], $0x4000, $0x38;
	[tilespmem:$0x18300] =	vst v63  }
0x27: {  	_ =	swait.ge [sflag:s1], $0x4000  }
0x28: {  	[sflag:s1] =	ssyncset.done $0x0  }
0x29: {  	[sflag:s1] =	ssyncadd.s32 $0xFFFFC000  }
0x2a: {  	_ =	swait.ge [sflag:s5], $0x4000  }
0x2b: {  	[sflag:s5] =	ssyncset.done $0x0  }
0x2c: {  	s10 =	rddreg [dreg:$0xa];
	[sflag:s5] =	ssyncadd.s32 $0xFFFFC000  }
0x2d: {  	[hbm4b:s10+s2] =	stream.linear.scatter [tilespmem:s26], [sflag:$0xF], $0x4000, $0x38;
	[tilespmem:$0x18300] =	vst v63  }
0x2e: {  	s11 =	rddreg [dreg:$0xb];
	s10 =	simm.s32 $0x11  }
0x2f: {  	[hbm4b:s11+s2] =	stream.linear.scatter [tilespmem:s28], [sflag:$0x10], $0x4000, $0x38;
	[tilespmem:$0x18300] =	vst v63  }
0x30: {  	_ =	swait.ge [sflag:s10], $0x4000  }
0x31: {  	[sflag:s10] =	ssyncset.done $0x0  }
0x32: {  	s20 =	simm.s32 $0x12;
	[sflag:s10] =	ssyncadd.s32 $0xFFFFC000  }
0x33: {  	_ =	swait.ge [sflag:s20], $0x4000  }
0x34: {  	[sflag:s20] =	ssyncset.done $0x0  }
0x35: {  	s24 =	simm.s32 $0xD;
	[sflag:s20] =	ssyncadd.s32 $0xFFFFC000  }
0x36: {  	_ =	swait.ge [sflag:s24], $0x4000  }
0x37: {  	[sflag:s24] =	ssyncset.done $0x0  }
0x38: {  	s11 =	simm.s32 $0xE;
	[sflag:s24] =	ssyncadd.s32 $0xFFFFC000  }
0x39: {  	_ =	swait.ge [sflag:s11], $0x4000  }
0x3a: {  	[sflag:s11] =	ssyncset.done $0x0  }
0x3b: {  	s15 =	simm.s32 $0xF;
	[sflag:s11] =	ssyncadd.s32 $0xFFFFC000  }
0x3c: {  	_ =	swait.ge [sflag:s15], $0x4000  }
0x3d: {  	[sflag:s15] =	ssyncset.done $0x0  }
0x3e: {  	s20 =	simm.s32 $0x10;
	[sflag:s15] =	ssyncadd.s32 $0xFFFFC000  }
0x3f: {  	_ =	swait.ge [sflag:s20], $0x4000  }
0x40: {  	s11 =	rddreg [dreg:$0xf]  }
0x41: {  	s24 =	rddreg [dreg:$0xc];
	s11 =	sadd.s32 $0x1, s11  }
0x42: {  	p0 =	sne.s32 s11, s24  }
.Ltmp1:
0x43: {  	_ = 	snop;
	(pc) =	sbr.rel @!p0 .LBB2_12-.Ltmp1, $3  }
0x44: {  	_ =	sdelay $0x1  }
0x45: {  	[sflag:s20] =	ssyncset.done $0x0  }
0x46: {  	[sflag:s20] =	ssyncadd.s32 $0xFFFFC000  }
.LBB2_1:
0x47: {  	[dreg:$0xf] =	wrdreg s11  }
0x48: {  	s15 =	rddreg [dreg:$0x2];
	s20 =	simm.s32 $0x13  }
0x49: {  	[tilespmem:s2], [sflag:$0x13] =	stream.linear.gather [hbm4b:s15+s2], $0x80, $0x38;
	[tilespmem:$0x18300] =	vst v63  }
0x4a: {  	_ =	swait.ge [sflag:s20], $0x80  }
0x4b: {  	[sflag:s20] =	ssyncset.done $0x0  }
0x4c: {  	s11 =	rddreg [dreg:$0x3];
	[sflag:s20] =	ssyncadd.s32 $0xFFFFFF80  }
0x4d: {  	[tilespmem:s21], [sflag:$0x13] =	stream.linear.gather [hbm4b:s11+s2], $0x80, $0x38;
	[tilespmem:$0x18300] =	vst v63  }
0x4e: {  	_ =	swait.ge [sflag:s20], $0x80  }
0x4f: {  	[sflag:s20] =	ssyncset.done $0x0  }
0x50: {  	[sflag:s20] =	ssyncadd.s32 $0xFFFFFF80  }
0x51: {  	[tilespmem:s22], [sflag:$0x7] =	stream.indirect.gather [hbm4b:s3+s21], $0x80, s2, s21, $0xb8;
	[tilespmem:$0x18300] =	vst v63  }
0x52: {  	_ = 	snop  }
0x53: {  	[tilespmem:s23], [sflag:$0x8] =	stream.indirect.gather [hbm4b:s4+s21], $0x80, s21, s21, $0xb8;
	[tilespmem:$0x18300] =	vst v63  }
0x54: {  	s11 =	simm.s32 $0x100;
	s24 =	rddreg [dreg:$0x4]  }
0x55: {  	[tilespmem:s11], [sflag:$0x13] =	stream.linear.gather [hbm4b:s24+s2], $0x80, $0x38;
	[tilespmem:$0x18300] =	vst v63  }
0x56: {  	_ =	swait.ge [sflag:s20], $0x80  }
0x57: {  	[sflag:s20] =	ssyncset.done $0x0  }
0x58: {  	s24 =	simm.s32 $0x180;
	s23 =	rddreg [dreg:$0x5];
	[sflag:s20] =	ssyncadd.s32 $0xFFFFFF80  }
0x59: {  	[tilespmem:s24], [sflag:$0x13] =	stream.linear.gather [hbm4b:s23+s2], $0x80, $0x38;
	[tilespmem:$0x18300] =	vst v63  }
0x5a: {  	_ =	swait.ge [sflag:s20], $0x80  }
0x5b: {  	[sflag:s20] =	ssyncset.done $0x0  }
0x5c: {  	[sflag:s20] =	ssyncadd.s32 $0xFFFFFF80  }
0x5d: {  	[tilespmem:s26], [sflag:$0x9] =	stream.indirect.gather [hbm4b:s3+s21], $0x80, s11, s21, $0xb8;
	[tilespmem:$0x18300] =	vst v63  }
0x5e: {  	s23 =	rddreg [dreg:$0x6]  }
0x5f: {  	[tilespmem:s28], [sflag:$0xA] =	stream.indirect.gather [hbm4b:s4+s21], $0x80, s24, s21, $0xb8;
	[tilespmem:$0x18300] =	vst v63  }
.Ltmp2:
0x60: {  	s15 =	rddreg [dreg:$0xe];
	(pc) =	sbr.rel .LBB2_2-.Ltmp2, $4  }
0x61: {  	s10 =	simm.s32 $0x4300;
	s22 =	simm.s32 $0x0;
	s20 =	rddreg [dreg:$0xd]  }
0x62: {  	[tilespmem:s29], [sflag:$0x5] =	stream.linear.gather [hbm4b:s23+s2], $0x80, $0x38;
	[tilespmem:$0x18300] =	vst v63  }
0x63: {  	s11 =	simm.s32 $0x180;
	s24 =	rddreg [dreg:$0x7];
	s23 =	simm.s32 $0x2  }
0x64: {  	[tilespmem:s30], [sflag:$0x6] =	stream.linear.gather [hbm4b:s24+s2], $0x80, $0x38;
	[tilespmem:$0x18300] =	vst v63  }
.LBB2_7:
0x65: {  	s24 =	sadd.s32 s22, s17  }
0x66: {  	[tilespmem:s14], [sflag:$0x3] =	stream.linear.gather [hbm4b:s24+s2], $0x80, $0x38;
	[tilespmem:$0x18300] =	vst v63  }
0x67: {  	s24 =	sadd.s32 s22, s16  }
0x68: {  	[tilespmem:s11], [sflag:$0x4] =	stream.linear.gather [hbm4b:s24+s2], $0x80, $0x38;
	[tilespmem:$0x18300] =	vst v63  }
.LBB2_10:
0x69: {  	s22 =	sadd.s32 $0x10, s22  }
0x6a: {  	p0 =	sne.s32 s22, $0x4E0  }
.Ltmp3:
0x6b: {  	_ = 	snop;
	(pc) =	sbr.rel @!p0 .LBB2_11-.Ltmp3, $2  }
0x6c: {  	_ =	sdelay $0x2  }
0x6d: {  	s23 =	sadd.s32 $0x1, s23;
	s20 =	sadd.s32 $0x800, s20;
	s15 =	sadd.s32 $0x800, s15  }
.LBB2_2:
0x6e: {  	s24 =	smul.u32 $0xAB, s23;
	_ =	sdelay $0x1  }
0x6f: {  	s24 =	sshrl.u32 s24, $0x9  }
0x70: {  	s24 =	sand.u32 $0x7F, s24  }
0x71: {  	s24 =	smul.u32 $0x3, s24;
	_ =	sdelay $0x1  }
0x72: {  	s24 =	ssub.s32 s23, s24  }
0x73: {  	s24 =	sand.u32 $0xFF, s24  }
0x74: {  	p0 =	seq.s32 s24, $0x0  }
.Ltmp4:
0x75: {  	_ = 	snop;
	(pc) =	sbr.rel @p0 .LBB2_6-.Ltmp4, $1  }
0x76: {  	_ =	sdelay $0x3  }
0x77: {  	p0 =	seq.s32 s24, $0x1  }
.Ltmp5:
0x78: {  	_ = 	snop;
	(pc) =	sbr.rel @p0 .LBB2_8-.Ltmp5, $1  }
0x79: {  	_ =	sdelay $0x3  }
0x7a: {  	_ =	swait.ge [sflag:s18], $0x80  }
0x7b: {  	[sflag:s18] =	ssyncset.done $0x0  }
0x7c: {  	[sflag:s18] =	ssyncadd.s32 $0xFFFFFF80  }
0x7d: {  	_ =	swait.ge [sflag:s19], $0x80  }
0x7e: {  	p0 =	slt.u32 s23, $0x3;
	[sflag:s19] =	ssyncset.done $0x0  }
0x7f: {  	s24 =	simm.s32 @!p0 $0x11;
	[sflag:s19] =	ssyncadd.s32 $0xFFFFFF80  }
0x80: {  	_ =	swait.ge @!p0 [sflag:s24], $0x4000  }
0x81: {  	[sflag:s24] =	ssyncset.done @!p0 $0x0  }
0x82: {  	[sflag:s24] =	ssyncadd.s32 @!p0 $0xFFFFC000;
	s24 =	simm.s32 @!p0 $0x12  }
0x83: {  	_ =	swait.ge @!p0 [sflag:s24], $0x4000  }
0x84: {  	[sflag:s24] =	ssyncset.done @!p0 $0x0  }
0x85: {  	[sflag:s24] =	ssyncadd.s32 @!p0 $0xFFFFC000;
	s24 =	simm.s32 $0x10300  }
0x86: {  	[tilespmem:s24], [sflag:$0xB] =	stream.indirect.gather [hbm4b:s3+s21], $0x80, s29, s21, $0xb8;
	[tilespmem:$0x18300] =	vst v63  }
0x87: {  	s24 =	simm.s32 $0x14300  }
0x88: {  	[tilespmem:s24], [sflag:$0xC] =	stream.indirect.gather [hbm4b:s4+s21], $0x80, s30, s21, $0xb8;
	[tilespmem:$0x18300] =	vst v63  }
0x89: {  	_ =	swait.ge [sflag:s12], $0x4000  }
0x8a: {  	[sflag:s12] =	ssyncset.done $0x0  }
0x8b: {  	[sflag:s12] =	ssyncadd.s32 $0xFFFFC000  }
0x8c: {  	p0 =	seq.s32 s22, $0x4D0;
	_ =	swait.ge [sflag:s13], $0x4000  }
.Ltmp6:
0x8d: {  	[sflag:s13] =	ssyncset.done $0x0;
	(pc) =	sbr.rel @p0 .LBB2_11-.Ltmp6, $4  }
0x8e: {  	[sflag:s13] =	ssyncadd.s32 $0xFFFFC000  }
0x8f: {  	[hbm4b:s20+s2] =	stream.linear.scatter [tilespmem:s25], [sflag:$0xD], $0x4000, $0x38;
	[tilespmem:$0x18300] =	vst v63  }
0x90: {  	_ = 	snop  }
0x91: {  	[hbm4b:s15+s2] =	stream.linear.scatter [tilespmem:s10], [sflag:$0xE], $0x4000, $0x38;
	[tilespmem:$0x18300] =	vst v63  }
.Ltmp7:
0x92: {  	(pc) =	sbr.rel .LBB2_10-.Ltmp7, $4  }
0x93: {  	s24 =	sadd.s32 s22, s17  }
0x94: {  	[tilespmem:s2], [sflag:$0x1] =	stream.linear.gather [hbm4b:s24+s2], $0x80, $0x38;
	[tilespmem:$0x18300] =	vst v63  }
0x95: {  	s24 =	sadd.s32 s22, s16  }
0x96: {  	[tilespmem:s21], [sflag:$0x2] =	stream.linear.gather [hbm4b:s24+s2], $0x80, $0x38;
	[tilespmem:$0x18300] =	vst v63  }
.LBB2_6:
0x97: {  	_ =	swait.ge [sflag:s31], $0x80  }
0x98: {  	[sflag:s31] =	ssyncset.done $0x0  }
0x99: {  	[sflag:s31] =	ssyncadd.s32 $0xFFFFFF80  }
0x9a: {  	_ =	swait.ge [sflag:s0], $0x80  }
0x9b: {  	p0 =	slt.u32 s23, $0x3;
	[sflag:s0] =	ssyncset.done $0x0  }
0x9c: {  	s24 =	simm.s32 @!p0 $0xD;
	[sflag:s0] =	ssyncadd.s32 $0xFFFFFF80  }
0x9d: {  	_ =	swait.ge @!p0 [sflag:s24], $0x4000  }
0x9e: {  	[sflag:s24] =	ssyncset.done @!p0 $0x0  }
0x9f: {  	[sflag:s24] =	ssyncadd.s32 @!p0 $0xFFFFC000;
	s24 =	simm.s32 @!p0 $0xE  }
0xa0: {  	_ =	swait.ge @!p0 [sflag:s24], $0x4000  }
0xa1: {  	[sflag:s24] =	ssyncset.done @!p0 $0x0  }
0xa2: {  	[sflag:s24] =	ssyncadd.s32 @!p0 $0xFFFFC000  }
0xa3: {  	[tilespmem:s25], [sflag:$0x7] =	stream.indirect.gather [hbm4b:s3+s21], $0x80, s2, s21, $0xb8;
	[tilespmem:$0x18300] =	vst v63  }
0xa4: {  	_ = 	snop  }
0xa5: {  	[tilespmem:s10], [sflag:$0x8] =	stream.indirect.gather [hbm4b:s4+s21], $0x80, s21, s21, $0xb8;
	[tilespmem:$0x18300] =	vst v63  }
0xa6: {  	_ =	swait.ge [sflag:s1], $0x4000  }
0xa7: {  	[sflag:s1] =	ssyncset.done $0x0  }
0xa8: {  	[sflag:s1] =	ssyncadd.s32 $0xFFFFC000  }
0xa9: {  	p0 =	seq.s32 s22, $0x4D0;
	_ =	swait.ge [sflag:s5], $0x4000  }
.Ltmp8:
0xaa: {  	[sflag:s5] =	ssyncset.done $0x0;
	(pc) =	sbr.rel @!p0 .LBB2_7-.Ltmp8, $4  }
0xab: {  	[sflag:s5] =	ssyncadd.s32 $0xFFFFC000  }
0xac: {  	[hbm4b:s20+s2] =	stream.linear.scatter [tilespmem:s26], [sflag:$0xF], $0x4000, $0x38;
	[tilespmem:$0x18300] =	vst v63  }
0xad: {  	_ = 	snop  }
0xae: {  	[hbm4b:s15+s2] =	stream.linear.scatter [tilespmem:s28], [sflag:$0x10], $0x4000, $0x38;
	[tilespmem:$0x18300] =	vst v63  }
.LBB2_8:
0xaf: {  	_ =	swait.ge [sflag:s6], $0x80  }
0xb0: {  	[sflag:s6] =	ssyncset.done $0x0  }
0xb1: {  	[sflag:s6] =	ssyncadd.s32 $0xFFFFFF80  }
0xb2: {  	_ =	swait.ge [sflag:s7], $0x80  }
0xb3: {  	p0 =	slt.u32 s23, $0x3;
	[sflag:s7] =	ssyncset.done $0x0  }
0xb4: {  	s24 =	simm.s32 @!p0 $0xF;
	[sflag:s7] =	ssyncadd.s32 $0xFFFFFF80  }
0xb5: {  	_ =	swait.ge @!p0 [sflag:s24], $0x4000  }
0xb6: {  	[sflag:s24] =	ssyncset.done @!p0 $0x0  }
0xb7: {  	[sflag:s24] =	ssyncadd.s32 @!p0 $0xFFFFC000;
	s24 =	simm.s32 @!p0 $0x10  }
0xb8: {  	_ =	swait.ge @!p0 [sflag:s24], $0x4000  }
0xb9: {  	[sflag:s24] =	ssyncset.done @!p0 $0x0  }
0xba: {  	[sflag:s24] =	ssyncadd.s32 @!p0 $0xFFFFC000  }
0xbb: {  	[tilespmem:s26], [sflag:$0x9] =	stream.indirect.gather [hbm4b:s3+s21], $0x80, s14, s21, $0xb8;
	[tilespmem:$0x18300] =	vst v63  }
0xbc: {  	_ = 	snop  }
0xbd: {  	[tilespmem:s28], [sflag:$0xA] =	stream.indirect.gather [hbm4b:s4+s21], $0x80, s11, s21, $0xb8;
	[tilespmem:$0x18300] =	vst v63  }
0xbe: {  	_ =	swait.ge [sflag:s8], $0x4000  }
0xbf: {  	[sflag:s8] =	ssyncset.done $0x0  }
0xc0: {  	[sflag:s8] =	ssyncadd.s32 $0xFFFFC000  }
0xc1: {  	p0 =	seq.s32 s22, $0x4D0;
	_ =	swait.ge [sflag:s9], $0x4000  }
.Ltmp9:
0xc2: {  	[sflag:s9] =	ssyncset.done $0x0;
	(pc) =	sbr.rel @p0 .LBB2_11-.Ltmp9, $4  }
0xc3: {  	s24 =	simm.s32 $0x10300;
	[sflag:s9] =	ssyncadd.s32 $0xFFFFC000  }
0xc4: {  	[hbm4b:s20+s2] =	stream.linear.scatter [tilespmem:s24], [sflag:$0x11], $0x4000, $0x38;
	[tilespmem:$0x18300] =	vst v63  }
0xc5: {  	s24 =	simm.s32 $0x14300  }
0xc6: {  	[hbm4b:s15+s2] =	stream.linear.scatter [tilespmem:s24], [sflag:$0x12], $0x4000, $0x38;
	[tilespmem:$0x18300] =	vst v63  }
.Ltmp10:
0xc7: {  	(pc) =	sbr.rel .LBB2_10-.Ltmp10, $4  }
0xc8: {  	s24 =	sadd.s32 s22, s17  }
0xc9: {  	[tilespmem:s29], [sflag:$0x5] =	stream.linear.gather [hbm4b:s24+s2], $0x80, $0x38;
	[tilespmem:$0x18300] =	vst v63  }
0xca: {  	s24 =	sadd.s32 s22, s16  }
0xcb: {  	[tilespmem:s30], [sflag:$0x6] =	stream.linear.gather [hbm4b:s24+s2], $0x80, $0x38;
	[tilespmem:$0x18300] =	vst v63  }
.LBB2_12:
0xcc: {  	_ =	sfence.sel $0x180000  }
0xcd: {  	[bflag:$0x0] =	sbarrier.arrive $0xFFFF  }
0xce: {  	_ =	strace $0x90000050  }
0xcf: {  	s0 =	stileid.u32;
	[bflag:$0x2] =	sbarrier.arrive $0xFFFF  }
0xd0: {  	p0 =	sne.s32 s0, $0x0;
	s0 =	rddreg [dreg:$0x1]  }
0xd1: {  	s0 =	sadd.s32 @!p0 $0x100000, s0  }
0xd2: {  	[sflag:s0] =	ssyncadd.tile.s32 @!p0 $0x1;
	_ =	shalt  }
.Lfunc_end2:
_tile_overlayer_lowered:
.L_overlay_start_2:
0xd3: {  	(tag) =	ssettag $0x2  }
0xd4: {  	s0 =	rddreg [dreg:$0x0];
	s2 =	stileid.u32  }
0xd5: {  	s1 =	rddreg [dreg:$0x1];
	p0 =	sne.s32 s2, $0x0  }
0xd6: {  	s3 =	rddreg [dreg:$0x2];
	[bflag:$0x3] =	sbarrier.arrive $0xFFFF;
	s2 =	simm.s32 @!p0 $0x1C13  }
0xd7: {  	[timem:s3], [sflag:s2] =	dma.local @!p0 [hbm:s0], s1  }
0xd8: {  	s0 =	simm.s32 @!p0 $0x13  }
0xd9: {  	_ =	swait.ge @!p0 [sflag:s0], s1  }
0xda: {  	s1 =	ssub.s32 @!p0 $0x0, s1;
	[sflag:s0] =	ssyncset.done @!p0 $0x0  }
0xdb: {  	[sflag:s0] =	ssyncadd.s32 @!p0 s1  }
0xdc: {  	[bflag:$0x3] =	sbarrier.arrive $0xFFFF  }
0xdd: {  	_ =	shalt  }

// kernel: kernel.33.cloned.1.call-start
scs
__scs_entry_jumppad:
0x0: {  	(pc) =	sbr.rel $0x88, $3  }
0x1: {  	(tag) =	ssettag $0x0;
	lr =	simm.s32 $0x1  }
0x2: {  	[smem:$0x3F61] =	sst lr;
	_ =	strace $0xD0000000  }
0x3: {  	_ = 	snop  }
0x4: {  	_ = 	snop  }
0x5: {  	_ = 	snop  }
0x6: {  	_ = 	snop  }
0x7: {  	_ = 	snop  }
__scs_overlays_trampoline_lowered:
0x8: {  	[smem:$0x3F70] =	sst s0  }
0x9: {  	[smem:$0x3F71] =	sst s1  }
0xa: {  	[smem:$0x3F72] =	sst s2  }
0xb: {  	[smem:$0x3F73] =	sst s3  }
0xc: {  	[smem:$0x3F74] =	sst s4  }
0xd: {  	[smem:$0x3F75] =	sst s5  }
0xe: {  	[smem:$0x3F76] =	sst s6  }
0xf: {  	[smem:$0x3F77] =	sst s7  }
0x10: {  	[smem:$0x3F78] =	sst s8  }
0x11: {  	[smem:$0x3F79] =	sst s9;
	s0 =	simm.s32 @!p0 $0x0  }
0x12: {  	s1 =	sld [smem:$0x3F5F];
	s0 =	simm.s32 @p0 $0x1  }
0x13: {  	[smem:$0x3F7A] =	sst s0;
	s0 =	simm.s32 @!p1 $0x0  }
0x14: {  	s2 =	sld [smem:$0x3F5E];
	s0 =	simm.s32 @p1 $0x1  }
0x15: {  	[smem:$0x3F7B] =	sst s0;
	s0 =	simm.s32 @!p2 $0x0  }
0x16: {  	s3 =	sld [smem:$0x3FDB];
	s0 =	simm.s32 @p2 $0x1  }
0x17: {  	s4 =	simm.s32 $0x1BF5;
	[smem:$0x3F7D] =	sst s0  }
0x18: {  	s0 =	sld [smem:$0x3F60];
	_ =	swait.ge [sflag:s4], $0x0  }
0x19: {  	s7 =	sld [smem:$0x3F61]  }
0x1a: {  	s8 =	sadd.s32 $0xFFFFE003, lr  }
0x1b: {  	s9 =	sadd.s32 $0xFFFFFEF7, lr;
	s5 =	simm.s32 $0xFFFFFFFF;
	p2 =	slt.u32 s8, $0xFFFFF086  }
0x1c: {  	p1 =	slt.u32 s9, $0xF7A;
	s5 =	simm.s32 @!p2 $0x0  }
0x1d: {  	s5 =	simm.s32 @p1 $0x1;
	p0 =	seq.s32 s7, s2  }
0x1e: {  	s7 =	smul.u32 @!p0 $0xF7A, s2;
	p2 =	seq.s32 @!p0 s5, $0x0  }
0x1f: {  	s9 =	smul.u32 $0xF7A, s1;
	s8 =	simm.s32 @!p0 $0x1BF5;
	p2 =	por !p2, p0  }
0x20: {  	[sflag:s8] =	ssyncset.s32 @!p0 $0xFFFFF086;
	s6 =	sadd.s32 @!p0 s3, s7;
	s7 =	simm.s32 @!p0 $0x108  }
0x21: {  	s3 =	sadd.s32 s3, s9;
	s6 =	sadd.s32 @!p0 $0x88, s6;
	s7 =	simm.s32 @p2 $0x1082  }
0x22: {  	[simem:s7], [sflag:s8] =	dma.local @!p0 [hbm:s6], $0xF7A  }
0x23: {  	s9 =	sor.u32 $0xD0000000, s2;
	s6 =	simm.s32 $0x108;
	_ =	swait.ge @!p0 [sflag:s8], $0x0  }
0x24: {  	s3 =	sadd.s32 $0x88, s3;
	s6 =	simm.s32 @!p1 $0x1082;
	[sflag:s4] =	ssyncset.s32 $0xFFFFF086  }
0x25: {  	[simem:s6], [sflag:s4] =	dma.local [hbm:s3], $0xF7A  }
0x26: {  	[smem:$0x3F61] =	sst s1;
	(tag) =	ssettag s2;
	_ =	strace s9  }
0x27: {  	s1 =	sld [smem:$0x3F71]  }
0x28: {  	s2 =	sld [smem:$0x3F72]  }
0x29: {  	s4 =	sld [smem:$0x3F74]  }
0x2a: {  	p0 =	seq.s32 s5, $0x0;
	s5 =	sld [smem:$0x3F75]  }
0x2b: {  	s6 =	sld [smem:$0x3F76]  }
0x2c: {  	s7 =	sld [smem:$0x3F77]  }
0x2d: {  	s3 =	simm.s32 $0x108;
	s8 =	sld [smem:$0x3F78]  }
0x2e: {  	s3 =	simm.s32 @!p0 $0x1082;
	s9 =	sld [smem:$0x3F79]  }
0x2f: {  	lr =	sadd.s32 s0, s3;
	s0 =	sld [smem:$0x3F70]  }
0x30: {  	s3 =	sld [smem:$0x3F73]  }
0x31: {  	[smem:$0x3F7C] =	sst s10  }
0x32: {  	s10 =	sld [smem:$0x3F7A];
	_ =	sdelay $0x3  }
0x33: {  	p0 =	seq.s32 s10, $0x1;
	s10 =	sld [smem:$0x3F7C];
	_ =	sdelay $0x3  }
0x34: {  	[smem:$0x3F7C] =	sst s10  }
0x35: {  	s10 =	sld [smem:$0x3F7B];
	_ =	sdelay $0x3  }
0x36: {  	p1 =	seq.s32 s10, $0x1;
	s10 =	sld [smem:$0x3F7C];
	_ =	sdelay $0x3  }
0x37: {  	[smem:$0x3F7C] =	sst s10  }
0x38: {  	s10 =	sld [smem:$0x3F7D]  }
0x39: {  	_ = 	snop;
	(pc) =	sbr.ind lr, $3  }
0x3a: {  	_ = 	snop  }
0x3b: {  	_ = 	snop  }
0x3c: {  	p2 =	seq.s32 s10, $0x1;
	s10 =	sld [smem:$0x3F7C]  }
0x3d: {  	_ =	shalt  }
0x3e: {  	_ =	shalt  }
0x3f: {  	_ =	shalt  }
0x40: {  	_ =	shalt  }
0x41: {  	_ =	shalt  }
0x42: {  	_ =	shalt  }
0x43: {  	_ =	shalt  }
0x44: {  	_ =	shalt  }
0x45: {  	_ =	shalt  }
0x46: {  	_ =	shalt  }
0x47: {  	_ =	shalt  }
0x48: {  	_ =	shalt  }
0x49: {  	_ =	shalt  }
0x4a: {  	_ =	shalt  }
0x4b: {  	_ =	shalt  }
0x4c: {  	_ =	shalt  }
0x4d: {  	_ =	shalt  }
0x4e: {  	_ =	shalt  }
0x4f: {  	_ =	shalt  }
0x50: {  	_ =	shalt  }
0x51: {  	_ =	shalt  }
0x52: {  	_ =	shalt  }
0x53: {  	_ =	shalt  }
0x54: {  	_ =	shalt  }
0x55: {  	_ =	shalt  }
0x56: {  	_ =	shalt  }
0x57: {  	_ =	shalt  }
0x58: {  	_ =	shalt  }
0x59: {  	_ =	shalt  }
0x5a: {  	_ =	shalt  }
0x5b: {  	_ =	shalt  }
0x5c: {  	_ =	shalt  }
0x5d: {  	_ =	shalt  }
0x5e: {  	_ =	shalt  }
0x5f: {  	_ =	shalt  }
0x60: {  	_ =	shalt  }
0x61: {  	_ =	shalt  }
0x62: {  	_ =	shalt  }
0x63: {  	_ =	shalt  }
0x64: {  	_ =	shalt  }
0x65: {  	_ =	shalt  }
0x66: {  	_ =	shalt  }
0x67: {  	_ =	shalt  }
0x68: {  	_ =	shalt  }
0x69: {  	_ =	shalt  }
0x6a: {  	_ =	shalt  }
0x6b: {  	_ =	shalt  }
0x6c: {  	_ =	shalt  }
0x6d: {  	_ =	shalt  }
0x6e: {  	_ =	shalt  }
0x6f: {  	_ =	shalt  }
0x70: {  	_ =	shalt  }
0x71: {  	_ =	shalt  }
0x72: {  	_ =	shalt  }
0x73: {  	_ =	shalt  }
0x74: {  	_ =	shalt  }
0x75: {  	_ =	shalt  }
0x76: {  	_ =	shalt  }
0x77: {  	_ =	shalt  }
0x78: {  	_ =	shalt  }
0x79: {  	_ =	shalt  }
0x7a: {  	_ =	shalt  }
0x7b: {  	_ =	shalt  }
0x7c: {  	_ =	shalt  }
0x7d: {  	_ =	shalt  }
0x7e: {  	_ =	shalt  }
0x7f: {  	_ =	shalt  }
0x80: {  	_ =	shalt  }
0x81: {  	_ =	shalt  }
0x82: {  	_ =	shalt  }
0x83: {  	_ =	shalt  }
0x84: {  	_ =	shalt  }
0x85: {  	_ =	shalt  }
0x86: {  	_ =	shalt  }
0x87: {  	_ =	shalt  }
.Lfunc_end0:
.L_simem_size_0:
called_computation.4_lowered:
.L_overlay_start_0:
0x88: {  	s2 =	sld [smem:$0x3FD9]  }
0x89: {  	s3 =	sld [smem:$0x3FFE];
	_ =	sdelay $0x1  }
0x8a: {  	s1 =	srdreg.scid  }
0x8b: {  	s0 =	sand.u32 $0x1, s1  }
0x8c: {  	s16 =	sshll.u32 s0, $0xA;
	s2 =	sadd.s32 s3, s2  }
0x8d: {  	s2 =	sadd.s32 s2, s16  }
0x8e: {  	[smem:$0x3F88] =	sst s2  }
0x8f: {  	_ = 	snop  }
0x90: {  	(tm) =	ssettm $0x1  }
0x91: {  	s17 =	sld [smem:$0x3FFB];
	_ =	sdelay $0x3  }
0x92: {  	_ =	strace s17  }
0x93: {  	s2 =	sld [smem:$0x3FFC];
	_ =	sdelay $0x3  }
0x94: {  	_ =	strace s2  }
0x95: {  	s2 =	sld [smem:$0x3FFD];
	_ =	sdelay $0x3  }
0x96: {  	_ =	strace s2  }
0x97: {  	_ =	strace $0x8FFFFFFF  }
0x98: {  	s18 =	sld [smem:$0x3FDB];
	_ =	sdelay $0x1  }
0x99: {  	s19 =	simm.s32 $_scs_section_size  }
0x9a: {  	s4 =	simm.s32 $_size__tile_overlayer_lowered;
	s5 =	simm.s32 $_tile_overlayer_lowered  }
0x9b: {  	s22 =	simm.s32 $0x1BFF;
	s21 =	sshll.u32 s5, $0x1;
	s2 =	sadd.s32 s19, s18  }
0x9c: {  	s6 =	simm.s32 $0x0;
	s20 =	sshll.u32 s4, $0x1;
	s4 =	sadd.s32 s21, s2  }
0x9d: {  	[timem:s6], [sflag:s22] =	dma.local [hbm:s4], s20  }
0x9e: {  	_ =	swait.ge [sflag:s22], s20  }
0x9f: {  	s3 =	ssub.s32 $0x0, s20;
	[sflag:s22] =	ssyncset.done $0x0  }
0xa0: {  	[sflag:s22] =	ssyncadd.s32 s3;
	_ =	sdelay $0x1  }
0xa1: {  	s23 =	simm.s32 $0x1B8B  }
0xa2: {  	_ =	swait.ge [sflag:s23], $0x1  }
0xa3: {  	[sflag:s23] =	ssyncset.done $0x0  }
0xa4: {  	s25 =	simm.s32 $0x1B8E;
	s24 =	sld [smem:$0x3FFE];
	[sflag:s23] =	ssyncadd.s32 $0xFFFFFFFF  }
0xa5: {  	s26 =	simm.s32 $execute0_lowered;
	[smem:$0x3FD2] =	sst s25  }
0xa6: {  	s4 =	sshll.u32 s26, $0x1;
	_ =	strace $0x80000052;
	[dreg:$0x1] =	wrdreg $0xFFFFFFFF  }
0xa7: {  	s28 =	simm.s32 $_size_execute0_lowered;
	s2 =	sadd.s32 s2, s4;
	[dreg:$0x0] =	wrdreg $0x0  }
0xa8: {  	s4 =	sshll.u32 s28, $0x1;
	[dreg:$0x2] =	wrdreg s2  }
0xa9: {  	[dreg:$0x3] =	wrdreg s4  }
0xaa: {  	[dreg:$0x4] =	wrdreg $0xC0  }
0xab: {  	_ =	task [dreg:s6], $0x5FFFF  }
0xac: {  	[dreg:$0x1] =	wrdreg $0xFFFFFFFF  }
0xad: {  	[dreg:$0x0] =	wrdreg $0x60  }
0xae: {  	[dreg:$0x2] =	wrdreg s24  }
0xaf: {  	[dreg:$0x3] =	wrdreg $0x81000  }
0xb0: {  	[dreg:$0x4] =	wrdreg $0x9  }
0xb1: {  	_ =	task.clear_ibuf [dreg:s6], $0x5FFFF;
	_ =	strace $0x90000052  }
0xb2: {  	s29 =	simm.s32 $0x9;
	_ =	strace $0x80000054  }
0xb3: {  	_ =	swait.ge [sflag:s29], $0x1  }
0xb4: {  	[sflag:s29] =	ssyncadd.s32 $0xFFFFFFFF  }
0xb5: {  	_ =	strace $0x90000054  }
0xb6: {  	_ =	sfence  }
0xb7: {  	s30 =	sld [smem:$0x0];
	_ =	sdelay $0x2  }
0xb8: {  	s31 =	sshll.u32 s1, $0xD;
	s1 =	sshrl.u32 s1, $0x2  }
0xb9: {  	s3 =	sand.u32 $0x4000, s31;
	s1 =	sadd.s32 s1, s30  }
0xba: {  	s0 =	sor.u32 s3, s0;
	s1 =	sshll.u32 s1, $0x11  }
0xbb: {  	s0 =	sor.u32 s1, s0  }
0xbc: {  	s0 =	sadd.s32 $0x8F2B, s0  }
0xbd: {  	[sflag:s0] =	ssyncadd.remote.s32 $0x1  }
0xbe: {  	_ =	sfence.sel $0xFFFF  }
0xbf: {  	[dreg:$0x0] =	wrdreg $0xFFFFFFFF;
	(pc) =	sbr.abs _section_cstart, $3  }
0xc0: {  	[dreg:$0x1] =	wrdreg $0xFFFFFFFF  }
0xc1: {  	_ =	task.clear_ibuf [dreg:s6], $0x2FFFF;
	_ =	strace $0x9FFFFFFF  }
0xc2: {  	(tm) =	ssettm $0x7FFFFFFF  }
0xc3: {  	_ =	shalt  }
tec
execute0_lowered:
.L_overlay_start_1:
0x0: {  	(tag) =	ssettag $0x1  }
0x1: {  	s5 =	rddreg [dreg:$0x0]  }
0x2: {  	s2 =	rddreg [dreg:$0x1]  }
0x3: {  	s0 =	rddreg [dreg:$0x2];
	s3 =	simm.s32 $0x0;
	s1 =	stileid.u32  }
0x4: {  	s4 =	srdreg.scid;
	s20 =	simm.s32 $0x4100;
	s13 =	smul.u32 $0x4E000, s1  }
0x5: {  	s21 =	simm.s32 $0x0;
	[smem:$0x7FF] =	sst s3;
	s26 =	smul.u32 $0x13800, s1  }
0x6: {  	s9 =	sand.u32 $0x1, s4;
	s22 =	sshll.u32 s1, $0x1;
	s29 =	smul.u32 $0x5000, s1  }
0x7: {  	s10 =	sadd.s32 $0xAD5000, s5;
	s12 =	sadd.s32 $0xDA00, s5;
	s19 =	smul.u32 $0x50000, s1  }
0x8: {  	s4 =	sadd.s32 $0x17A00, s5;
	s11 =	sadd.s32 $0xA3E00, s5;
	s15 =	smul.u32 $0x138800, s9  }
0x9: {  	s28 =	sshll.u32 s1, $0x6;
	s17 =	sadd.s32 $0x138000, s2;
	s18 =	smul.u32 $0x2800, s9  }
0xa: {  	p0 =	sne.s32 s1, $0xF;
	s6 =	sor.u32 s9, s22;
	s30 =	smul.u32 $0x28000, s9  }
0xb: {  	_ =	strace $0x80000053;
	s8 =	ssub.s32 $0x2, s9;
	s7 =	smul.u32 $0x2800, s6  }
0xc: {  	s6 =	smul.u32 $0x28000, s6;
	s23 =	sshrl.u32 s8, $0x1;
	s25 =	sshrl.u32 s13, $0x2  }
0xd: {  	s31 =	sadd.s32 s19, s10;
	s19 =	simm.s32 $0x80;
	s14 =	ssub.s32 s8, s23  }
0xe: {  	s16 =	sadd.s32 s25, s2;
	s8 =	sadd.s32 s26, s15;
	s15 =	sshrl.u32 s15, $0x3  }
0xf: {  	s13 =	sadd.s32 s18, s29;
	s18 =	simm.s32 $0x4;
	s24 =	sshrl.u32 s7, $0x3  }
0x10: {  	s6 =	sadd.s32 s10, s6;
	s7 =	sor.u32 $0x1C05, s28;
	s8 =	sshrl.u32 s8, $0x3  }
0x11: {  	s13 =	sor.u32 $0x80, s13;
	s10 =	smax.u32 s14, $0x1;
	s14 =	sshrl.u32 s16, $0x3  }
0x12: {  	s16 =	sshrl.u32 @!p0 s17, $0x3;
	s17 =	simm.s32 $0x3;
	s5 =	sadd.s32 s12, s24  }
0x13: {  	s8 =	sadd.s32 s11, s8;
	s11 =	sadd.s32 s11, s15;
	s13 =	sshrl.u32 s13, $0x3  }
0x14: {  	s15 =	simm.s32 $0x5;
	s9 =	sadd.s32 $0x27000, s11;
	s11 =	sadd.s32 s30, s31  }
0x15: {  	s12 =	sadd.s32 s13, s12;
	s13 =	simm.s32 $0x100;
	s11 =	sadd.s32 $0x800, s11  }
.LBB2_1:
0x16: {  	[tilespmem:s3], [sflag:$0x1] =	stream.linear.gather [hbm4b:s5+s3], $0x80, $0x38;
	[tilespmem:$0x1BA00] =	vst v63  }
0x17: {  	_ = 	snop  }
0x18: {  	[tilespmem:s13], [sflag:$0x2] =	stream.linear.gather [hbm4b:s6+s3], $0x4000, $0x38;
	[tilespmem:$0x1BA00] =	vst v63  }
0x19: {  	[spmem:s14], [sflag:s7] =	dma.local [hbm:s4], $0x2700  }
0x1a: {  	_ =	swait.ge [sflag:s15], $0x2700  }
0x1b: {  	[sflag:s15] =	ssyncset.done $0x0  }
0x1c: {  	s22 =	simm.s32 @!p0 $0x5;
	[sflag:s15] =	ssyncadd.s32 $0xFFFFD900  }
0x1d: {  	[spmem:s16], [sflag:s7] =	dma.local @!p0 [hbm:s4], $0x100  }
0x1e: {  	_ =	swait.ge @!p0 [sflag:s22], $0x100  }
0x1f: {  	s23 =	sand.u32 $0x1, s3;
	[sflag:s22] =	ssyncset.done @!p0 $0x0  }
0x20: {  	p1 =	seq.s32 s23, $0x1;
	[sflag:s22] =	ssyncadd.s32 @!p0 $0xFFFFFF00  }
0x21: {  	s22 =	simm.s32 @p1 $0x3;
	[bflag:$0x0] =	sbarrier.arrive $0xFFFF  }
0x22: {  	_ =	swait.ge @p1 [sflag:s22], $0x80  }
0x23: {  	[sflag:s22] =	ssyncset.done @p1 $0x0  }
0x24: {  	[sflag:s22] =	ssyncadd.s32 @p1 $0xFFFFFF80;
	s22 =	simm.s32 @p1 $0x4  }
0x25: {  	_ =	swait.ge @p1 [sflag:s22], $0x4000  }
0x26: {  	[sflag:s22] =	ssyncset.done @p1 $0x0  }
0x27: {  	[sflag:s22] =	ssyncadd.s32 @p1 $0xFFFFC000;
	s22 =	simm.s32 @p1 $0x0  }
0x28: {  	[tilespmem:s22], [sflag:$0x1] =	stream.linear.gather @p1 [hbm4b:s12+s22], $0x80, $0x38;
	[tilespmem:$0x1BA00] =	vst v63  }
0x29: {  	s23 =	simm.s32 @p1 $0x100  }
0x2a: {  	[tilespmem:s23], [sflag:$0x2] =	stream.linear.gather @p1 [hbm4b:s11+s22], $0x4000, $0x38;
	[tilespmem:$0x1BA00] =	vst v63  }
0x2b: {  	s24 =	simm.s32 @!p1 $0x1;
	s22 =	simm.s32 @p1 $0x80;
	s23 =	simm.s32 @p1 $0x4100  }
0x2c: {  	[spmem:s2] =	stream.indirect.scatter.add.f32 @p1 [tilespmem:s23], [sflag:$0x5], $0x80, s22, s22, $0xb8;
	[tilespmem:$0x1BA00] =	vst v63  }
0x2d: {  	_ =	swait.ge @!p1 [sflag:s24], $0x80  }
0x2e: {  	[sflag:s24] =	ssyncset.done @!p1 $0x0  }
0x2f: {  	s22 =	simm.s32 @!p1 $0x2;
	[sflag:s24] =	ssyncadd.s32 @!p1 $0xFFFFFF80  }
0x30: {  	_ =	swait.ge @!p1 [sflag:s22], $0x4000  }
0x31: {  	[sflag:s22] =	ssyncset.done @!p1 $0x0  }
0x32: {  	s23 =	simm.s32 @!p1 $0x80;
	[sflag:s22] =	ssyncadd.s32 @!p1 $0xFFFFC000;
	s22 =	simm.s32 @!p1 $0x0  }
0x33: {  	[tilespmem:s23], [sflag:$0x3] =	stream.linear.gather @!p1 [hbm4b:s12+s22], $0x80, $0x38;
	[tilespmem:$0x1BA00] =	vst v63  }
0x34: {  	s25 =	simm.s32 @!p1 $0x4100;
	s24 =	simm.s32 @!p1 $0x6  }
0x35: {  	[tilespmem:s25], [sflag:$0x4] =	stream.linear.gather @!p1 [hbm4b:s11+s22], $0x4000, $0x38;
	[tilespmem:$0x1BA00] =	vst v63  }
0x36: {  	s26 =	simm.s32 $0x1;
	s24 =	simm.s32 @p1 $0x5;
	s25 =	simm.s32 @!p1 $0x100  }
0x37: {  	[spmem:s2] =	stream.indirect.scatter.add.f32 @!p1 [tilespmem:s25], [sflag:$0x6], $0x80, s22, s23, $0xb8;
	[tilespmem:$0x1BA00] =	vst v63  }
0x38: {  	s26 =	sand.u32 $0x1, s26;
	s25 =	simm.s32 $0x2;
	_ =	swait.ge [sflag:s24], $0x4000  }
0x39: {  	s22 =	sadd.s32 $0x10, s12;
	s23 =	sadd.s32 $0x800, s11;
	[sflag:s24] =	ssyncset.done $0x0  }
.LBB2_2:
0x3a: {  	p2 =	seq.s32 s26, $0x1  }
0x3b: {  	[sflag:s24] =	ssyncadd.s32 $0xFFFFC000;
	s26 =	smov.u32 s25;
	s25 =	sadd.s32 $0x1, s25  }
0x3c: {  	p1 =	sne.s32 s25, $0x4F;
	s28 =	simm.s32 @p2 $0x3;
	s24 =	simm.s32 @!p2 $0x6  }
0x3d: {  	_ =	swait.ge @p2 [sflag:s28], $0x80  }
0x3e: {  	[sflag:s28] =	ssyncset.done @p2 $0x0  }
0x3f: {  	[sflag:s28] =	ssyncadd.s32 @p2 $0xFFFFFF80;
	s28 =	simm.s32 @p2 $0x4  }
0x40: {  	_ =	swait.ge @p2 [sflag:s28], $0x4000  }
0x41: {  	[sflag:s28] =	ssyncset.done @p2 $0x0  }
0x42: {  	[sflag:s28] =	ssyncadd.s32 @p2 $0xFFFFC000;
	s28 =	simm.s32 @p2 $0x0  }
0x43: {  	[tilespmem:s28], [sflag:$0x1] =	stream.linear.gather @p2 [hbm4b:s22+s28], $0x80, $0x38;
	[tilespmem:$0x1BA00] =	vst v63  }
0x44: {  	s29 =	simm.s32 @p2 $0x100  }
0x45: {  	[tilespmem:s29], [sflag:$0x2] =	stream.linear.gather @p2 [hbm4b:s23+s28], $0x4000, $0x38;
	[tilespmem:$0x1BA00] =	vst v63  }
0x46: {  	s30 =	simm.s32 @!p2 $0x1;
	s28 =	simm.s32 @p2 $0x80;
	s29 =	simm.s32 @p2 $0x4100  }
0x47: {  	[spmem:s2] =	stream.indirect.scatter.add.f32 @p2 [tilespmem:s29], [sflag:$0x5], $0x80, s28, s28, $0xb8;
	[tilespmem:$0x1BA00] =	vst v63  }
0x48: {  	_ =	swait.ge @!p2 [sflag:s30], $0x80  }
0x49: {  	[sflag:s30] =	ssyncset.done @!p2 $0x0  }
0x4a: {  	s28 =	simm.s32 @!p2 $0x2;
	[sflag:s30] =	ssyncadd.s32 @!p2 $0xFFFFFF80  }
0x4b: {  	_ =	swait.ge @!p2 [sflag:s28], $0x4000  }
0x4c: {  	[sflag:s28] =	ssyncset.done @!p2 $0x0  }
0x4d: {  	s29 =	simm.s32 @!p2 $0x80;
	[sflag:s28] =	ssyncadd.s32 @!p2 $0xFFFFC000;
	s28 =	simm.s32 @!p2 $0x0  }
0x4e: {  	[tilespmem:s29], [sflag:$0x3] =	stream.linear.gather @!p2 [hbm4b:s22+s28], $0x80, $0x38;
	[tilespmem:$0x1BA00] =	vst v63  }
0x4f: {  	s30 =	simm.s32 @!p2 $0x4100  }
0x50: {  	[tilespmem:s30], [sflag:$0x4] =	stream.linear.gather @!p2 [hbm4b:s23+s28], $0x4000, $0x38;
	[tilespmem:$0x1BA00] =	vst v63  }
.Ltmp0:
0x51: {  	_ = 	snop;
	(pc) =	sbr.rel @p1 .LBB2_2-.Ltmp0, $4  }
0x52: {  	s24 =	simm.s32 @p2 $0x5;
	s30 =	simm.s32 @!p2 $0x100  }
0x53: {  	[spmem:s2] =	stream.indirect.scatter.add.f32 @!p2 [tilespmem:s30], [sflag:$0x6], $0x80, s28, s29, $0xb8;
	[tilespmem:$0x1BA00] =	vst v63  }
0x54: {  	s22 =	sadd.s32 $0x10, s22;
	_ =	swait.ge [sflag:s24], $0x4000  }
0x55: {  	s26 =	sand.u32 $0x1, s26;
	s23 =	sadd.s32 $0x800, s23;
	[sflag:s24] =	ssyncset.done $0x0  }
0x56: {  	p1 =	seq.s32 s26, $0x1  }
0x57: {  	[sflag:s24] =	ssyncadd.s32 $0xFFFFC000;
	s24 =	simm.s32 @p1 $0x3  }
0x58: {  	_ =	swait.ge @p1 [sflag:s24], $0x80  }
0x59: {  	[sflag:s24] =	ssyncset.done @p1 $0x0  }
0x5a: {  	[sflag:s24] =	ssyncadd.s32 @p1 $0xFFFFFF80;
	s24 =	simm.s32 @p1 $0x4  }
0x5b: {  	_ =	swait.ge @p1 [sflag:s24], $0x4000  }
0x5c: {  	[sflag:s24] =	ssyncset.done @p1 $0x0  }
0x5d: {  	[sflag:s24] =	ssyncadd.s32 @p1 $0xFFFFC000;
	s24 =	simm.s32 @p1 $0x0  }
0x5e: {  	[tilespmem:s24], [sflag:$0x1] =	stream.linear.gather @p1 [hbm4b:s22+s24], $0x80, $0x38;
	[tilespmem:$0x1BA00] =	vst v63  }
0x5f: {  	s25 =	simm.s32 @p1 $0x100  }
0x60: {  	[tilespmem:s25], [sflag:$0x2] =	stream.linear.gather @p1 [hbm4b:s23+s24], $0x4000, $0x38;
	[tilespmem:$0x1BA00] =	vst v63  }
0x61: {  	s26 =	simm.s32 @!p1 $0x1;
	s24 =	simm.s32 @p1 $0x80;
	s25 =	simm.s32 @p1 $0x4100  }
0x62: {  	[spmem:s2] =	stream.indirect.scatter.add.f32 @p1 [tilespmem:s25], [sflag:$0x5], $0x80, s24, s24, $0xb8;
	[tilespmem:$0x1BA00] =	vst v63  }
0x63: {  	_ =	swait.ge @!p1 [sflag:s26], $0x80  }
0x64: {  	[sflag:s26] =	ssyncset.done @!p1 $0x0  }
0x65: {  	s24 =	simm.s32 @!p1 $0x2;
	[sflag:s26] =	ssyncadd.s32 @!p1 $0xFFFFFF80  }
0x66: {  	_ =	swait.ge @!p1 [sflag:s24], $0x4000  }
0x67: {  	[sflag:s24] =	ssyncset.done @!p1 $0x0  }
0x68: {  	s25 =	simm.s32 @!p1 $0x80;
	[sflag:s24] =	ssyncadd.s32 @!p1 $0xFFFFC000;
	s24 =	simm.s32 @!p1 $0x0  }
0x69: {  	[tilespmem:s25], [sflag:$0x3] =	stream.linear.gather @!p1 [hbm4b:s22+s24], $0x80, $0x38;
	[tilespmem:$0x1BA00] =	vst v63  }
0x6a: {  	s26 =	simm.s32 @!p1 $0x4100;
	s22 =	simm.s32 @!p1 $0x6  }
0x6b: {  	[tilespmem:s26], [sflag:$0x4] =	stream.linear.gather @!p1 [hbm4b:s23+s24], $0x4000, $0x38;
	[tilespmem:$0x1BA00] =	vst v63  }
0x6c: {  	s22 =	simm.s32 @p1 $0x5;
	s23 =	simm.s32 @!p1 $0x100  }
0x6d: {  	[spmem:s2] =	stream.indirect.scatter.add.f32 @!p1 [tilespmem:s23], [sflag:$0x6], $0x80, s24, s25, $0xb8;
	[tilespmem:$0x1BA00] =	vst v63  }
0x6e: {  	_ =	swait.ge [sflag:s22], $0x4000  }
0x6f: {  	[sflag:s22] =	ssyncset.done $0x0  }
0x70: {  	[sflag:s22] =	ssyncadd.s32 $0xFFFFC000  }
0x71: {  	_ =	swait.ge [sflag:s17], $0x80  }
0x72: {  	[sflag:s17] =	ssyncset.done $0x0  }
0x73: {  	[sflag:s17] =	ssyncadd.s32 $0xFFFFFF80  }
0x74: {  	_ =	swait.ge [sflag:s18], $0x4000  }
0x75: {  	[sflag:s18] =	ssyncset.done $0x0  }
0x76: {  	[sflag:s18] =	ssyncadd.s32 $0xFFFFC000  }
0x77: {  	[spmem:s2] =	stream.indirect.scatter.add.f32 [tilespmem:s20], [sflag:$0x5], $0x80, s19, s19, $0xb8;
	[tilespmem:$0x1BA00] =	vst v63  }
0x78: {  	_ =	swait.ge [sflag:s15], $0x4000  }
0x79: {  	[sflag:s15] =	ssyncset.done $0x0  }
0x7a: {  	[sflag:s15] =	ssyncadd.s32 $0xFFFFC000  }
0x7b: {  	[bflag:$0x0] =	sbarrier.arrive $0xFFFF  }
0x7c: {  	[hbm:s8], [sflag:s7] =	dma.local [spmem:s14], $0x2700  }
0x7d: {  	s21 =	sadd.s32 $0x1, s21;
	_ =	swait.ge [sflag:s15], $0x2700  }
0x7e: {  	p1 =	sne.s32 s21, s10;
	[sflag:s15] =	ssyncset.done $0x0  }
.Ltmp1:
0x7f: {  	s22 =	simm.s32 @!p0 $0x5;
	[sflag:s15] =	ssyncadd.s32 $0xFFFFD900;
	(pc) =	sbr.rel @p1 .LBB2_1-.Ltmp1, $4  }
0x80: {  	[hbm:s9], [sflag:s7] =	dma.local @!p0 [spmem:s16], $0x100  }
0x81: {  	_ =	swait.ge @!p0 [sflag:s22], $0x100  }
0x82: {  	[sflag:s22] =	ssyncset.done @!p0 $0x0  }
0x83: {  	[sflag:s22] =	ssyncadd.s32 @!p0 $0xFFFFFF00  }
0x84: {  	_ =	sfence.sel $0x180000  }
0x85: {  	[bflag:$0x0] =	sbarrier.arrive $0xFFFF  }
0x86: {  	p0 =	sne.s32 s1, $0x0;
	_ =	strace $0x90000053  }
0x87: {  	s0 =	sadd.s32 @!p0 $0x100000, s0;
	[bflag:$0x2] =	sbarrier.arrive $0xFFFF  }
0x88: {  	[sflag:s0] =	ssyncadd.tile.s32 @!p0 $0x1;
	_ =	shalt  }
.Lfunc_end2:
_tile_overlayer_lowered:
.L_overlay_start_2:
0x89: {  	(tag) =	ssettag $0x2  }
0x8a: {  	s0 =	rddreg [dreg:$0x0];
	s2 =	stileid.u32  }
0x8b: {  	s1 =	rddreg [dreg:$0x1];
	p0 =	sne.s32 s2, $0x0  }
0x8c: {  	s3 =	rddreg [dreg:$0x2];
	[bflag:$0x3] =	sbarrier.arrive $0xFFFF;
	s2 =	simm.s32 @!p0 $0x1C05  }
0x8d: {  	[timem:s3], [sflag:s2] =	dma.local @!p0 [hbm:s0], s1  }
0x8e: {  	s0 =	simm.s32 @!p0 $0x5  }
0x8f: {  	_ =	swait.ge @!p0 [sflag:s0], s1  }
0x90: {  	s1 =	ssub.s32 @!p0 $0x0, s1;
	[sflag:s0] =	ssyncset.done @!p0 $0x0  }
0x91: {  	[sflag:s0] =	ssyncadd.s32 @!p0 s1  }
0x92: {  	[bflag:$0x3] =	sbarrier.arrive $0xFFFF  }
0x93: {  	_ =	shalt  }

// kernel: kernel.36.cloned.1.call-start
scs
__scs_entry_jumppad:
0x0: {  	(pc) =	sbr.rel $0x88, $3  }
0x1: {  	(tag) =	ssettag $0x0;
	lr =	simm.s32 $0x1  }
0x2: {  	[smem:$0x3F61] =	sst lr;
	_ =	strace $0xD0000000  }
0x3: {  	_ = 	snop  }
0x4: {  	_ = 	snop  }
0x5: {  	_ = 	snop  }
0x6: {  	_ = 	snop  }
0x7: {  	_ = 	snop  }
__scs_overlays_trampoline_lowered:
0x8: {  	[smem:$0x3F70] =	sst s0  }
0x9: {  	[smem:$0x3F71] =	sst s1  }
0xa: {  	[smem:$0x3F72] =	sst s2  }
0xb: {  	[smem:$0x3F73] =	sst s3  }
0xc: {  	[smem:$0x3F74] =	sst s4  }
0xd: {  	[smem:$0x3F75] =	sst s5  }
0xe: {  	[smem:$0x3F76] =	sst s6  }
0xf: {  	[smem:$0x3F77] =	sst s7  }
0x10: {  	[smem:$0x3F78] =	sst s8  }
0x11: {  	[smem:$0x3F79] =	sst s9;
	s0 =	simm.s32 @!p0 $0x0  }
0x12: {  	s1 =	sld [smem:$0x3F5F];
	s0 =	simm.s32 @p0 $0x1  }
0x13: {  	[smem:$0x3F7A] =	sst s0;
	s0 =	simm.s32 @!p1 $0x0  }
0x14: {  	s2 =	sld [smem:$0x3F5E];
	s0 =	simm.s32 @p1 $0x1  }
0x15: {  	[smem:$0x3F7B] =	sst s0;
	s0 =	simm.s32 @!p2 $0x0  }
0x16: {  	s3 =	sld [smem:$0x3FDB];
	s0 =	simm.s32 @p2 $0x1  }
0x17: {  	s4 =	simm.s32 $0x1BF5;
	[smem:$0x3F7D] =	sst s0  }
0x18: {  	s0 =	sld [smem:$0x3F60];
	_ =	swait.ge [sflag:s4], $0x0  }
0x19: {  	s7 =	sld [smem:$0x3F61]  }
0x1a: {  	s8 =	sadd.s32 $0xFFFFE003, lr  }
0x1b: {  	s9 =	sadd.s32 $0xFFFFFEF7, lr;
	s5 =	simm.s32 $0xFFFFFFFF;
	p2 =	slt.u32 s8, $0xFFFFF086  }
0x1c: {  	p1 =	slt.u32 s9, $0xF7A;
	s5 =	simm.s32 @!p2 $0x0  }
0x1d: {  	s5 =	simm.s32 @p1 $0x1;
	p0 =	seq.s32 s7, s2  }
0x1e: {  	s7 =	smul.u32 @!p0 $0xF7A, s2;
	p2 =	seq.s32 @!p0 s5, $0x0  }
0x1f: {  	s9 =	smul.u32 $0xF7A, s1;
	s8 =	simm.s32 @!p0 $0x1BF5;
	p2 =	por !p2, p0  }
0x20: {  	[sflag:s8] =	ssyncset.s32 @!p0 $0xFFFFF086;
	s6 =	sadd.s32 @!p0 s3, s7;
	s7 =	simm.s32 @!p0 $0x108  }
0x21: {  	s3 =	sadd.s32 s3, s9;
	s6 =	sadd.s32 @!p0 $0x88, s6;
	s7 =	simm.s32 @p2 $0x1082  }
0x22: {  	[simem:s7], [sflag:s8] =	dma.local @!p0 [hbm:s6], $0xF7A  }
0x23: {  	s9 =	sor.u32 $0xD0000000, s2;
	s6 =	simm.s32 $0x108;
	_ =	swait.ge @!p0 [sflag:s8], $0x0  }
0x24: {  	s3 =	sadd.s32 $0x88, s3;
	s6 =	simm.s32 @!p1 $0x1082;
	[sflag:s4] =	ssyncset.s32 $0xFFFFF086  }
0x25: {  	[simem:s6], [sflag:s4] =	dma.local [hbm:s3], $0xF7A  }
0x26: {  	[smem:$0x3F61] =	sst s1;
	(tag) =	ssettag s2;
	_ =	strace s9  }
0x27: {  	s1 =	sld [smem:$0x3F71]  }
0x28: {  	s2 =	sld [smem:$0x3F72]  }
0x29: {  	s4 =	sld [smem:$0x3F74]  }
0x2a: {  	p0 =	seq.s32 s5, $0x0;
	s5 =	sld [smem:$0x3F75]  }
0x2b: {  	s6 =	sld [smem:$0x3F76]  }
0x2c: {  	s7 =	sld [smem:$0x3F77]  }
0x2d: {  	s3 =	simm.s32 $0x108;
	s8 =	sld [smem:$0x3F78]  }
0x2e: {  	s3 =	simm.s32 @!p0 $0x1082;
	s9 =	sld [smem:$0x3F79]  }
0x2f: {  	lr =	sadd.s32 s0, s3;
	s0 =	sld [smem:$0x3F70]  }
0x30: {  	s3 =	sld [smem:$0x3F73]  }
0x31: {  	[smem:$0x3F7C] =	sst s10  }
0x32: {  	s10 =	sld [smem:$0x3F7A];
	_ =	sdelay $0x3  }
0x33: {  	p0 =	seq.s32 s10, $0x1;
	s10 =	sld [smem:$0x3F7C];
	_ =	sdelay $0x3  }
0x34: {  	[smem:$0x3F7C] =	sst s10  }
0x35: {  	s10 =	sld [smem:$0x3F7B];
	_ =	sdelay $0x3  }
0x36: {  	p1 =	seq.s32 s10, $0x1;
	s10 =	sld [smem:$0x3F7C];
	_ =	sdelay $0x3  }
0x37: {  	[smem:$0x3F7C] =	sst s10  }
0x38: {  	s10 =	sld [smem:$0x3F7D]  }
0x39: {  	_ = 	snop;
	(pc) =	sbr.ind lr, $3  }
0x3a: {  	_ = 	snop  }
0x3b: {  	_ = 	snop  }
0x3c: {  	p2 =	seq.s32 s10, $0x1;
	s10 =	sld [smem:$0x3F7C]  }
0x3d: {  	_ =	shalt  }
0x3e: {  	_ =	shalt  }
0x3f: {  	_ =	shalt  }
0x40: {  	_ =	shalt  }
0x41: {  	_ =	shalt  }
0x42: {  	_ =	shalt  }
0x43: {  	_ =	shalt  }
0x44: {  	_ =	shalt  }
0x45: {  	_ =	shalt  }
0x46: {  	_ =	shalt  }
0x47: {  	_ =	shalt  }
0x48: {  	_ =	shalt  }
0x49: {  	_ =	shalt  }
0x4a: {  	_ =	shalt  }
0x4b: {  	_ =	shalt  }
0x4c: {  	_ =	shalt  }
0x4d: {  	_ =	shalt  }
0x4e: {  	_ =	shalt  }
0x4f: {  	_ =	shalt  }
0x50: {  	_ =	shalt  }
0x51: {  	_ =	shalt  }
0x52: {  	_ =	shalt  }
0x53: {  	_ =	shalt  }
0x54: {  	_ =	shalt  }
0x55: {  	_ =	shalt  }
0x56: {  	_ =	shalt  }
0x57: {  	_ =	shalt  }
0x58: {  	_ =	shalt  }
0x59: {  	_ =	shalt  }
0x5a: {  	_ =	shalt  }
0x5b: {  	_ =	shalt  }
0x5c: {  	_ =	shalt  }
0x5d: {  	_ =	shalt  }
0x5e: {  	_ =	shalt  }
0x5f: {  	_ =	shalt  }
0x60: {  	_ =	shalt  }
0x61: {  	_ =	shalt  }
0x62: {  	_ =	shalt  }
0x63: {  	_ =	shalt  }
0x64: {  	_ =	shalt  }
0x65: {  	_ =	shalt  }
0x66: {  	_ =	shalt  }
0x67: {  	_ =	shalt  }
0x68: {  	_ =	shalt  }
0x69: {  	_ =	shalt  }
0x6a: {  	_ =	shalt  }
0x6b: {  	_ =	shalt  }
0x6c: {  	_ =	shalt  }
0x6d: {  	_ =	shalt  }
0x6e: {  	_ =	shalt  }
0x6f: {  	_ =	shalt  }
0x70: {  	_ =	shalt  }
0x71: {  	_ =	shalt  }
0x72: {  	_ =	shalt  }
0x73: {  	_ =	shalt  }
0x74: {  	_ =	shalt  }
0x75: {  	_ =	shalt  }
0x76: {  	_ =	shalt  }
0x77: {  	_ =	shalt  }
0x78: {  	_ =	shalt  }
0x79: {  	_ =	shalt  }
0x7a: {  	_ =	shalt  }
0x7b: {  	_ =	shalt  }
0x7c: {  	_ =	shalt  }
0x7d: {  	_ =	shalt  }
0x7e: {  	_ =	shalt  }
0x7f: {  	_ =	shalt  }
0x80: {  	_ =	shalt  }
0x81: {  	_ =	shalt  }
0x82: {  	_ =	shalt  }
0x83: {  	_ =	shalt  }
0x84: {  	_ =	shalt  }
0x85: {  	_ =	shalt  }
0x86: {  	_ =	shalt  }
0x87: {  	_ =	shalt  }
.Lfunc_end0:
.L_simem_size_0:
called_computation.5_lowered:
.L_overlay_start_0:
0x88: {  	s2 =	sld [smem:$0x3FD9]  }
0x89: {  	s3 =	sld [smem:$0x3FFE];
	_ =	sdelay $0x1  }
0x8a: {  	s1 =	srdreg.scid  }
0x8b: {  	s0 =	sand.u32 $0x1, s1  }
0x8c: {  	s16 =	sshll.u32 s0, $0xA;
	s2 =	sadd.s32 s3, s2  }
0x8d: {  	s2 =	sadd.s32 s2, s16  }
0x8e: {  	[smem:$0x3F88] =	sst s2  }
0x8f: {  	_ = 	snop  }
0x90: {  	(tm) =	ssettm $0x1  }
0x91: {  	s17 =	sld [smem:$0x3FFB];
	_ =	sdelay $0x3  }
0x92: {  	_ =	strace s17  }
0x93: {  	s2 =	sld [smem:$0x3FFC];
	_ =	sdelay $0x3  }
0x94: {  	_ =	strace s2  }
0x95: {  	s2 =	sld [smem:$0x3FFD];
	_ =	sdelay $0x3  }
0x96: {  	_ =	strace s2  }
0x97: {  	_ =	strace $0x8FFFFFFF  }
0x98: {  	s18 =	sld [smem:$0x3FDB];
	_ =	sdelay $0x1  }
0x99: {  	s19 =	simm.s32 $_scs_section_size  }
0x9a: {  	s4 =	simm.s32 $_size__tile_overlayer_lowered;
	s5 =	simm.s32 $_tile_overlayer_lowered  }
0x9b: {  	s22 =	simm.s32 $0x1BFF;
	s21 =	sshll.u32 s5, $0x1;
	s2 =	sadd.s32 s19, s18  }
0x9c: {  	s6 =	simm.s32 $0x0;
	s20 =	sshll.u32 s4, $0x1;
	s4 =	sadd.s32 s21, s2  }
0x9d: {  	[timem:s6], [sflag:s22] =	dma.local [hbm:s4], s20  }
0x9e: {  	_ =	swait.ge [sflag:s22], s20  }
0x9f: {  	s3 =	ssub.s32 $0x0, s20;
	[sflag:s22] =	ssyncset.done $0x0  }
0xa0: {  	[sflag:s22] =	ssyncadd.s32 s3;
	_ =	sdelay $0x1  }
0xa1: {  	s23 =	simm.s32 $0x1B8B  }
0xa2: {  	_ =	swait.ge [sflag:s23], $0x1  }
0xa3: {  	[sflag:s23] =	ssyncset.done $0x0  }
0xa4: {  	s25 =	simm.s32 $0x1B8E;
	s24 =	sld [smem:$0x3FFE];
	[sflag:s23] =	ssyncadd.s32 $0xFFFFFFFF  }
0xa5: {  	s26 =	simm.s32 $execute0_lowered;
	[smem:$0x3FD2] =	sst s25  }
0xa6: {  	s4 =	sshll.u32 s26, $0x1;
	_ =	strace $0x80000055;
	[dreg:$0x1] =	wrdreg $0xFFFFFFFF  }
0xa7: {  	s28 =	simm.s32 $_size_execute0_lowered;
	s2 =	sadd.s32 s2, s4;
	[dreg:$0x0] =	wrdreg $0x0  }
0xa8: {  	s4 =	sshll.u32 s28, $0x1;
	[dreg:$0x2] =	wrdreg s2  }
0xa9: {  	[dreg:$0x3] =	wrdreg s4  }
0xaa: {  	[dreg:$0x4] =	wrdreg $0xC0  }
0xab: {  	_ =	task [dreg:s6], $0x5FFFF  }
0xac: {  	[dreg:$0x1] =	wrdreg $0xFFFFFFFF  }
0xad: {  	[dreg:$0x0] =	wrdreg $0x60  }
0xae: {  	[dreg:$0x2] =	wrdreg s24  }
0xaf: {  	[dreg:$0x3] =	wrdreg $0x9  }
0xb0: {  	_ =	task.clear_ibuf [dreg:s6], $0x4FFFF;
	_ =	strace $0x90000055  }
0xb1: {  	s29 =	simm.s32 $0x9;
	_ =	strace $0x80000057  }
0xb2: {  	_ =	swait.ge [sflag:s29], $0x1  }
0xb3: {  	[sflag:s29] =	ssyncadd.s32 $0xFFFFFFFF  }
0xb4: {  	_ =	strace $0x90000057  }
0xb5: {  	_ =	sfence  }
0xb6: {  	s30 =	sld [smem:$0x0];
	_ =	sdelay $0x2  }
0xb7: {  	s31 =	sshll.u32 s1, $0xD;
	s1 =	sshrl.u32 s1, $0x2  }
0xb8: {  	s3 =	sand.u32 $0x4000, s31;
	s1 =	sadd.s32 s1, s30  }
0xb9: {  	s0 =	sor.u32 s3, s0;
	s1 =	sshll.u32 s1, $0x11  }
0xba: {  	s0 =	sor.u32 s1, s0  }
0xbb: {  	s0 =	sadd.s32 $0x8F2B, s0  }
0xbc: {  	[sflag:s0] =	ssyncadd.remote.s32 $0x1  }
0xbd: {  	_ =	sfence.sel $0xFFFF  }
0xbe: {  	[dreg:$0x0] =	wrdreg $0xFFFFFFFF;
	(pc) =	sbr.abs _section_cstart, $3  }
0xbf: {  	[dreg:$0x1] =	wrdreg $0xFFFFFFFF  }
0xc0: {  	_ =	task.clear_ibuf [dreg:s6], $0x2FFFF;
	_ =	strace $0x9FFFFFFF  }
0xc1: {  	(tm) =	ssettm $0x7FFFFFFF  }
tec
execute0_lowered:
.L_overlay_start_1:
0x0: {  	(tag) =	ssettag $0x1  }
0x1: {  	s0 =	rddreg [dreg:$0x0];
	s2 =	simm.s32 $0x0  }
0x2: {  	s1 =	srdreg.scid;
	s13 =	stileid.u32;
	s28 =	simm.s32 $0xC300  }
0x3: {  	s29 =	simm.s32 $0x200;
	s30 =	simm.s32 $0x280;
	s31 =	simm.s32 $0x1  }
0x4: {  	[smem:$0x7FF] =	sst s2;
	s1 =	sand.u32 $0x1, s1;
	s3 =	sshll.u32 s13, $0x1  }
0x5: {  	s4 =	sadd.s32 $0xA3E00, s0;
	s7 =	sadd.s32 $0x72C00, s0;
	s18 =	smul.u32 $0x5000, s13  }
0x6: {  	s8 =	sadd.s32 $0x68C00, s0;
	s10 =	sadd.s32 $0xCB000, s0;
	s25 =	smul.u32 $0x50000, s13  }
0x7: {  	s13 =	simm.s32 $0x8;
	s5 =	sor.u32 s1, s3;
	s9 =	ssub.s32 $0x2, s1  }
0x8: {  	_ =	strace $0x80000056;
	s6 =	smul.u32 $0x2800, s5;
	s11 =	sshrl.u32 s9, $0x1  }
0x9: {  	s3 =	sadd.s32 $0x7CC00, s0;
	s0 =	sadd.s32 $0x5CB000, s0;
	s9 =	ssub.s32 s9, s11  }
0xa: {  	s19 =	smul.u32 $0x2800, s1;
	s6 =	sshrl.u32 s6, $0x3;
	s9 =	smax.u32 s9, $0x1  }
0xb: {  	s1 =	smul.u32 $0x28000, s1;
	s15 =	sadd.s32 s7, s6;
	[dreg:$0xc] =	wrdreg s9  }
0xc: {  	s16 =	sadd.s32 s8, s6;
	s17 =	sor.u32 $0x10, s6;
	[dreg:$0x2] =	wrdreg s15  }
0xd: {  	s5 =	smul.u32 $0x140000, s5;
	[dreg:$0x3] =	wrdreg s16;
	s12 =	sadd.s32 s7, s17  }
0xe: {  	s6 =	sor.u32 $0x20, s6;
	s11 =	sadd.s32 s8, s17;
	[dreg:$0x4] =	wrdreg s12  }
0xf: {  	s5 =	sshrl.u32 s5, $0x3;
	s14 =	sadd.s32 s7, s6;
	[dreg:$0x5] =	wrdreg s11  }
0x10: {  	s20 =	sadd.s32 $0x27000, s5;
	s6 =	sadd.s32 s8, s6;
	[dreg:$0x6] =	wrdreg s14  }
0x11: {  	s5 =	sadd.s32 $0x27800, s5;
	s21 =	sadd.s32 s10, s20;
	[dreg:$0x7] =	wrdreg s6  }
0x12: {  	s26 =	sadd.s32 s25, s10;
	s22 =	sadd.s32 s10, s5;
	[dreg:$0x8] =	wrdreg s21  }
0x13: {  	s9 =	simm.s32 $0xC;
	s5 =	sadd.s32 s0, s5;
	[dreg:$0xa] =	wrdreg s22  }
0x14: {  	s11 =	sadd.s32 s19, s18;
	s6 =	sadd.s32 s0, s20;
	[dreg:$0xb] =	wrdreg s5  }
0x15: {  	s0 =	sadd.s32 s25, s0;
	s5 =	sadd.s32 s1, s26;
	s21 =	simm.s32 $0x80  }
0x16: {  	s22 =	simm.s32 $0x300;
	s26 =	simm.s32 $0x8300;
	s12 =	simm.s32 $0x7  }
0x17: {  	s18 =	simm.s32 $0x5;
	s19 =	simm.s32 $0x6;
	s25 =	simm.s32 $0x300  }
0x18: {  	s14 =	simm.s32 $0x100;
	[dreg:$0x9] =	wrdreg s6;
	s23 =	sor.u32 $0x180, s11  }
.Ltmp0:
0x19: {  	[dreg:$0xd] =	wrdreg s5;
	s0 =	sadd.s32 s1, s0;
	(pc) =	sbr.rel .LBB2_1-.Ltmp0, $4  }
0x1a: {  	s1 =	simm.s32 $0x9;
	s5 =	simm.s32 $0xA;
	s6 =	simm.s32 $0x3  }
0x1b: {  	s11 =	simm.s32 $0x0;
	s24 =	sshrl.u32 s23, $0x3;
	[dreg:$0xe] =	wrdreg s0  }
0x1c: {  	s23 =	simm.s32 $0x4300;
	s0 =	simm.s32 $0x2;
	s16 =	sadd.s32 s24, s8  }
0x1d: {  	s17 =	sadd.s32 s24, s7;
	s7 =	simm.s32 $0x4;
	s8 =	simm.s32 $0xB  }
.LBB2_11:
0x1e: {  	_ =	swait.ge [sflag:s12], $0x4000  }
0x1f: {  	[sflag:s12] =	ssyncset.done $0x0  }
0x20: {  	[sflag:s12] =	ssyncadd.s32 $0xFFFFC000  }
0x21: {  	_ =	swait.ge [sflag:s13], $0x4000  }
0x22: {  	[sflag:s13] =	ssyncset.done $0x0  }
0x23: {  	s22 =	simm.s32 $0x300;
	s15 =	rddreg [dreg:$0x8];
	[sflag:s13] =	ssyncadd.s32 $0xFFFFC000  }
0x24: {  	[hbm4b:s15+s2] =	stream.linear.scatter [tilespmem:s22], [sflag:$0xD], $0x4000, $0x38;
	[tilespmem:$0x18300] =	vst v63  }
0x25: {  	s23 =	simm.s32 $0x4300;
	s24 =	rddreg [dreg:$0x9]  }
0x26: {  	[hbm4b:s24+s2] =	stream.linear.scatter [tilespmem:s23], [sflag:$0xE], $0x4000, $0x38;
	[tilespmem:$0x18300] =	vst v63  }
0x27: {  	_ =	swait.ge [sflag:s1], $0x4000  }
0x28: {  	[sflag:s1] =	ssyncset.done $0x0  }
0x29: {  	[sflag:s1] =	ssyncadd.s32 $0xFFFFC000  }
0x2a: {  	_ =	swait.ge [sflag:s5], $0x4000  }
0x2b: {  	[sflag:s5] =	ssyncset.done $0x0  }
0x2c: {  	s10 =	rddreg [dreg:$0xa];
	[sflag:s5] =	ssyncadd.s32 $0xFFFFC000  }
0x2d: {  	[hbm4b:s10+s2] =	stream.linear.scatter [tilespmem:s26], [sflag:$0xF], $0x4000, $0x38;
	[tilespmem:$0x18300] =	vst v63  }
0x2e: {  	s11 =	rddreg [dreg:$0xb];
	s10 =	simm.s32 $0x11  }
0x2f: {  	[hbm4b:s11+s2] =	stream.linear.scatter [tilespmem:s28], [sflag:$0x10], $0x4000, $0x38;
	[tilespmem:$0x18300] =	vst v63  }
0x30: {  	_ =	swait.ge [sflag:s10], $0x4000  }
0x31: {  	[sflag:s10] =	ssyncset.done $0x0  }
0x32: {  	s20 =	simm.s32 $0x12;
	[sflag:s10] =	ssyncadd.s32 $0xFFFFC000  }
0x33: {  	_ =	swait.ge [sflag:s20], $0x4000  }
0x34: {  	[sflag:s20] =	ssyncset.done $0x0  }
0x35: {  	s24 =	simm.s32 $0xD;
	[sflag:s20] =	ssyncadd.s32 $0xFFFFC000  }
0x36: {  	_ =	swait.ge [sflag:s24], $0x4000  }
0x37: {  	[sflag:s24] =	ssyncset.done $0x0  }
0x38: {  	s11 =	simm.s32 $0xE;
	[sflag:s24] =	ssyncadd.s32 $0xFFFFC000  }
0x39: {  	_ =	swait.ge [sflag:s11], $0x4000  }
0x3a: {  	[sflag:s11] =	ssyncset.done $0x0  }
0x3b: {  	s15 =	simm.s32 $0xF;
	[sflag:s11] =	ssyncadd.s32 $0xFFFFC000  }
0x3c: {  	_ =	swait.ge [sflag:s15], $0x4000  }
0x3d: {  	[sflag:s15] =	ssyncset.done $0x0  }
0x3e: {  	s20 =	simm.s32 $0x10;
	[sflag:s15] =	ssyncadd.s32 $0xFFFFC000  }
0x3f: {  	_ =	swait.ge [sflag:s20], $0x4000  }
0x40: {  	s11 =	rddreg [dreg:$0xf]  }
0x41: {  	s24 =	rddreg [dreg:$0xc];
	s11 =	sadd.s32 $0x1, s11  }
0x42: {  	p0 =	sne.s32 s11, s24  }
.Ltmp1:
0x43: {  	_ = 	snop;
	(pc) =	sbr.rel @!p0 .LBB2_12-.Ltmp1, $3  }
0x44: {  	_ =	sdelay $0x1  }
0x45: {  	[sflag:s20] =	ssyncset.done $0x0  }
0x46: {  	[sflag:s20] =	ssyncadd.s32 $0xFFFFC000  }
.LBB2_1:
0x47: {  	[dreg:$0xf] =	wrdreg s11  }
0x48: {  	s15 =	rddreg [dreg:$0x2];
	s20 =	simm.s32 $0x13  }
0x49: {  	[tilespmem:s2], [sflag:$0x13] =	stream.linear.gather [hbm4b:s15+s2], $0x80, $0x38;
	[tilespmem:$0x18300] =	vst v63  }
0x4a: {  	_ =	swait.ge [sflag:s20], $0x80  }
0x4b: {  	[sflag:s20] =	ssyncset.done $0x0  }
0x4c: {  	s11 =	rddreg [dreg:$0x3];
	[sflag:s20] =	ssyncadd.s32 $0xFFFFFF80  }
0x4d: {  	[tilespmem:s21], [sflag:$0x13] =	stream.linear.gather [hbm4b:s11+s2], $0x80, $0x38;
	[tilespmem:$0x18300] =	vst v63  }
0x4e: {  	_ =	swait.ge [sflag:s20], $0x80  }
0x4f: {  	[sflag:s20] =	ssyncset.done $0x0  }
0x50: {  	[sflag:s20] =	ssyncadd.s32 $0xFFFFFF80  }
0x51: {  	[tilespmem:s22], [sflag:$0x7] =	stream.indirect.gather [hbm4b:s3+s21], $0x80, s2, s21, $0xb8;
	[tilespmem:$0x18300] =	vst v63  }
0x52: {  	_ = 	snop  }
0x53: {  	[tilespmem:s23], [sflag:$0x8] =	stream.indirect.gather [hbm4b:s4+s21], $0x80, s21, s21, $0xb8;
	[tilespmem:$0x18300] =	vst v63  }
0x54: {  	s11 =	simm.s32 $0x100;
	s24 =	rddreg [dreg:$0x4]  }
0x55: {  	[tilespmem:s11], [sflag:$0x13] =	stream.linear.gather [hbm4b:s24+s2], $0x80, $0x38;
	[tilespmem:$0x18300] =	vst v63  }
0x56: {  	_ =	swait.ge [sflag:s20], $0x80  }
0x57: {  	[sflag:s20] =	ssyncset.done $0x0  }
0x58: {  	s24 =	simm.s32 $0x180;
	s23 =	rddreg [dreg:$0x5];
	[sflag:s20] =	ssyncadd.s32 $0xFFFFFF80  }
0x59: {  	[tilespmem:s24], [sflag:$0x13] =	stream.linear.gather [hbm4b:s23+s2], $0x80, $0x38;
	[tilespmem:$0x18300] =	vst v63  }
0x5a: {  	_ =	swait.ge [sflag:s20], $0x80  }
0x5b: {  	[sflag:s20] =	ssyncset.done $0x0  }
0x5c: {  	[sflag:s20] =	ssyncadd.s32 $0xFFFFFF80  }
0x5d: {  	[tilespmem:s26], [sflag:$0x9] =	stream.indirect.gather [hbm4b:s3+s21], $0x80, s11, s21, $0xb8;
	[tilespmem:$0x18300] =	vst v63  }
0x5e: {  	s23 =	rddreg [dreg:$0x6]  }
0x5f: {  	[tilespmem:s28], [sflag:$0xA] =	stream.indirect.gather [hbm4b:s4+s21], $0x80, s24, s21, $0xb8;
	[tilespmem:$0x18300] =	vst v63  }
.Ltmp2:
0x60: {  	s15 =	rddreg [dreg:$0xe];
	(pc) =	sbr.rel .LBB2_2-.Ltmp2, $4  }
0x61: {  	s10 =	simm.s32 $0x4300;
	s22 =	simm.s32 $0x0;
	s20 =	rddreg [dreg:$0xd]  }
0x62: {  	[tilespmem:s29], [sflag:$0x5] =	stream.linear.gather [hbm4b:s23+s2], $0x80, $0x38;
	[tilespmem:$0x18300] =	vst v63  }
0x63: {  	s11 =	simm.s32 $0x180;
	s24 =	rddreg [dreg:$0x7];
	s23 =	simm.s32 $0x2  }
0x64: {  	[tilespmem:s30], [sflag:$0x6] =	stream.linear.gather [hbm4b:s24+s2], $0x80, $0x38;
	[tilespmem:$0x18300] =	vst v63  }
.LBB2_7:
0x65: {  	s24 =	sadd.s32 s22, s17  }
0x66: {  	[tilespmem:s14], [sflag:$0x3] =	stream.linear.gather [hbm4b:s24+s2], $0x80, $0x38;
	[tilespmem:$0x18300] =	vst v63  }
0x67: {  	s24 =	sadd.s32 s22, s16  }
0x68: {  	[tilespmem:s11], [sflag:$0x4] =	stream.linear.gather [hbm4b:s24+s2], $0x80, $0x38;
	[tilespmem:$0x18300] =	vst v63  }
.LBB2_10:
0x69: {  	s22 =	sadd.s32 $0x10, s22  }
0x6a: {  	p0 =	sne.s32 s22, $0x4E0  }
.Ltmp3:
0x6b: {  	_ = 	snop;
	(pc) =	sbr.rel @!p0 .LBB2_11-.Ltmp3, $2  }
0x6c: {  	_ =	sdelay $0x2  }
0x6d: {  	s23 =	sadd.s32 $0x1, s23;
	s20 =	sadd.s32 $0x800, s20;
	s15 =	sadd.s32 $0x800, s15  }
.LBB2_2:
0x6e: {  	s24 =	smul.u32 $0xAB, s23;
	_ =	sdelay $0x1  }
0x6f: {  	s24 =	sshrl.u32 s24, $0x9  }
0x70: {  	s24 =	sand.u32 $0x7F, s24  }
0x71: {  	s24 =	smul.u32 $0x3, s24;
	_ =	sdelay $0x1  }
0x72: {  	s24 =	ssub.s32 s23, s24  }
0x73: {  	s24 =	sand.u32 $0xFF, s24  }
0x74: {  	p0 =	seq.s32 s24, $0x0  }
.Ltmp4:
0x75: {  	_ = 	snop;
	(pc) =	sbr.rel @p0 .LBB2_6-.Ltmp4, $1  }
0x76: {  	_ =	sdelay $0x3  }
0x77: {  	p0 =	seq.s32 s24, $0x1  }
.Ltmp5:
0x78: {  	_ = 	snop;
	(pc) =	sbr.rel @p0 .LBB2_8-.Ltmp5, $1  }
0x79: {  	_ =	sdelay $0x3  }
0x7a: {  	_ =	swait.ge [sflag:s18], $0x80  }
0x7b: {  	[sflag:s18] =	ssyncset.done $0x0  }
0x7c: {  	[sflag:s18] =	ssyncadd.s32 $0xFFFFFF80  }
0x7d: {  	_ =	swait.ge [sflag:s19], $0x80  }
0x7e: {  	p0 =	slt.u32 s23, $0x3;
	[sflag:s19] =	ssyncset.done $0x0  }
0x7f: {  	s24 =	simm.s32 @!p0 $0x11;
	[sflag:s19] =	ssyncadd.s32 $0xFFFFFF80  }
0x80: {  	_ =	swait.ge @!p0 [sflag:s24], $0x4000  }
0x81: {  	[sflag:s24] =	ssyncset.done @!p0 $0x0  }
0x82: {  	[sflag:s24] =	ssyncadd.s32 @!p0 $0xFFFFC000;
	s24 =	simm.s32 @!p0 $0x12  }
0x83: {  	_ =	swait.ge @!p0 [sflag:s24], $0x4000  }
0x84: {  	[sflag:s24] =	ssyncset.done @!p0 $0x0  }
0x85: {  	[sflag:s24] =	ssyncadd.s32 @!p0 $0xFFFFC000;
	s24 =	simm.s32 $0x10300  }
0x86: {  	[tilespmem:s24], [sflag:$0xB] =	stream.indirect.gather [hbm4b:s3+s21], $0x80, s29, s21, $0xb8;
	[tilespmem:$0x18300] =	vst v63  }
0x87: {  	s24 =	simm.s32 $0x14300  }
0x88: {  	[tilespmem:s24], [sflag:$0xC] =	stream.indirect.gather [hbm4b:s4+s21], $0x80, s30, s21, $0xb8;
	[tilespmem:$0x18300] =	vst v63  }
0x89: {  	_ =	swait.ge [sflag:s12], $0x4000  }
0x8a: {  	[sflag:s12] =	ssyncset.done $0x0  }
0x8b: {  	[sflag:s12] =	ssyncadd.s32 $0xFFFFC000  }
0x8c: {  	p0 =	seq.s32 s22, $0x4D0;
	_ =	swait.ge [sflag:s13], $0x4000  }
.Ltmp6:
0x8d: {  	[sflag:s13] =	ssyncset.done $0x0;
	(pc) =	sbr.rel @p0 .LBB2_11-.Ltmp6, $4  }
0x8e: {  	[sflag:s13] =	ssyncadd.s32 $0xFFFFC000  }
0x8f: {  	[hbm4b:s20+s2] =	stream.linear.scatter [tilespmem:s25], [sflag:$0xD], $0x4000, $0x38;
	[tilespmem:$0x18300] =	vst v63  }
0x90: {  	_ = 	snop  }
0x91: {  	[hbm4b:s15+s2] =	stream.linear.scatter [tilespmem:s10], [sflag:$0xE], $0x4000, $0x38;
	[tilespmem:$0x18300] =	vst v63  }
.Ltmp7:
0x92: {  	(pc) =	sbr.rel .LBB2_10-.Ltmp7, $4  }
0x93: {  	s24 =	sadd.s32 s22, s17  }
0x94: {  	[tilespmem:s2], [sflag:$0x1] =	stream.linear.gather [hbm4b:s24+s2], $0x80, $0x38;
	[tilespmem:$0x18300] =	vst v63  }
0x95: {  	s24 =	sadd.s32 s22, s16  }
0x96: {  	[tilespmem:s21], [sflag:$0x2] =	stream.linear.gather [hbm4b:s24+s2], $0x80, $0x38;
	[tilespmem:$0x18300] =	vst v63  }
.LBB2_6:
0x97: {  	_ =	swait.ge [sflag:s31], $0x80  }
0x98: {  	[sflag:s31] =	ssyncset.done $0x0  }
0x99: {  	[sflag:s31] =	ssyncadd.s32 $0xFFFFFF80  }
0x9a: {  	_ =	swait.ge [sflag:s0], $0x80  }
0x9b: {  	p0 =	slt.u32 s23, $0x3;
	[sflag:s0] =	ssyncset.done $0x0  }
0x9c: {  	s24 =	simm.s32 @!p0 $0xD;
	[sflag:s0] =	ssyncadd.s32 $0xFFFFFF80  }
0x9d: {  	_ =	swait.ge @!p0 [sflag:s24], $0x4000  }
0x9e: {  	[sflag:s24] =	ssyncset.done @!p0 $0x0  }
0x9f: {  	[sflag:s24] =	ssyncadd.s32 @!p0 $0xFFFFC000;
	s24 =	simm.s32 @!p0 $0xE  }
0xa0: {  	_ =	swait.ge @!p0 [sflag:s24], $0x4000  }
0xa1: {  	[sflag:s24] =	ssyncset.done @!p0 $0x0  }
0xa2: {  	[sflag:s24] =	ssyncadd.s32 @!p0 $0xFFFFC000  }
0xa3: {  	[tilespmem:s25], [sflag:$0x7] =	stream.indirect.gather [hbm4b:s3+s21], $0x80, s2, s21, $0xb8;
	[tilespmem:$0x18300] =	vst v63  }
0xa4: {  	_ = 	snop  }
0xa5: {  	[tilespmem:s10], [sflag:$0x8] =	stream.indirect.gather [hbm4b:s4+s21], $0x80, s21, s21, $0xb8;
	[tilespmem:$0x18300] =	vst v63  }
0xa6: {  	_ =	swait.ge [sflag:s1], $0x4000  }
0xa7: {  	[sflag:s1] =	ssyncset.done $0x0  }
0xa8: {  	[sflag:s1] =	ssyncadd.s32 $0xFFFFC000  }
0xa9: {  	p0 =	seq.s32 s22, $0x4D0;
	_ =	swait.ge [sflag:s5], $0x4000  }
.Ltmp8:
0xaa: {  	[sflag:s5] =	ssyncset.done $0x0;
	(pc) =	sbr.rel @!p0 .LBB2_7-.Ltmp8, $4  }
0xab: {  	[sflag:s5] =	ssyncadd.s32 $0xFFFFC000  }
0xac: {  	[hbm4b:s20+s2] =	stream.linear.scatter [tilespmem:s26], [sflag:$0xF], $0x4000, $0x38;
	[tilespmem:$0x18300] =	vst v63  }
0xad: {  	_ = 	snop  }
0xae: {  	[hbm4b:s15+s2] =	stream.linear.scatter [tilespmem:s28], [sflag:$0x10], $0x4000, $0x38;
	[tilespmem:$0x18300] =	vst v63  }
.LBB2_8:
0xaf: {  	_ =	swait.ge [sflag:s6], $0x80  }
0xb0: {  	[sflag:s6] =	ssyncset.done $0x0  }
0xb1: {  	[sflag:s6] =	ssyncadd.s32 $0xFFFFFF80  }
0xb2: {  	_ =	swait.ge [sflag:s7], $0x80  }
0xb3: {  	p0 =	slt.u32 s23, $0x3;
	[sflag:s7] =	ssyncset.done $0x0  }
0xb4: {  	s24 =	simm.s32 @!p0 $0xF;
	[sflag:s7] =	ssyncadd.s32 $0xFFFFFF80  }
0xb5: {  	_ =	swait.ge @!p0 [sflag:s24], $0x4000  }
0xb6: {  	[sflag:s24] =	ssyncset.done @!p0 $0x0  }
0xb7: {  	[sflag:s24] =	ssyncadd.s32 @!p0 $0xFFFFC000;
	s24 =	simm.s32 @!p0 $0x10  }
0xb8: {  	_ =	swait.ge @!p0 [sflag:s24], $0x4000  }
0xb9: {  	[sflag:s24] =	ssyncset.done @!p0 $0x0  }
0xba: {  	[sflag:s24] =	ssyncadd.s32 @!p0 $0xFFFFC000  }
0xbb: {  	[tilespmem:s26], [sflag:$0x9] =	stream.indirect.gather [hbm4b:s3+s21], $0x80, s14, s21, $0xb8;
	[tilespmem:$0x18300] =	vst v63  }
0xbc: {  	_ = 	snop  }
0xbd: {  	[tilespmem:s28], [sflag:$0xA] =	stream.indirect.gather [hbm4b:s4+s21], $0x80, s11, s21, $0xb8;
	[tilespmem:$0x18300] =	vst v63  }
0xbe: {  	_ =	swait.ge [sflag:s8], $0x4000  }
0xbf: {  	[sflag:s8] =	ssyncset.done $0x0  }
0xc0: {  	[sflag:s8] =	ssyncadd.s32 $0xFFFFC000  }
0xc1: {  	p0 =	seq.s32 s22, $0x4D0;
	_ =	swait.ge [sflag:s9], $0x4000  }
.Ltmp9:
0xc2: {  	[sflag:s9] =	ssyncset.done $0x0;
	(pc) =	sbr.rel @p0 .LBB2_11-.Ltmp9, $4  }
0xc3: {  	s24 =	simm.s32 $0x10300;
	[sflag:s9] =	ssyncadd.s32 $0xFFFFC000  }
0xc4: {  	[hbm4b:s20+s2] =	stream.linear.scatter [tilespmem:s24], [sflag:$0x11], $0x4000, $0x38;
	[tilespmem:$0x18300] =	vst v63  }
0xc5: {  	s24 =	simm.s32 $0x14300  }
0xc6: {  	[hbm4b:s15+s2] =	stream.linear.scatter [tilespmem:s24], [sflag:$0x12], $0x4000, $0x38;
	[tilespmem:$0x18300] =	vst v63  }
.Ltmp10:
0xc7: {  	(pc) =	sbr.rel .LBB2_10-.Ltmp10, $4  }
0xc8: {  	s24 =	sadd.s32 s22, s17  }
0xc9: {  	[tilespmem:s29], [sflag:$0x5] =	stream.linear.gather [hbm4b:s24+s2], $0x80, $0x38;
	[tilespmem:$0x18300] =	vst v63  }
0xca: {  	s24 =	sadd.s32 s22, s16  }
0xcb: {  	[tilespmem:s30], [sflag:$0x6] =	stream.linear.gather [hbm4b:s24+s2], $0x80, $0x38;
	[tilespmem:$0x18300] =	vst v63  }
.LBB2_12:
0xcc: {  	_ =	sfence.sel $0x180000  }
0xcd: {  	[bflag:$0x0] =	sbarrier.arrive $0xFFFF  }
0xce: {  	_ =	strace $0x90000056  }
0xcf: {  	s0 =	stileid.u32;
	[bflag:$0x2] =	sbarrier.arrive $0xFFFF  }
0xd0: {  	p0 =	sne.s32 s0, $0x0;
	s0 =	rddreg [dreg:$0x1]  }
0xd1: {  	s0 =	sadd.s32 @!p0 $0x100000, s0  }
0xd2: {  	[sflag:s0] =	ssyncadd.tile.s32 @!p0 $0x1;
	_ =	shalt  }
.Lfunc_end2:
_tile_overlayer_lowered:
.L_overlay_start_2:
0xd3: {  	(tag) =	ssettag $0x2  }
0xd4: {  	s0 =	rddreg [dreg:$0x0];
	s2 =	stileid.u32  }
0xd5: {  	s1 =	rddreg [dreg:$0x1];
	p0 =	sne.s32 s2, $0x0  }
0xd6: {  	s3 =	rddreg [dreg:$0x2];
	[bflag:$0x3] =	sbarrier.arrive $0xFFFF;
	s2 =	simm.s32 @!p0 $0x1C13  }
0xd7: {  	[timem:s3], [sflag:s2] =	dma.local @!p0 [hbm:s0], s1  }
0xd8: {  	s0 =	simm.s32 @!p0 $0x13  }
0xd9: {  	_ =	swait.ge @!p0 [sflag:s0], s1  }
0xda: {  	s1 =	ssub.s32 @!p0 $0x0, s1;
	[sflag:s0] =	ssyncset.done @!p0 $0x0  }
0xdb: {  	[sflag:s0] =	ssyncadd.s32 @!p0 s1  }
0xdc: {  	[bflag:$0x3] =	sbarrier.arrive $0xFFFF  }
0xdd: {  	_ =	shalt  }

// kernel: kernel.39.cloned.1.call-start
scs
__scs_entry_jumppad:
0x0: {  	(pc) =	sbr.rel $0x88, $3  }
0x1: {  	(tag) =	ssettag $0x0;
	lr =	simm.s32 $0x1  }
0x2: {  	[smem:$0x3F61] =	sst lr;
	_ =	strace $0xD0000000  }
0x3: {  	_ = 	snop  }
0x4: {  	_ = 	snop  }
0x5: {  	_ = 	snop  }
0x6: {  	_ = 	snop  }
0x7: {  	_ = 	snop  }
__scs_overlays_trampoline_lowered:
0x8: {  	[smem:$0x3F70] =	sst s0  }
0x9: {  	[smem:$0x3F71] =	sst s1  }
0xa: {  	[smem:$0x3F72] =	sst s2  }
0xb: {  	[smem:$0x3F73] =	sst s3  }
0xc: {  	[smem:$0x3F74] =	sst s4  }
0xd: {  	[smem:$0x3F75] =	sst s5  }
0xe: {  	[smem:$0x3F76] =	sst s6  }
0xf: {  	[smem:$0x3F77] =	sst s7  }
0x10: {  	[smem:$0x3F78] =	sst s8  }
0x11: {  	[smem:$0x3F79] =	sst s9;
	s0 =	simm.s32 @!p0 $0x0  }
0x12: {  	s1 =	sld [smem:$0x3F5F];
	s0 =	simm.s32 @p0 $0x1  }
0x13: {  	[smem:$0x3F7A] =	sst s0;
	s0 =	simm.s32 @!p1 $0x0  }
0x14: {  	s2 =	sld [smem:$0x3F5E];
	s0 =	simm.s32 @p1 $0x1  }
0x15: {  	[smem:$0x3F7B] =	sst s0;
	s0 =	simm.s32 @!p2 $0x0  }
0x16: {  	s3 =	sld [smem:$0x3FDB];
	s0 =	simm.s32 @p2 $0x1  }
0x17: {  	s4 =	simm.s32 $0x1BF5;
	[smem:$0x3F7D] =	sst s0  }
0x18: {  	s0 =	sld [smem:$0x3F60];
	_ =	swait.ge [sflag:s4], $0x0  }
0x19: {  	s7 =	sld [smem:$0x3F61]  }
0x1a: {  	s8 =	sadd.s32 $0xFFFFE003, lr  }
0x1b: {  	s9 =	sadd.s32 $0xFFFFFEF7, lr;
	s5 =	simm.s32 $0xFFFFFFFF;
	p2 =	slt.u32 s8, $0xFFFFF086  }
0x1c: {  	p1 =	slt.u32 s9, $0xF7A;
	s5 =	simm.s32 @!p2 $0x0  }
0x1d: {  	s5 =	simm.s32 @p1 $0x1;
	p0 =	seq.s32 s7, s2  }
0x1e: {  	s7 =	smul.u32 @!p0 $0xF7A, s2;
	p2 =	seq.s32 @!p0 s5, $0x0  }
0x1f: {  	s9 =	smul.u32 $0xF7A, s1;
	s8 =	simm.s32 @!p0 $0x1BF5;
	p2 =	por !p2, p0  }
0x20: {  	[sflag:s8] =	ssyncset.s32 @!p0 $0xFFFFF086;
	s6 =	sadd.s32 @!p0 s3, s7;
	s7 =	simm.s32 @!p0 $0x108  }
0x21: {  	s3 =	sadd.s32 s3, s9;
	s6 =	sadd.s32 @!p0 $0x88, s6;
	s7 =	simm.s32 @p2 $0x1082  }
0x22: {  	[simem:s7], [sflag:s8] =	dma.local @!p0 [hbm:s6], $0xF7A  }
0x23: {  	s9 =	sor.u32 $0xD0000000, s2;
	s6 =	simm.s32 $0x108;
	_ =	swait.ge @!p0 [sflag:s8], $0x0  }
0x24: {  	s3 =	sadd.s32 $0x88, s3;
	s6 =	simm.s32 @!p1 $0x1082;
	[sflag:s4] =	ssyncset.s32 $0xFFFFF086  }
0x25: {  	[simem:s6], [sflag:s4] =	dma.local [hbm:s3], $0xF7A  }
0x26: {  	[smem:$0x3F61] =	sst s1;
	(tag) =	ssettag s2;
	_ =	strace s9  }
0x27: {  	s1 =	sld [smem:$0x3F71]  }
0x28: {  	s2 =	sld [smem:$0x3F72]  }
0x29: {  	s4 =	sld [smem:$0x3F74]  }
0x2a: {  	p0 =	seq.s32 s5, $0x0;
	s5 =	sld [smem:$0x3F75]  }
0x2b: {  	s6 =	sld [smem:$0x3F76]  }
0x2c: {  	s7 =	sld [smem:$0x3F77]  }
0x2d: {  	s3 =	simm.s32 $0x108;
	s8 =	sld [smem:$0x3F78]  }
0x2e: {  	s3 =	simm.s32 @!p0 $0x1082;
	s9 =	sld [smem:$0x3F79]  }
0x2f: {  	lr =	sadd.s32 s0, s3;
	s0 =	sld [smem:$0x3F70]  }
0x30: {  	s3 =	sld [smem:$0x3F73]  }
0x31: {  	[smem:$0x3F7C] =	sst s10  }
0x32: {  	s10 =	sld [smem:$0x3F7A];
	_ =	sdelay $0x3  }
0x33: {  	p0 =	seq.s32 s10, $0x1;
	s10 =	sld [smem:$0x3F7C];
	_ =	sdelay $0x3  }
0x34: {  	[smem:$0x3F7C] =	sst s10  }
0x35: {  	s10 =	sld [smem:$0x3F7B];
	_ =	sdelay $0x3  }
0x36: {  	p1 =	seq.s32 s10, $0x1;
	s10 =	sld [smem:$0x3F7C];
	_ =	sdelay $0x3  }
0x37: {  	[smem:$0x3F7C] =	sst s10  }
0x38: {  	s10 =	sld [smem:$0x3F7D]  }
0x39: {  	_ = 	snop;
	(pc) =	sbr.ind lr, $3  }
0x3a: {  	_ = 	snop  }
0x3b: {  	_ = 	snop  }
0x3c: {  	p2 =	seq.s32 s10, $0x1;
	s10 =	sld [smem:$0x3F7C]  }
0x3d: {  	_ =	shalt  }
0x3e: {  	_ =	shalt  }
0x3f: {  	_ =	shalt  }
0x40: {  	_ =	shalt  }
0x41: {  	_ =	shalt  }
0x42: {  	_ =	shalt  }
0x43: {  	_ =	shalt  }
0x44: {  	_ =	shalt  }
0x45: {  	_ =	shalt  }
0x46: {  	_ =	shalt  }
0x47: {  	_ =	shalt  }
0x48: {  	_ =	shalt  }
0x49: {  	_ =	shalt  }
0x4a: {  	_ =	shalt  }
0x4b: {  	_ =	shalt  }
0x4c: {  	_ =	shalt  }
0x4d: {  	_ =	shalt  }
0x4e: {  	_ =	shalt  }
0x4f: {  	_ =	shalt  }
0x50: {  	_ =	shalt  }
0x51: {  	_ =	shalt  }
0x52: {  	_ =	shalt  }
0x53: {  	_ =	shalt  }
0x54: {  	_ =	shalt  }
0x55: {  	_ =	shalt  }
0x56: {  	_ =	shalt  }
0x57: {  	_ =	shalt  }
0x58: {  	_ =	shalt  }
0x59: {  	_ =	shalt  }
0x5a: {  	_ =	shalt  }
0x5b: {  	_ =	shalt  }
0x5c: {  	_ =	shalt  }
0x5d: {  	_ =	shalt  }
0x5e: {  	_ =	shalt  }
0x5f: {  	_ =	shalt  }
0x60: {  	_ =	shalt  }
0x61: {  	_ =	shalt  }
0x62: {  	_ =	shalt  }
0x63: {  	_ =	shalt  }
0x64: {  	_ =	shalt  }
0x65: {  	_ =	shalt  }
0x66: {  	_ =	shalt  }
0x67: {  	_ =	shalt  }
0x68: {  	_ =	shalt  }
0x69: {  	_ =	shalt  }
0x6a: {  	_ =	shalt  }
0x6b: {  	_ =	shalt  }
0x6c: {  	_ =	shalt  }
0x6d: {  	_ =	shalt  }
0x6e: {  	_ =	shalt  }
0x6f: {  	_ =	shalt  }
0x70: {  	_ =	shalt  }
0x71: {  	_ =	shalt  }
0x72: {  	_ =	shalt  }
0x73: {  	_ =	shalt  }
0x74: {  	_ =	shalt  }
0x75: {  	_ =	shalt  }
0x76: {  	_ =	shalt  }
0x77: {  	_ =	shalt  }
0x78: {  	_ =	shalt  }
0x79: {  	_ =	shalt  }
0x7a: {  	_ =	shalt  }
0x7b: {  	_ =	shalt  }
0x7c: {  	_ =	shalt  }
0x7d: {  	_ =	shalt  }
0x7e: {  	_ =	shalt  }
0x7f: {  	_ =	shalt  }
0x80: {  	_ =	shalt  }
0x81: {  	_ =	shalt  }
0x82: {  	_ =	shalt  }
0x83: {  	_ =	shalt  }
0x84: {  	_ =	shalt  }
0x85: {  	_ =	shalt  }
0x86: {  	_ =	shalt  }
0x87: {  	_ =	shalt  }
.Lfunc_end0:
.L_simem_size_0:
called_computation.6_lowered:
.L_overlay_start_0:
0x88: {  	s2 =	sld [smem:$0x3FD9]  }
0x89: {  	s3 =	sld [smem:$0x3FFE];
	_ =	sdelay $0x1  }
0x8a: {  	s1 =	srdreg.scid  }
0x8b: {  	s0 =	sand.u32 $0x1, s1  }
0x8c: {  	s16 =	sshll.u32 s0, $0xA;
	s2 =	sadd.s32 s3, s2  }
0x8d: {  	s2 =	sadd.s32 s2, s16  }
0x8e: {  	[smem:$0x3F88] =	sst s2  }
0x8f: {  	_ = 	snop  }
0x90: {  	(tm) =	ssettm $0x1  }
0x91: {  	s17 =	sld [smem:$0x3FFB];
	_ =	sdelay $0x3  }
0x92: {  	_ =	strace s17  }
0x93: {  	s2 =	sld [smem:$0x3FFC];
	_ =	sdelay $0x3  }
0x94: {  	_ =	strace s2  }
0x95: {  	s2 =	sld [smem:$0x3FFD];
	_ =	sdelay $0x3  }
0x96: {  	_ =	strace s2  }
0x97: {  	_ =	strace $0x8FFFFFFF  }
0x98: {  	s18 =	sld [smem:$0x3FDB];
	_ =	sdelay $0x1  }
0x99: {  	s19 =	simm.s32 $_scs_section_size  }
0x9a: {  	s4 =	simm.s32 $_size__tile_overlayer_lowered;
	s5 =	simm.s32 $_tile_overlayer_lowered  }
0x9b: {  	s22 =	simm.s32 $0x1BFF;
	s21 =	sshll.u32 s5, $0x1;
	s2 =	sadd.s32 s19, s18  }
0x9c: {  	s6 =	simm.s32 $0x0;
	s20 =	sshll.u32 s4, $0x1;
	s4 =	sadd.s32 s21, s2  }
0x9d: {  	[timem:s6], [sflag:s22] =	dma.local [hbm:s4], s20  }
0x9e: {  	_ =	swait.ge [sflag:s22], s20  }
0x9f: {  	s3 =	ssub.s32 $0x0, s20;
	[sflag:s22] =	ssyncset.done $0x0  }
0xa0: {  	[sflag:s22] =	ssyncadd.s32 s3;
	_ =	sdelay $0x1  }
0xa1: {  	s23 =	simm.s32 $0x1B8B  }
0xa2: {  	_ =	swait.ge [sflag:s23], $0x1  }
0xa3: {  	[sflag:s23] =	ssyncset.done $0x0  }
0xa4: {  	s25 =	simm.s32 $0x1B8E;
	s24 =	sld [smem:$0x3FFE];
	[sflag:s23] =	ssyncadd.s32 $0xFFFFFFFF  }
0xa5: {  	s26 =	simm.s32 $execute0_lowered;
	[smem:$0x3FD2] =	sst s25  }
0xa6: {  	s4 =	sshll.u32 s26, $0x1;
	_ =	strace $0x80000058;
	[dreg:$0x1] =	wrdreg $0xFFFFFFFF  }
0xa7: {  	s28 =	simm.s32 $_size_execute0_lowered;
	s2 =	sadd.s32 s2, s4;
	[dreg:$0x0] =	wrdreg $0x0  }
0xa8: {  	s4 =	sshll.u32 s28, $0x1;
	[dreg:$0x2] =	wrdreg s2  }
0xa9: {  	[dreg:$0x3] =	wrdreg s4  }
0xaa: {  	[dreg:$0x4] =	wrdreg $0xC0  }
0xab: {  	_ =	task [dreg:s6], $0x5FFFF  }
0xac: {  	[dreg:$0x1] =	wrdreg $0xFFFFFFFF  }
0xad: {  	[dreg:$0x0] =	wrdreg $0x60  }
0xae: {  	[dreg:$0x2] =	wrdreg s24  }
0xaf: {  	[dreg:$0x3] =	wrdreg $0x81000  }
0xb0: {  	[dreg:$0x4] =	wrdreg $0x9  }
0xb1: {  	_ =	task.clear_ibuf [dreg:s6], $0x5FFFF;
	_ =	strace $0x90000058  }
0xb2: {  	s29 =	simm.s32 $0x9;
	_ =	strace $0x8000005A  }
0xb3: {  	_ =	swait.ge [sflag:s29], $0x1  }
0xb4: {  	[sflag:s29] =	ssyncadd.s32 $0xFFFFFFFF  }
0xb5: {  	_ =	strace $0x9000005A  }
0xb6: {  	_ =	sfence  }
0xb7: {  	s30 =	sld [smem:$0x0];
	_ =	sdelay $0x2  }
0xb8: {  	s31 =	sshll.u32 s1, $0xD;
	s1 =	sshrl.u32 s1, $0x2  }
0xb9: {  	s3 =	sand.u32 $0x4000, s31;
	s1 =	sadd.s32 s1, s30  }
0xba: {  	s0 =	sor.u32 s3, s0;
	s1 =	sshll.u32 s1, $0x11  }
0xbb: {  	s0 =	sor.u32 s1, s0  }
0xbc: {  	s0 =	sadd.s32 $0x8F2B, s0  }
0xbd: {  	[sflag:s0] =	ssyncadd.remote.s32 $0x1  }
0xbe: {  	_ =	sfence.sel $0xFFFF  }
0xbf: {  	[dreg:$0x0] =	wrdreg $0xFFFFFFFF;
	(pc) =	sbr.abs _section_cstart, $3  }
0xc0: {  	[dreg:$0x1] =	wrdreg $0xFFFFFFFF  }
0xc1: {  	_ =	task.clear_ibuf [dreg:s6], $0x2FFFF;
	_ =	strace $0x9FFFFFFF  }
0xc2: {  	(tm) =	ssettm $0x7FFFFFFF  }
0xc3: {  	_ =	shalt  }
tec
execute0_lowered:
.L_overlay_start_1:
0x0: {  	(tag) =	ssettag $0x1  }
0x1: {  	s5 =	rddreg [dreg:$0x0]  }
0x2: {  	s2 =	rddreg [dreg:$0x1]  }
0x3: {  	s0 =	rddreg [dreg:$0x2];
	s3 =	simm.s32 $0x0;
	s1 =	stileid.u32  }
0x4: {  	s4 =	srdreg.scid;
	s20 =	simm.s32 $0x4100;
	s13 =	smul.u32 $0x4E000, s1  }
0x5: {  	s21 =	simm.s32 $0x0;
	[smem:$0x7FF] =	sst s3;
	s26 =	smul.u32 $0x13800, s1  }
0x6: {  	s9 =	sand.u32 $0x1, s4;
	s22 =	sshll.u32 s1, $0x1;
	s29 =	smul.u32 $0x5000, s1  }
0x7: {  	s10 =	sadd.s32 $0xACB000, s5;
	s12 =	sadd.s32 $0xDA00, s5;
	s19 =	smul.u32 $0x50000, s1  }
0x8: {  	s4 =	sadd.s32 $0x17A00, s5;
	s11 =	sadd.s32 $0xA3E00, s5;
	s15 =	smul.u32 $0x138800, s9  }
0x9: {  	s28 =	sshll.u32 s1, $0x6;
	s17 =	sadd.s32 $0x138000, s2;
	s18 =	smul.u32 $0x2800, s9  }
0xa: {  	p0 =	sne.s32 s1, $0xF;
	s6 =	sor.u32 s9, s22;
	s30 =	smul.u32 $0x28000, s9  }
0xb: {  	_ =	strace $0x80000059;
	s8 =	ssub.s32 $0x2, s9;
	s7 =	smul.u32 $0x2800, s6  }
0xc: {  	s6 =	smul.u32 $0x28000, s6;
	s23 =	sshrl.u32 s8, $0x1;
	s25 =	sshrl.u32 s13, $0x2  }
0xd: {  	s31 =	sadd.s32 s19, s10;
	s19 =	simm.s32 $0x80;
	s14 =	ssub.s32 s8, s23  }
0xe: {  	s16 =	sadd.s32 s25, s2;
	s8 =	sadd.s32 s26, s15;
	s15 =	sshrl.u32 s15, $0x3  }
0xf: {  	s13 =	sadd.s32 s18, s29;
	s18 =	simm.s32 $0x4;
	s24 =	sshrl.u32 s7, $0x3  }
0x10: {  	s6 =	sadd.s32 s10, s6;
	s7 =	sor.u32 $0x1C05, s28;
	s8 =	sshrl.u32 s8, $0x3  }
0x11: {  	s13 =	sor.u32 $0x80, s13;
	s10 =	smax.u32 s14, $0x1;
	s14 =	sshrl.u32 s16, $0x3  }
0x12: {  	s16 =	sshrl.u32 @!p0 s17, $0x3;
	s17 =	simm.s32 $0x3;
	s5 =	sadd.s32 s12, s24  }
0x13: {  	s8 =	sadd.s32 s11, s8;
	s11 =	sadd.s32 s11, s15;
	s13 =	sshrl.u32 s13, $0x3  }
0x14: {  	s15 =	simm.s32 $0x5;
	s9 =	sadd.s32 $0x27000, s11;
	s11 =	sadd.s32 s30, s31  }
0x15: {  	s12 =	sadd.s32 s13, s12;
	s13 =	simm.s32 $0x100;
	s11 =	sadd.s32 $0x800, s11  }
.LBB2_1:
0x16: {  	[tilespmem:s3], [sflag:$0x1] =	stream.linear.gather [hbm4b:s5+s3], $0x80, $0x38;
	[tilespmem:$0x1BA00] =	vst v63  }
0x17: {  	_ = 	snop  }
0x18: {  	[tilespmem:s13], [sflag:$0x2] =	stream.linear.gather [hbm4b:s6+s3], $0x4000, $0x38;
	[tilespmem:$0x1BA00] =	vst v63  }
0x19: {  	[spmem:s14], [sflag:s7] =	dma.local [hbm:s4], $0x2700  }
0x1a: {  	_ =	swait.ge [sflag:s15], $0x2700  }
0x1b: {  	[sflag:s15] =	ssyncset.done $0x0  }
0x1c: {  	s22 =	simm.s32 @!p0 $0x5;
	[sflag:s15] =	ssyncadd.s32 $0xFFFFD900  }
0x1d: {  	[spmem:s16], [sflag:s7] =	dma.local @!p0 [hbm:s4], $0x100  }
0x1e: {  	_ =	swait.ge @!p0 [sflag:s22], $0x100  }
0x1f: {  	s23 =	sand.u32 $0x1, s3;
	[sflag:s22] =	ssyncset.done @!p0 $0x0  }
0x20: {  	p1 =	seq.s32 s23, $0x1;
	[sflag:s22] =	ssyncadd.s32 @!p0 $0xFFFFFF00  }
0x21: {  	s22 =	simm.s32 @p1 $0x3;
	[bflag:$0x0] =	sbarrier.arrive $0xFFFF  }
0x22: {  	_ =	swait.ge @p1 [sflag:s22], $0x80  }
0x23: {  	[sflag:s22] =	ssyncset.done @p1 $0x0  }
0x24: {  	[sflag:s22] =	ssyncadd.s32 @p1 $0xFFFFFF80;
	s22 =	simm.s32 @p1 $0x4  }
0x25: {  	_ =	swait.ge @p1 [sflag:s22], $0x4000  }
0x26: {  	[sflag:s22] =	ssyncset.done @p1 $0x0  }
0x27: {  	[sflag:s22] =	ssyncadd.s32 @p1 $0xFFFFC000;
	s22 =	simm.s32 @p1 $0x0  }
0x28: {  	[tilespmem:s22], [sflag:$0x1] =	stream.linear.gather @p1 [hbm4b:s12+s22], $0x80, $0x38;
	[tilespmem:$0x1BA00] =	vst v63  }
0x29: {  	s23 =	simm.s32 @p1 $0x100  }
0x2a: {  	[tilespmem:s23], [sflag:$0x2] =	stream.linear.gather @p1 [hbm4b:s11+s22], $0x4000, $0x38;
	[tilespmem:$0x1BA00] =	vst v63  }
0x2b: {  	s24 =	simm.s32 @!p1 $0x1;
	s22 =	simm.s32 @p1 $0x80;
	s23 =	simm.s32 @p1 $0x4100  }
0x2c: {  	[spmem:s2] =	stream.indirect.scatter.add.f32 @p1 [tilespmem:s23], [sflag:$0x5], $0x80, s22, s22, $0xb8;
	[tilespmem:$0x1BA00] =	vst v63  }
0x2d: {  	_ =	swait.ge @!p1 [sflag:s24], $0x80  }
0x2e: {  	[sflag:s24] =	ssyncset.done @!p1 $0x0  }
0x2f: {  	s22 =	simm.s32 @!p1 $0x2;
	[sflag:s24] =	ssyncadd.s32 @!p1 $0xFFFFFF80  }
0x30: {  	_ =	swait.ge @!p1 [sflag:s22], $0x4000  }
0x31: {  	[sflag:s22] =	ssyncset.done @!p1 $0x0  }
0x32: {  	s23 =	simm.s32 @!p1 $0x80;
	[sflag:s22] =	ssyncadd.s32 @!p1 $0xFFFFC000;
	s22 =	simm.s32 @!p1 $0x0  }
0x33: {  	[tilespmem:s23], [sflag:$0x3] =	stream.linear.gather @!p1 [hbm4b:s12+s22], $0x80, $0x38;
	[tilespmem:$0x1BA00] =	vst v63  }
0x34: {  	s25 =	simm.s32 @!p1 $0x4100;
	s24 =	simm.s32 @!p1 $0x6  }
0x35: {  	[tilespmem:s25], [sflag:$0x4] =	stream.linear.gather @!p1 [hbm4b:s11+s22], $0x4000, $0x38;
	[tilespmem:$0x1BA00] =	vst v63  }
0x36: {  	s26 =	simm.s32 $0x1;
	s24 =	simm.s32 @p1 $0x5;
	s25 =	simm.s32 @!p1 $0x100  }
0x37: {  	[spmem:s2] =	stream.indirect.scatter.add.f32 @!p1 [tilespmem:s25], [sflag:$0x6], $0x80, s22, s23, $0xb8;
	[tilespmem:$0x1BA00] =	vst v63  }
0x38: {  	s26 =	sand.u32 $0x1, s26;
	s25 =	simm.s32 $0x2;
	_ =	swait.ge [sflag:s24], $0x4000  }
0x39: {  	s22 =	sadd.s32 $0x10, s12;
	s23 =	sadd.s32 $0x800, s11;
	[sflag:s24] =	ssyncset.done $0x0  }
.LBB2_2:
0x3a: {  	p2 =	seq.s32 s26, $0x1  }
0x3b: {  	[sflag:s24] =	ssyncadd.s32 $0xFFFFC000;
	s26 =	smov.u32 s25;
	s25 =	sadd.s32 $0x1, s25  }
0x3c: {  	p1 =	sne.s32 s25, $0x4F;
	s28 =	simm.s32 @p2 $0x3;
	s24 =	simm.s32 @!p2 $0x6  }
0x3d: {  	_ =	swait.ge @p2 [sflag:s28], $0x80  }
0x3e: {  	[sflag:s28] =	ssyncset.done @p2 $0x0  }
0x3f: {  	[sflag:s28] =	ssyncadd.s32 @p2 $0xFFFFFF80;
	s28 =	simm.s32 @p2 $0x4  }
0x40: {  	_ =	swait.ge @p2 [sflag:s28], $0x4000  }
0x41: {  	[sflag:s28] =	ssyncset.done @p2 $0x0  }
0x42: {  	[sflag:s28] =	ssyncadd.s32 @p2 $0xFFFFC000;
	s28 =	simm.s32 @p2 $0x0  }
0x43: {  	[tilespmem:s28], [sflag:$0x1] =	stream.linear.gather @p2 [hbm4b:s22+s28], $0x80, $0x38;
	[tilespmem:$0x1BA00] =	vst v63  }
0x44: {  	s29 =	simm.s32 @p2 $0x100  }
0x45: {  	[tilespmem:s29], [sflag:$0x2] =	stream.linear.gather @p2 [hbm4b:s23+s28], $0x4000, $0x38;
	[tilespmem:$0x1BA00] =	vst v63  }
0x46: {  	s30 =	simm.s32 @!p2 $0x1;
	s28 =	simm.s32 @p2 $0x80;
	s29 =	simm.s32 @p2 $0x4100  }
0x47: {  	[spmem:s2] =	stream.indirect.scatter.add.f32 @p2 [tilespmem:s29], [sflag:$0x5], $0x80, s28, s28, $0xb8;
	[tilespmem:$0x1BA00] =	vst v63  }
0x48: {  	_ =	swait.ge @!p2 [sflag:s30], $0x80  }
0x49: {  	[sflag:s30] =	ssyncset.done @!p2 $0x0  }
0x4a: {  	s28 =	simm.s32 @!p2 $0x2;
	[sflag:s30] =	ssyncadd.s32 @!p2 $0xFFFFFF80  }
0x4b: {  	_ =	swait.ge @!p2 [sflag:s28], $0x4000  }
0x4c: {  	[sflag:s28] =	ssyncset.done @!p2 $0x0  }
0x4d: {  	s29 =	simm.s32 @!p2 $0x80;
	[sflag:s28] =	ssyncadd.s32 @!p2 $0xFFFFC000;
	s28 =	simm.s32 @!p2 $0x0  }
0x4e: {  	[tilespmem:s29], [sflag:$0x3] =	stream.linear.gather @!p2 [hbm4b:s22+s28], $0x80, $0x38;
	[tilespmem:$0x1BA00] =	vst v63  }
0x4f: {  	s30 =	simm.s32 @!p2 $0x4100  }
0x50: {  	[tilespmem:s30], [sflag:$0x4] =	stream.linear.gather @!p2 [hbm4b:s23+s28], $0x4000, $0x38;
	[tilespmem:$0x1BA00] =	vst v63  }
.Ltmp0:
0x51: {  	_ = 	snop;
	(pc) =	sbr.rel @p1 .LBB2_2-.Ltmp0, $4  }
0x52: {  	s24 =	simm.s32 @p2 $0x5;
	s30 =	simm.s32 @!p2 $0x100  }
0x53: {  	[spmem:s2] =	stream.indirect.scatter.add.f32 @!p2 [tilespmem:s30], [sflag:$0x6], $0x80, s28, s29, $0xb8;
	[tilespmem:$0x1BA00] =	vst v63  }
0x54: {  	s22 =	sadd.s32 $0x10, s22;
	_ =	swait.ge [sflag:s24], $0x4000  }
0x55: {  	s26 =	sand.u32 $0x1, s26;
	s23 =	sadd.s32 $0x800, s23;
	[sflag:s24] =	ssyncset.done $0x0  }
0x56: {  	p1 =	seq.s32 s26, $0x1  }
0x57: {  	[sflag:s24] =	ssyncadd.s32 $0xFFFFC000;
	s24 =	simm.s32 @p1 $0x3  }
0x58: {  	_ =	swait.ge @p1 [sflag:s24], $0x80  }
0x59: {  	[sflag:s24] =	ssyncset.done @p1 $0x0  }
0x5a: {  	[sflag:s24] =	ssyncadd.s32 @p1 $0xFFFFFF80;
	s24 =	simm.s32 @p1 $0x4  }
0x5b: {  	_ =	swait.ge @p1 [sflag:s24], $0x4000  }
0x5c: {  	[sflag:s24] =	ssyncset.done @p1 $0x0  }
0x5d: {  	[sflag:s24] =	ssyncadd.s32 @p1 $0xFFFFC000;
	s24 =	simm.s32 @p1 $0x0  }
0x5e: {  	[tilespmem:s24], [sflag:$0x1] =	stream.linear.gather @p1 [hbm4b:s22+s24], $0x80, $0x38;
	[tilespmem:$0x1BA00] =	vst v63  }
0x5f: {  	s25 =	simm.s32 @p1 $0x100  }
0x60: {  	[tilespmem:s25], [sflag:$0x2] =	stream.linear.gather @p1 [hbm4b:s23+s24], $0x4000, $0x38;
	[tilespmem:$0x1BA00] =	vst v63  }
0x61: {  	s26 =	simm.s32 @!p1 $0x1;
	s24 =	simm.s32 @p1 $0x80;
	s25 =	simm.s32 @p1 $0x4100  }
0x62: {  	[spmem:s2] =	stream.indirect.scatter.add.f32 @p1 [tilespmem:s25], [sflag:$0x5], $0x80, s24, s24, $0xb8;
	[tilespmem:$0x1BA00] =	vst v63  }
0x63: {  	_ =	swait.ge @!p1 [sflag:s26], $0x80  }
0x64: {  	[sflag:s26] =	ssyncset.done @!p1 $0x0  }
0x65: {  	s24 =	simm.s32 @!p1 $0x2;
	[sflag:s26] =	ssyncadd.s32 @!p1 $0xFFFFFF80  }
0x66: {  	_ =	swait.ge @!p1 [sflag:s24], $0x4000  }
0x67: {  	[sflag:s24] =	ssyncset.done @!p1 $0x0  }
0x68: {  	s25 =	simm.s32 @!p1 $0x80;
	[sflag:s24] =	ssyncadd.s32 @!p1 $0xFFFFC000;
	s24 =	simm.s32 @!p1 $0x0  }
0x69: {  	[tilespmem:s25], [sflag:$0x3] =	stream.linear.gather @!p1 [hbm4b:s22+s24], $0x80, $0x38;
	[tilespmem:$0x1BA00] =	vst v63  }
0x6a: {  	s26 =	simm.s32 @!p1 $0x4100;
	s22 =	simm.s32 @!p1 $0x6  }
0x6b: {  	[tilespmem:s26], [sflag:$0x4] =	stream.linear.gather @!p1 [hbm4b:s23+s24], $0x4000, $0x38;
	[tilespmem:$0x1BA00] =	vst v63  }
0x6c: {  	s22 =	simm.s32 @p1 $0x5;
	s23 =	simm.s32 @!p1 $0x100  }
0x6d: {  	[spmem:s2] =	stream.indirect.scatter.add.f32 @!p1 [tilespmem:s23], [sflag:$0x6], $0x80, s24, s25, $0xb8;
	[tilespmem:$0x1BA00] =	vst v63  }
0x6e: {  	_ =	swait.ge [sflag:s22], $0x4000  }
0x6f: {  	[sflag:s22] =	ssyncset.done $0x0  }
0x70: {  	[sflag:s22] =	ssyncadd.s32 $0xFFFFC000  }
0x71: {  	_ =	swait.ge [sflag:s17], $0x80  }
0x72: {  	[sflag:s17] =	ssyncset.done $0x0  }
0x73: {  	[sflag:s17] =	ssyncadd.s32 $0xFFFFFF80  }
0x74: {  	_ =	swait.ge [sflag:s18], $0x4000  }
0x75: {  	[sflag:s18] =	ssyncset.done $0x0  }
0x76: {  	[sflag:s18] =	ssyncadd.s32 $0xFFFFC000  }
0x77: {  	[spmem:s2] =	stream.indirect.scatter.add.f32 [tilespmem:s20], [sflag:$0x5], $0x80, s19, s19, $0xb8;
	[tilespmem:$0x1BA00] =	vst v63  }
0x78: {  	_ =	swait.ge [sflag:s15], $0x4000  }
0x79: {  	[sflag:s15] =	ssyncset.done $0x0  }
0x7a: {  	[sflag:s15] =	ssyncadd.s32 $0xFFFFC000  }
0x7b: {  	[bflag:$0x0] =	sbarrier.arrive $0xFFFF  }
0x7c: {  	[hbm:s8], [sflag:s7] =	dma.local [spmem:s14], $0x2700  }
0x7d: {  	s21 =	sadd.s32 $0x1, s21;
	_ =	swait.ge [sflag:s15], $0x2700  }
0x7e: {  	p1 =	sne.s32 s21, s10;
	[sflag:s15] =	ssyncset.done $0x0  }
.Ltmp1:
0x7f: {  	s22 =	simm.s32 @!p0 $0x5;
	[sflag:s15] =	ssyncadd.s32 $0xFFFFD900;
	(pc) =	sbr.rel @p1 .LBB2_1-.Ltmp1, $4  }
0x80: {  	[hbm:s9], [sflag:s7] =	dma.local @!p0 [spmem:s16], $0x100  }
0x81: {  	_ =	swait.ge @!p0 [sflag:s22], $0x100  }
0x82: {  	[sflag:s22] =	ssyncset.done @!p0 $0x0  }
0x83: {  	[sflag:s22] =	ssyncadd.s32 @!p0 $0xFFFFFF00  }
0x84: {  	_ =	sfence.sel $0x180000  }
0x85: {  	[bflag:$0x0] =	sbarrier.arrive $0xFFFF  }
0x86: {  	p0 =	sne.s32 s1, $0x0;
	_ =	strace $0x90000059  }
0x87: {  	s0 =	sadd.s32 @!p0 $0x100000, s0;
	[bflag:$0x2] =	sbarrier.arrive $0xFFFF  }
0x88: {  	[sflag:s0] =	ssyncadd.tile.s32 @!p0 $0x1;
	_ =	shalt  }
.Lfunc_end2:
_tile_overlayer_lowered:
.L_overlay_start_2:
0x89: {  	(tag) =	ssettag $0x2  }
0x8a: {  	s0 =	rddreg [dreg:$0x0];
	s2 =	stileid.u32  }
0x8b: {  	s1 =	rddreg [dreg:$0x1];
	p0 =	sne.s32 s2, $0x0  }
0x8c: {  	s3 =	rddreg [dreg:$0x2];
	[bflag:$0x3] =	sbarrier.arrive $0xFFFF;
	s2 =	simm.s32 @!p0 $0x1C05  }
0x8d: {  	[timem:s3], [sflag:s2] =	dma.local @!p0 [hbm:s0], s1  }
0x8e: {  	s0 =	simm.s32 @!p0 $0x5  }
0x8f: {  	_ =	swait.ge @!p0 [sflag:s0], s1  }
0x90: {  	s1 =	ssub.s32 @!p0 $0x0, s1;
	[sflag:s0] =	ssyncset.done @!p0 $0x0  }
0x91: {  	[sflag:s0] =	ssyncadd.s32 @!p0 s1  }
0x92: {  	[bflag:$0x3] =	sbarrier.arrive $0xFFFF  }
0x93: {  	_ =	shalt  }

</sc_bundles>
